<compile_context>
chip_gen: v7x
topology: tpu7x:2x2x1
jax: 0.10.2.dev20260603
libtpu: 0.0.44.dev20260713+nightly
codegen_flags: <defaults>
</compile_context>

<pallas_src>
import jax
import jax.numpy as jnp
from jax import lax
from jax.experimental import pallas as pl
from jax.experimental.pallas import tpu as pltpu
from jax.experimental.pallas import tpu_sc as plsc

NC = 2
NS = 16
NW = NC * NS

NBUF = 4
NBUF_S = 3


def _mm(x, w):
    return lax.dot_general(x.astype(jnp.bfloat16), w.astype(jnp.bfloat16),
                           (((1,), (1,)), ((), ())),
                           preferred_element_type=jnp.float32)


def _ln(x, g, b):
    mu = jnp.mean(x, axis=1, keepdims=True)
    xc = x - mu
    var = jnp.mean(xc * xc, axis=1, keepdims=True)
    return xc * lax.rsqrt(var + 1e-5) * g + b



def _sc_segment_sum(vals, recv3, zeros, np_, ch):
    e, d = vals.shape
    niter = e // (NW * ch)
    rps = np_ // NS

    def body(vals_hbm, recv_hbm, zeros_hbm, out_hbm, idx_v, *rest):
        bufs = rest[:NBUF_S]
        sems = rest[NBUF_S:2 * NBUF_S]
        acc = rest[2 * NBUF_S]
        c = lax.axis_index("c")
        s = lax.axis_index("s")
        wid = c * NS + s
        base = wid * (niter * ch)
        pltpu.sync_copy(zeros_hbm, acc.at[pl.ds(s * rps, rps)])
        pltpu.sync_copy(recv_hbm.at[wid], idx_v)
        plsc.subcore_barrier()

        def load(j, b):
            return pltpu.make_async_copy(
                vals_hbm.at[pl.ds(base + j * ch, ch)], bufs[b], sems[b])

        for b in range(NBUF_S - 1):
            load(b, b).start()

        def step(j, carry):
            pre = j + NBUF_S - 1
            for b in range(NBUF_S):
                @pl.when(jnp.logical_and(pre < niter, pre % NBUF_S == b))
                def _(b=b):
                    load(pre, b).start()
            for b in range(NBUF_S):
                @pl.when(j % NBUF_S == b)
                def _(b=b):
                    load(j, b).wait()
                    pltpu.sync_copy(bufs[b], acc.at[idx_v.at[j]], add=True)
            return carry

        lax.fori_loop(0, niter, step, 0)
        plsc.subcore_barrier()
        pltpu.sync_copy(acc.at[pl.ds(s * rps, rps)],
                        out_hbm.at[c, pl.ds(s * rps, rps)])

    f = pl.kernel(
        body,
        out_type=jax.ShapeDtypeStruct((NC, np_, d), jnp.float32),
        mesh=plsc.VectorSubcoreMesh(core_axis_name="c", subcore_axis_name="s"),
        scratch_types=(
            [pltpu.VMEM((niter, ch), jnp.int32)]
            + [pltpu.VMEM((ch, d), jnp.float32)] * NBUF_S
            + [pltpu.SemaphoreType.DMA] * NBUF_S
            + [pltpu.VMEM_SHARED((np_, d), jnp.float32)]
        ),
    )
    return f(vals, recv3, zeros)


def _sc_gather(tbl, snd3, e, ch):
    n, dt = tbl.shape
    niter = e // (NW * ch)

    def body(tbl_hbm, snd_hbm, out_hbm, idx_v, *rest):
        bufs = rest[:NBUF]
        gsems = rest[NBUF:2 * NBUF]
        wsems = rest[2 * NBUF:3 * NBUF]
        c = lax.axis_index("c")
        s = lax.axis_index("s")
        wid = c * NS + s
        base = wid * (niter * ch)
        pltpu.sync_copy(snd_hbm.at[wid], idx_v)

        def rd(j, b):
            return pltpu.make_async_copy(tbl_hbm.at[idx_v.at[j]],
                                         bufs[b], gsems[b])

        def wr(j, b):
            return pltpu.make_async_copy(
                bufs[b], out_hbm.at[pl.ds(base + j * ch, ch)], wsems[b])

        for b in range(NBUF - 1):
            rd(b, b).start()

        def step(j, carry):
            pre = j + NBUF - 1
            for b in range(NBUF):
                @pl.when(jnp.logical_and(pre < niter, pre % NBUF == b))
                def _(b=b):
                    @pl.when(pre >= NBUF)
                    def _():
                        wr(pre - NBUF, b).wait()
                    rd(pre, b).start()
            for b in range(NBUF):
                @pl.when(j % NBUF == b)
                def _(b=b):
                    rd(j, b).wait()
                    wr(j, b).start()
            return carry

        lax.fori_loop(0, niter, step, 0)
        for j in range(max(0, niter - NBUF), niter):
            wr(j, j % NBUF).wait()

    f = pl.kernel(
        body,
        out_type=jax.ShapeDtypeStruct((e, dt), jnp.float32),
        mesh=plsc.VectorSubcoreMesh(core_axis_name="c", subcore_axis_name="s"),
        scratch_types=(
            [pltpu.VMEM((niter, ch), jnp.int32)]
            + [pltpu.VMEM((ch, dt), jnp.float32)] * NBUF
            + [pltpu.SemaphoreType.DMA] * (2 * NBUF)
        ),
    )
    return f(tbl, snd3)



def _tc_tables(h_nodes, agg_e, w1ma, w1eb):
    n, d = h_nodes.shape
    bn = 1000

    def body(hn, pp, wa, wb, out):
        a = _mm(hn[...], wa[...])
        p = _mm(pp[0] + pp[1], wb[...])
        au = lax.bitcast_convert_type(a.astype(jnp.bfloat16),
                                      jnp.uint16).astype(jnp.uint32)
        pu = lax.bitcast_convert_type(p.astype(jnp.bfloat16),
                                      jnp.uint16).astype(jnp.uint32)
        out[...] = lax.bitcast_convert_type((au << 16) | pu, jnp.float32)

    row = pl.BlockSpec((bn, d), lambda i: (i, 0))
    psp = pl.BlockSpec((2, bn, d), lambda i: (0, i, 0))
    wsp = pl.BlockSpec((d, d), lambda i: (0, 0))
    return pl.pallas_call(
        body,
        grid=(n // bn,),
        in_specs=[row, psp, wsp, wsp],
        out_specs=row,
        out_shape=jax.ShapeDtypeStruct((n, d), jnp.float32),
    )(h_nodes, agg_e, w1ma, w1eb)


def _tc_edge_mlps(g, h_edges, wm, offb, eo_prev):
    e2, d = g.shape
    e = h_edges.shape[0]
    be = 2000

    def body(g_ref, he_ref, wcat, b1m, w2m, b2m, w3m, b3m, gm, bm,
             b1e, w2e, b2e, w3e, b3e, ge, be_, *rest):
        msg_ref, eo_ref = rest[-2], rest[-1]
        he = he_ref[...]
        hw = _mm(he, wcat[...])
        gw = lax.bitcast_convert_type(g_ref[...], jnp.uint32)
        ga = lax.bitcast_convert_type((gw >> 16).astype(jnp.uint16),
                                      jnp.bfloat16).astype(jnp.float32)
        gp = lax.bitcast_convert_type(gw.astype(jnp.uint16),
                                      jnp.bfloat16).astype(jnp.float32)
        x = jnp.maximum(ga + hw[:, :d] + b1m[...], 0.)
        x = jnp.maximum(_mm(x, w2m[...]) + b2m[...], 0.)
        x = _mm(x, w3m[...]) + b3m[...]
        msg_ref[...] = _ln(x, gm[...], bm[...])
        y = jnp.maximum(gp + hw[:, d:] + b1e[...], 0.)
        y = jnp.maximum(_mm(y, w2e[...]) + b2e[...], 0.)
        y = _mm(y, w3e[...]) + b3e[...]
        eo_ref[...] = he + _ln(y, ge[...], be_[...])

    row = pl.BlockSpec((be, d), lambda i: (i, 0))
    rowo = pl.BlockSpec((be, d), lambda i: (i + offb, 0))
    wsp2 = pl.BlockSpec((2 * d, d), lambda i: (0, 0))
    wsp = pl.BlockSpec((d, d), lambda i: (0, 0))
    vsp = pl.BlockSpec((1, d), lambda i: (0, 0))
    specs = [row, rowo, wsp2,
             vsp, wsp, vsp, wsp, vsp, vsp, vsp,
             vsp, wsp, vsp, wsp, vsp, vsp, vsp]
    args = [g, h_edges] + list(wm)
    kwargs = {}
    if eo_prev is not None:
        specs.append(pl.BlockSpec(memory_space=pl.ANY))
        args.append(eo_prev)
        kwargs["input_output_aliases"] = {17: 1}
    return pl.pallas_call(
        body,
        grid=(e2 // be,),
        in_specs=specs,
        out_specs=[row, rowo],
        out_shape=[jax.ShapeDtypeStruct((e2, d), jnp.float32),
                   jax.ShapeDtypeStruct((e, d), jnp.float32)],
        **kwargs,
    )(*args)


def _tc_node_mlp(h_nodes, am1, am2, wn):
    n, d = h_nodes.shape
    bn = 1000

    def body(hn_ref, q0_ref, q1_ref,
             w1na, w1nb, b1, w2, b2, w3, b3, gg, bb, out_ref):
        hn = hn_ref[...]
        q = (q0_ref[0] + q0_ref[1]) + (q1_ref[0] + q1_ref[1])
        x = jnp.maximum(_mm(hn, w1na[...]) + _mm(q, w1nb[...]) + b1[...], 0.)
        x = jnp.maximum(_mm(x, w2[...]) + b2[...], 0.)
        x = _mm(x, w3[...]) + b3[...]
        out_ref[...] = hn + _ln(x, gg[...], bb[...])

    row = pl.BlockSpec((bn, d), lambda i: (i, 0))
    psp = pl.BlockSpec((2, bn, d), lambda i: (0, i, 0))
    wsp = pl.BlockSpec((d, d), lambda i: (0, 0))
    vsp = pl.BlockSpec((1, d), lambda i: (0, 0))
    return pl.pallas_call(
        body,
        grid=(n // bn,),
        in_specs=[row, psp, psp,
                  wsp, wsp, vsp, wsp, vsp, wsp, vsp, vsp, vsp],
        out_specs=row,
        out_shape=jax.ShapeDtypeStruct((n, d), jnp.float32),
    )(h_nodes, am1, am2, *wn)



def kernel(h_nodes, h_edges, edge_index, params):
    n, d = h_nodes.shape
    e = h_edges.shape[0]
    e2 = e // 2
    ch_full, ch_half = 80, 40
    snd, rcv = edge_index[0], edge_index[1]
    rcv3 = rcv.reshape(NW, e // (NW * ch_full), ch_full)
    snd3a = snd[:e2].reshape(NW, e2 // (NW * ch_half), ch_half)
    snd3b = snd[e2:].reshape(NW, e2 // (NW * ch_half), ch_half)
    rcv3a = rcv[:e2].reshape(NW, e2 // (NW * ch_half), ch_half)
    rcv3b = rcv[e2:].reshape(NW, e2 // (NW * ch_half), ch_half)
    np_ = -(-n // (NS * 8)) * NS * 8
    zeros = jnp.zeros((np_ // NS, d), jnp.float32)

    pm, pn, pe = params["message"], params["node"], params["edge"]
    r2 = lambda v: v.reshape(1, d)

    agg_e = _sc_segment_sum(h_edges, rcv3, zeros, np_, ch_full)
    tbl = _tc_tables(h_nodes, agg_e, pm["W1"][:, :d], pe["W1"][:, d:])
    g1 = _sc_gather(tbl, snd3a, e2, ch_half)
    g2 = _sc_gather(tbl, snd3b, e2, ch_half)
    wcat = jnp.concatenate([pm["W1"][:, d:],
                            pe["W1"][:, :d] - pe["W1"][:, d:]], axis=0)
    wm = (wcat, r2(pm["b1"]), pm["W2"], r2(pm["b2"]),
          pm["W3"], r2(pm["b3"]), r2(pm["ln_g"]), r2(pm["ln_b"]),
          r2(pe["b1"]), pe["W2"], r2(pe["b2"]), pe["W3"], r2(pe["b3"]),
          r2(pe["ln_g"]), r2(pe["ln_b"]))
    msgs1, eo1 = _tc_edge_mlps(g1, h_edges, wm, 0, None)
    msgs2, h_edges_out = _tc_edge_mlps(g2, h_edges, wm, e2 // 2000, eo1)
    am1 = _sc_segment_sum(msgs1, rcv3a, zeros, np_, ch_half)
    am2 = _sc_segment_sum(msgs2, rcv3b, zeros, np_, ch_half)
    wn = (pn["W1"][:, :d], pn["W1"][:, d:], r2(pn["b1"]),
          pn["W2"], r2(pn["b2"]), pn["W3"], r2(pn["b3"]),
          r2(pn["ln_g"]), r2(pn["ln_b"]))
    h_nodes_out = _tc_node_mlp(h_nodes, am1, am2, wn)
    return (h_nodes_out, h_edges_out)

# --- scband reference (transcript-rebuilt; emitter-appended) ---
"""Pipeline reference for scband-my-processor-block-71906342470116 (READ-ONLY COPY).

The authoritative reference and input builder live on the scoring server;
editing this copy changes nothing except your own understanding.
"""

import jax, jax.numpy as jnp
import numpy as np

N = 10000
E = 320000
D = 128
HID = 128


def _mlp_params(key, in_dim, out_dim, hidden=HID):
    k1, k2, k3 = jax.random.split(key, 3)
    s1 = 1.0 / np.sqrt(in_dim)
    s2 = 1.0 / np.sqrt(hidden)
    return {
        "W1": jax.random.uniform(k1, (hidden, in_dim), minval=-s1, maxval=s1, dtype=jnp.float32),
        "b1": jnp.zeros((hidden,), dtype=jnp.float32),
        "W2": jax.random.uniform(k2, (hidden, hidden), minval=-s2, maxval=s2, dtype=jnp.float32),
        "b2": jnp.zeros((hidden,), dtype=jnp.float32),
        "W3": jax.random.uniform(k3, (out_dim, hidden), minval=-s2, maxval=s2, dtype=jnp.float32),
        "b3": jnp.zeros((out_dim,), dtype=jnp.float32),
        "ln_g": jnp.ones((out_dim,), dtype=jnp.float32),
        "ln_b": jnp.zeros((out_dim,), dtype=jnp.float32),
    }


def _mlp(p, x):
    x = jax.nn.relu(x @ p["W1"].T + p["b1"])
    x = jax.nn.relu(x @ p["W2"].T + p["b2"])
    x = x @ p["W3"].T + p["b3"]
    mu = jnp.mean(x, axis=-1, keepdims=True)
    var = jnp.var(x, axis=-1, keepdims=True)
    x = (x - mu) / jnp.sqrt(var + 1e-5)
    return x * p["ln_g"] + p["ln_b"]


def setup_inputs(seed: int = 0) -> dict:
    key = jax.random.key(seed)
    ks = jax.random.split(key, 6)
    h_nodes = jax.random.normal(ks[0], (N, D), dtype=jnp.float32)
    h_edges = jax.random.normal(ks[1], (E, D), dtype=jnp.float32)
    edge_index = jax.random.randint(ks[2], (2, E), 0, N, dtype=jnp.int32)
    params = {
        "message": _mlp_params(ks[3], 2 * D, D),
        "node": _mlp_params(ks[4], 2 * D, D),
        "edge": _mlp_params(ks[5], 2 * D, D),
    }
    return {"h_nodes": h_nodes, "h_edges": h_edges, "edge_index": edge_index, "params": params}


def reference(h_nodes, h_edges, edge_index, params):
    senders = edge_index[0]
    receivers = edge_index[1]
    # m_ij = MLP(h_j, e_ij)
    message_arg = jnp.concatenate([h_nodes[senders], h_edges], axis=-1)
    messages = _mlp(params["message"], message_arg)
    aggregated_messages = jax.ops.segment_sum(messages, receivers, num_segments=h_nodes.shape[0])
    # h_i <- h_i + MLP(h_i, sum_j m_ij)
    h_nodes = h_nodes + _mlp(params["node"], jnp.concatenate([h_nodes, aggregated_messages], axis=-1))
    # e_ij <- e_ij + MLP(e_ij, sum_{k != i} e_jk)
    aggregated_edges_j = jax.ops.segment_sum(h_edges, receivers, num_segments=h_nodes.shape[0])
    aggregated_edges_i = aggregated_edges_j[senders]
    aggregated_edges = aggregated_edges_i - h_edges
    h_edges = h_edges + _mlp(params["edge"], jnp.concatenate([h_edges, aggregated_edges], axis=-1))
    return (h_nodes, h_edges)

if __name__ == "__main__":
    import jax
    _d = setup_inputs()
    print(jax.jit(kernel)(*tuple(_d.values())))

</pallas_src>

<mosaic_0001>
#map = affine_map<(d0, d1) -> (0, 0)>
#map1 = affine_map<(d0, d1) -> (0, 0, 0)>
module attributes {stable_mosaic.version = 14 : i64} {
  func.func @body(%arg0: i32, %arg1: i32, %arg2: memref<10000x128xf32, #tpu.memory_space<hbm>>, %arg3: memref<32x125x40xi32, #tpu.memory_space<hbm>>, %arg4: memref<160000x128xf32, #tpu.memory_space<hbm>>, %arg5: memref<125x40xi32, #tpu.memory_space<vmem>>, %arg6: memref<40x128xf32, #tpu.memory_space<vmem>>, %arg7: memref<40x128xf32, #tpu.memory_space<vmem>>, %arg8: memref<40x128xf32, #tpu.memory_space<vmem>>, %arg9: memref<40x128xf32, #tpu.memory_space<vmem>>, %arg10: memref<!tpu.dma_semaphore, #tpu.memory_space<semaphore_mem>>, %arg11: memref<!tpu.dma_semaphore, #tpu.memory_space<semaphore_mem>>, %arg12: memref<!tpu.dma_semaphore, #tpu.memory_space<semaphore_mem>>, %arg13: memref<!tpu.dma_semaphore, #tpu.memory_space<semaphore_mem>>, %arg14: memref<!tpu.dma_semaphore, #tpu.memory_space<semaphore_mem>>, %arg15: memref<!tpu.dma_semaphore, #tpu.memory_space<semaphore_mem>>, %arg16: memref<!tpu.dma_semaphore, #tpu.memory_space<semaphore_mem>>, %arg17: memref<!tpu.dma_semaphore, #tpu.memory_space<semaphore_mem>>) attributes {dimension_semantics = [#tpu.dimension_semantics<core_parallel>, #tpu.dimension_semantics<subcore_parallel>], iteration_bounds = array<i64: 2, 16>, scalar_prefetch = 0 : i64, scratch_operands = 13 : i64, tpu.core_type = #tpu.core_type<sc_vector_subcore>, window_params = [{transform_indices = #map}, {transform_indices = #map1}, {transform_indices = #map}]} {
    %mul3A = arith.constant 16 : i32
    %mul3A_0 = arith.muli %arg0, %mul3A : i32
    %add3A = arith.addi %mul3A_0, %arg1 : i32
    %mul3A_1 = arith.constant 5000 : i32
    %mul3A_2 = arith.muli %add3A, %mul3A_1 : i32
    "tpu.region"() ({
      %run_scoped3A = tpu.sem_alloc : memref<!tpu.dma_semaphore, #tpu.memory_space<semaphore_mem>>
      %dma_start3A_51 = arith.constant 0 : i32
      %dma_start3A_52 = arith.constant 0 : i32
      %dma_start3A_53 = tpu.memref_slice %arg3[%add3A, %dma_start3A_51, %dma_start3A_52] : memref<32x125x40xi32, #tpu.memory_space<hbm>> -> memref<1x125x40xi32, #tpu.memory_space<hbm>>
      %dma_start3A_54 = tpu.memref_squeeze %dma_start3A_53 : memref<1x125x40xi32, #tpu.memory_space<hbm>> -> memref<125x40xi32, #tpu.memory_space<hbm>>
      %dma_start3A_55 = arith.constant 0 : i32
      %dma_start3A_56 = arith.constant 0 : i32
      %dma_start3A_57 = tpu.memref_slice %arg3[%add3A, %dma_start3A_55, %dma_start3A_56] : memref<32x125x40xi32, #tpu.memory_space<hbm>> -> memref<1x125x40xi32, #tpu.memory_space<hbm>>
      %dma_start3A_58 = tpu.memref_squeeze %dma_start3A_57 : memref<1x125x40xi32, #tpu.memory_space<hbm>> -> memref<125x40xi32, #tpu.memory_space<hbm>>
      tpu.enqueue_dma source(%dma_start3A_58 : memref<125x40xi32, #tpu.memory_space<hbm>>) target(%arg5 : memref<125x40xi32, #tpu.memory_space<vmem>>) target_semaphore(%run_scoped3A : memref<!tpu.dma_semaphore, #tpu.memory_space<semaphore_mem>>)
      %dma_wait3A_59 = arith.constant 0 : i32
      %dma_wait3A_60 = arith.constant 0 : i32
      %dma_wait3A_61 = tpu.memref_slice %arg3[%add3A, %dma_wait3A_59, %dma_wait3A_60] : memref<32x125x40xi32, #tpu.memory_space<hbm>> -> memref<1x125x40xi32, #tpu.memory_space<hbm>>
      %dma_wait3A_62 = tpu.memref_squeeze %dma_wait3A_61 : memref<1x125x40xi32, #tpu.memory_space<hbm>> -> memref<125x40xi32, #tpu.memory_space<hbm>>
      %dma_wait3A_63 = arith.constant 0 : i32
      %dma_wait3A_64 = arith.constant 0 : i32
      %dma_wait3A_65 = tpu.memref_slice %arg3[%add3A, %dma_wait3A_63, %dma_wait3A_64] : memref<32x125x40xi32, #tpu.memory_space<hbm>> -> memref<1x125x40xi32, #tpu.memory_space<hbm>>
      %dma_wait3A_66 = tpu.memref_squeeze %dma_wait3A_65 : memref<1x125x40xi32, #tpu.memory_space<hbm>> -> memref<125x40xi32, #tpu.memory_space<hbm>>
      tpu.wait_dma2 semaphore(%run_scoped3A : memref<!tpu.dma_semaphore, #tpu.memory_space<semaphore_mem>>) src(%dma_wait3A_66 : memref<125x40xi32, #tpu.memory_space<hbm>>) dst(%arg5 : memref<125x40xi32, #tpu.memory_space<vmem>>)
      tpu.yield
    }) : () -> ()
    %dma_start3A = arith.constant 0 : i32
    %dma_start3A_3 = arith.constant 0 : i32
    %dma_start3A_4 = tpu.memref_slice %arg5[%dma_start3A, %dma_start3A_3] : memref<125x40xi32, #tpu.memory_space<vmem>> -> memref<1x40xi32, #tpu.memory_space<vmem>>
    %dma_start3A_5 = tpu.memref_squeeze %dma_start3A_4 : memref<1x40xi32, #tpu.memory_space<vmem>> -> memref<40xi32, #tpu.memory_space<vmem>>
    %dma_start3A_6 = arith.constant 0 : i32
    %dma_start3A_7 = arith.constant 0 : i32
    %dma_start3A_8 = tpu.memref_slice %arg2[%dma_start3A_6, %dma_start3A_7] : memref<10000x128xf32, #tpu.memory_space<hbm>> -> memref<10000x128xf32, #tpu.memory_space<hbm>>
    tpu.enqueue_indirect_dma source(%dma_start3A_8 : memref<10000x128xf32, #tpu.memory_space<hbm>>) target(%arg6 : memref<40x128xf32, #tpu.memory_space<vmem>>) offsets(%dma_start3A_5 : memref<40xi32, #tpu.memory_space<vmem>>) semaphore(%arg10 : memref<!tpu.dma_semaphore, #tpu.memory_space<semaphore_mem>>)
    %dma_start3A_9 = arith.constant 1 : i32
    %dma_start3A_10 = arith.constant 0 : i32
    %dma_start3A_11 = tpu.memref_slice %arg5[%dma_start3A_9, %dma_start3A_10] : memref<125x40xi32, #tpu.memory_space<vmem>> -> memref<1x40xi32, #tpu.memory_space<vmem>>
    %dma_start3A_12 = tpu.memref_squeeze %dma_start3A_11 : memref<1x40xi32, #tpu.memory_space<vmem>> -> memref<40xi32, #tpu.memory_space<vmem>>
    %dma_start3A_13 = arith.constant 0 : i32
    %dma_start3A_14 = arith.constant 0 : i32
    %dma_start3A_15 = tpu.memref_slice %arg2[%dma_start3A_13, %dma_start3A_14] : memref<10000x128xf32, #tpu.memory_space<hbm>> -> memref<10000x128xf32, #tpu.memory_space<hbm>>
    tpu.enqueue_indirect_dma source(%dma_start3A_15 : memref<10000x128xf32, #tpu.memory_space<hbm>>) target(%arg7 : memref<40x128xf32, #tpu.memory_space<vmem>>) offsets(%dma_start3A_12 : memref<40xi32, #tpu.memory_space<vmem>>) semaphore(%arg11 : memref<!tpu.dma_semaphore, #tpu.memory_space<semaphore_mem>>)
    %dma_start3A_16 = arith.constant 2 : i32
    %dma_start3A_17 = arith.constant 0 : i32
    %dma_start3A_18 = tpu.memref_slice %arg5[%dma_start3A_16, %dma_start3A_17] : memref<125x40xi32, #tpu.memory_space<vmem>> -> memref<1x40xi32, #tpu.memory_space<vmem>>
    %dma_start3A_19 = tpu.memref_squeeze %dma_start3A_18 : memref<1x40xi32, #tpu.memory_space<vmem>> -> memref<40xi32, #tpu.memory_space<vmem>>
    %dma_start3A_20 = arith.constant 0 : i32
    %dma_start3A_21 = arith.constant 0 : i32
    %dma_start3A_22 = tpu.memref_slice %arg2[%dma_start3A_20, %dma_start3A_21] : memref<10000x128xf32, #tpu.memory_space<hbm>> -> memref<10000x128xf32, #tpu.memory_space<hbm>>
    tpu.enqueue_indirect_dma source(%dma_start3A_22 : memref<10000x128xf32, #tpu.memory_space<hbm>>) target(%arg8 : memref<40x128xf32, #tpu.memory_space<vmem>>) offsets(%dma_start3A_19 : memref<40xi32, #tpu.memory_space<vmem>>) semaphore(%arg12 : memref<!tpu.dma_semaphore, #tpu.memory_space<semaphore_mem>>)
    %scan3A = arith.constant 0 : i32
    %scan3A_23 = arith.constant 0 : i32
    %scan3A_24 = arith.constant 125 : i32
    %scan3A_25 = arith.addi %scan3A_23, %scan3A_24 : i32
    %scan3A_26 = arith.constant 1 : i32
    scf.for %scan3A_51 = %scan3A_23 to %scan3A_25 step %scan3A_26  : i32 {
      %add3A_52 = arith.constant 4 : i32
      %add3A_53 = arith.addi %scan3A_51, %add3A_52 : i32
      %sub3A = arith.constant 1 : i32
      %sub3A_54 = arith.subi %add3A_53, %sub3A : i32
      %lt3A = arith.constant 125 : i32
      %lt3A_55 = arith.cmpi slt, %sub3A_54, %lt3A : i32
      %jit3A = arith.constant 4 : i32
      %eq3A = arith.constant 0 : i32
      %eq3A_56 = arith.cmpi eq, %jit3A, %eq3A : i32
      %jit3A_57 = arith.constant 1 : i32
      %select_n3A = arith.select %eq3A_56, %jit3A_57, %jit3A : i32
      %rem3A = arith.remsi %sub3A_54, %select_n3A : i32
      %ne3A = arith.constant 0 : i32
      %ne3A_58 = arith.cmpi ne, %rem3A, %ne3A : i32
      %lt3A_59 = arith.constant 0 : i32
      %lt3A_60 = arith.cmpi slt, %rem3A, %lt3A_59 : i32
      %lt3A_61 = arith.constant 0 : i32
      %lt3A_62 = arith.cmpi slt, %select_n3A, %lt3A_61 : i32
      %ne3A_63 = arith.xori %lt3A_60, %lt3A_62 : i1
      %and3A = arith.andi %ne3A_63, %ne3A_58 : i1
      %add3A_64 = arith.addi %rem3A, %select_n3A : i32
      %select_n3A_65 = arith.select %and3A, %add3A_64, %rem3A : i32
      %eq3A_66 = arith.constant 0 : i32
      %eq3A_67 = arith.cmpi eq, %select_n3A_65, %eq3A_66 : i32
      %and3A_68 = arith.andi %lt3A_55, %eq3A_67 : i1
      %convert_element_type3A = arith.extui %and3A_68 : i1 to i32
      %cond3A = arith.constant 0 : i32
      %cond3A_69 = arith.cmpi ne, %convert_element_type3A, %cond3A : i32
      scf.if %cond3A_69 {
        %ge3A = arith.constant 4 : i32
        %ge3A_226 = arith.cmpi sge, %sub3A_54, %ge3A : i32
        %convert_element_type3A_227 = arith.extui %ge3A_226 : i1 to i32
        %cond3A_228 = arith.constant 0 : i32
        %cond3A_229 = arith.cmpi ne, %convert_element_type3A_227, %cond3A_228 : i32
        scf.if %cond3A_229 {
          %sub3A_236 = arith.constant 4 : i32
          %sub3A_237 = arith.subi %sub3A_54, %sub3A_236 : i32
          %mul3A_238 = arith.constant 40 : i32
          %mul3A_239 = arith.muli %sub3A_237, %mul3A_238 : i32
          %add3A_240 = arith.addi %mul3A_2, %mul3A_239 : i32
          %dma_wait3A_241 = arith.constant 0 : i32
          %dma_wait3A_242 = tpu.memref_slice %arg4[%add3A_240, %dma_wait3A_241] : memref<160000x128xf32, #tpu.memory_space<hbm>> -> memref<40x128xf32, #tpu.memory_space<hbm>>
          %dma_wait3A_243 = arith.constant 0 : i32
          %dma_wait3A_244 = tpu.memref_slice %arg4[%add3A_240, %dma_wait3A_243] : memref<160000x128xf32, #tpu.memory_space<hbm>> -> memref<40x128xf32, #tpu.memory_space<hbm>>
          tpu.wait_dma2 semaphore(%arg14 : memref<!tpu.dma_semaphore, #tpu.memory_space<semaphore_mem>>) src(%arg6 : memref<40x128xf32, #tpu.memory_space<vmem>>) dst(%dma_wait3A_244 : memref<40x128xf32, #tpu.memory_space<hbm>>)
        } else {
        }
        %dma_start3A_230 = arith.constant 0 : i32
        %dma_start3A_231 = tpu.memref_slice %arg5[%sub3A_54, %dma_start3A_230] : memref<125x40xi32, #tpu.memory_space<vmem>> -> memref<1x40xi32, #tpu.memory_space<vmem>>
        %dma_start3A_232 = tpu.memref_squeeze %dma_start3A_231 : memref<1x40xi32, #tpu.memory_space<vmem>> -> memref<40xi32, #tpu.memory_space<vmem>>
        %dma_start3A_233 = arith.constant 0 : i32
        %dma_start3A_234 = arith.constant 0 : i32
        %dma_start3A_235 = tpu.memref_slice %arg2[%dma_start3A_233, %dma_start3A_234] : memref<10000x128xf32, #tpu.memory_space<hbm>> -> memref<10000x128xf32, #tpu.memory_space<hbm>>
        tpu.enqueue_indirect_dma source(%dma_start3A_235 : memref<10000x128xf32, #tpu.memory_space<hbm>>) target(%arg6 : memref<40x128xf32, #tpu.memory_space<vmem>>) offsets(%dma_start3A_232 : memref<40xi32, #tpu.memory_space<vmem>>) semaphore(%arg10 : memref<!tpu.dma_semaphore, #tpu.memory_space<semaphore_mem>>)
      } else {
      }
      %lt3A_70 = arith.constant 125 : i32
      %lt3A_71 = arith.cmpi slt, %sub3A_54, %lt3A_70 : i32
      %jit3A_72 = arith.constant 4 : i32
      %eq3A_73 = arith.constant 0 : i32
      %eq3A_74 = arith.cmpi eq, %jit3A_72, %eq3A_73 : i32
      %jit3A_75 = arith.constant 1 : i32
      %select_n3A_76 = arith.select %eq3A_74, %jit3A_75, %jit3A_72 : i32
      %rem3A_77 = arith.remsi %sub3A_54, %select_n3A_76 : i32
      %ne3A_78 = arith.constant 0 : i32
      %ne3A_79 = arith.cmpi ne, %rem3A_77, %ne3A_78 : i32
      %lt3A_80 = arith.constant 0 : i32
      %lt3A_81 = arith.cmpi slt, %rem3A_77, %lt3A_80 : i32
      %lt3A_82 = arith.constant 0 : i32
      %lt3A_83 = arith.cmpi slt, %select_n3A_76, %lt3A_82 : i32
      %ne3A_84 = arith.xori %lt3A_81, %lt3A_83 : i1
      %and3A_85 = arith.andi %ne3A_84, %ne3A_79 : i1
      %add3A_86 = arith.addi %rem3A_77, %select_n3A_76 : i32
      %select_n3A_87 = arith.select %and3A_85, %add3A_86, %rem3A_77 : i32
      %eq3A_88 = arith.constant 1 : i32
      %eq3A_89 = arith.cmpi eq, %select_n3A_87, %eq3A_88 : i32
      %and3A_90 = arith.andi %lt3A_71, %eq3A_89 : i1
      %convert_element_type3A_91 = arith.extui %and3A_90 : i1 to i32
      %cond3A_92 = arith.constant 0 : i32
      %cond3A_93 = arith.cmpi ne, %convert_element_type3A_91, %cond3A_92 : i32
      scf.if %cond3A_93 {
        %ge3A = arith.constant 4 : i32
        %ge3A_226 = arith.cmpi sge, %sub3A_54, %ge3A : i32
        %convert_element_type3A_227 = arith.extui %ge3A_226 : i1 to i32
        %cond3A_228 = arith.constant 0 : i32
        %cond3A_229 = arith.cmpi ne, %convert_element_type3A_227, %cond3A_228 : i32
        scf.if %cond3A_229 {
          %sub3A_236 = arith.constant 4 : i32
          %sub3A_237 = arith.subi %sub3A_54, %sub3A_236 : i32
          %mul3A_238 = arith.constant 40 : i32
          %mul3A_239 = arith.muli %sub3A_237, %mul3A_238 : i32
          %add3A_240 = arith.addi %mul3A_2, %mul3A_239 : i32
          %dma_wait3A_241 = arith.constant 0 : i32
          %dma_wait3A_242 = tpu.memref_slice %arg4[%add3A_240, %dma_wait3A_241] : memref<160000x128xf32, #tpu.memory_space<hbm>> -> memref<40x128xf32, #tpu.memory_space<hbm>>
          %dma_wait3A_243 = arith.constant 0 : i32
          %dma_wait3A_244 = tpu.memref_slice %arg4[%add3A_240, %dma_wait3A_243] : memref<160000x128xf32, #tpu.memory_space<hbm>> -> memref<40x128xf32, #tpu.memory_space<hbm>>
          tpu.wait_dma2 semaphore(%arg15 : memref<!tpu.dma_semaphore, #tpu.memory_space<semaphore_mem>>) src(%arg7 : memref<40x128xf32, #tpu.memory_space<vmem>>) dst(%dma_wait3A_244 : memref<40x128xf32, #tpu.memory_space<hbm>>)
        } else {
        }
        %dma_start3A_230 = arith.constant 0 : i32
        %dma_start3A_231 = tpu.memref_slice %arg5[%sub3A_54, %dma_start3A_230] : memref<125x40xi32, #tpu.memory_space<vmem>> -> memref<1x40xi32, #tpu.memory_space<vmem>>
        %dma_start3A_232 = tpu.memref_squeeze %dma_start3A_231 : memref<1x40xi32, #tpu.memory_space<vmem>> -> memref<40xi32, #tpu.memory_space<vmem>>
        %dma_start3A_233 = arith.constant 0 : i32
        %dma_start3A_234 = arith.constant 0 : i32
        %dma_start3A_235 = tpu.memref_slice %arg2[%dma_start3A_233, %dma_start3A_234] : memref<10000x128xf32, #tpu.memory_space<hbm>> -> memref<10000x128xf32, #tpu.memory_space<hbm>>
        tpu.enqueue_indirect_dma source(%dma_start3A_235 : memref<10000x128xf32, #tpu.memory_space<hbm>>) target(%arg7 : memref<40x128xf32, #tpu.memory_space<vmem>>) offsets(%dma_start3A_232 : memref<40xi32, #tpu.memory_space<vmem>>) semaphore(%arg11 : memref<!tpu.dma_semaphore, #tpu.memory_space<semaphore_mem>>)
      } else {
      }
      %lt3A_94 = arith.constant 125 : i32
      %lt3A_95 = arith.cmpi slt, %sub3A_54, %lt3A_94 : i32
      %jit3A_96 = arith.constant 4 : i32
      %eq3A_97 = arith.constant 0 : i32
      %eq3A_98 = arith.cmpi eq, %jit3A_96, %eq3A_97 : i32
      %jit3A_99 = arith.constant 1 : i32
      %select_n3A_100 = arith.select %eq3A_98, %jit3A_99, %jit3A_96 : i32
      %rem3A_101 = arith.remsi %sub3A_54, %select_n3A_100 : i32
      %ne3A_102 = arith.constant 0 : i32
      %ne3A_103 = arith.cmpi ne, %rem3A_101, %ne3A_102 : i32
      %lt3A_104 = arith.constant 0 : i32
      %lt3A_105 = arith.cmpi slt, %rem3A_101, %lt3A_104 : i32
      %lt3A_106 = arith.constant 0 : i32
      %lt3A_107 = arith.cmpi slt, %select_n3A_100, %lt3A_106 : i32
      %ne3A_108 = arith.xori %lt3A_105, %lt3A_107 : i1
      %and3A_109 = arith.andi %ne3A_108, %ne3A_103 : i1
      %add3A_110 = arith.addi %rem3A_101, %select_n3A_100 : i32
      %select_n3A_111 = arith.select %and3A_109, %add3A_110, %rem3A_101 : i32
      %eq3A_112 = arith.constant 2 : i32
      %eq3A_113 = arith.cmpi eq, %select_n3A_111, %eq3A_112 : i32
      %and3A_114 = arith.andi %lt3A_95, %eq3A_113 : i1
      %convert_element_type3A_115 = arith.extui %and3A_114 : i1 to i32
      %cond3A_116 = arith.constant 0 : i32
      %cond3A_117 = arith.cmpi ne, %convert_element_type3A_115, %cond3A_116 : i32
      scf.if %cond3A_117 {
        %ge3A = arith.constant 4 : i32
        %ge3A_226 = arith.cmpi sge, %sub3A_54, %ge3A : i32
        %convert_element_type3A_227 = arith.extui %ge3A_226 : i1 to i32
        %cond3A_228 = arith.constant 0 : i32
        %cond3A_229 = arith.cmpi ne, %convert_element_type3A_227, %cond3A_228 : i32
        scf.if %cond3A_229 {
          %sub3A_236 = arith.constant 4 : i32
          %sub3A_237 = arith.subi %sub3A_54, %sub3A_236 : i32
          %mul3A_238 = arith.constant 40 : i32
          %mul3A_239 = arith.muli %sub3A_237, %mul3A_238 : i32
          %add3A_240 = arith.addi %mul3A_2, %mul3A_239 : i32
          %dma_wait3A_241 = arith.constant 0 : i32
          %dma_wait3A_242 = tpu.memref_slice %arg4[%add3A_240, %dma_wait3A_241] : memref<160000x128xf32, #tpu.memory_space<hbm>> -> memref<40x128xf32, #tpu.memory_space<hbm>>
          %dma_wait3A_243 = arith.constant 0 : i32
          %dma_wait3A_244 = tpu.memref_slice %arg4[%add3A_240, %dma_wait3A_243] : memref<160000x128xf32, #tpu.memory_space<hbm>> -> memref<40x128xf32, #tpu.memory_space<hbm>>
          tpu.wait_dma2 semaphore(%arg16 : memref<!tpu.dma_semaphore, #tpu.memory_space<semaphore_mem>>) src(%arg8 : memref<40x128xf32, #tpu.memory_space<vmem>>) dst(%dma_wait3A_244 : memref<40x128xf32, #tpu.memory_space<hbm>>)
        } else {
        }
        %dma_start3A_230 = arith.constant 0 : i32
        %dma_start3A_231 = tpu.memref_slice %arg5[%sub3A_54, %dma_start3A_230] : memref<125x40xi32, #tpu.memory_space<vmem>> -> memref<1x40xi32, #tpu.memory_space<vmem>>
        %dma_start3A_232 = tpu.memref_squeeze %dma_start3A_231 : memref<1x40xi32, #tpu.memory_space<vmem>> -> memref<40xi32, #tpu.memory_space<vmem>>
        %dma_start3A_233 = arith.constant 0 : i32
        %dma_start3A_234 = arith.constant 0 : i32
        %dma_start3A_235 = tpu.memref_slice %arg2[%dma_start3A_233, %dma_start3A_234] : memref<10000x128xf32, #tpu.memory_space<hbm>> -> memref<10000x128xf32, #tpu.memory_space<hbm>>
        tpu.enqueue_indirect_dma source(%dma_start3A_235 : memref<10000x128xf32, #tpu.memory_space<hbm>>) target(%arg8 : memref<40x128xf32, #tpu.memory_space<vmem>>) offsets(%dma_start3A_232 : memref<40xi32, #tpu.memory_space<vmem>>) semaphore(%arg12 : memref<!tpu.dma_semaphore, #tpu.memory_space<semaphore_mem>>)
      } else {
      }
      %lt3A_118 = arith.constant 125 : i32
      %lt3A_119 = arith.cmpi slt, %sub3A_54, %lt3A_118 : i32
      %jit3A_120 = arith.constant 4 : i32
      %eq3A_121 = arith.constant 0 : i32
      %eq3A_122 = arith.cmpi eq, %jit3A_120, %eq3A_121 : i32
      %jit3A_123 = arith.constant 1 : i32
      %select_n3A_124 = arith.select %eq3A_122, %jit3A_123, %jit3A_120 : i32
      %rem3A_125 = arith.remsi %sub3A_54, %select_n3A_124 : i32
      %ne3A_126 = arith.constant 0 : i32
      %ne3A_127 = arith.cmpi ne, %rem3A_125, %ne3A_126 : i32
      %lt3A_128 = arith.constant 0 : i32
      %lt3A_129 = arith.cmpi slt, %rem3A_125, %lt3A_128 : i32
      %lt3A_130 = arith.constant 0 : i32
      %lt3A_131 = arith.cmpi slt, %select_n3A_124, %lt3A_130 : i32
      %ne3A_132 = arith.xori %lt3A_129, %lt3A_131 : i1
      %and3A_133 = arith.andi %ne3A_132, %ne3A_127 : i1
      %add3A_134 = arith.addi %rem3A_125, %select_n3A_124 : i32
      %select_n3A_135 = arith.select %and3A_133, %add3A_134, %rem3A_125 : i32
      %eq3A_136 = arith.constant 3 : i32
      %eq3A_137 = arith.cmpi eq, %select_n3A_135, %eq3A_136 : i32
      %and3A_138 = arith.andi %lt3A_119, %eq3A_137 : i1
      %convert_element_type3A_139 = arith.extui %and3A_138 : i1 to i32
      %cond3A_140 = arith.constant 0 : i32
      %cond3A_141 = arith.cmpi ne, %convert_element_type3A_139, %cond3A_140 : i32
      scf.if %cond3A_141 {
        %ge3A = arith.constant 4 : i32
        %ge3A_226 = arith.cmpi sge, %sub3A_54, %ge3A : i32
        %convert_element_type3A_227 = arith.extui %ge3A_226 : i1 to i32
        %cond3A_228 = arith.constant 0 : i32
        %cond3A_229 = arith.cmpi ne, %convert_element_type3A_227, %cond3A_228 : i32
        scf.if %cond3A_229 {
          %sub3A_236 = arith.constant 4 : i32
          %sub3A_237 = arith.subi %sub3A_54, %sub3A_236 : i32
          %mul3A_238 = arith.constant 40 : i32
          %mul3A_239 = arith.muli %sub3A_237, %mul3A_238 : i32
          %add3A_240 = arith.addi %mul3A_2, %mul3A_239 : i32
          %dma_wait3A_241 = arith.constant 0 : i32
          %dma_wait3A_242 = tpu.memref_slice %arg4[%add3A_240, %dma_wait3A_241] : memref<160000x128xf32, #tpu.memory_space<hbm>> -> memref<40x128xf32, #tpu.memory_space<hbm>>
          %dma_wait3A_243 = arith.constant 0 : i32
          %dma_wait3A_244 = tpu.memref_slice %arg4[%add3A_240, %dma_wait3A_243] : memref<160000x128xf32, #tpu.memory_space<hbm>> -> memref<40x128xf32, #tpu.memory_space<hbm>>
          tpu.wait_dma2 semaphore(%arg17 : memref<!tpu.dma_semaphore, #tpu.memory_space<semaphore_mem>>) src(%arg9 : memref<40x128xf32, #tpu.memory_space<vmem>>) dst(%dma_wait3A_244 : memref<40x128xf32, #tpu.memory_space<hbm>>)
        } else {
        }
        %dma_start3A_230 = arith.constant 0 : i32
        %dma_start3A_231 = tpu.memref_slice %arg5[%sub3A_54, %dma_start3A_230] : memref<125x40xi32, #tpu.memory_space<vmem>> -> memref<1x40xi32, #tpu.memory_space<vmem>>
        %dma_start3A_232 = tpu.memref_squeeze %dma_start3A_231 : memref<1x40xi32, #tpu.memory_space<vmem>> -> memref<40xi32, #tpu.memory_space<vmem>>
        %dma_start3A_233 = arith.constant 0 : i32
        %dma_start3A_234 = arith.constant 0 : i32
        %dma_start3A_235 = tpu.memref_slice %arg2[%dma_start3A_233, %dma_start3A_234] : memref<10000x128xf32, #tpu.memory_space<hbm>> -> memref<10000x128xf32, #tpu.memory_space<hbm>>
        tpu.enqueue_indirect_dma source(%dma_start3A_235 : memref<10000x128xf32, #tpu.memory_space<hbm>>) target(%arg9 : memref<40x128xf32, #tpu.memory_space<vmem>>) offsets(%dma_start3A_232 : memref<40xi32, #tpu.memory_space<vmem>>) semaphore(%arg13 : memref<!tpu.dma_semaphore, #tpu.memory_space<semaphore_mem>>)
      } else {
      }
      %jit3A_142 = arith.constant 4 : i32
      %eq3A_143 = arith.constant 0 : i32
      %eq3A_144 = arith.cmpi eq, %jit3A_142, %eq3A_143 : i32
      %jit3A_145 = arith.constant 1 : i32
      %select_n3A_146 = arith.select %eq3A_144, %jit3A_145, %jit3A_142 : i32
      %rem3A_147 = arith.remsi %scan3A_51, %select_n3A_146 : i32
      %ne3A_148 = arith.constant 0 : i32
      %ne3A_149 = arith.cmpi ne, %rem3A_147, %ne3A_148 : i32
      %lt3A_150 = arith.constant 0 : i32
      %lt3A_151 = arith.cmpi slt, %rem3A_147, %lt3A_150 : i32
      %lt3A_152 = arith.constant 0 : i32
      %lt3A_153 = arith.cmpi slt, %select_n3A_146, %lt3A_152 : i32
      %ne3A_154 = arith.xori %lt3A_151, %lt3A_153 : i1
      %and3A_155 = arith.andi %ne3A_154, %ne3A_149 : i1
      %add3A_156 = arith.addi %rem3A_147, %select_n3A_146 : i32
      %select_n3A_157 = arith.select %and3A_155, %add3A_156, %rem3A_147 : i32
      %eq3A_158 = arith.constant 0 : i32
      %eq3A_159 = arith.cmpi eq, %select_n3A_157, %eq3A_158 : i32
      %convert_element_type3A_160 = arith.extui %eq3A_159 : i1 to i32
      %cond3A_161 = arith.constant 0 : i32
      %cond3A_162 = arith.cmpi ne, %convert_element_type3A_160, %cond3A_161 : i32
      scf.if %cond3A_162 {
        %dma_wait3A_226 = arith.constant 0 : i32
        %dma_wait3A_227 = tpu.memref_slice %arg5[%scan3A_51, %dma_wait3A_226] : memref<125x40xi32, #tpu.memory_space<vmem>> -> memref<1x40xi32, #tpu.memory_space<vmem>>
        %dma_wait3A_228 = tpu.memref_squeeze %dma_wait3A_227 : memref<1x40xi32, #tpu.memory_space<vmem>> -> memref<40xi32, #tpu.memory_space<vmem>>
        %dma_wait3A_229 = arith.constant 0 : i32
        %dma_wait3A_230 = arith.constant 0 : i32
        %dma_wait3A_231 = tpu.memref_slice %arg2[%dma_wait3A_229, %dma_wait3A_230] : memref<10000x128xf32, #tpu.memory_space<hbm>> -> memref<10000x128xf32, #tpu.memory_space<hbm>>
        tpu.wait_indirect_dma semaphore(%arg10 : memref<!tpu.dma_semaphore, #tpu.memory_space<semaphore_mem>>) src(%dma_wait3A_231 : memref<10000x128xf32, #tpu.memory_space<hbm>>) dst(%arg6 : memref<40x128xf32, #tpu.memory_space<vmem>>)
        %mul3A_232 = arith.constant 40 : i32
        %mul3A_233 = arith.muli %scan3A_51, %mul3A_232 : i32
        %add3A_234 = arith.addi %mul3A_2, %mul3A_233 : i32
        %dma_start3A_235 = arith.constant 0 : i32
        %dma_start3A_236 = tpu.memref_slice %arg4[%add3A_234, %dma_start3A_235] : memref<160000x128xf32, #tpu.memory_space<hbm>> -> memref<40x128xf32, #tpu.memory_space<hbm>>
        %dma_start3A_237 = arith.constant 0 : i32
        %dma_start3A_238 = tpu.memref_slice %arg4[%add3A_234, %dma_start3A_237] : memref<160000x128xf32, #tpu.memory_space<hbm>> -> memref<40x128xf32, #tpu.memory_space<hbm>>
        tpu.enqueue_dma source(%arg6 : memref<40x128xf32, #tpu.memory_space<vmem>>) target(%dma_start3A_238 : memref<40x128xf32, #tpu.memory_space<hbm>>) target_semaphore(%arg14 : memref<!tpu.dma_semaphore, #tpu.memory_space<semaphore_mem>>)
      } else {
      }
      %jit3A_163 = arith.constant 4 : i32
      %eq3A_164 = arith.constant 0 : i32
      %eq3A_165 = arith.cmpi eq, %jit3A_163, %eq3A_164 : i32
      %jit3A_166 = arith.constant 1 : i32
      %select_n3A_167 = arith.select %eq3A_165, %jit3A_166, %jit3A_163 : i32
      %rem3A_168 = arith.remsi %scan3A_51, %select_n3A_167 : i32
      %ne3A_169 = arith.constant 0 : i32
      %ne3A_170 = arith.cmpi ne, %rem3A_168, %ne3A_169 : i32
      %lt3A_171 = arith.constant 0 : i32
      %lt3A_172 = arith.cmpi slt, %rem3A_168, %lt3A_171 : i32
      %lt3A_173 = arith.constant 0 : i32
      %lt3A_174 = arith.cmpi slt, %select_n3A_167, %lt3A_173 : i32
      %ne3A_175 = arith.xori %lt3A_172, %lt3A_174 : i1
      %and3A_176 = arith.andi %ne3A_175, %ne3A_170 : i1
      %add3A_177 = arith.addi %rem3A_168, %select_n3A_167 : i32
      %select_n3A_178 = arith.select %and3A_176, %add3A_177, %rem3A_168 : i32
      %eq3A_179 = arith.constant 1 : i32
      %eq3A_180 = arith.cmpi eq, %select_n3A_178, %eq3A_179 : i32
      %convert_element_type3A_181 = arith.extui %eq3A_180 : i1 to i32
      %cond3A_182 = arith.constant 0 : i32
      %cond3A_183 = arith.cmpi ne, %convert_element_type3A_181, %cond3A_182 : i32
      scf.if %cond3A_183 {
        %dma_wait3A_226 = arith.constant 0 : i32
        %dma_wait3A_227 = tpu.memref_slice %arg5[%scan3A_51, %dma_wait3A_226] : memref<125x40xi32, #tpu.memory_space<vmem>> -> memref<1x40xi32, #tpu.memory_space<vmem>>
        %dma_wait3A_228 = tpu.memref_squeeze %dma_wait3A_227 : memref<1x40xi32, #tpu.memory_space<vmem>> -> memref<40xi32, #tpu.memory_space<vmem>>
        %dma_wait3A_229 = arith.constant 0 : i32
        %dma_wait3A_230 = arith.constant 0 : i32
        %dma_wait3A_231 = tpu.memref_slice %arg2[%dma_wait3A_229, %dma_wait3A_230] : memref<10000x128xf32, #tpu.memory_space<hbm>> -> memref<10000x128xf32, #tpu.memory_space<hbm>>
        tpu.wait_indirect_dma semaphore(%arg11 : memref<!tpu.dma_semaphore, #tpu.memory_space<semaphore_mem>>) src(%dma_wait3A_231 : memref<10000x128xf32, #tpu.memory_space<hbm>>) dst(%arg7 : memref<40x128xf32, #tpu.memory_space<vmem>>)
        %mul3A_232 = arith.constant 40 : i32
        %mul3A_233 = arith.muli %scan3A_51, %mul3A_232 : i32
        %add3A_234 = arith.addi %mul3A_2, %mul3A_233 : i32
        %dma_start3A_235 = arith.constant 0 : i32
        %dma_start3A_236 = tpu.memref_slice %arg4[%add3A_234, %dma_start3A_235] : memref<160000x128xf32, #tpu.memory_space<hbm>> -> memref<40x128xf32, #tpu.memory_space<hbm>>
        %dma_start3A_237 = arith.constant 0 : i32
        %dma_start3A_238 = tpu.memref_slice %arg4[%add3A_234, %dma_start3A_237] : memref<160000x128xf32, #tpu.memory_space<hbm>> -> memref<40x128xf32, #tpu.memory_space<hbm>>
        tpu.enqueue_dma source(%arg7 : memref<40x128xf32, #tpu.memory_space<vmem>>) target(%dma_start3A_238 : memref<40x128xf32, #tpu.memory_space<hbm>>) target_semaphore(%arg15 : memref<!tpu.dma_semaphore, #tpu.memory_space<semaphore_mem>>)
      } else {
      }
      %jit3A_184 = arith.constant 4 : i32
      %eq3A_185 = arith.constant 0 : i32
      %eq3A_186 = arith.cmpi eq, %jit3A_184, %eq3A_185 : i32
      %jit3A_187 = arith.constant 1 : i32
      %select_n3A_188 = arith.select %eq3A_186, %jit3A_187, %jit3A_184 : i32
      %rem3A_189 = arith.remsi %scan3A_51, %select_n3A_188 : i32
      %ne3A_190 = arith.constant 0 : i32
      %ne3A_191 = arith.cmpi ne, %rem3A_189, %ne3A_190 : i32
      %lt3A_192 = arith.constant 0 : i32
      %lt3A_193 = arith.cmpi slt, %rem3A_189, %lt3A_192 : i32
      %lt3A_194 = arith.constant 0 : i32
      %lt3A_195 = arith.cmpi slt, %select_n3A_188, %lt3A_194 : i32
      %ne3A_196 = arith.xori %lt3A_193, %lt3A_195 : i1
      %and3A_197 = arith.andi %ne3A_196, %ne3A_191 : i1
      %add3A_198 = arith.addi %rem3A_189, %select_n3A_188 : i32
      %select_n3A_199 = arith.select %and3A_197, %add3A_198, %rem3A_189 : i32
      %eq3A_200 = arith.constant 2 : i32
      %eq3A_201 = arith.cmpi eq, %select_n3A_199, %eq3A_200 : i32
      %convert_element_type3A_202 = arith.extui %eq3A_201 : i1 to i32
      %cond3A_203 = arith.constant 0 : i32
      %cond3A_204 = arith.cmpi ne, %convert_element_type3A_202, %cond3A_203 : i32
      scf.if %cond3A_204 {
        %dma_wait3A_226 = arith.constant 0 : i32
        %dma_wait3A_227 = tpu.memref_slice %arg5[%scan3A_51, %dma_wait3A_226] : memref<125x40xi32, #tpu.memory_space<vmem>> -> memref<1x40xi32, #tpu.memory_space<vmem>>
        %dma_wait3A_228 = tpu.memref_squeeze %dma_wait3A_227 : memref<1x40xi32, #tpu.memory_space<vmem>> -> memref<40xi32, #tpu.memory_space<vmem>>
        %dma_wait3A_229 = arith.constant 0 : i32
        %dma_wait3A_230 = arith.constant 0 : i32
        %dma_wait3A_231 = tpu.memref_slice %arg2[%dma_wait3A_229, %dma_wait3A_230] : memref<10000x128xf32, #tpu.memory_space<hbm>> -> memref<10000x128xf32, #tpu.memory_space<hbm>>
        tpu.wait_indirect_dma semaphore(%arg12 : memref<!tpu.dma_semaphore, #tpu.memory_space<semaphore_mem>>) src(%dma_wait3A_231 : memref<10000x128xf32, #tpu.memory_space<hbm>>) dst(%arg8 : memref<40x128xf32, #tpu.memory_space<vmem>>)
        %mul3A_232 = arith.constant 40 : i32
        %mul3A_233 = arith.muli %scan3A_51, %mul3A_232 : i32
        %add3A_234 = arith.addi %mul3A_2, %mul3A_233 : i32
        %dma_start3A_235 = arith.constant 0 : i32
        %dma_start3A_236 = tpu.memref_slice %arg4[%add3A_234, %dma_start3A_235] : memref<160000x128xf32, #tpu.memory_space<hbm>> -> memref<40x128xf32, #tpu.memory_space<hbm>>
        %dma_start3A_237 = arith.constant 0 : i32
        %dma_start3A_238 = tpu.memref_slice %arg4[%add3A_234, %dma_start3A_237] : memref<160000x128xf32, #tpu.memory_space<hbm>> -> memref<40x128xf32, #tpu.memory_space<hbm>>
        tpu.enqueue_dma source(%arg8 : memref<40x128xf32, #tpu.memory_space<vmem>>) target(%dma_start3A_238 : memref<40x128xf32, #tpu.memory_space<hbm>>) target_semaphore(%arg16 : memref<!tpu.dma_semaphore, #tpu.memory_space<semaphore_mem>>)
      } else {
      }
      %jit3A_205 = arith.constant 4 : i32
      %eq3A_206 = arith.constant 0 : i32
      %eq3A_207 = arith.cmpi eq, %jit3A_205, %eq3A_206 : i32
      %jit3A_208 = arith.constant 1 : i32
      %select_n3A_209 = arith.select %eq3A_207, %jit3A_208, %jit3A_205 : i32
      %rem3A_210 = arith.remsi %scan3A_51, %select_n3A_209 : i32
      %ne3A_211 = arith.constant 0 : i32
      %ne3A_212 = arith.cmpi ne, %rem3A_210, %ne3A_211 : i32
      %lt3A_213 = arith.constant 0 : i32
      %lt3A_214 = arith.cmpi slt, %rem3A_210, %lt3A_213 : i32
      %lt3A_215 = arith.constant 0 : i32
      %lt3A_216 = arith.cmpi slt, %select_n3A_209, %lt3A_215 : i32
      %ne3A_217 = arith.xori %lt3A_214, %lt3A_216 : i1
      %and3A_218 = arith.andi %ne3A_217, %ne3A_212 : i1
      %add3A_219 = arith.addi %rem3A_210, %select_n3A_209 : i32
      %select_n3A_220 = arith.select %and3A_218, %add3A_219, %rem3A_210 : i32
      %eq3A_221 = arith.constant 3 : i32
      %eq3A_222 = arith.cmpi eq, %select_n3A_220, %eq3A_221 : i32
      %convert_element_type3A_223 = arith.extui %eq3A_222 : i1 to i32
      %cond3A_224 = arith.constant 0 : i32
      %cond3A_225 = arith.cmpi ne, %convert_element_type3A_223, %cond3A_224 : i32
      scf.if %cond3A_225 {
        %dma_wait3A_226 = arith.constant 0 : i32
        %dma_wait3A_227 = tpu.memref_slice %arg5[%scan3A_51, %dma_wait3A_226] : memref<125x40xi32, #tpu.memory_space<vmem>> -> memref<1x40xi32, #tpu.memory_space<vmem>>
        %dma_wait3A_228 = tpu.memref_squeeze %dma_wait3A_227 : memref<1x40xi32, #tpu.memory_space<vmem>> -> memref<40xi32, #tpu.memory_space<vmem>>
        %dma_wait3A_229 = arith.constant 0 : i32
        %dma_wait3A_230 = arith.constant 0 : i32
        %dma_wait3A_231 = tpu.memref_slice %arg2[%dma_wait3A_229, %dma_wait3A_230] : memref<10000x128xf32, #tpu.memory_space<hbm>> -> memref<10000x128xf32, #tpu.memory_space<hbm>>
        tpu.wait_indirect_dma semaphore(%arg13 : memref<!tpu.dma_semaphore, #tpu.memory_space<semaphore_mem>>) src(%dma_wait3A_231 : memref<10000x128xf32, #tpu.memory_space<hbm>>) dst(%arg9 : memref<40x128xf32, #tpu.memory_space<vmem>>)
        %mul3A_232 = arith.constant 40 : i32
        %mul3A_233 = arith.muli %scan3A_51, %mul3A_232 : i32
        %add3A_234 = arith.addi %mul3A_2, %mul3A_233 : i32
        %dma_start3A_235 = arith.constant 0 : i32
        %dma_start3A_236 = tpu.memref_slice %arg4[%add3A_234, %dma_start3A_235] : memref<160000x128xf32, #tpu.memory_space<hbm>> -> memref<40x128xf32, #tpu.memory_space<hbm>>
        %dma_start3A_237 = arith.constant 0 : i32
        %dma_start3A_238 = tpu.memref_slice %arg4[%add3A_234, %dma_start3A_237] : memref<160000x128xf32, #tpu.memory_space<hbm>> -> memref<40x128xf32, #tpu.memory_space<hbm>>
        tpu.enqueue_dma source(%arg9 : memref<40x128xf32, #tpu.memory_space<vmem>>) target(%dma_start3A_238 : memref<40x128xf32, #tpu.memory_space<hbm>>) target_semaphore(%arg17 : memref<!tpu.dma_semaphore, #tpu.memory_space<semaphore_mem>>)
      } else {
      }
    }
    %scan3A_27 = arith.constant 125 : i32
    %add3A_28 = arith.constant 4840 : i32
    %add3A_29 = arith.addi %mul3A_2, %add3A_28 : i32
    %dma_wait3A = arith.constant 0 : i32
    %dma_wait3A_30 = tpu.memref_slice %arg4[%add3A_29, %dma_wait3A] : memref<160000x128xf32, #tpu.memory_space<hbm>> -> memref<40x128xf32, #tpu.memory_space<hbm>>
    %dma_wait3A_31 = arith.constant 0 : i32
    %dma_wait3A_32 = tpu.memref_slice %arg4[%add3A_29, %dma_wait3A_31] : memref<160000x128xf32, #tpu.memory_space<hbm>> -> memref<40x128xf32, #tpu.memory_space<hbm>>
    tpu.wait_dma2 semaphore(%arg15 : memref<!tpu.dma_semaphore, #tpu.memory_space<semaphore_mem>>) src(%arg7 : memref<40x128xf32, #tpu.memory_space<vmem>>) dst(%dma_wait3A_32 : memref<40x128xf32, #tpu.memory_space<hbm>>)
    %add3A_33 = arith.constant 4880 : i32
    %add3A_34 = arith.addi %mul3A_2, %add3A_33 : i32
    %dma_wait3A_35 = arith.constant 0 : i32
    %dma_wait3A_36 = tpu.memref_slice %arg4[%add3A_34, %dma_wait3A_35] : memref<160000x128xf32, #tpu.memory_space<hbm>> -> memref<40x128xf32, #tpu.memory_space<hbm>>
    %dma_wait3A_37 = arith.constant 0 : i32
    %dma_wait3A_38 = tpu.memref_slice %arg4[%add3A_34, %dma_wait3A_37] : memref<160000x128xf32, #tpu.memory_space<hbm>> -> memref<40x128xf32, #tpu.memory_space<hbm>>
    tpu.wait_dma2 semaphore(%arg16 : memref<!tpu.dma_semaphore, #tpu.memory_space<semaphore_mem>>) src(%arg8 : memref<40x128xf32, #tpu.memory_space<vmem>>) dst(%dma_wait3A_38 : memref<40x128xf32, #tpu.memory_space<hbm>>)
    %add3A_39 = arith.constant 4920 : i32
    %add3A_40 = arith.addi %mul3A_2, %add3A_39 : i32
    %dma_wait3A_41 = arith.constant 0 : i32
    %dma_wait3A_42 = tpu.memref_slice %arg4[%add3A_40, %dma_wait3A_41] : memref<160000x128xf32, #tpu.memory_space<hbm>> -> memref<40x128xf32, #tpu.memory_space<hbm>>
    %dma_wait3A_43 = arith.constant 0 : i32
    %dma_wait3A_44 = tpu.memref_slice %arg4[%add3A_40, %dma_wait3A_43] : memref<160000x128xf32, #tpu.memory_space<hbm>> -> memref<40x128xf32, #tpu.memory_space<hbm>>
    tpu.wait_dma2 semaphore(%arg17 : memref<!tpu.dma_semaphore, #tpu.memory_space<semaphore_mem>>) src(%arg9 : memref<40x128xf32, #tpu.memory_space<vmem>>) dst(%dma_wait3A_44 : memref<40x128xf32, #tpu.memory_space<hbm>>)
    %add3A_45 = arith.constant 4960 : i32
    %add3A_46 = arith.addi %mul3A_2, %add3A_45 : i32
    %dma_wait3A_47 = arith.constant 0 : i32
    %dma_wait3A_48 = tpu.memref_slice %arg4[%add3A_46, %dma_wait3A_47] : memref<160000x128xf32, #tpu.memory_space<hbm>> -> memref<40x128xf32, #tpu.memory_space<hbm>>
    %dma_wait3A_49 = arith.constant 0 : i32
    %dma_wait3A_50 = tpu.memref_slice %arg4[%add3A_46, %dma_wait3A_49] : memref<160000x128xf32, #tpu.memory_space<hbm>> -> memref<40x128xf32, #tpu.memory_space<hbm>>
    tpu.wait_dma2 semaphore(%arg14 : memref<!tpu.dma_semaphore, #tpu.memory_space<semaphore_mem>>) src(%arg6 : memref<40x128xf32, #tpu.memory_space<vmem>>) dst(%dma_wait3A_50 : memref<40x128xf32, #tpu.memory_space<hbm>>)
    return
  }
}

#map = affine_map<(d0, d1) -> (0, 0)>
#map1 = affine_map<(d0, d1) -> (0, 0, 0)>
module attributes {stable_mosaic.version = 14 : i64} {
  func.func @body(%arg0: i32, %arg1: i32, %arg2: memref<10000x128xf32, #tpu.memory_space<hbm>>, %arg3: memref<32x125x40xi32, #tpu.memory_space<hbm>>, %arg4: memref<160000x128xf32, #tpu.memory_space<hbm>>, %arg5: memref<125x40xi32, #tpu.memory_space<vmem>>, %arg6: memref<40x128xf32, #tpu.memory_space<vmem>>, %arg7: memref<40x128xf32, #tpu.memory_space<vmem>>, %arg8: memref<40x128xf32, #tpu.memory_space<vmem>>, %arg9: memref<40x128xf32, #tpu.memory_space<vmem>>, %arg10: memref<!tpu.dma_semaphore, #tpu.memory_space<semaphore_mem>>, %arg11: memref<!tpu.dma_semaphore, #tpu.memory_space<semaphore_mem>>, %arg12: memref<!tpu.dma_semaphore, #tpu.memory_space<semaphore_mem>>, %arg13: memref<!tpu.dma_semaphore, #tpu.memory_space<semaphore_mem>>, %arg14: memref<!tpu.dma_semaphore, #tpu.memory_space<semaphore_mem>>, %arg15: memref<!tpu.dma_semaphore, #tpu.memory_space<semaphore_mem>>, %arg16: memref<!tpu.dma_semaphore, #tpu.memory_space<semaphore_mem>>, %arg17: memref<!tpu.dma_semaphore, #tpu.memory_space<semaphore_mem>>) attributes {dimension_semantics = [#tpu.dimension_semantics<core_parallel>, #tpu.dimension_semantics<subcore_parallel>], iteration_bounds = array<i64: 2, 16>, scalar_prefetch = 0 : i64, scratch_operands = 13 : i64, tpu.core_type = #tpu.core_type<sc_vector_subcore>, window_params = [{transform_indices = #map}, {transform_indices = #map1}, {transform_indices = #map}]} {
    %mul3A = arith.constant 16 : i32
    %mul3A_0 = arith.muli %arg0, %mul3A : i32
    %add3A = arith.addi %mul3A_0, %arg1 : i32
    %mul3A_1 = arith.constant 5000 : i32
    %mul3A_2 = arith.muli %add3A, %mul3A_1 : i32
    "tpu.region"() ({
      %run_scoped3A = tpu.sem_alloc : memref<!tpu.dma_semaphore, #tpu.memory_space<semaphore_mem>>
      %dma_start3A_51 = arith.constant 0 : i32
      %dma_start3A_52 = arith.constant 0 : i32
      %dma_start3A_53 = tpu.memref_slice %arg3[%add3A, %dma_start3A_51, %dma_start3A_52] : memref<32x125x40xi32, #tpu.memory_space<hbm>> -> memref<1x125x40xi32, #tpu.memory_space<hbm>>
      %dma_start3A_54 = tpu.memref_squeeze %dma_start3A_53 : memref<1x125x40xi32, #tpu.memory_space<hbm>> -> memref<125x40xi32, #tpu.memory_space<hbm>>
      %dma_start3A_55 = arith.constant 0 : i32
      %dma_start3A_56 = arith.constant 0 : i32
      %dma_start3A_57 = tpu.memref_slice %arg3[%add3A, %dma_start3A_55, %dma_start3A_56] : memref<32x125x40xi32, #tpu.memory_space<hbm>> -> memref<1x125x40xi32, #tpu.memory_space<hbm>>
      %dma_start3A_58 = tpu.memref_squeeze %dma_start3A_57 : memref<1x125x40xi32, #tpu.memory_space<hbm>> -> memref<125x40xi32, #tpu.memory_space<hbm>>
      tpu.enqueue_dma source(%dma_start3A_58 : memref<125x40xi32, #tpu.memory_space<hbm>>) target(%arg5 : memref<125x40xi32, #tpu.memory_space<vmem>>) target_semaphore(%run_scoped3A : memref<!tpu.dma_semaphore, #tpu.memory_space<semaphore_mem>>)
      %dma_wait3A_59 = arith.constant 0 : i32
      %dma_wait3A_60 = arith.constant 0 : i32
      %dma_wait3A_61 = tpu.memref_slice %arg3[%add3A, %dma_wait3A_59, %dma_wait3A_60] : memref<32x125x40xi32, #tpu.memory_space<hbm>> -> memref<1x125x40xi32, #tpu.memory_space<hbm>>
      %dma_wait3A_62 = tpu.memref_squeeze %dma_wait3A_61 : memref<1x125x40xi32, #tpu.memory_space<hbm>> -> memref<125x40xi32, #tpu.memory_space<hbm>>
      %dma_wait3A_63 = arith.constant 0 : i32
      %dma_wait3A_64 = arith.constant 0 : i32
      %dma_wait3A_65 = tpu.memref_slice %arg3[%add3A, %dma_wait3A_63, %dma_wait3A_64] : memref<32x125x40xi32, #tpu.memory_space<hbm>> -> memref<1x125x40xi32, #tpu.memory_space<hbm>>
      %dma_wait3A_66 = tpu.memref_squeeze %dma_wait3A_65 : memref<1x125x40xi32, #tpu.memory_space<hbm>> -> memref<125x40xi32, #tpu.memory_space<hbm>>
      tpu.wait_dma2 semaphore(%run_scoped3A : memref<!tpu.dma_semaphore, #tpu.memory_space<semaphore_mem>>) src(%dma_wait3A_66 : memref<125x40xi32, #tpu.memory_space<hbm>>) dst(%arg5 : memref<125x40xi32, #tpu.memory_space<vmem>>)
      tpu.yield
    }) : () -> ()
    %dma_start3A = arith.constant 0 : i32
    %dma_start3A_3 = arith.constant 0 : i32
    %dma_start3A_4 = tpu.memref_slice %arg5[%dma_start3A, %dma_start3A_3] : memref<125x40xi32, #tpu.memory_space<vmem>> -> memref<1x40xi32, #tpu.memory_space<vmem>>
    %dma_start3A_5 = tpu.memref_squeeze %dma_start3A_4 : memref<1x40xi32, #tpu.memory_space<vmem>> -> memref<40xi32, #tpu.memory_space<vmem>>
    %dma_start3A_6 = arith.constant 0 : i32
    %dma_start3A_7 = arith.constant 0 : i32
    %dma_start3A_8 = tpu.memref_slice %arg2[%dma_start3A_6, %dma_start3A_7] : memref<10000x128xf32, #tpu.memory_space<hbm>> -> memref<10000x128xf32, #tpu.memory_space<hbm>>
    tpu.enqueue_indirect_dma source(%dma_start3A_8 : memref<10000x128xf32, #tpu.memory_space<hbm>>) target(%arg6 : memref<40x128xf32, #tpu.memory_space<vmem>>) offsets(%dma_start3A_5 : memref<40xi32, #tpu.memory_space<vmem>>) semaphore(%arg10 : memref<!tpu.dma_semaphore, #tpu.memory_space<semaphore_mem>>)
    %dma_start3A_9 = arith.constant 1 : i32
    %dma_start3A_10 = arith.constant 0 : i32
    %dma_start3A_11 = tpu.memref_slice %arg5[%dma_start3A_9, %dma_start3A_10] : memref<125x40xi32, #tpu.memory_space<vmem>> -> memref<1x40xi32, #tpu.memory_space<vmem>>
    %dma_start3A_12 = tpu.memref_squeeze %dma_start3A_11 : memref<1x40xi32, #tpu.memory_space<vmem>> -> memref<40xi32, #tpu.memory_space<vmem>>
    %dma_start3A_13 = arith.constant 0 : i32
    %dma_start3A_14 = arith.constant 0 : i32
    %dma_start3A_15 = tpu.memref_slice %arg2[%dma_start3A_13, %dma_start3A_14] : memref<10000x128xf32, #tpu.memory_space<hbm>> -> memref<10000x128xf32, #tpu.memory_space<hbm>>
    tpu.enqueue_indirect_dma source(%dma_start3A_15 : memref<10000x128xf32, #tpu.memory_space<hbm>>) target(%arg7 : memref<40x128xf32, #tpu.memory_space<vmem>>) offsets(%dma_start3A_12 : memref<40xi32, #tpu.memory_space<vmem>>) semaphore(%arg11 : memref<!tpu.dma_semaphore, #tpu.memory_space<semaphore_mem>>)
    %dma_start3A_16 = arith.constant 2 : i32
    %dma_start3A_17 = arith.constant 0 : i32
    %dma_start3A_18 = tpu.memref_slice %arg5[%dma_start3A_16, %dma_start3A_17] : memref<125x40xi32, #tpu.memory_space<vmem>> -> memref<1x40xi32, #tpu.memory_space<vmem>>
    %dma_start3A_19 = tpu.memref_squeeze %dma_start3A_18 : memref<1x40xi32, #tpu.memory_space<vmem>> -> memref<40xi32, #tpu.memory_space<vmem>>
    %dma_start3A_20 = arith.constant 0 : i32
    %dma_start3A_21 = arith.constant 0 : i32
    %dma_start3A_22 = tpu.memref_slice %arg2[%dma_start3A_20, %dma_start3A_21] : memref<10000x128xf32, #tpu.memory_space<hbm>> -> memref<10000x128xf32, #tpu.memory_space<hbm>>
    tpu.enqueue_indirect_dma source(%dma_start3A_22 : memref<10000x128xf32, #tpu.memory_space<hbm>>) target(%arg8 : memref<40x128xf32, #tpu.memory_space<vmem>>) offsets(%dma_start3A_19 : memref<40xi32, #tpu.memory_space<vmem>>) semaphore(%arg12 : memref<!tpu.dma_semaphore, #tpu.memory_space<semaphore_mem>>)
    %scan3A = arith.constant 0 : i32
    %scan3A_23 = arith.constant 0 : i32
    %scan3A_24 = arith.constant 125 : i32
    %scan3A_25 = arith.addi %scan3A_23, %scan3A_24 : i32
    %scan3A_26 = arith.constant 1 : i32
    scf.for %scan3A_51 = %scan3A_23 to %scan3A_25 step %scan3A_26  : i32 {
      %add3A_52 = arith.constant 4 : i32
      %add3A_53 = arith.addi %scan3A_51, %add3A_52 : i32
      %sub3A = arith.constant 1 : i32
      %sub3A_54 = arith.subi %add3A_53, %sub3A : i32
      %lt3A = arith.constant 125 : i32
      %lt3A_55 = arith.cmpi slt, %sub3A_54, %lt3A : i32
      %jit3A = arith.constant 4 : i32
      %eq3A = arith.constant 0 : i32
      %eq3A_56 = arith.cmpi eq, %jit3A, %eq3A : i32
      %jit3A_57 = arith.constant 1 : i32
      %select_n3A = arith.select %eq3A_56, %jit3A_57, %jit3A : i32
      %rem3A = arith.remsi %sub3A_54, %select_n3A : i32
      %ne3A = arith.constant 0 : i32
      %ne3A_58 = arith.cmpi ne, %rem3A, %ne3A : i32
      %lt3A_59 = arith.constant 0 : i32
      %lt3A_60 = arith.cmpi slt, %rem3A, %lt3A_59 : i32
      %lt3A_61 = arith.constant 0 : i32
      %lt3A_62 = arith.cmpi slt, %select_n3A, %lt3A_61 : i32
      %ne3A_63 = arith.xori %lt3A_60, %lt3A_62 : i1
      %and3A = arith.andi %ne3A_63, %ne3A_58 : i1
      %add3A_64 = arith.addi %rem3A, %select_n3A : i32
      %select_n3A_65 = arith.select %and3A, %add3A_64, %rem3A : i32
      %eq3A_66 = arith.constant 0 : i32
      %eq3A_67 = arith.cmpi eq, %select_n3A_65, %eq3A_66 : i32
      %and3A_68 = arith.andi %lt3A_55, %eq3A_67 : i1
      %convert_element_type3A = arith.extui %and3A_68 : i1 to i32
      %cond3A = arith.constant 0 : i32
      %cond3A_69 = arith.cmpi ne, %convert_element_type3A, %cond3A : i32
      scf.if %cond3A_69 {
        %ge3A = arith.constant 4 : i32
        %ge3A_226 = arith.cmpi sge, %sub3A_54, %ge3A : i32
        %convert_element_type3A_227 = arith.extui %ge3A_226 : i1 to i32
        %cond3A_228 = arith.constant 0 : i32
        %cond3A_229 = arith.cmpi ne, %convert_element_type3A_227, %cond3A_228 : i32
        scf.if %cond3A_229 {
          %sub3A_236 = arith.constant 4 : i32
          %sub3A_237 = arith.subi %sub3A_54, %sub3A_236 : i32
          %mul3A_238 = arith.constant 40 : i32
          %mul3A_239 = arith.muli %sub3A_237, %mul3A_238 : i32
          %add3A_240 = arith.addi %mul3A_2, %mul3A_239 : i32
          %dma_wait3A_241 = arith.constant 0 : i32
          %dma_wait3A_242 = tpu.memref_slice %arg4[%add3A_240, %dma_wait3A_241] : memref<160000x128xf32, #tpu.memory_space<hbm>> -> memref<40x128xf32, #tpu.memory_space<hbm>>
          %dma_wait3A_243 = arith.constant 0 : i32
          %dma_wait3A_244 = tpu.memref_slice %arg4[%add3A_240, %dma_wait3A_243] : memref<160000x128xf32, #tpu.memory_space<hbm>> -> memref<40x128xf32, #tpu.memory_space<hbm>>
          tpu.wait_dma2 semaphore(%arg14 : memref<!tpu.dma_semaphore, #tpu.memory_space<semaphore_mem>>) src(%arg6 : memref<40x128xf32, #tpu.memory_space<vmem>>) dst(%dma_wait3A_244 : memref<40x128xf32, #tpu.memory_space<hbm>>)
        } else {
        }
        %dma_start3A_230 = arith.constant 0 : i32
        %dma_start3A_231 = tpu.memref_slice %arg5[%sub3A_54, %dma_start3A_230] : memref<125x40xi32, #tpu.memory_space<vmem>> -> memref<1x40xi32, #tpu.memory_space<vmem>>
        %dma_start3A_232 = tpu.memref_squeeze %dma_start3A_231 : memref<1x40xi32, #tpu.memory_space<vmem>> -> memref<40xi32, #tpu.memory_space<vmem>>
        %dma_start3A_233 = arith.constant 0 : i32
        %dma_start3A_234 = arith.constant 0 : i32
        %dma_start3A_235 = tpu.memref_slice %arg2[%dma_start3A_233, %dma_start3A_234] : memref<10000x128xf32, #tpu.memory_space<hbm>> -> memref<10000x128xf32, #tpu.memory_space<hbm>>
        tpu.enqueue_indirect_dma source(%dma_start3A_235 : memref<10000x128xf32, #tpu.memory_space<hbm>>) target(%arg6 : memref<40x128xf32, #tpu.memory_space<vmem>>) offsets(%dma_start3A_232 : memref<40xi32, #tpu.memory_space<vmem>>) semaphore(%arg10 : memref<!tpu.dma_semaphore, #tpu.memory_space<semaphore_mem>>)
      } else {
      }
      %lt3A_70 = arith.constant 125 : i32
      %lt3A_71 = arith.cmpi slt, %sub3A_54, %lt3A_70 : i32
      %jit3A_72 = arith.constant 4 : i32
      %eq3A_73 = arith.constant 0 : i32
      %eq3A_74 = arith.cmpi eq, %jit3A_72, %eq3A_73 : i32
      %jit3A_75 = arith.constant 1 : i32
      %select_n3A_76 = arith.select %eq3A_74, %jit3A_75, %jit3A_72 : i32
      %rem3A_77 = arith.remsi %sub3A_54, %select_n3A_76 : i32
      %ne3A_78 = arith.constant 0 : i32
      %ne3A_79 = arith.cmpi ne, %rem3A_77, %ne3A_78 : i32
      %lt3A_80 = arith.constant 0 : i32
      %lt3A_81 = arith.cmpi slt, %rem3A_77, %lt3A_80 : i32
      %lt3A_82 = arith.constant 0 : i32
      %lt3A_83 = arith.cmpi slt, %select_n3A_76, %lt3A_82 : i32
      %ne3A_84 = arith.xori %lt3A_81, %lt3A_83 : i1
      %and3A_85 = arith.andi %ne3A_84, %ne3A_79 : i1
      %add3A_86 = arith.addi %rem3A_77, %select_n3A_76 : i32
      %select_n3A_87 = arith.select %and3A_85, %add3A_86, %rem3A_77 : i32
      %eq3A_88 = arith.constant 1 : i32
      %eq3A_89 = arith.cmpi eq, %select_n3A_87, %eq3A_88 : i32
      %and3A_90 = arith.andi %lt3A_71, %eq3A_89 : i1
      %convert_element_type3A_91 = arith.extui %and3A_90 : i1 to i32
      %cond3A_92 = arith.constant 0 : i32
      %cond3A_93 = arith.cmpi ne, %convert_element_type3A_91, %cond3A_92 : i32
      scf.if %cond3A_93 {
        %ge3A = arith.constant 4 : i32
        %ge3A_226 = arith.cmpi sge, %sub3A_54, %ge3A : i32
        %convert_element_type3A_227 = arith.extui %ge3A_226 : i1 to i32
        %cond3A_228 = arith.constant 0 : i32
        %cond3A_229 = arith.cmpi ne, %convert_element_type3A_227, %cond3A_228 : i32
        scf.if %cond3A_229 {
          %sub3A_236 = arith.constant 4 : i32
          %sub3A_237 = arith.subi %sub3A_54, %sub3A_236 : i32
          %mul3A_238 = arith.constant 40 : i32
          %mul3A_239 = arith.muli %sub3A_237, %mul3A_238 : i32
          %add3A_240 = arith.addi %mul3A_2, %mul3A_239 : i32
          %dma_wait3A_241 = arith.constant 0 : i32
          %dma_wait3A_242 = tpu.memref_slice %arg4[%add3A_240, %dma_wait3A_241] : memref<160000x128xf32, #tpu.memory_space<hbm>> -> memref<40x128xf32, #tpu.memory_space<hbm>>
          %dma_wait3A_243 = arith.constant 0 : i32
          %dma_wait3A_244 = tpu.memref_slice %arg4[%add3A_240, %dma_wait3A_243] : memref<160000x128xf32, #tpu.memory_space<hbm>> -> memref<40x128xf32, #tpu.memory_space<hbm>>
          tpu.wait_dma2 semaphore(%arg15 : memref<!tpu.dma_semaphore, #tpu.memory_space<semaphore_mem>>) src(%arg7 : memref<40x128xf32, #tpu.memory_space<vmem>>) dst(%dma_wait3A_244 : memref<40x128xf32, #tpu.memory_space<hbm>>)
        } else {
        }
        %dma_start3A_230 = arith.constant 0 : i32
        %dma_start3A_231 = tpu.memref_slice %arg5[%sub3A_54, %dma_start3A_230] : memref<125x40xi32, #tpu.memory_space<vmem>> -> memref<1x40xi32, #tpu.memory_space<vmem>>
        %dma_start3A_232 = tpu.memref_squeeze %dma_start3A_231 : memref<1x40xi32, #tpu.memory_space<vmem>> -> memref<40xi32, #tpu.memory_space<vmem>>
        %dma_start3A_233 = arith.constant 0 : i32
        %dma_start3A_234 = arith.constant 0 : i32
        %dma_start3A_235 = tpu.memref_slice %arg2[%dma_start3A_233, %dma_start3A_234] : memref<10000x128xf32, #tpu.memory_space<hbm>> -> memref<10000x128xf32, #tpu.memory_space<hbm>>
        tpu.enqueue_indirect_dma source(%dma_start3A_235 : memref<10000x128xf32, #tpu.memory_space<hbm>>) target(%arg7 : memref<40x128xf32, #tpu.memory_space<vmem>>) offsets(%dma_start3A_232 : memref<40xi32, #tpu.memory_space<vmem>>) semaphore(%arg11 : memref<!tpu.dma_semaphore, #tpu.memory_space<semaphore_mem>>)
      } else {
      }
      %lt3A_94 = arith.constant 125 : i32
      %lt3A_95 = arith.cmpi slt, %sub3A_54, %lt3A_94 : i32
      %jit3A_96 = arith.constant 4 : i32
      %eq3A_97 = arith.constant 0 : i32
      %eq3A_98 = arith.cmpi eq, %jit3A_96, %eq3A_97 : i32
      %jit3A_99 = arith.constant 1 : i32
      %select_n3A_100 = arith.select %eq3A_98, %jit3A_99, %jit3A_96 : i32
      %rem3A_101 = arith.remsi %sub3A_54, %select_n3A_100 : i32
      %ne3A_102 = arith.constant 0 : i32
      %ne3A_103 = arith.cmpi ne, %rem3A_101, %ne3A_102 : i32
      %lt3A_104 = arith.constant 0 : i32
      %lt3A_105 = arith.cmpi slt, %rem3A_101, %lt3A_104 : i32
      %lt3A_106 = arith.constant 0 : i32
      %lt3A_107 = arith.cmpi slt, %select_n3A_100, %lt3A_106 : i32
      %ne3A_108 = arith.xori %lt3A_105, %lt3A_107 : i1
      %and3A_109 = arith.andi %ne3A_108, %ne3A_103 : i1
      %add3A_110 = arith.addi %rem3A_101, %select_n3A_100 : i32
      %select_n3A_111 = arith.select %and3A_109, %add3A_110, %rem3A_101 : i32
      %eq3A_112 = arith.constant 2 : i32
      %eq3A_113 = arith.cmpi eq, %select_n3A_111, %eq3A_112 : i32
      %and3A_114 = arith.andi %lt3A_95, %eq3A_113 : i1
      %convert_element_type3A_115 = arith.extui %and3A_114 : i1 to i32
      %cond3A_116 = arith.constant 0 : i32
      %cond3A_117 = arith.cmpi ne, %convert_element_type3A_115, %cond3A_116 : i32
      scf.if %cond3A_117 {
        %ge3A = arith.constant 4 : i32
        %ge3A_226 = arith.cmpi sge, %sub3A_54, %ge3A : i32
        %convert_element_type3A_227 = arith.extui %ge3A_226 : i1 to i32
        %cond3A_228 = arith.constant 0 : i32
        %cond3A_229 = arith.cmpi ne, %convert_element_type3A_227, %cond3A_228 : i32
        scf.if %cond3A_229 {
          %sub3A_236 = arith.constant 4 : i32
          %sub3A_237 = arith.subi %sub3A_54, %sub3A_236 : i32
          %mul3A_238 = arith.constant 40 : i32
          %mul3A_239 = arith.muli %sub3A_237, %mul3A_238 : i32
          %add3A_240 = arith.addi %mul3A_2, %mul3A_239 : i32
          %dma_wait3A_241 = arith.constant 0 : i32
          %dma_wait3A_242 = tpu.memref_slice %arg4[%add3A_240, %dma_wait3A_241] : memref<160000x128xf32, #tpu.memory_space<hbm>> -> memref<40x128xf32, #tpu.memory_space<hbm>>
          %dma_wait3A_243 = arith.constant 0 : i32
          %dma_wait3A_244 = tpu.memref_slice %arg4[%add3A_240, %dma_wait3A_243] : memref<160000x128xf32, #tpu.memory_space<hbm>> -> memref<40x128xf32, #tpu.memory_space<hbm>>
          tpu.wait_dma2 semaphore(%arg16 : memref<!tpu.dma_semaphore, #tpu.memory_space<semaphore_mem>>) src(%arg8 : memref<40x128xf32, #tpu.memory_space<vmem>>) dst(%dma_wait3A_244 : memref<40x128xf32, #tpu.memory_space<hbm>>)
        } else {
        }
        %dma_start3A_230 = arith.constant 0 : i32
        %dma_start3A_231 = tpu.memref_slice %arg5[%sub3A_54, %dma_start3A_230] : memref<125x40xi32, #tpu.memory_space<vmem>> -> memref<1x40xi32, #tpu.memory_space<vmem>>
        %dma_start3A_232 = tpu.memref_squeeze %dma_start3A_231 : memref<1x40xi32, #tpu.memory_space<vmem>> -> memref<40xi32, #tpu.memory_space<vmem>>
        %dma_start3A_233 = arith.constant 0 : i32
        %dma_start3A_234 = arith.constant 0 : i32
        %dma_start3A_235 = tpu.memref_slice %arg2[%dma_start3A_233, %dma_start3A_234] : memref<10000x128xf32, #tpu.memory_space<hbm>> -> memref<10000x128xf32, #tpu.memory_space<hbm>>
        tpu.enqueue_indirect_dma source(%dma_start3A_235 : memref<10000x128xf32, #tpu.memory_space<hbm>>) target(%arg8 : memref<40x128xf32, #tpu.memory_space<vmem>>) offsets(%dma_start3A_232 : memref<40xi32, #tpu.memory_space<vmem>>) semaphore(%arg12 : memref<!tpu.dma_semaphore, #tpu.memory_space<semaphore_mem>>)
      } else {
      }
      %lt3A_118 = arith.constant 125 : i32
      %lt3A_119 = arith.cmpi slt, %sub3A_54, %lt3A_118 : i32
      %jit3A_120 = arith.constant 4 : i32
      %eq3A_121 = arith.constant 0 : i32
      %eq3A_122 = arith.cmpi eq, %jit3A_120, %eq3A_121 : i32
      %jit3A_123 = arith.constant 1 : i32
      %select_n3A_124 = arith.select %eq3A_122, %jit3A_123, %jit3A_120 : i32
      %rem3A_125 = arith.remsi %sub3A_54, %select_n3A_124 : i32
      %ne3A_126 = arith.constant 0 : i32
      %ne3A_127 = arith.cmpi ne, %rem3A_125, %ne3A_126 : i32
      %lt3A_128 = arith.constant 0 : i32
      %lt3A_129 = arith.cmpi slt, %rem3A_125, %lt3A_128 : i32
      %lt3A_130 = arith.constant 0 : i32
      %lt3A_131 = arith.cmpi slt, %select_n3A_124, %lt3A_130 : i32
      %ne3A_132 = arith.xori %lt3A_129, %lt3A_131 : i1
      %and3A_133 = arith.andi %ne3A_132, %ne3A_127 : i1
      %add3A_134 = arith.addi %rem3A_125, %select_n3A_124 : i32
      %select_n3A_135 = arith.select %and3A_133, %add3A_134, %rem3A_125 : i32
      %eq3A_136 = arith.constant 3 : i32
      %eq3A_137 = arith.cmpi eq, %select_n3A_135, %eq3A_136 : i32
      %and3A_138 = arith.andi %lt3A_119, %eq3A_137 : i1
      %convert_element_type3A_139 = arith.extui %and3A_138 : i1 to i32
      %cond3A_140 = arith.constant 0 : i32
      %cond3A_141 = arith.cmpi ne, %convert_element_type3A_139, %cond3A_140 : i32
      scf.if %cond3A_141 {
        %ge3A = arith.constant 4 : i32
        %ge3A_226 = arith.cmpi sge, %sub3A_54, %ge3A : i32
        %convert_element_type3A_227 = arith.extui %ge3A_226 : i1 to i32
        %cond3A_228 = arith.constant 0 : i32
        %cond3A_229 = arith.cmpi ne, %convert_element_type3A_227, %cond3A_228 : i32
        scf.if %cond3A_229 {
          %sub3A_236 = arith.constant 4 : i32
          %sub3A_237 = arith.subi %sub3A_54, %sub3A_236 : i32
          %mul3A_238 = arith.constant 40 : i32
          %mul3A_239 = arith.muli %sub3A_237, %mul3A_238 : i32
          %add3A_240 = arith.addi %mul3A_2, %mul3A_239 : i32
          %dma_wait3A_241 = arith.constant 0 : i32
          %dma_wait3A_242 = tpu.memref_slice %arg4[%add3A_240, %dma_wait3A_241] : memref<160000x128xf32, #tpu.memory_space<hbm>> -> memref<40x128xf32, #tpu.memory_space<hbm>>
          %dma_wait3A_243 = arith.constant 0 : i32
          %dma_wait3A_244 = tpu.memref_slice %arg4[%add3A_240, %dma_wait3A_243] : memref<160000x128xf32, #tpu.memory_space<hbm>> -> memref<40x128xf32, #tpu.memory_space<hbm>>
          tpu.wait_dma2 semaphore(%arg17 : memref<!tpu.dma_semaphore, #tpu.memory_space<semaphore_mem>>) src(%arg9 : memref<40x128xf32, #tpu.memory_space<vmem>>) dst(%dma_wait3A_244 : memref<40x128xf32, #tpu.memory_space<hbm>>)
        } else {
        }
        %dma_start3A_230 = arith.constant 0 : i32
        %dma_start3A_231 = tpu.memref_slice %arg5[%sub3A_54, %dma_start3A_230] : memref<125x40xi32, #tpu.memory_space<vmem>> -> memref<1x40xi32, #tpu.memory_space<vmem>>
        %dma_start3A_232 = tpu.memref_squeeze %dma_start3A_231 : memref<1x40xi32, #tpu.memory_space<vmem>> -> memref<40xi32, #tpu.memory_space<vmem>>
        %dma_start3A_233 = arith.constant 0 : i32
        %dma_start3A_234 = arith.constant 0 : i32
        %dma_start3A_235 = tpu.memref_slice %arg2[%dma_start3A_233, %dma_start3A_234] : memref<10000x128xf32, #tpu.memory_space<hbm>> -> memref<10000x128xf32, #tpu.memory_space<hbm>>
        tpu.enqueue_indirect_dma source(%dma_start3A_235 : memref<10000x128xf32, #tpu.memory_space<hbm>>) target(%arg9 : memref<40x128xf32, #tpu.memory_space<vmem>>) offsets(%dma_start3A_232 : memref<40xi32, #tpu.memory_space<vmem>>) semaphore(%arg13 : memref<!tpu.dma_semaphore, #tpu.memory_space<semaphore_mem>>)
      } else {
      }
      %jit3A_142 = arith.constant 4 : i32
      %eq3A_143 = arith.constant 0 : i32
      %eq3A_144 = arith.cmpi eq, %jit3A_142, %eq3A_143 : i32
      %jit3A_145 = arith.constant 1 : i32
      %select_n3A_146 = arith.select %eq3A_144, %jit3A_145, %jit3A_142 : i32
      %rem3A_147 = arith.remsi %scan3A_51, %select_n3A_146 : i32
      %ne3A_148 = arith.constant 0 : i32
      %ne3A_149 = arith.cmpi ne, %rem3A_147, %ne3A_148 : i32
      %lt3A_150 = arith.constant 0 : i32
      %lt3A_151 = arith.cmpi slt, %rem3A_147, %lt3A_150 : i32
      %lt3A_152 = arith.constant 0 : i32
      %lt3A_153 = arith.cmpi slt, %select_n3A_146, %lt3A_152 : i32
      %ne3A_154 = arith.xori %lt3A_151, %lt3A_153 : i1
      %and3A_155 = arith.andi %ne3A_154, %ne3A_149 : i1
      %add3A_156 = arith.addi %rem3A_147, %select_n3A_146 : i32
      %select_n3A_157 = arith.select %and3A_155, %add3A_156, %rem3A_147 : i32
      %eq3A_158 = arith.constant 0 : i32
      %eq3A_159 = arith.cmpi eq, %select_n3A_157, %eq3A_158 : i32
      %convert_element_type3A_160 = arith.extui %eq3A_159 : i1 to i32
      %cond3A_161 = arith.constant 0 : i32
      %cond3A_162 = arith.cmpi ne, %convert_element_type3A_160, %cond3A_161 : i32
      scf.if %cond3A_162 {
        %dma_wait3A_226 = arith.constant 0 : i32
        %dma_wait3A_227 = tpu.memref_slice %arg5[%scan3A_51, %dma_wait3A_226] : memref<125x40xi32, #tpu.memory_space<vmem>> -> memref<1x40xi32, #tpu.memory_space<vmem>>
        %dma_wait3A_228 = tpu.memref_squeeze %dma_wait3A_227 : memref<1x40xi32, #tpu.memory_space<vmem>> -> memref<40xi32, #tpu.memory_space<vmem>>
        %dma_wait3A_229 = arith.constant 0 : i32
        %dma_wait3A_230 = arith.constant 0 : i32
        %dma_wait3A_231 = tpu.memref_slice %arg2[%dma_wait3A_229, %dma_wait3A_230] : memref<10000x128xf32, #tpu.memory_space<hbm>> -> memref<10000x128xf32, #tpu.memory_space<hbm>>
        tpu.wait_indirect_dma semaphore(%arg10 : memref<!tpu.dma_semaphore, #tpu.memory_space<semaphore_mem>>) src(%dma_wait3A_231 : memref<10000x128xf32, #tpu.memory_space<hbm>>) dst(%arg6 : memref<40x128xf32, #tpu.memory_space<vmem>>)
        %mul3A_232 = arith.constant 40 : i32
        %mul3A_233 = arith.muli %scan3A_51, %mul3A_232 : i32
        %add3A_234 = arith.addi %mul3A_2, %mul3A_233 : i32
        %dma_start3A_235 = arith.constant 0 : i32
        %dma_start3A_236 = tpu.memref_slice %arg4[%add3A_234, %dma_start3A_235] : memref<160000x128xf32, #tpu.memory_space<hbm>> -> memref<40x128xf32, #tpu.memory_space<hbm>>
        %dma_start3A_237 = arith.constant 0 : i32
        %dma_start3A_238 = tpu.memref_slice %arg4[%add3A_234, %dma_start3A_237] : memref<160000x128xf32, #tpu.memory_space<hbm>> -> memref<40x128xf32, #tpu.memory_space<hbm>>
        tpu.enqueue_dma source(%arg6 : memref<40x128xf32, #tpu.memory_space<vmem>>) target(%dma_start3A_238 : memref<40x128xf32, #tpu.memory_space<hbm>>) target_semaphore(%arg14 : memref<!tpu.dma_semaphore, #tpu.memory_space<semaphore_mem>>)
      } else {
      }
      %jit3A_163 = arith.constant 4 : i32
      %eq3A_164 = arith.constant 0 : i32
      %eq3A_165 = arith.cmpi eq, %jit3A_163, %eq3A_164 : i32
      %jit3A_166 = arith.constant 1 : i32
      %select_n3A_167 = arith.select %eq3A_165, %jit3A_166, %jit3A_163 : i32
      %rem3A_168 = arith.remsi %scan3A_51, %select_n3A_167 : i32
      %ne3A_169 = arith.constant 0 : i32
      %ne3A_170 = arith.cmpi ne, %rem3A_168, %ne3A_169 : i32
      %lt3A_171 = arith.constant 0 : i32
      %lt3A_172 = arith.cmpi slt, %rem3A_168, %lt3A_171 : i32
      %lt3A_173 = arith.constant 0 : i32
      %lt3A_174 = arith.cmpi slt, %select_n3A_167, %lt3A_173 : i32
      %ne3A_175 = arith.xori %lt3A_172, %lt3A_174 : i1
      %and3A_176 = arith.andi %ne3A_175, %ne3A_170 : i1
      %add3A_177 = arith.addi %rem3A_168, %select_n3A_167 : i32
      %select_n3A_178 = arith.select %and3A_176, %add3A_177, %rem3A_168 : i32
      %eq3A_179 = arith.constant 1 : i32
      %eq3A_180 = arith.cmpi eq, %select_n3A_178, %eq3A_179 : i32
      %convert_element_type3A_181 = arith.extui %eq3A_180 : i1 to i32
      %cond3A_182 = arith.constant 0 : i32
      %cond3A_183 = arith.cmpi ne, %convert_element_type3A_181, %cond3A_182 : i32
      scf.if %cond3A_183 {
        %dma_wait3A_226 = arith.constant 0 : i32
        %dma_wait3A_227 = tpu.memref_slice %arg5[%scan3A_51, %dma_wait3A_226] : memref<125x40xi32, #tpu.memory_space<vmem>> -> memref<1x40xi32, #tpu.memory_space<vmem>>
        %dma_wait3A_228 = tpu.memref_squeeze %dma_wait3A_227 : memref<1x40xi32, #tpu.memory_space<vmem>> -> memref<40xi32, #tpu.memory_space<vmem>>
        %dma_wait3A_229 = arith.constant 0 : i32
        %dma_wait3A_230 = arith.constant 0 : i32
        %dma_wait3A_231 = tpu.memref_slice %arg2[%dma_wait3A_229, %dma_wait3A_230] : memref<10000x128xf32, #tpu.memory_space<hbm>> -> memref<10000x128xf32, #tpu.memory_space<hbm>>
        tpu.wait_indirect_dma semaphore(%arg11 : memref<!tpu.dma_semaphore, #tpu.memory_space<semaphore_mem>>) src(%dma_wait3A_231 : memref<10000x128xf32, #tpu.memory_space<hbm>>) dst(%arg7 : memref<40x128xf32, #tpu.memory_space<vmem>>)
        %mul3A_232 = arith.constant 40 : i32
        %mul3A_233 = arith.muli %scan3A_51, %mul3A_232 : i32
        %add3A_234 = arith.addi %mul3A_2, %mul3A_233 : i32
        %dma_start3A_235 = arith.constant 0 : i32
        %dma_start3A_236 = tpu.memref_slice %arg4[%add3A_234, %dma_start3A_235] : memref<160000x128xf32, #tpu.memory_space<hbm>> -> memref<40x128xf32, #tpu.memory_space<hbm>>
        %dma_start3A_237 = arith.constant 0 : i32
        %dma_start3A_238 = tpu.memref_slice %arg4[%add3A_234, %dma_start3A_237] : memref<160000x128xf32, #tpu.memory_space<hbm>> -> memref<40x128xf32, #tpu.memory_space<hbm>>
        tpu.enqueue_dma source(%arg7 : memref<40x128xf32, #tpu.memory_space<vmem>>) target(%dma_start3A_238 : memref<40x128xf32, #tpu.memory_space<hbm>>) target_semaphore(%arg15 : memref<!tpu.dma_semaphore, #tpu.memory_space<semaphore_mem>>)
      } else {
      }
      %jit3A_184 = arith.constant 4 : i32
      %eq3A_185 = arith.constant 0 : i32
      %eq3A_186 = arith.cmpi eq, %jit3A_184, %eq3A_185 : i32
      %jit3A_187 = arith.constant 1 : i32
      %select_n3A_188 = arith.select %eq3A_186, %jit3A_187, %jit3A_184 : i32
      %rem3A_189 = arith.remsi %scan3A_51, %select_n3A_188 : i32
      %ne3A_190 = arith.constant 0 : i32
      %ne3A_191 = arith.cmpi ne, %rem3A_189, %ne3A_190 : i32
      %lt3A_192 = arith.constant 0 : i32
      %lt3A_193 = arith.cmpi slt, %rem3A_189, %lt3A_192 : i32
      %lt3A_194 = arith.constant 0 : i32
      %lt3A_195 = arith.cmpi slt, %select_n3A_188, %lt3A_194 : i32
      %ne3A_196 = arith.xori %lt3A_193, %lt3A_195 : i1
      %and3A_197 = arith.andi %ne3A_196, %ne3A_191 : i1
      %add3A_198 = arith.addi %rem3A_189, %select_n3A_188 : i32
      %select_n3A_199 = arith.select %and3A_197, %add3A_198, %rem3A_189 : i32
      %eq3A_200 = arith.constant 2 : i32
      %eq3A_201 = arith.cmpi eq, %select_n3A_199, %eq3A_200 : i32
      %convert_element_type3A_202 = arith.extui %eq3A_201 : i1 to i32
      %cond3A_203 = arith.constant 0 : i32
      %cond3A_204 = arith.cmpi ne, %convert_element_type3A_202, %cond3A_203 : i32
      scf.if %cond3A_204 {
        %dma_wait3A_226 = arith.constant 0 : i32
        %dma_wait3A_227 = tpu.memref_slice %arg5[%scan3A_51, %dma_wait3A_226] : memref<125x40xi32, #tpu.memory_space<vmem>> -> memref<1x40xi32, #tpu.memory_space<vmem>>
        %dma_wait3A_228 = tpu.memref_squeeze %dma_wait3A_227 : memref<1x40xi32, #tpu.memory_space<vmem>> -> memref<40xi32, #tpu.memory_space<vmem>>
        %dma_wait3A_229 = arith.constant 0 : i32
        %dma_wait3A_230 = arith.constant 0 : i32
        %dma_wait3A_231 = tpu.memref_slice %arg2[%dma_wait3A_229, %dma_wait3A_230] : memref<10000x128xf32, #tpu.memory_space<hbm>> -> memref<10000x128xf32, #tpu.memory_space<hbm>>
        tpu.wait_indirect_dma semaphore(%arg12 : memref<!tpu.dma_semaphore, #tpu.memory_space<semaphore_mem>>) src(%dma_wait3A_231 : memref<10000x128xf32, #tpu.memory_space<hbm>>) dst(%arg8 : memref<40x128xf32, #tpu.memory_space<vmem>>)
        %mul3A_232 = arith.constant 40 : i32
        %mul3A_233 = arith.muli %scan3A_51, %mul3A_232 : i32
        %add3A_234 = arith.addi %mul3A_2, %mul3A_233 : i32
        %dma_start3A_235 = arith.constant 0 : i32
        %dma_start3A_236 = tpu.memref_slice %arg4[%add3A_234, %dma_start3A_235] : memref<160000x128xf32, #tpu.memory_space<hbm>> -> memref<40x128xf32, #tpu.memory_space<hbm>>
        %dma_start3A_237 = arith.constant 0 : i32
        %dma_start3A_238 = tpu.memref_slice %arg4[%add3A_234, %dma_start3A_237] : memref<160000x128xf32, #tpu.memory_space<hbm>> -> memref<40x128xf32, #tpu.memory_space<hbm>>
        tpu.enqueue_dma source(%arg8 : memref<40x128xf32, #tpu.memory_space<vmem>>) target(%dma_start3A_238 : memref<40x128xf32, #tpu.memory_space<hbm>>) target_semaphore(%arg16 : memref<!tpu.dma_semaphore, #tpu.memory_space<semaphore_mem>>)
      } else {
      }
      %jit3A_205 = arith.constant 4 : i32
      %eq3A_206 = arith.constant 0 : i32
      %eq3A_207 = arith.cmpi eq, %jit3A_205, %eq3A_206 : i32
      %jit3A_208 = arith.constant 1 : i32
      %select_n3A_209 = arith.select %eq3A_207, %jit3A_208, %jit3A_205 : i32
      %rem3A_210 = arith.remsi %scan3A_51, %select_n3A_209 : i32
      %ne3A_211 = arith.constant 0 : i32
      %ne3A_212 = arith.cmpi ne, %rem3A_210, %ne3A_211 : i32
      %lt3A_213 = arith.constant 0 : i32
      %lt3A_214 = arith.cmpi slt, %rem3A_210, %lt3A_213 : i32
      %lt3A_215 = arith.constant 0 : i32
      %lt3A_216 = arith.cmpi slt, %select_n3A_209, %lt3A_215 : i32
      %ne3A_217 = arith.xori %lt3A_214, %lt3A_216 : i1
      %and3A_218 = arith.andi %ne3A_217, %ne3A_212 : i1
      %add3A_219 = arith.addi %rem3A_210, %select_n3A_209 : i32
      %select_n3A_220 = arith.select %and3A_218, %add3A_219, %rem3A_210 : i32
      %eq3A_221 = arith.constant 3 : i32
      %eq3A_222 = arith.cmpi eq, %select_n3A_220, %eq3A_221 : i32
      %convert_element_type3A_223 = arith.extui %eq3A_222 : i1 to i32
      %cond3A_224 = arith.constant 0 : i32
      %cond3A_225 = arith.cmpi ne, %convert_element_type3A_223, %cond3A_224 : i32
      scf.if %cond3A_225 {
        %dma_wait3A_226 = arith.constant 0 : i32
        %dma_wait3A_227 = tpu.memref_slice %arg5[%scan3A_51, %dma_wait3A_226] : memref<125x40xi32, #tpu.memory_space<vmem>> -> memref<1x40xi32, #tpu.memory_space<vmem>>
        %dma_wait3A_228 = tpu.memref_squeeze %dma_wait3A_227 : memref<1x40xi32, #tpu.memory_space<vmem>> -> memref<40xi32, #tpu.memory_space<vmem>>
        %dma_wait3A_229 = arith.constant 0 : i32
        %dma_wait3A_230 = arith.constant 0 : i32
        %dma_wait3A_231 = tpu.memref_slice %arg2[%dma_wait3A_229, %dma_wait3A_230] : memref<10000x128xf32, #tpu.memory_space<hbm>> -> memref<10000x128xf32, #tpu.memory_space<hbm>>
        tpu.wait_indirect_dma semaphore(%arg13 : memref<!tpu.dma_semaphore, #tpu.memory_space<semaphore_mem>>) src(%dma_wait3A_231 : memref<10000x128xf32, #tpu.memory_space<hbm>>) dst(%arg9 : memref<40x128xf32, #tpu.memory_space<vmem>>)
        %mul3A_232 = arith.constant 40 : i32
        %mul3A_233 = arith.muli %scan3A_51, %mul3A_232 : i32
        %add3A_234 = arith.addi %mul3A_2, %mul3A_233 : i32
        %dma_start3A_235 = arith.constant 0 : i32
        %dma_start3A_236 = tpu.memref_slice %arg4[%add3A_234, %dma_start3A_235] : memref<160000x128xf32, #tpu.memory_space<hbm>> -> memref<40x128xf32, #tpu.memory_space<hbm>>
        %dma_start3A_237 = arith.constant 0 : i32
        %dma_start3A_238 = tpu.memref_slice %arg4[%add3A_234, %dma_start3A_237] : memref<160000x128xf32, #tpu.memory_space<hbm>> -> memref<40x128xf32, #tpu.memory_space<hbm>>
        tpu.enqueue_dma source(%arg9 : memref<40x128xf32, #tpu.memory_space<vmem>>) target(%dma_start3A_238 : memref<40x128xf32, #tpu.memory_space<hbm>>) target_semaphore(%arg17 : memref<!tpu.dma_semaphore, #tpu.memory_space<semaphore_mem>>)
      } else {
      }
    }
    %scan3A_27 = arith.constant 125 : i32
    %add3A_28 = arith.constant 4840 : i32
    %add3A_29 = arith.addi %mul3A_2, %add3A_28 : i32
    %dma_wait3A = arith.constant 0 : i32
    %dma_wait3A_30 = tpu.memref_slice %arg4[%add3A_29, %dma_wait3A] : memref<160000x128xf32, #tpu.memory_space<hbm>> -> memref<40x128xf32, #tpu.memory_space<hbm>>
    %dma_wait3A_31 = arith.constant 0 : i32
    %dma_wait3A_32 = tpu.memref_slice %arg4[%add3A_29, %dma_wait3A_31] : memref<160000x128xf32, #tpu.memory_space<hbm>> -> memref<40x128xf32, #tpu.memory_space<hbm>>
    tpu.wait_dma2 semaphore(%arg15 : memref<!tpu.dma_semaphore, #tpu.memory_space<semaphore_mem>>) src(%arg7 : memref<40x128xf32, #tpu.memory_space<vmem>>) dst(%dma_wait3A_32 : memref<40x128xf32, #tpu.memory_space<hbm>>)
    %add3A_33 = arith.constant 4880 : i32
    %add3A_34 = arith.addi %mul3A_2, %add3A_33 : i32
    %dma_wait3A_35 = arith.constant 0 : i32
    %dma_wait3A_36 = tpu.memref_slice %arg4[%add3A_34, %dma_wait3A_35] : memref<160000x128xf32, #tpu.memory_space<hbm>> -> memref<40x128xf32, #tpu.memory_space<hbm>>
    %dma_wait3A_37 = arith.constant 0 : i32
    %dma_wait3A_38 = tpu.memref_slice %arg4[%add3A_34, %dma_wait3A_37] : memref<160000x128xf32, #tpu.memory_space<hbm>> -> memref<40x128xf32, #tpu.memory_space<hbm>>
    tpu.wait_dma2 semaphore(%arg16 : memref<!tpu.dma_semaphore, #tpu.memory_space<semaphore_mem>>) src(%arg8 : memref<40x128xf32, #tpu.memory_space<vmem>>) dst(%dma_wait3A_38 : memref<40x128xf32, #tpu.memory_space<hbm>>)
    %add3A_39 = arith.constant 4920 : i32
    %add3A_40 = arith.addi %mul3A_2, %add3A_39 : i32
    %dma_wait3A_41 = arith.constant 0 : i32
    %dma_wait3A_42 = tpu.memref_slice %arg4[%add3A_40, %dma_wait3A_41] : memref<160000x128xf32, #tpu.memory_space<hbm>> -> memref<40x128xf32, #tpu.memory_space<hbm>>
    %dma_wait3A_43 = arith.constant 0 : i32
    %dma_wait3A_44 = tpu.memref_slice %arg4[%add3A_40, %dma_wait3A_43] : memref<160000x128xf32, #tpu.memory_space<hbm>> -> memref<40x128xf32, #tpu.memory_space<hbm>>
    tpu.wait_dma2 semaphore(%arg17 : memref<!tpu.dma_semaphore, #tpu.memory_space<semaphore_mem>>) src(%arg9 : memref<40x128xf32, #tpu.memory_space<vmem>>) dst(%dma_wait3A_44 : memref<40x128xf32, #tpu.memory_space<hbm>>)
    %add3A_45 = arith.constant 4960 : i32
    %add3A_46 = arith.addi %mul3A_2, %add3A_45 : i32
    %dma_wait3A_47 = arith.constant 0 : i32
    %dma_wait3A_48 = tpu.memref_slice %arg4[%add3A_46, %dma_wait3A_47] : memref<160000x128xf32, #tpu.memory_space<hbm>> -> memref<40x128xf32, #tpu.memory_space<hbm>>
    %dma_wait3A_49 = arith.constant 0 : i32
    %dma_wait3A_50 = tpu.memref_slice %arg4[%add3A_46, %dma_wait3A_49] : memref<160000x128xf32, #tpu.memory_space<hbm>> -> memref<40x128xf32, #tpu.memory_space<hbm>>
    tpu.wait_dma2 semaphore(%arg14 : memref<!tpu.dma_semaphore, #tpu.memory_space<semaphore_mem>>) src(%arg6 : memref<40x128xf32, #tpu.memory_space<vmem>>) dst(%dma_wait3A_50 : memref<40x128xf32, #tpu.memory_space<hbm>>)
    return
  }
}

#map = affine_map<(d0, d1) -> (0, 0)>
#map1 = affine_map<(d0, d1) -> (0, 0, 0)>
module attributes {stable_mosaic.version = 14 : i64} {
  func.func @body(%arg0: i32, %arg1: i32, %arg2: memref<160000x128xf32, #tpu.memory_space<hbm>>, %arg3: memref<32x125x40xi32, #tpu.memory_space<hbm>>, %arg4: memref<632x128xf32, #tpu.memory_space<hbm>>, %arg5: memref<2x10112x128xf32, #tpu.memory_space<hbm>>, %arg6: memref<125x40xi32, #tpu.memory_space<vmem>>, %arg7: memref<40x128xf32, #tpu.memory_space<vmem>>, %arg8: memref<40x128xf32, #tpu.memory_space<vmem>>, %arg9: memref<40x128xf32, #tpu.memory_space<vmem>>, %arg10: memref<!tpu.dma_semaphore, #tpu.memory_space<semaphore_mem>>, %arg11: memref<!tpu.dma_semaphore, #tpu.memory_space<semaphore_mem>>, %arg12: memref<!tpu.dma_semaphore, #tpu.memory_space<semaphore_mem>>, %arg13: memref<10112x128xf32, #tpu.memory_space<vmem_shared>>) attributes {dimension_semantics = [#tpu.dimension_semantics<core_parallel>, #tpu.dimension_semantics<subcore_parallel>], iteration_bounds = array<i64: 2, 16>, scalar_prefetch = 0 : i64, scratch_operands = 8 : i64, tpu.core_type = #tpu.core_type<sc_vector_subcore>, window_params = [{transform_indices = #map}, {transform_indices = #map1}, {transform_indices = #map}, {transform_indices = #map1}]} {
    %mul3A = arith.constant 16 : i32
    %mul3A_0 = arith.muli %arg0, %mul3A : i32
    %add3A = arith.addi %mul3A_0, %arg1 : i32
    %mul3A_1 = arith.constant 5000 : i32
    %mul3A_2 = arith.muli %add3A, %mul3A_1 : i32
    %mul3A_3 = arith.constant 632 : i32
    %mul3A_4 = arith.muli %arg1, %mul3A_3 : i32
    "tpu.region"() ({
      %run_scoped3A = tpu.sem_alloc : memref<!tpu.dma_semaphore, #tpu.memory_space<semaphore_mem>>
      %dma_start3A_26 = arith.constant 0 : i32
      %dma_start3A_27 = tpu.memref_slice %arg13[%mul3A_4, %dma_start3A_26] : memref<10112x128xf32, #tpu.memory_space<vmem_shared>> -> memref<632x128xf32, #tpu.memory_space<vmem_shared>>
      tpu.enqueue_dma source(%arg4 : memref<632x128xf32, #tpu.memory_space<hbm>>) target(%dma_start3A_27 : memref<632x128xf32, #tpu.memory_space<vmem_shared>>) target_semaphore(%run_scoped3A : memref<!tpu.dma_semaphore, #tpu.memory_space<semaphore_mem>>)
      %dma_wait3A = arith.constant 0 : i32
      %dma_wait3A_28 = tpu.memref_slice %arg13[%mul3A_4, %dma_wait3A] : memref<10112x128xf32, #tpu.memory_space<vmem_shared>> -> memref<632x128xf32, #tpu.memory_space<vmem_shared>>
      tpu.wait_dma2 semaphore(%run_scoped3A : memref<!tpu.dma_semaphore, #tpu.memory_space<semaphore_mem>>) src(%arg4 : memref<632x128xf32, #tpu.memory_space<hbm>>) dst(%dma_wait3A_28 : memref<632x128xf32, #tpu.memory_space<vmem_shared>>)
      tpu.yield
    }) : () -> ()
    "tpu.region"() ({
      %run_scoped3A = tpu.sem_alloc : memref<!tpu.dma_semaphore, #tpu.memory_space<semaphore_mem>>
      %dma_start3A_26 = arith.constant 0 : i32
      %dma_start3A_27 = arith.constant 0 : i32
      %dma_start3A_28 = tpu.memref_slice %arg3[%add3A, %dma_start3A_26, %dma_start3A_27] : memref<32x125x40xi32, #tpu.memory_space<hbm>> -> memref<1x125x40xi32, #tpu.memory_space<hbm>>
      %dma_start3A_29 = tpu.memref_squeeze %dma_start3A_28 : memref<1x125x40xi32, #tpu.memory_space<hbm>> -> memref<125x40xi32, #tpu.memory_space<hbm>>
      %dma_start3A_30 = arith.constant 0 : i32
      %dma_start3A_31 = arith.constant 0 : i32
      %dma_start3A_32 = tpu.memref_slice %arg3[%add3A, %dma_start3A_30, %dma_start3A_31] : memref<32x125x40xi32, #tpu.memory_space<hbm>> -> memref<1x125x40xi32, #tpu.memory_space<hbm>>
      %dma_start3A_33 = tpu.memref_squeeze %dma_start3A_32 : memref<1x125x40xi32, #tpu.memory_space<hbm>> -> memref<125x40xi32, #tpu.memory_space<hbm>>
      tpu.enqueue_dma source(%dma_start3A_33 : memref<125x40xi32, #tpu.memory_space<hbm>>) target(%arg6 : memref<125x40xi32, #tpu.memory_space<vmem>>) target_semaphore(%run_scoped3A : memref<!tpu.dma_semaphore, #tpu.memory_space<semaphore_mem>>)
      %dma_wait3A = arith.constant 0 : i32
      %dma_wait3A_34 = arith.constant 0 : i32
      %dma_wait3A_35 = tpu.memref_slice %arg3[%add3A, %dma_wait3A, %dma_wait3A_34] : memref<32x125x40xi32, #tpu.memory_space<hbm>> -> memref<1x125x40xi32, #tpu.memory_space<hbm>>
      %dma_wait3A_36 = tpu.memref_squeeze %dma_wait3A_35 : memref<1x125x40xi32, #tpu.memory_space<hbm>> -> memref<125x40xi32, #tpu.memory_space<hbm>>
      %dma_wait3A_37 = arith.constant 0 : i32
      %dma_wait3A_38 = arith.constant 0 : i32
      %dma_wait3A_39 = tpu.memref_slice %arg3[%add3A, %dma_wait3A_37, %dma_wait3A_38] : memref<32x125x40xi32, #tpu.memory_space<hbm>> -> memref<1x125x40xi32, #tpu.memory_space<hbm>>
      %dma_wait3A_40 = tpu.memref_squeeze %dma_wait3A_39 : memref<1x125x40xi32, #tpu.memory_space<hbm>> -> memref<125x40xi32, #tpu.memory_space<hbm>>
      tpu.wait_dma2 semaphore(%run_scoped3A : memref<!tpu.dma_semaphore, #tpu.memory_space<semaphore_mem>>) src(%dma_wait3A_40 : memref<125x40xi32, #tpu.memory_space<hbm>>) dst(%arg6 : memref<125x40xi32, #tpu.memory_space<vmem>>)
      tpu.yield
    }) : () -> ()
    %barrier3A = arith.constant 0 : index
    tpu.barrier barrier_id(%barrier3A)
    %add3A_5 = arith.constant 0 : i32
    %add3A_6 = arith.addi %mul3A_2, %add3A_5 : i32
    %dma_start3A = arith.constant 0 : i32
    %dma_start3A_7 = tpu.memref_slice %arg2[%add3A_6, %dma_start3A] : memref<160000x128xf32, #tpu.memory_space<hbm>> -> memref<40x128xf32, #tpu.memory_space<hbm>>
    %dma_start3A_8 = arith.constant 0 : i32
    %dma_start3A_9 = tpu.memref_slice %arg2[%add3A_6, %dma_start3A_8] : memref<160000x128xf32, #tpu.memory_space<hbm>> -> memref<40x128xf32, #tpu.memory_space<hbm>>
    tpu.enqueue_dma source(%dma_start3A_9 : memref<40x128xf32, #tpu.memory_space<hbm>>) target(%arg7 : memref<40x128xf32, #tpu.memory_space<vmem>>) target_semaphore(%arg10 : memref<!tpu.dma_semaphore, #tpu.memory_space<semaphore_mem>>)
    %add3A_10 = arith.constant 40 : i32
    %add3A_11 = arith.addi %mul3A_2, %add3A_10 : i32
    %dma_start3A_12 = arith.constant 0 : i32
    %dma_start3A_13 = tpu.memref_slice %arg2[%add3A_11, %dma_start3A_12] : memref<160000x128xf32, #tpu.memory_space<hbm>> -> memref<40x128xf32, #tpu.memory_space<hbm>>
    %dma_start3A_14 = arith.constant 0 : i32
    %dma_start3A_15 = tpu.memref_slice %arg2[%add3A_11, %dma_start3A_14] : memref<160000x128xf32, #tpu.memory_space<hbm>> -> memref<40x128xf32, #tpu.memory_space<hbm>>
    tpu.enqueue_dma source(%dma_start3A_15 : memref<40x128xf32, #tpu.memory_space<hbm>>) target(%arg8 : memref<40x128xf32, #tpu.memory_space<vmem>>) target_semaphore(%arg11 : memref<!tpu.dma_semaphore, #tpu.memory_space<semaphore_mem>>)
    %scan3A = arith.constant 0 : i32
    %scan3A_16 = arith.constant 0 : i32
    %scan3A_17 = arith.constant 125 : i32
    %scan3A_18 = arith.addi %scan3A_16, %scan3A_17 : i32
    %scan3A_19 = arith.constant 1 : i32
    scf.for %scan3A_26 = %scan3A_16 to %scan3A_18 step %scan3A_19  : i32 {
      %add3A_27 = arith.constant 3 : i32
      %add3A_28 = arith.addi %scan3A_26, %add3A_27 : i32
      %sub3A = arith.constant 1 : i32
      %sub3A_29 = arith.subi %add3A_28, %sub3A : i32
      %lt3A = arith.constant 125 : i32
      %lt3A_30 = arith.cmpi slt, %sub3A_29, %lt3A : i32
      %jit3A = arith.constant 3 : i32
      %eq3A = arith.constant 0 : i32
      %eq3A_31 = arith.cmpi eq, %jit3A, %eq3A : i32
      %jit3A_32 = arith.constant 1 : i32
      %select_n3A = arith.select %eq3A_31, %jit3A_32, %jit3A : i32
      %rem3A = arith.remsi %sub3A_29, %select_n3A : i32
      %ne3A = arith.constant 0 : i32
      %ne3A_33 = arith.cmpi ne, %rem3A, %ne3A : i32
      %lt3A_34 = arith.constant 0 : i32
      %lt3A_35 = arith.cmpi slt, %rem3A, %lt3A_34 : i32
      %lt3A_36 = arith.constant 0 : i32
      %lt3A_37 = arith.cmpi slt, %select_n3A, %lt3A_36 : i32
      %ne3A_38 = arith.xori %lt3A_35, %lt3A_37 : i1
      %and3A = arith.andi %ne3A_38, %ne3A_33 : i1
      %add3A_39 = arith.addi %rem3A, %select_n3A : i32
      %select_n3A_40 = arith.select %and3A, %add3A_39, %rem3A : i32
      %eq3A_41 = arith.constant 0 : i32
      %eq3A_42 = arith.cmpi eq, %select_n3A_40, %eq3A_41 : i32
      %and3A_43 = arith.andi %lt3A_30, %eq3A_42 : i1
      %convert_element_type3A = arith.extui %and3A_43 : i1 to i32
      %cond3A = arith.constant 0 : i32
      %cond3A_44 = arith.cmpi ne, %convert_element_type3A, %cond3A : i32
      scf.if %cond3A_44 {
        %mul3A_156 = arith.constant 40 : i32
        %mul3A_157 = arith.muli %sub3A_29, %mul3A_156 : i32
        %add3A_158 = arith.addi %mul3A_2, %mul3A_157 : i32
        %dma_start3A_159 = arith.constant 0 : i32
        %dma_start3A_160 = tpu.memref_slice %arg2[%add3A_158, %dma_start3A_159] : memref<160000x128xf32, #tpu.memory_space<hbm>> -> memref<40x128xf32, #tpu.memory_space<hbm>>
        %dma_start3A_161 = arith.constant 0 : i32
        %dma_start3A_162 = tpu.memref_slice %arg2[%add3A_158, %dma_start3A_161] : memref<160000x128xf32, #tpu.memory_space<hbm>> -> memref<40x128xf32, #tpu.memory_space<hbm>>
        tpu.enqueue_dma source(%dma_start3A_162 : memref<40x128xf32, #tpu.memory_space<hbm>>) target(%arg7 : memref<40x128xf32, #tpu.memory_space<vmem>>) target_semaphore(%arg10 : memref<!tpu.dma_semaphore, #tpu.memory_space<semaphore_mem>>)
      } else {
      }
      %lt3A_45 = arith.constant 125 : i32
      %lt3A_46 = arith.cmpi slt, %sub3A_29, %lt3A_45 : i32
      %jit3A_47 = arith.constant 3 : i32
      %eq3A_48 = arith.constant 0 : i32
      %eq3A_49 = arith.cmpi eq, %jit3A_47, %eq3A_48 : i32
      %jit3A_50 = arith.constant 1 : i32
      %select_n3A_51 = arith.select %eq3A_49, %jit3A_50, %jit3A_47 : i32
      %rem3A_52 = arith.remsi %sub3A_29, %select_n3A_51 : i32
      %ne3A_53 = arith.constant 0 : i32
      %ne3A_54 = arith.cmpi ne, %rem3A_52, %ne3A_53 : i32
      %lt3A_55 = arith.constant 0 : i32
      %lt3A_56 = arith.cmpi slt, %rem3A_52, %lt3A_55 : i32
      %lt3A_57 = arith.constant 0 : i32
      %lt3A_58 = arith.cmpi slt, %select_n3A_51, %lt3A_57 : i32
      %ne3A_59 = arith.xori %lt3A_56, %lt3A_58 : i1
      %and3A_60 = arith.andi %ne3A_59, %ne3A_54 : i1
      %add3A_61 = arith.addi %rem3A_52, %select_n3A_51 : i32
      %select_n3A_62 = arith.select %and3A_60, %add3A_61, %rem3A_52 : i32
      %eq3A_63 = arith.constant 1 : i32
      %eq3A_64 = arith.cmpi eq, %select_n3A_62, %eq3A_63 : i32
      %and3A_65 = arith.andi %lt3A_46, %eq3A_64 : i1
      %convert_element_type3A_66 = arith.extui %and3A_65 : i1 to i32
      %cond3A_67 = arith.constant 0 : i32
      %cond3A_68 = arith.cmpi ne, %convert_element_type3A_66, %cond3A_67 : i32
      scf.if %cond3A_68 {
        %mul3A_156 = arith.constant 40 : i32
        %mul3A_157 = arith.muli %sub3A_29, %mul3A_156 : i32
        %add3A_158 = arith.addi %mul3A_2, %mul3A_157 : i32
        %dma_start3A_159 = arith.constant 0 : i32
        %dma_start3A_160 = tpu.memref_slice %arg2[%add3A_158, %dma_start3A_159] : memref<160000x128xf32, #tpu.memory_space<hbm>> -> memref<40x128xf32, #tpu.memory_space<hbm>>
        %dma_start3A_161 = arith.constant 0 : i32
        %dma_start3A_162 = tpu.memref_slice %arg2[%add3A_158, %dma_start3A_161] : memref<160000x128xf32, #tpu.memory_space<hbm>> -> memref<40x128xf32, #tpu.memory_space<hbm>>
        tpu.enqueue_dma source(%dma_start3A_162 : memref<40x128xf32, #tpu.memory_space<hbm>>) target(%arg8 : memref<40x128xf32, #tpu.memory_space<vmem>>) target_semaphore(%arg11 : memref<!tpu.dma_semaphore, #tpu.memory_space<semaphore_mem>>)
      } else {
      }
      %lt3A_69 = arith.constant 125 : i32
      %lt3A_70 = arith.cmpi slt, %sub3A_29, %lt3A_69 : i32
      %jit3A_71 = arith.constant 3 : i32
      %eq3A_72 = arith.constant 0 : i32
      %eq3A_73 = arith.cmpi eq, %jit3A_71, %eq3A_72 : i32
      %jit3A_74 = arith.constant 1 : i32
      %select_n3A_75 = arith.select %eq3A_73, %jit3A_74, %jit3A_71 : i32
      %rem3A_76 = arith.remsi %sub3A_29, %select_n3A_75 : i32
      %ne3A_77 = arith.constant 0 : i32
      %ne3A_78 = arith.cmpi ne, %rem3A_76, %ne3A_77 : i32
      %lt3A_79 = arith.constant 0 : i32
      %lt3A_80 = arith.cmpi slt, %rem3A_76, %lt3A_79 : i32
      %lt3A_81 = arith.constant 0 : i32
      %lt3A_82 = arith.cmpi slt, %select_n3A_75, %lt3A_81 : i32
      %ne3A_83 = arith.xori %lt3A_80, %lt3A_82 : i1
      %and3A_84 = arith.andi %ne3A_83, %ne3A_78 : i1
      %add3A_85 = arith.addi %rem3A_76, %select_n3A_75 : i32
      %select_n3A_86 = arith.select %and3A_84, %add3A_85, %rem3A_76 : i32
      %eq3A_87 = arith.constant 2 : i32
      %eq3A_88 = arith.cmpi eq, %select_n3A_86, %eq3A_87 : i32
      %and3A_89 = arith.andi %lt3A_70, %eq3A_88 : i1
      %convert_element_type3A_90 = arith.extui %and3A_89 : i1 to i32
      %cond3A_91 = arith.constant 0 : i32
      %cond3A_92 = arith.cmpi ne, %convert_element_type3A_90, %cond3A_91 : i32
      scf.if %cond3A_92 {
        %mul3A_156 = arith.constant 40 : i32
        %mul3A_157 = arith.muli %sub3A_29, %mul3A_156 : i32
        %add3A_158 = arith.addi %mul3A_2, %mul3A_157 : i32
        %dma_start3A_159 = arith.constant 0 : i32
        %dma_start3A_160 = tpu.memref_slice %arg2[%add3A_158, %dma_start3A_159] : memref<160000x128xf32, #tpu.memory_space<hbm>> -> memref<40x128xf32, #tpu.memory_space<hbm>>
        %dma_start3A_161 = arith.constant 0 : i32
        %dma_start3A_162 = tpu.memref_slice %arg2[%add3A_158, %dma_start3A_161] : memref<160000x128xf32, #tpu.memory_space<hbm>> -> memref<40x128xf32, #tpu.memory_space<hbm>>
        tpu.enqueue_dma source(%dma_start3A_162 : memref<40x128xf32, #tpu.memory_space<hbm>>) target(%arg9 : memref<40x128xf32, #tpu.memory_space<vmem>>) target_semaphore(%arg12 : memref<!tpu.dma_semaphore, #tpu.memory_space<semaphore_mem>>)
      } else {
      }
      %jit3A_93 = arith.constant 3 : i32
      %eq3A_94 = arith.constant 0 : i32
      %eq3A_95 = arith.cmpi eq, %jit3A_93, %eq3A_94 : i32
      %jit3A_96 = arith.constant 1 : i32
      %select_n3A_97 = arith.select %eq3A_95, %jit3A_96, %jit3A_93 : i32
      %rem3A_98 = arith.remsi %scan3A_26, %select_n3A_97 : i32
      %ne3A_99 = arith.constant 0 : i32
      %ne3A_100 = arith.cmpi ne, %rem3A_98, %ne3A_99 : i32
      %lt3A_101 = arith.constant 0 : i32
      %lt3A_102 = arith.cmpi slt, %rem3A_98, %lt3A_101 : i32
      %lt3A_103 = arith.constant 0 : i32
      %lt3A_104 = arith.cmpi slt, %select_n3A_97, %lt3A_103 : i32
      %ne3A_105 = arith.xori %lt3A_102, %lt3A_104 : i1
      %and3A_106 = arith.andi %ne3A_105, %ne3A_100 : i1
      %add3A_107 = arith.addi %rem3A_98, %select_n3A_97 : i32
      %select_n3A_108 = arith.select %and3A_106, %add3A_107, %rem3A_98 : i32
      %eq3A_109 = arith.constant 0 : i32
      %eq3A_110 = arith.cmpi eq, %select_n3A_108, %eq3A_109 : i32
      %convert_element_type3A_111 = arith.extui %eq3A_110 : i1 to i32
      %cond3A_112 = arith.constant 0 : i32
      %cond3A_113 = arith.cmpi ne, %convert_element_type3A_111, %cond3A_112 : i32
      scf.if %cond3A_113 {
        %mul3A_156 = arith.constant 40 : i32
        %mul3A_157 = arith.muli %scan3A_26, %mul3A_156 : i32
        %add3A_158 = arith.addi %mul3A_2, %mul3A_157 : i32
        %dma_wait3A = arith.constant 0 : i32
        %dma_wait3A_159 = tpu.memref_slice %arg2[%add3A_158, %dma_wait3A] : memref<160000x128xf32, #tpu.memory_space<hbm>> -> memref<40x128xf32, #tpu.memory_space<hbm>>
        %dma_wait3A_160 = arith.constant 0 : i32
        %dma_wait3A_161 = tpu.memref_slice %arg2[%add3A_158, %dma_wait3A_160] : memref<160000x128xf32, #tpu.memory_space<hbm>> -> memref<40x128xf32, #tpu.memory_space<hbm>>
        tpu.wait_dma2 semaphore(%arg10 : memref<!tpu.dma_semaphore, #tpu.memory_space<semaphore_mem>>) src(%dma_wait3A_161 : memref<40x128xf32, #tpu.memory_space<hbm>>) dst(%arg7 : memref<40x128xf32, #tpu.memory_space<vmem>>)
        "tpu.region"() ({
          %run_scoped3A = tpu.sem_alloc : memref<!tpu.dma_semaphore, #tpu.memory_space<semaphore_mem>>
          %dma_start3A_162 = arith.constant 0 : i32
          %dma_start3A_163 = tpu.memref_slice %arg6[%scan3A_26, %dma_start3A_162] : memref<125x40xi32, #tpu.memory_space<vmem>> -> memref<1x40xi32, #tpu.memory_space<vmem>>
          %dma_start3A_164 = tpu.memref_squeeze %dma_start3A_163 : memref<1x40xi32, #tpu.memory_space<vmem>> -> memref<40xi32, #tpu.memory_space<vmem>>
          %dma_start3A_165 = arith.constant 0 : i32
          %dma_start3A_166 = arith.constant 0 : i32
          %dma_start3A_167 = tpu.memref_slice %arg13[%dma_start3A_165, %dma_start3A_166] : memref<10112x128xf32, #tpu.memory_space<vmem_shared>> -> memref<10112x128xf32, #tpu.memory_space<vmem_shared>>
          tpu.enqueue_indirect_dma source(%arg7 : memref<40x128xf32, #tpu.memory_space<vmem>>) target(%dma_start3A_167 : memref<10112x128xf32, #tpu.memory_space<vmem_shared>>) offsets(%dma_start3A_164 : memref<40xi32, #tpu.memory_space<vmem>>) semaphore(%run_scoped3A : memref<!tpu.dma_semaphore, #tpu.memory_space<semaphore_mem>>) {add = true}
          %dma_wait3A_168 = arith.constant 0 : i32
          %dma_wait3A_169 = tpu.memref_slice %arg6[%scan3A_26, %dma_wait3A_168] : memref<125x40xi32, #tpu.memory_space<vmem>> -> memref<1x40xi32, #tpu.memory_space<vmem>>
          %dma_wait3A_170 = tpu.memref_squeeze %dma_wait3A_169 : memref<1x40xi32, #tpu.memory_space<vmem>> -> memref<40xi32, #tpu.memory_space<vmem>>
          %dma_wait3A_171 = arith.constant 0 : i32
          %dma_wait3A_172 = arith.constant 0 : i32
          %dma_wait3A_173 = tpu.memref_slice %arg13[%dma_wait3A_171, %dma_wait3A_172] : memref<10112x128xf32, #tpu.memory_space<vmem_shared>> -> memref<10112x128xf32, #tpu.memory_space<vmem_shared>>
          tpu.wait_indirect_dma semaphore(%run_scoped3A : memref<!tpu.dma_semaphore, #tpu.memory_space<semaphore_mem>>) src(%arg7 : memref<40x128xf32, #tpu.memory_space<vmem>>) dst(%dma_wait3A_173 : memref<10112x128xf32, #tpu.memory_space<vmem_shared>>)
          tpu.yield
        }) : () -> ()
      } else {
      }
      %jit3A_114 = arith.constant 3 : i32
      %eq3A_115 = arith.constant 0 : i32
      %eq3A_116 = arith.cmpi eq, %jit3A_114, %eq3A_115 : i32
      %jit3A_117 = arith.constant 1 : i32
      %select_n3A_118 = arith.select %eq3A_116, %jit3A_117, %jit3A_114 : i32
      %rem3A_119 = arith.remsi %scan3A_26, %select_n3A_118 : i32
      %ne3A_120 = arith.constant 0 : i32
      %ne3A_121 = arith.cmpi ne, %rem3A_119, %ne3A_120 : i32
      %lt3A_122 = arith.constant 0 : i32
      %lt3A_123 = arith.cmpi slt, %rem3A_119, %lt3A_122 : i32
      %lt3A_124 = arith.constant 0 : i32
      %lt3A_125 = arith.cmpi slt, %select_n3A_118, %lt3A_124 : i32
      %ne3A_126 = arith.xori %lt3A_123, %lt3A_125 : i1
      %and3A_127 = arith.andi %ne3A_126, %ne3A_121 : i1
      %add3A_128 = arith.addi %rem3A_119, %select_n3A_118 : i32
      %select_n3A_129 = arith.select %and3A_127, %add3A_128, %rem3A_119 : i32
      %eq3A_130 = arith.constant 1 : i32
      %eq3A_131 = arith.cmpi eq, %select_n3A_129, %eq3A_130 : i32
      %convert_element_type3A_132 = arith.extui %eq3A_131 : i1 to i32
      %cond3A_133 = arith.constant 0 : i32
      %cond3A_134 = arith.cmpi ne, %convert_element_type3A_132, %cond3A_133 : i32
      scf.if %cond3A_134 {
        %mul3A_156 = arith.constant 40 : i32
        %mul3A_157 = arith.muli %scan3A_26, %mul3A_156 : i32
        %add3A_158 = arith.addi %mul3A_2, %mul3A_157 : i32
        %dma_wait3A = arith.constant 0 : i32
        %dma_wait3A_159 = tpu.memref_slice %arg2[%add3A_158, %dma_wait3A] : memref<160000x128xf32, #tpu.memory_space<hbm>> -> memref<40x128xf32, #tpu.memory_space<hbm>>
        %dma_wait3A_160 = arith.constant 0 : i32
        %dma_wait3A_161 = tpu.memref_slice %arg2[%add3A_158, %dma_wait3A_160] : memref<160000x128xf32, #tpu.memory_space<hbm>> -> memref<40x128xf32, #tpu.memory_space<hbm>>
        tpu.wait_dma2 semaphore(%arg11 : memref<!tpu.dma_semaphore, #tpu.memory_space<semaphore_mem>>) src(%dma_wait3A_161 : memref<40x128xf32, #tpu.memory_space<hbm>>) dst(%arg8 : memref<40x128xf32, #tpu.memory_space<vmem>>)
        "tpu.region"() ({
          %run_scoped3A = tpu.sem_alloc : memref<!tpu.dma_semaphore, #tpu.memory_space<semaphore_mem>>
          %dma_start3A_162 = arith.constant 0 : i32
          %dma_start3A_163 = tpu.memref_slice %arg6[%scan3A_26, %dma_start3A_162] : memref<125x40xi32, #tpu.memory_space<vmem>> -> memref<1x40xi32, #tpu.memory_space<vmem>>
          %dma_start3A_164 = tpu.memref_squeeze %dma_start3A_163 : memref<1x40xi32, #tpu.memory_space<vmem>> -> memref<40xi32, #tpu.memory_space<vmem>>
          %dma_start3A_165 = arith.constant 0 : i32
          %dma_start3A_166 = arith.constant 0 : i32
          %dma_start3A_167 = tpu.memref_slice %arg13[%dma_start3A_165, %dma_start3A_166] : memref<10112x128xf32, #tpu.memory_space<vmem_shared>> -> memref<10112x128xf32, #tpu.memory_space<vmem_shared>>
          tpu.enqueue_indirect_dma source(%arg8 : memref<40x128xf32, #tpu.memory_space<vmem>>) target(%dma_start3A_167 : memref<10112x128xf32, #tpu.memory_space<vmem_shared>>) offsets(%dma_start3A_164 : memref<40xi32, #tpu.memory_space<vmem>>) semaphore(%run_scoped3A : memref<!tpu.dma_semaphore, #tpu.memory_space<semaphore_mem>>) {add = true}
          %dma_wait3A_168 = arith.constant 0 : i32
          %dma_wait3A_169 = tpu.memref_slice %arg6[%scan3A_26, %dma_wait3A_168] : memref<125x40xi32, #tpu.memory_space<vmem>> -> memref<1x40xi32, #tpu.memory_space<vmem>>
          %dma_wait3A_170 = tpu.memref_squeeze %dma_wait3A_169 : memref<1x40xi32, #tpu.memory_space<vmem>> -> memref<40xi32, #tpu.memory_space<vmem>>
          %dma_wait3A_171 = arith.constant 0 : i32
          %dma_wait3A_172 = arith.constant 0 : i32
          %dma_wait3A_173 = tpu.memref_slice %arg13[%dma_wait3A_171, %dma_wait3A_172] : memref<10112x128xf32, #tpu.memory_space<vmem_shared>> -> memref<10112x128xf32, #tpu.memory_space<vmem_shared>>
          tpu.wait_indirect_dma semaphore(%run_scoped3A : memref<!tpu.dma_semaphore, #tpu.memory_space<semaphore_mem>>) src(%arg8 : memref<40x128xf32, #tpu.memory_space<vmem>>) dst(%dma_wait3A_173 : memref<10112x128xf32, #tpu.memory_space<vmem_shared>>)
          tpu.yield
        }) : () -> ()
      } else {
      }
      %jit3A_135 = arith.constant 3 : i32
      %eq3A_136 = arith.constant 0 : i32
      %eq3A_137 = arith.cmpi eq, %jit3A_135, %eq3A_136 : i32
      %jit3A_138 = arith.constant 1 : i32
      %select_n3A_139 = arith.select %eq3A_137, %jit3A_138, %jit3A_135 : i32
      %rem3A_140 = arith.remsi %scan3A_26, %select_n3A_139 : i32
      %ne3A_141 = arith.constant 0 : i32
      %ne3A_142 = arith.cmpi ne, %rem3A_140, %ne3A_141 : i32
      %lt3A_143 = arith.constant 0 : i32
      %lt3A_144 = arith.cmpi slt, %rem3A_140, %lt3A_143 : i32
      %lt3A_145 = arith.constant 0 : i32
      %lt3A_146 = arith.cmpi slt, %select_n3A_139, %lt3A_145 : i32
      %ne3A_147 = arith.xori %lt3A_144, %lt3A_146 : i1
      %and3A_148 = arith.andi %ne3A_147, %ne3A_142 : i1
      %add3A_149 = arith.addi %rem3A_140, %select_n3A_139 : i32
      %select_n3A_150 = arith.select %and3A_148, %add3A_149, %rem3A_140 : i32
      %eq3A_151 = arith.constant 2 : i32
      %eq3A_152 = arith.cmpi eq, %select_n3A_150, %eq3A_151 : i32
      %convert_element_type3A_153 = arith.extui %eq3A_152 : i1 to i32
      %cond3A_154 = arith.constant 0 : i32
      %cond3A_155 = arith.cmpi ne, %convert_element_type3A_153, %cond3A_154 : i32
      scf.if %cond3A_155 {
        %mul3A_156 = arith.constant 40 : i32
        %mul3A_157 = arith.muli %scan3A_26, %mul3A_156 : i32
        %add3A_158 = arith.addi %mul3A_2, %mul3A_157 : i32
        %dma_wait3A = arith.constant 0 : i32
        %dma_wait3A_159 = tpu.memref_slice %arg2[%add3A_158, %dma_wait3A] : memref<160000x128xf32, #tpu.memory_space<hbm>> -> memref<40x128xf32, #tpu.memory_space<hbm>>
        %dma_wait3A_160 = arith.constant 0 : i32
        %dma_wait3A_161 = tpu.memref_slice %arg2[%add3A_158, %dma_wait3A_160] : memref<160000x128xf32, #tpu.memory_space<hbm>> -> memref<40x128xf32, #tpu.memory_space<hbm>>
        tpu.wait_dma2 semaphore(%arg12 : memref<!tpu.dma_semaphore, #tpu.memory_space<semaphore_mem>>) src(%dma_wait3A_161 : memref<40x128xf32, #tpu.memory_space<hbm>>) dst(%arg9 : memref<40x128xf32, #tpu.memory_space<vmem>>)
        "tpu.region"() ({
          %run_scoped3A = tpu.sem_alloc : memref<!tpu.dma_semaphore, #tpu.memory_space<semaphore_mem>>
          %dma_start3A_162 = arith.constant 0 : i32
          %dma_start3A_163 = tpu.memref_slice %arg6[%scan3A_26, %dma_start3A_162] : memref<125x40xi32, #tpu.memory_space<vmem>> -> memref<1x40xi32, #tpu.memory_space<vmem>>
          %dma_start3A_164 = tpu.memref_squeeze %dma_start3A_163 : memref<1x40xi32, #tpu.memory_space<vmem>> -> memref<40xi32, #tpu.memory_space<vmem>>
          %dma_start3A_165 = arith.constant 0 : i32
          %dma_start3A_166 = arith.constant 0 : i32
          %dma_start3A_167 = tpu.memref_slice %arg13[%dma_start3A_165, %dma_start3A_166] : memref<10112x128xf32, #tpu.memory_space<vmem_shared>> -> memref<10112x128xf32, #tpu.memory_space<vmem_shared>>
          tpu.enqueue_indirect_dma source(%arg9 : memref<40x128xf32, #tpu.memory_space<vmem>>) target(%dma_start3A_167 : memref<10112x128xf32, #tpu.memory_space<vmem_shared>>) offsets(%dma_start3A_164 : memref<40xi32, #tpu.memory_space<vmem>>) semaphore(%run_scoped3A : memref<!tpu.dma_semaphore, #tpu.memory_space<semaphore_mem>>) {add = true}
          %dma_wait3A_168 = arith.constant 0 : i32
          %dma_wait3A_169 = tpu.memref_slice %arg6[%scan3A_26, %dma_wait3A_168] : memref<125x40xi32, #tpu.memory_space<vmem>> -> memref<1x40xi32, #tpu.memory_space<vmem>>
          %dma_wait3A_170 = tpu.memref_squeeze %dma_wait3A_169 : memref<1x40xi32, #tpu.memory_space<vmem>> -> memref<40xi32, #tpu.memory_space<vmem>>
          %dma_wait3A_171 = arith.constant 0 : i32
          %dma_wait3A_172 = arith.constant 0 : i32
          %dma_wait3A_173 = tpu.memref_slice %arg13[%dma_wait3A_171, %dma_wait3A_172] : memref<10112x128xf32, #tpu.memory_space<vmem_shared>> -> memref<10112x128xf32, #tpu.memory_space<vmem_shared>>
          tpu.wait_indirect_dma semaphore(%run_scoped3A : memref<!tpu.dma_semaphore, #tpu.memory_space<semaphore_mem>>) src(%arg9 : memref<40x128xf32, #tpu.memory_space<vmem>>) dst(%dma_wait3A_173 : memref<10112x128xf32, #tpu.memory_space<vmem_shared>>)
          tpu.yield
        }) : () -> ()
      } else {
      }
    }
    %scan3A_20 = arith.constant 125 : i32
    %barrier3A_21 = arith.constant 0 : index
    tpu.barrier barrier_id(%barrier3A_21)
    %mul3A_22 = arith.constant 632 : i32
    %mul3A_23 = arith.muli %arg1, %mul3A_22 : i32
    %mul3A_24 = arith.constant 632 : i32
    %mul3A_25 = arith.muli %arg1, %mul3A_24 : i32
    "tpu.region"() ({
      %run_scoped3A = tpu.sem_alloc : memref<!tpu.dma_semaphore, #tpu.memory_space<semaphore_mem>>
      %dma_start3A_26 = arith.constant 0 : i32
      %dma_start3A_27 = tpu.memref_slice %arg5[%arg0, %mul3A_25, %dma_start3A_26] : memref<2x10112x128xf32, #tpu.memory_space<hbm>> -> memref<1x632x128xf32, #tpu.memory_space<hbm>>
      %dma_start3A_28 = tpu.memref_squeeze %dma_start3A_27 : memref<1x632x128xf32, #tpu.memory_space<hbm>> -> memref<632x128xf32, #tpu.memory_space<hbm>>
      %dma_start3A_29 = arith.constant 0 : i32
      %dma_start3A_30 = tpu.memref_slice %arg13[%mul3A_23, %dma_start3A_29] : memref<10112x128xf32, #tpu.memory_space<vmem_shared>> -> memref<632x128xf32, #tpu.memory_space<vmem_shared>>
      tpu.enqueue_dma source(%dma_start3A_30 : memref<632x128xf32, #tpu.memory_space<vmem_shared>>) target(%dma_start3A_28 : memref<632x128xf32, #tpu.memory_space<hbm>>) target_semaphore(%run_scoped3A : memref<!tpu.dma_semaphore, #tpu.memory_space<semaphore_mem>>)
      %dma_wait3A = arith.constant 0 : i32
      %dma_wait3A_31 = tpu.memref_slice %arg5[%arg0, %mul3A_25, %dma_wait3A] : memref<2x10112x128xf32, #tpu.memory_space<hbm>> -> memref<1x632x128xf32, #tpu.memory_space<hbm>>
      %dma_wait3A_32 = tpu.memref_squeeze %dma_wait3A_31 : memref<1x632x128xf32, #tpu.memory_space<hbm>> -> memref<632x128xf32, #tpu.memory_space<hbm>>
      %dma_wait3A_33 = arith.constant 0 : i32
      %dma_wait3A_34 = tpu.memref_slice %arg13[%mul3A_23, %dma_wait3A_33] : memref<10112x128xf32, #tpu.memory_space<vmem_shared>> -> memref<632x128xf32, #tpu.memory_space<vmem_shared>>
      tpu.wait_dma2 semaphore(%run_scoped3A : memref<!tpu.dma_semaphore, #tpu.memory_space<semaphore_mem>>) src(%dma_wait3A_34 : memref<632x128xf32, #tpu.memory_space<vmem_shared>>) dst(%dma_wait3A_32 : memref<632x128xf32, #tpu.memory_space<hbm>>)
      tpu.yield
    }) : () -> ()
    return
  }
}

#map = affine_map<(d0, d1) -> (0, 0)>
#map1 = affine_map<(d0, d1) -> (0, 0, 0)>
module attributes {stable_mosaic.version = 14 : i64} {
  func.func @body(%arg0: i32, %arg1: i32, %arg2: memref<320000x128xf32, #tpu.memory_space<hbm>>, %arg3: memref<32x125x80xi32, #tpu.memory_space<hbm>>, %arg4: memref<632x128xf32, #tpu.memory_space<hbm>>, %arg5: memref<2x10112x128xf32, #tpu.memory_space<hbm>>, %arg6: memref<125x80xi32, #tpu.memory_space<vmem>>, %arg7: memref<80x128xf32, #tpu.memory_space<vmem>>, %arg8: memref<80x128xf32, #tpu.memory_space<vmem>>, %arg9: memref<80x128xf32, #tpu.memory_space<vmem>>, %arg10: memref<!tpu.dma_semaphore, #tpu.memory_space<semaphore_mem>>, %arg11: memref<!tpu.dma_semaphore, #tpu.memory_space<semaphore_mem>>, %arg12: memref<!tpu.dma_semaphore, #tpu.memory_space<semaphore_mem>>, %arg13: memref<10112x128xf32, #tpu.memory_space<vmem_shared>>) attributes {dimension_semantics = [#tpu.dimension_semantics<core_parallel>, #tpu.dimension_semantics<subcore_parallel>], iteration_bounds = array<i64: 2, 16>, scalar_prefetch = 0 : i64, scratch_operands = 8 : i64, tpu.core_type = #tpu.core_type<sc_vector_subcore>, window_params = [{transform_indices = #map}, {transform_indices = #map1}, {transform_indices = #map}, {transform_indices = #map1}]} {
    %mul3A = arith.constant 16 : i32
    %mul3A_0 = arith.muli %arg0, %mul3A : i32
    %add3A = arith.addi %mul3A_0, %arg1 : i32
    %mul3A_1 = arith.constant 10000 : i32
    %mul3A_2 = arith.muli %add3A, %mul3A_1 : i32
    %mul3A_3 = arith.constant 632 : i32
    %mul3A_4 = arith.muli %arg1, %mul3A_3 : i32
    "tpu.region"() ({
      %run_scoped3A = tpu.sem_alloc : memref<!tpu.dma_semaphore, #tpu.memory_space<semaphore_mem>>
      %dma_start3A_26 = arith.constant 0 : i32
      %dma_start3A_27 = tpu.memref_slice %arg13[%mul3A_4, %dma_start3A_26] : memref<10112x128xf32, #tpu.memory_space<vmem_shared>> -> memref<632x128xf32, #tpu.memory_space<vmem_shared>>
      tpu.enqueue_dma source(%arg4 : memref<632x128xf32, #tpu.memory_space<hbm>>) target(%dma_start3A_27 : memref<632x128xf32, #tpu.memory_space<vmem_shared>>) target_semaphore(%run_scoped3A : memref<!tpu.dma_semaphore, #tpu.memory_space<semaphore_mem>>)
      %dma_wait3A = arith.constant 0 : i32
      %dma_wait3A_28 = tpu.memref_slice %arg13[%mul3A_4, %dma_wait3A] : memref<10112x128xf32, #tpu.memory_space<vmem_shared>> -> memref<632x128xf32, #tpu.memory_space<vmem_shared>>
      tpu.wait_dma2 semaphore(%run_scoped3A : memref<!tpu.dma_semaphore, #tpu.memory_space<semaphore_mem>>) src(%arg4 : memref<632x128xf32, #tpu.memory_space<hbm>>) dst(%dma_wait3A_28 : memref<632x128xf32, #tpu.memory_space<vmem_shared>>)
      tpu.yield
    }) : () -> ()
    "tpu.region"() ({
      %run_scoped3A = tpu.sem_alloc : memref<!tpu.dma_semaphore, #tpu.memory_space<semaphore_mem>>
      %dma_start3A_26 = arith.constant 0 : i32
      %dma_start3A_27 = arith.constant 0 : i32
      %dma_start3A_28 = tpu.memref_slice %arg3[%add3A, %dma_start3A_26, %dma_start3A_27] : memref<32x125x80xi32, #tpu.memory_space<hbm>> -> memref<1x125x80xi32, #tpu.memory_space<hbm>>
      %dma_start3A_29 = tpu.memref_squeeze %dma_start3A_28 : memref<1x125x80xi32, #tpu.memory_space<hbm>> -> memref<125x80xi32, #tpu.memory_space<hbm>>
      %dma_start3A_30 = arith.constant 0 : i32
      %dma_start3A_31 = arith.constant 0 : i32
      %dma_start3A_32 = tpu.memref_slice %arg3[%add3A, %dma_start3A_30, %dma_start3A_31] : memref<32x125x80xi32, #tpu.memory_space<hbm>> -> memref<1x125x80xi32, #tpu.memory_space<hbm>>
      %dma_start3A_33 = tpu.memref_squeeze %dma_start3A_32 : memref<1x125x80xi32, #tpu.memory_space<hbm>> -> memref<125x80xi32, #tpu.memory_space<hbm>>
      tpu.enqueue_dma source(%dma_start3A_33 : memref<125x80xi32, #tpu.memory_space<hbm>>) target(%arg6 : memref<125x80xi32, #tpu.memory_space<vmem>>) target_semaphore(%run_scoped3A : memref<!tpu.dma_semaphore, #tpu.memory_space<semaphore_mem>>)
      %dma_wait3A = arith.constant 0 : i32
      %dma_wait3A_34 = arith.constant 0 : i32
      %dma_wait3A_35 = tpu.memref_slice %arg3[%add3A, %dma_wait3A, %dma_wait3A_34] : memref<32x125x80xi32, #tpu.memory_space<hbm>> -> memref<1x125x80xi32, #tpu.memory_space<hbm>>
      %dma_wait3A_36 = tpu.memref_squeeze %dma_wait3A_35 : memref<1x125x80xi32, #tpu.memory_space<hbm>> -> memref<125x80xi32, #tpu.memory_space<hbm>>
      %dma_wait3A_37 = arith.constant 0 : i32
      %dma_wait3A_38 = arith.constant 0 : i32
      %dma_wait3A_39 = tpu.memref_slice %arg3[%add3A, %dma_wait3A_37, %dma_wait3A_38] : memref<32x125x80xi32, #tpu.memory_space<hbm>> -> memref<1x125x80xi32, #tpu.memory_space<hbm>>
      %dma_wait3A_40 = tpu.memref_squeeze %dma_wait3A_39 : memref<1x125x80xi32, #tpu.memory_space<hbm>> -> memref<125x80xi32, #tpu.memory_space<hbm>>
      tpu.wait_dma2 semaphore(%run_scoped3A : memref<!tpu.dma_semaphore, #tpu.memory_space<semaphore_mem>>) src(%dma_wait3A_40 : memref<125x80xi32, #tpu.memory_space<hbm>>) dst(%arg6 : memref<125x80xi32, #tpu.memory_space<vmem>>)
      tpu.yield
    }) : () -> ()
    %barrier3A = arith.constant 0 : index
    tpu.barrier barrier_id(%barrier3A)
    %add3A_5 = arith.constant 0 : i32
    %add3A_6 = arith.addi %mul3A_2, %add3A_5 : i32
    %dma_start3A = arith.constant 0 : i32
    %dma_start3A_7 = tpu.memref_slice %arg2[%add3A_6, %dma_start3A] : memref<320000x128xf32, #tpu.memory_space<hbm>> -> memref<80x128xf32, #tpu.memory_space<hbm>>
    %dma_start3A_8 = arith.constant 0 : i32
    %dma_start3A_9 = tpu.memref_slice %arg2[%add3A_6, %dma_start3A_8] : memref<320000x128xf32, #tpu.memory_space<hbm>> -> memref<80x128xf32, #tpu.memory_space<hbm>>
    tpu.enqueue_dma source(%dma_start3A_9 : memref<80x128xf32, #tpu.memory_space<hbm>>) target(%arg7 : memref<80x128xf32, #tpu.memory_space<vmem>>) target_semaphore(%arg10 : memref<!tpu.dma_semaphore, #tpu.memory_space<semaphore_mem>>)
    %add3A_10 = arith.constant 80 : i32
    %add3A_11 = arith.addi %mul3A_2, %add3A_10 : i32
    %dma_start3A_12 = arith.constant 0 : i32
    %dma_start3A_13 = tpu.memref_slice %arg2[%add3A_11, %dma_start3A_12] : memref<320000x128xf32, #tpu.memory_space<hbm>> -> memref<80x128xf32, #tpu.memory_space<hbm>>
    %dma_start3A_14 = arith.constant 0 : i32
    %dma_start3A_15 = tpu.memref_slice %arg2[%add3A_11, %dma_start3A_14] : memref<320000x128xf32, #tpu.memory_space<hbm>> -> memref<80x128xf32, #tpu.memory_space<hbm>>
    tpu.enqueue_dma source(%dma_start3A_15 : memref<80x128xf32, #tpu.memory_space<hbm>>) target(%arg8 : memref<80x128xf32, #tpu.memory_space<vmem>>) target_semaphore(%arg11 : memref<!tpu.dma_semaphore, #tpu.memory_space<semaphore_mem>>)
    %scan3A = arith.constant 0 : i32
    %scan3A_16 = arith.constant 0 : i32
    %scan3A_17 = arith.constant 125 : i32
    %scan3A_18 = arith.addi %scan3A_16, %scan3A_17 : i32
    %scan3A_19 = arith.constant 1 : i32
    scf.for %scan3A_26 = %scan3A_16 to %scan3A_18 step %scan3A_19  : i32 {
      %add3A_27 = arith.constant 3 : i32
      %add3A_28 = arith.addi %scan3A_26, %add3A_27 : i32
      %sub3A = arith.constant 1 : i32
      %sub3A_29 = arith.subi %add3A_28, %sub3A : i32
      %lt3A = arith.constant 125 : i32
      %lt3A_30 = arith.cmpi slt, %sub3A_29, %lt3A : i32
      %jit3A = arith.constant 3 : i32
      %eq3A = arith.constant 0 : i32
      %eq3A_31 = arith.cmpi eq, %jit3A, %eq3A : i32
      %jit3A_32 = arith.constant 1 : i32
      %select_n3A = arith.select %eq3A_31, %jit3A_32, %jit3A : i32
      %rem3A = arith.remsi %sub3A_29, %select_n3A : i32
      %ne3A = arith.constant 0 : i32
      %ne3A_33 = arith.cmpi ne, %rem3A, %ne3A : i32
      %lt3A_34 = arith.constant 0 : i32
      %lt3A_35 = arith.cmpi slt, %rem3A, %lt3A_34 : i32
      %lt3A_36 = arith.constant 0 : i32
      %lt3A_37 = arith.cmpi slt, %select_n3A, %lt3A_36 : i32
      %ne3A_38 = arith.xori %lt3A_35, %lt3A_37 : i1
      %and3A = arith.andi %ne3A_38, %ne3A_33 : i1
      %add3A_39 = arith.addi %rem3A, %select_n3A : i32
      %select_n3A_40 = arith.select %and3A, %add3A_39, %rem3A : i32
      %eq3A_41 = arith.constant 0 : i32
      %eq3A_42 = arith.cmpi eq, %select_n3A_40, %eq3A_41 : i32
      %and3A_43 = arith.andi %lt3A_30, %eq3A_42 : i1
      %convert_element_type3A = arith.extui %and3A_43 : i1 to i32
      %cond3A = arith.constant 0 : i32
      %cond3A_44 = arith.cmpi ne, %convert_element_type3A, %cond3A : i32
      scf.if %cond3A_44 {
        %mul3A_156 = arith.constant 80 : i32
        %mul3A_157 = arith.muli %sub3A_29, %mul3A_156 : i32
        %add3A_158 = arith.addi %mul3A_2, %mul3A_157 : i32
        %dma_start3A_159 = arith.constant 0 : i32
        %dma_start3A_160 = tpu.memref_slice %arg2[%add3A_158, %dma_start3A_159] : memref<320000x128xf32, #tpu.memory_space<hbm>> -> memref<80x128xf32, #tpu.memory_space<hbm>>
        %dma_start3A_161 = arith.constant 0 : i32
        %dma_start3A_162 = tpu.memref_slice %arg2[%add3A_158, %dma_start3A_161] : memref<320000x128xf32, #tpu.memory_space<hbm>> -> memref<80x128xf32, #tpu.memory_space<hbm>>
        tpu.enqueue_dma source(%dma_start3A_162 : memref<80x128xf32, #tpu.memory_space<hbm>>) target(%arg7 : memref<80x128xf32, #tpu.memory_space<vmem>>) target_semaphore(%arg10 : memref<!tpu.dma_semaphore, #tpu.memory_space<semaphore_mem>>)
      } else {
      }
      %lt3A_45 = arith.constant 125 : i32
      %lt3A_46 = arith.cmpi slt, %sub3A_29, %lt3A_45 : i32
      %jit3A_47 = arith.constant 3 : i32
      %eq3A_48 = arith.constant 0 : i32
      %eq3A_49 = arith.cmpi eq, %jit3A_47, %eq3A_48 : i32
      %jit3A_50 = arith.constant 1 : i32
      %select_n3A_51 = arith.select %eq3A_49, %jit3A_50, %jit3A_47 : i32
      %rem3A_52 = arith.remsi %sub3A_29, %select_n3A_51 : i32
      %ne3A_53 = arith.constant 0 : i32
      %ne3A_54 = arith.cmpi ne, %rem3A_52, %ne3A_53 : i32
      %lt3A_55 = arith.constant 0 : i32
      %lt3A_56 = arith.cmpi slt, %rem3A_52, %lt3A_55 : i32
      %lt3A_57 = arith.constant 0 : i32
      %lt3A_58 = arith.cmpi slt, %select_n3A_51, %lt3A_57 : i32
      %ne3A_59 = arith.xori %lt3A_56, %lt3A_58 : i1
      %and3A_60 = arith.andi %ne3A_59, %ne3A_54 : i1
      %add3A_61 = arith.addi %rem3A_52, %select_n3A_51 : i32
      %select_n3A_62 = arith.select %and3A_60, %add3A_61, %rem3A_52 : i32
      %eq3A_63 = arith.constant 1 : i32
      %eq3A_64 = arith.cmpi eq, %select_n3A_62, %eq3A_63 : i32
      %and3A_65 = arith.andi %lt3A_46, %eq3A_64 : i1
      %convert_element_type3A_66 = arith.extui %and3A_65 : i1 to i32
      %cond3A_67 = arith.constant 0 : i32
      %cond3A_68 = arith.cmpi ne, %convert_element_type3A_66, %cond3A_67 : i32
      scf.if %cond3A_68 {
        %mul3A_156 = arith.constant 80 : i32
        %mul3A_157 = arith.muli %sub3A_29, %mul3A_156 : i32
        %add3A_158 = arith.addi %mul3A_2, %mul3A_157 : i32
        %dma_start3A_159 = arith.constant 0 : i32
        %dma_start3A_160 = tpu.memref_slice %arg2[%add3A_158, %dma_start3A_159] : memref<320000x128xf32, #tpu.memory_space<hbm>> -> memref<80x128xf32, #tpu.memory_space<hbm>>
        %dma_start3A_161 = arith.constant 0 : i32
        %dma_start3A_162 = tpu.memref_slice %arg2[%add3A_158, %dma_start3A_161] : memref<320000x128xf32, #tpu.memory_space<hbm>> -> memref<80x128xf32, #tpu.memory_space<hbm>>
        tpu.enqueue_dma source(%dma_start3A_162 : memref<80x128xf32, #tpu.memory_space<hbm>>) target(%arg8 : memref<80x128xf32, #tpu.memory_space<vmem>>) target_semaphore(%arg11 : memref<!tpu.dma_semaphore, #tpu.memory_space<semaphore_mem>>)
      } else {
      }
      %lt3A_69 = arith.constant 125 : i32
      %lt3A_70 = arith.cmpi slt, %sub3A_29, %lt3A_69 : i32
      %jit3A_71 = arith.constant 3 : i32
      %eq3A_72 = arith.constant 0 : i32
      %eq3A_73 = arith.cmpi eq, %jit3A_71, %eq3A_72 : i32
      %jit3A_74 = arith.constant 1 : i32
      %select_n3A_75 = arith.select %eq3A_73, %jit3A_74, %jit3A_71 : i32
      %rem3A_76 = arith.remsi %sub3A_29, %select_n3A_75 : i32
      %ne3A_77 = arith.constant 0 : i32
      %ne3A_78 = arith.cmpi ne, %rem3A_76, %ne3A_77 : i32
      %lt3A_79 = arith.constant 0 : i32
      %lt3A_80 = arith.cmpi slt, %rem3A_76, %lt3A_79 : i32
      %lt3A_81 = arith.constant 0 : i32
      %lt3A_82 = arith.cmpi slt, %select_n3A_75, %lt3A_81 : i32
      %ne3A_83 = arith.xori %lt3A_80, %lt3A_82 : i1
      %and3A_84 = arith.andi %ne3A_83, %ne3A_78 : i1
      %add3A_85 = arith.addi %rem3A_76, %select_n3A_75 : i32
      %select_n3A_86 = arith.select %and3A_84, %add3A_85, %rem3A_76 : i32
      %eq3A_87 = arith.constant 2 : i32
      %eq3A_88 = arith.cmpi eq, %select_n3A_86, %eq3A_87 : i32
      %and3A_89 = arith.andi %lt3A_70, %eq3A_88 : i1
      %convert_element_type3A_90 = arith.extui %and3A_89 : i1 to i32
      %cond3A_91 = arith.constant 0 : i32
      %cond3A_92 = arith.cmpi ne, %convert_element_type3A_90, %cond3A_91 : i32
      scf.if %cond3A_92 {
        %mul3A_156 = arith.constant 80 : i32
        %mul3A_157 = arith.muli %sub3A_29, %mul3A_156 : i32
        %add3A_158 = arith.addi %mul3A_2, %mul3A_157 : i32
        %dma_start3A_159 = arith.constant 0 : i32
        %dma_start3A_160 = tpu.memref_slice %arg2[%add3A_158, %dma_start3A_159] : memref<320000x128xf32, #tpu.memory_space<hbm>> -> memref<80x128xf32, #tpu.memory_space<hbm>>
        %dma_start3A_161 = arith.constant 0 : i32
        %dma_start3A_162 = tpu.memref_slice %arg2[%add3A_158, %dma_start3A_161] : memref<320000x128xf32, #tpu.memory_space<hbm>> -> memref<80x128xf32, #tpu.memory_space<hbm>>
        tpu.enqueue_dma source(%dma_start3A_162 : memref<80x128xf32, #tpu.memory_space<hbm>>) target(%arg9 : memref<80x128xf32, #tpu.memory_space<vmem>>) target_semaphore(%arg12 : memref<!tpu.dma_semaphore, #tpu.memory_space<semaphore_mem>>)
      } else {
      }
      %jit3A_93 = arith.constant 3 : i32
      %eq3A_94 = arith.constant 0 : i32
      %eq3A_95 = arith.cmpi eq, %jit3A_93, %eq3A_94 : i32
      %jit3A_96 = arith.constant 1 : i32
      %select_n3A_97 = arith.select %eq3A_95, %jit3A_96, %jit3A_93 : i32
      %rem3A_98 = arith.remsi %scan3A_26, %select_n3A_97 : i32
      %ne3A_99 = arith.constant 0 : i32
      %ne3A_100 = arith.cmpi ne, %rem3A_98, %ne3A_99 : i32
      %lt3A_101 = arith.constant 0 : i32
      %lt3A_102 = arith.cmpi slt, %rem3A_98, %lt3A_101 : i32
      %lt3A_103 = arith.constant 0 : i32
      %lt3A_104 = arith.cmpi slt, %select_n3A_97, %lt3A_103 : i32
      %ne3A_105 = arith.xori %lt3A_102, %lt3A_104 : i1
      %and3A_106 = arith.andi %ne3A_105, %ne3A_100 : i1
      %add3A_107 = arith.addi %rem3A_98, %select_n3A_97 : i32
      %select_n3A_108 = arith.select %and3A_106, %add3A_107, %rem3A_98 : i32
      %eq3A_109 = arith.constant 0 : i32
      %eq3A_110 = arith.cmpi eq, %select_n3A_108, %eq3A_109 : i32
      %convert_element_type3A_111 = arith.extui %eq3A_110 : i1 to i32
      %cond3A_112 = arith.constant 0 : i32
      %cond3A_113 = arith.cmpi ne, %convert_element_type3A_111, %cond3A_112 : i32
      scf.if %cond3A_113 {
        %mul3A_156 = arith.constant 80 : i32
        %mul3A_157 = arith.muli %scan3A_26, %mul3A_156 : i32
        %add3A_158 = arith.addi %mul3A_2, %mul3A_157 : i32
        %dma_wait3A = arith.constant 0 : i32
        %dma_wait3A_159 = tpu.memref_slice %arg2[%add3A_158, %dma_wait3A] : memref<320000x128xf32, #tpu.memory_space<hbm>> -> memref<80x128xf32, #tpu.memory_space<hbm>>
        %dma_wait3A_160 = arith.constant 0 : i32
        %dma_wait3A_161 = tpu.memref_slice %arg2[%add3A_158, %dma_wait3A_160] : memref<320000x128xf32, #tpu.memory_space<hbm>> -> memref<80x128xf32, #tpu.memory_space<hbm>>
        tpu.wait_dma2 semaphore(%arg10 : memref<!tpu.dma_semaphore, #tpu.memory_space<semaphore_mem>>) src(%dma_wait3A_161 : memref<80x128xf32, #tpu.memory_space<hbm>>) dst(%arg7 : memref<80x128xf32, #tpu.memory_space<vmem>>)
        "tpu.region"() ({
          %run_scoped3A = tpu.sem_alloc : memref<!tpu.dma_semaphore, #tpu.memory_space<semaphore_mem>>
          %dma_start3A_162 = arith.constant 0 : i32
          %dma_start3A_163 = tpu.memref_slice %arg6[%scan3A_26, %dma_start3A_162] : memref<125x80xi32, #tpu.memory_space<vmem>> -> memref<1x80xi32, #tpu.memory_space<vmem>>
          %dma_start3A_164 = tpu.memref_squeeze %dma_start3A_163 : memref<1x80xi32, #tpu.memory_space<vmem>> -> memref<80xi32, #tpu.memory_space<vmem>>
          %dma_start3A_165 = arith.constant 0 : i32
          %dma_start3A_166 = arith.constant 0 : i32
          %dma_start3A_167 = tpu.memref_slice %arg13[%dma_start3A_165, %dma_start3A_166] : memref<10112x128xf32, #tpu.memory_space<vmem_shared>> -> memref<10112x128xf32, #tpu.memory_space<vmem_shared>>
          tpu.enqueue_indirect_dma source(%arg7 : memref<80x128xf32, #tpu.memory_space<vmem>>) target(%dma_start3A_167 : memref<10112x128xf32, #tpu.memory_space<vmem_shared>>) offsets(%dma_start3A_164 : memref<80xi32, #tpu.memory_space<vmem>>) semaphore(%run_scoped3A : memref<!tpu.dma_semaphore, #tpu.memory_space<semaphore_mem>>) {add = true}
          %dma_wait3A_168 = arith.constant 0 : i32
          %dma_wait3A_169 = tpu.memref_slice %arg6[%scan3A_26, %dma_wait3A_168] : memref<125x80xi32, #tpu.memory_space<vmem>> -> memref<1x80xi32, #tpu.memory_space<vmem>>
          %dma_wait3A_170 = tpu.memref_squeeze %dma_wait3A_169 : memref<1x80xi32, #tpu.memory_space<vmem>> -> memref<80xi32, #tpu.memory_space<vmem>>
          %dma_wait3A_171 = arith.constant 0 : i32
          %dma_wait3A_172 = arith.constant 0 : i32
          %dma_wait3A_173 = tpu.memref_slice %arg13[%dma_wait3A_171, %dma_wait3A_172] : memref<10112x128xf32, #tpu.memory_space<vmem_shared>> -> memref<10112x128xf32, #tpu.memory_space<vmem_shared>>
          tpu.wait_indirect_dma semaphore(%run_scoped3A : memref<!tpu.dma_semaphore, #tpu.memory_space<semaphore_mem>>) src(%arg7 : memref<80x128xf32, #tpu.memory_space<vmem>>) dst(%dma_wait3A_173 : memref<10112x128xf32, #tpu.memory_space<vmem_shared>>)
          tpu.yield
        }) : () -> ()
      } else {
      }
      %jit3A_114 = arith.constant 3 : i32
      %eq3A_115 = arith.constant 0 : i32
      %eq3A_116 = arith.cmpi eq, %jit3A_114, %eq3A_115 : i32
      %jit3A_117 = arith.constant 1 : i32
      %select_n3A_118 = arith.select %eq3A_116, %jit3A_117, %jit3A_114 : i32
      %rem3A_119 = arith.remsi %scan3A_26, %select_n3A_118 : i32
      %ne3A_120 = arith.constant 0 : i32
      %ne3A_121 = arith.cmpi ne, %rem3A_119, %ne3A_120 : i32
      %lt3A_122 = arith.constant 0 : i32
      %lt3A_123 = arith.cmpi slt, %rem3A_119, %lt3A_122 : i32
      %lt3A_124 = arith.constant 0 : i32
      %lt3A_125 = arith.cmpi slt, %select_n3A_118, %lt3A_124 : i32
      %ne3A_126 = arith.xori %lt3A_123, %lt3A_125 : i1
      %and3A_127 = arith.andi %ne3A_126, %ne3A_121 : i1
      %add3A_128 = arith.addi %rem3A_119, %select_n3A_118 : i32
      %select_n3A_129 = arith.select %and3A_127, %add3A_128, %rem3A_119 : i32
      %eq3A_130 = arith.constant 1 : i32
      %eq3A_131 = arith.cmpi eq, %select_n3A_129, %eq3A_130 : i32
      %convert_element_type3A_132 = arith.extui %eq3A_131 : i1 to i32
      %cond3A_133 = arith.constant 0 : i32
      %cond3A_134 = arith.cmpi ne, %convert_element_type3A_132, %cond3A_133 : i32
      scf.if %cond3A_134 {
        %mul3A_156 = arith.constant 80 : i32
        %mul3A_157 = arith.muli %scan3A_26, %mul3A_156 : i32
        %add3A_158 = arith.addi %mul3A_2, %mul3A_157 : i32
        %dma_wait3A = arith.constant 0 : i32
        %dma_wait3A_159 = tpu.memref_slice %arg2[%add3A_158, %dma_wait3A] : memref<320000x128xf32, #tpu.memory_space<hbm>> -> memref<80x128xf32, #tpu.memory_space<hbm>>
        %dma_wait3A_160 = arith.constant 0 : i32
        %dma_wait3A_161 = tpu.memref_slice %arg2[%add3A_158, %dma_wait3A_160] : memref<320000x128xf32, #tpu.memory_space<hbm>> -> memref<80x128xf32, #tpu.memory_space<hbm>>
        tpu.wait_dma2 semaphore(%arg11 : memref<!tpu.dma_semaphore, #tpu.memory_space<semaphore_mem>>) src(%dma_wait3A_161 : memref<80x128xf32, #tpu.memory_space<hbm>>) dst(%arg8 : memref<80x128xf32, #tpu.memory_space<vmem>>)
        "tpu.region"() ({
          %run_scoped3A = tpu.sem_alloc : memref<!tpu.dma_semaphore, #tpu.memory_space<semaphore_mem>>
          %dma_start3A_162 = arith.constant 0 : i32
          %dma_start3A_163 = tpu.memref_slice %arg6[%scan3A_26, %dma_start3A_162] : memref<125x80xi32, #tpu.memory_space<vmem>> -> memref<1x80xi32, #tpu.memory_space<vmem>>
          %dma_start3A_164 = tpu.memref_squeeze %dma_start3A_163 : memref<1x80xi32, #tpu.memory_space<vmem>> -> memref<80xi32, #tpu.memory_space<vmem>>
          %dma_start3A_165 = arith.constant 0 : i32
          %dma_start3A_166 = arith.constant 0 : i32
          %dma_start3A_167 = tpu.memref_slice %arg13[%dma_start3A_165, %dma_start3A_166] : memref<10112x128xf32, #tpu.memory_space<vmem_shared>> -> memref<10112x128xf32, #tpu.memory_space<vmem_shared>>
          tpu.enqueue_indirect_dma source(%arg8 : memref<80x128xf32, #tpu.memory_space<vmem>>) target(%dma_start3A_167 : memref<10112x128xf32, #tpu.memory_space<vmem_shared>>) offsets(%dma_start3A_164 : memref<80xi32, #tpu.memory_space<vmem>>) semaphore(%run_scoped3A : memref<!tpu.dma_semaphore, #tpu.memory_space<semaphore_mem>>) {add = true}
          %dma_wait3A_168 = arith.constant 0 : i32
          %dma_wait3A_169 = tpu.memref_slice %arg6[%scan3A_26, %dma_wait3A_168] : memref<125x80xi32, #tpu.memory_space<vmem>> -> memref<1x80xi32, #tpu.memory_space<vmem>>
          %dma_wait3A_170 = tpu.memref_squeeze %dma_wait3A_169 : memref<1x80xi32, #tpu.memory_space<vmem>> -> memref<80xi32, #tpu.memory_space<vmem>>
          %dma_wait3A_171 = arith.constant 0 : i32
          %dma_wait3A_172 = arith.constant 0 : i32
          %dma_wait3A_173 = tpu.memref_slice %arg13[%dma_wait3A_171, %dma_wait3A_172] : memref<10112x128xf32, #tpu.memory_space<vmem_shared>> -> memref<10112x128xf32, #tpu.memory_space<vmem_shared>>
          tpu.wait_indirect_dma semaphore(%run_scoped3A : memref<!tpu.dma_semaphore, #tpu.memory_space<semaphore_mem>>) src(%arg8 : memref<80x128xf32, #tpu.memory_space<vmem>>) dst(%dma_wait3A_173 : memref<10112x128xf32, #tpu.memory_space<vmem_shared>>)
          tpu.yield
        }) : () -> ()
      } else {
      }
      %jit3A_135 = arith.constant 3 : i32
      %eq3A_136 = arith.constant 0 : i32
      %eq3A_137 = arith.cmpi eq, %jit3A_135, %eq3A_136 : i32
      %jit3A_138 = arith.constant 1 : i32
      %select_n3A_139 = arith.select %eq3A_137, %jit3A_138, %jit3A_135 : i32
      %rem3A_140 = arith.remsi %scan3A_26, %select_n3A_139 : i32
      %ne3A_141 = arith.constant 0 : i32
      %ne3A_142 = arith.cmpi ne, %rem3A_140, %ne3A_141 : i32
      %lt3A_143 = arith.constant 0 : i32
      %lt3A_144 = arith.cmpi slt, %rem3A_140, %lt3A_143 : i32
      %lt3A_145 = arith.constant 0 : i32
      %lt3A_146 = arith.cmpi slt, %select_n3A_139, %lt3A_145 : i32
      %ne3A_147 = arith.xori %lt3A_144, %lt3A_146 : i1
      %and3A_148 = arith.andi %ne3A_147, %ne3A_142 : i1
      %add3A_149 = arith.addi %rem3A_140, %select_n3A_139 : i32
      %select_n3A_150 = arith.select %and3A_148, %add3A_149, %rem3A_140 : i32
      %eq3A_151 = arith.constant 2 : i32
      %eq3A_152 = arith.cmpi eq, %select_n3A_150, %eq3A_151 : i32
      %convert_element_type3A_153 = arith.extui %eq3A_152 : i1 to i32
      %cond3A_154 = arith.constant 0 : i32
      %cond3A_155 = arith.cmpi ne, %convert_element_type3A_153, %cond3A_154 : i32
      scf.if %cond3A_155 {
        %mul3A_156 = arith.constant 80 : i32
        %mul3A_157 = arith.muli %scan3A_26, %mul3A_156 : i32
        %add3A_158 = arith.addi %mul3A_2, %mul3A_157 : i32
        %dma_wait3A = arith.constant 0 : i32
        %dma_wait3A_159 = tpu.memref_slice %arg2[%add3A_158, %dma_wait3A] : memref<320000x128xf32, #tpu.memory_space<hbm>> -> memref<80x128xf32, #tpu.memory_space<hbm>>
        %dma_wait3A_160 = arith.constant 0 : i32
        %dma_wait3A_161 = tpu.memref_slice %arg2[%add3A_158, %dma_wait3A_160] : memref<320000x128xf32, #tpu.memory_space<hbm>> -> memref<80x128xf32, #tpu.memory_space<hbm>>
        tpu.wait_dma2 semaphore(%arg12 : memref<!tpu.dma_semaphore, #tpu.memory_space<semaphore_mem>>) src(%dma_wait3A_161 : memref<80x128xf32, #tpu.memory_space<hbm>>) dst(%arg9 : memref<80x128xf32, #tpu.memory_space<vmem>>)
        "tpu.region"() ({
          %run_scoped3A = tpu.sem_alloc : memref<!tpu.dma_semaphore, #tpu.memory_space<semaphore_mem>>
          %dma_start3A_162 = arith.constant 0 : i32
          %dma_start3A_163 = tpu.memref_slice %arg6[%scan3A_26, %dma_start3A_162] : memref<125x80xi32, #tpu.memory_space<vmem>> -> memref<1x80xi32, #tpu.memory_space<vmem>>
          %dma_start3A_164 = tpu.memref_squeeze %dma_start3A_163 : memref<1x80xi32, #tpu.memory_space<vmem>> -> memref<80xi32, #tpu.memory_space<vmem>>
          %dma_start3A_165 = arith.constant 0 : i32
          %dma_start3A_166 = arith.constant 0 : i32
          %dma_start3A_167 = tpu.memref_slice %arg13[%dma_start3A_165, %dma_start3A_166] : memref<10112x128xf32, #tpu.memory_space<vmem_shared>> -> memref<10112x128xf32, #tpu.memory_space<vmem_shared>>
          tpu.enqueue_indirect_dma source(%arg9 : memref<80x128xf32, #tpu.memory_space<vmem>>) target(%dma_start3A_167 : memref<10112x128xf32, #tpu.memory_space<vmem_shared>>) offsets(%dma_start3A_164 : memref<80xi32, #tpu.memory_space<vmem>>) semaphore(%run_scoped3A : memref<!tpu.dma_semaphore, #tpu.memory_space<semaphore_mem>>) {add = true}
          %dma_wait3A_168 = arith.constant 0 : i32
          %dma_wait3A_169 = tpu.memref_slice %arg6[%scan3A_26, %dma_wait3A_168] : memref<125x80xi32, #tpu.memory_space<vmem>> -> memref<1x80xi32, #tpu.memory_space<vmem>>
          %dma_wait3A_170 = tpu.memref_squeeze %dma_wait3A_169 : memref<1x80xi32, #tpu.memory_space<vmem>> -> memref<80xi32, #tpu.memory_space<vmem>>
          %dma_wait3A_171 = arith.constant 0 : i32
          %dma_wait3A_172 = arith.constant 0 : i32
          %dma_wait3A_173 = tpu.memref_slice %arg13[%dma_wait3A_171, %dma_wait3A_172] : memref<10112x128xf32, #tpu.memory_space<vmem_shared>> -> memref<10112x128xf32, #tpu.memory_space<vmem_shared>>
          tpu.wait_indirect_dma semaphore(%run_scoped3A : memref<!tpu.dma_semaphore, #tpu.memory_space<semaphore_mem>>) src(%arg9 : memref<80x128xf32, #tpu.memory_space<vmem>>) dst(%dma_wait3A_173 : memref<10112x128xf32, #tpu.memory_space<vmem_shared>>)
          tpu.yield
        }) : () -> ()
      } else {
      }
    }
    %scan3A_20 = arith.constant 125 : i32
    %barrier3A_21 = arith.constant 0 : index
    tpu.barrier barrier_id(%barrier3A_21)
    %mul3A_22 = arith.constant 632 : i32
    %mul3A_23 = arith.muli %arg1, %mul3A_22 : i32
    %mul3A_24 = arith.constant 632 : i32
    %mul3A_25 = arith.muli %arg1, %mul3A_24 : i32
    "tpu.region"() ({
      %run_scoped3A = tpu.sem_alloc : memref<!tpu.dma_semaphore, #tpu.memory_space<semaphore_mem>>
      %dma_start3A_26 = arith.constant 0 : i32
      %dma_start3A_27 = tpu.memref_slice %arg5[%arg0, %mul3A_25, %dma_start3A_26] : memref<2x10112x128xf32, #tpu.memory_space<hbm>> -> memref<1x632x128xf32, #tpu.memory_space<hbm>>
      %dma_start3A_28 = tpu.memref_squeeze %dma_start3A_27 : memref<1x632x128xf32, #tpu.memory_space<hbm>> -> memref<632x128xf32, #tpu.memory_space<hbm>>
      %dma_start3A_29 = arith.constant 0 : i32
      %dma_start3A_30 = tpu.memref_slice %arg13[%mul3A_23, %dma_start3A_29] : memref<10112x128xf32, #tpu.memory_space<vmem_shared>> -> memref<632x128xf32, #tpu.memory_space<vmem_shared>>
      tpu.enqueue_dma source(%dma_start3A_30 : memref<632x128xf32, #tpu.memory_space<vmem_shared>>) target(%dma_start3A_28 : memref<632x128xf32, #tpu.memory_space<hbm>>) target_semaphore(%run_scoped3A : memref<!tpu.dma_semaphore, #tpu.memory_space<semaphore_mem>>)
      %dma_wait3A = arith.constant 0 : i32
      %dma_wait3A_31 = tpu.memref_slice %arg5[%arg0, %mul3A_25, %dma_wait3A] : memref<2x10112x128xf32, #tpu.memory_space<hbm>> -> memref<1x632x128xf32, #tpu.memory_space<hbm>>
      %dma_wait3A_32 = tpu.memref_squeeze %dma_wait3A_31 : memref<1x632x128xf32, #tpu.memory_space<hbm>> -> memref<632x128xf32, #tpu.memory_space<hbm>>
      %dma_wait3A_33 = arith.constant 0 : i32
      %dma_wait3A_34 = tpu.memref_slice %arg13[%mul3A_23, %dma_wait3A_33] : memref<10112x128xf32, #tpu.memory_space<vmem_shared>> -> memref<632x128xf32, #tpu.memory_space<vmem_shared>>
      tpu.wait_dma2 semaphore(%run_scoped3A : memref<!tpu.dma_semaphore, #tpu.memory_space<semaphore_mem>>) src(%dma_wait3A_34 : memref<632x128xf32, #tpu.memory_space<vmem_shared>>) dst(%dma_wait3A_32 : memref<632x128xf32, #tpu.memory_space<hbm>>)
      tpu.yield
    }) : () -> ()
    return
  }
}

#map = affine_map<(d0, d1) -> (0, 0)>
#map1 = affine_map<(d0, d1) -> (0, 0, 0)>
module attributes {stable_mosaic.version = 14 : i64} {
  func.func @body(%arg0: i32, %arg1: i32, %arg2: memref<160000x128xf32, #tpu.memory_space<hbm>>, %arg3: memref<32x125x40xi32, #tpu.memory_space<hbm>>, %arg4: memref<632x128xf32, #tpu.memory_space<hbm>>, %arg5: memref<2x10112x128xf32, #tpu.memory_space<hbm>>, %arg6: memref<125x40xi32, #tpu.memory_space<vmem>>, %arg7: memref<40x128xf32, #tpu.memory_space<vmem>>, %arg8: memref<40x128xf32, #tpu.memory_space<vmem>>, %arg9: memref<40x128xf32, #tpu.memory_space<vmem>>, %arg10: memref<!tpu.dma_semaphore, #tpu.memory_space<semaphore_mem>>, %arg11: memref<!tpu.dma_semaphore, #tpu.memory_space<semaphore_mem>>, %arg12: memref<!tpu.dma_semaphore, #tpu.memory_space<semaphore_mem>>, %arg13: memref<10112x128xf32, #tpu.memory_space<vmem_shared>>) attributes {dimension_semantics = [#tpu.dimension_semantics<core_parallel>, #tpu.dimension_semantics<subcore_parallel>], iteration_bounds = array<i64: 2, 16>, scalar_prefetch = 0 : i64, scratch_operands = 8 : i64, tpu.core_type = #tpu.core_type<sc_vector_subcore>, window_params = [{transform_indices = #map}, {transform_indices = #map1}, {transform_indices = #map}, {transform_indices = #map1}]} {
    %mul3A = arith.constant 16 : i32
    %mul3A_0 = arith.muli %arg0, %mul3A : i32
    %add3A = arith.addi %mul3A_0, %arg1 : i32
    %mul3A_1 = arith.constant 5000 : i32
    %mul3A_2 = arith.muli %add3A, %mul3A_1 : i32
    %mul3A_3 = arith.constant 632 : i32
    %mul3A_4 = arith.muli %arg1, %mul3A_3 : i32
    "tpu.region"() ({
      %run_scoped3A = tpu.sem_alloc : memref<!tpu.dma_semaphore, #tpu.memory_space<semaphore_mem>>
      %dma_start3A_26 = arith.constant 0 : i32
      %dma_start3A_27 = tpu.memref_slice %arg13[%mul3A_4, %dma_start3A_26] : memref<10112x128xf32, #tpu.memory_space<vmem_shared>> -> memref<632x128xf32, #tpu.memory_space<vmem_shared>>
      tpu.enqueue_dma source(%arg4 : memref<632x128xf32, #tpu.memory_space<hbm>>) target(%dma_start3A_27 : memref<632x128xf32, #tpu.memory_space<vmem_shared>>) target_semaphore(%run_scoped3A : memref<!tpu.dma_semaphore, #tpu.memory_space<semaphore_mem>>)
      %dma_wait3A = arith.constant 0 : i32
      %dma_wait3A_28 = tpu.memref_slice %arg13[%mul3A_4, %dma_wait3A] : memref<10112x128xf32, #tpu.memory_space<vmem_shared>> -> memref<632x128xf32, #tpu.memory_space<vmem_shared>>
      tpu.wait_dma2 semaphore(%run_scoped3A : memref<!tpu.dma_semaphore, #tpu.memory_space<semaphore_mem>>) src(%arg4 : memref<632x128xf32, #tpu.memory_space<hbm>>) dst(%dma_wait3A_28 : memref<632x128xf32, #tpu.memory_space<vmem_shared>>)
      tpu.yield
    }) : () -> ()
    "tpu.region"() ({
      %run_scoped3A = tpu.sem_alloc : memref<!tpu.dma_semaphore, #tpu.memory_space<semaphore_mem>>
      %dma_start3A_26 = arith.constant 0 : i32
      %dma_start3A_27 = arith.constant 0 : i32
      %dma_start3A_28 = tpu.memref_slice %arg3[%add3A, %dma_start3A_26, %dma_start3A_27] : memref<32x125x40xi32, #tpu.memory_space<hbm>> -> memref<1x125x40xi32, #tpu.memory_space<hbm>>
      %dma_start3A_29 = tpu.memref_squeeze %dma_start3A_28 : memref<1x125x40xi32, #tpu.memory_space<hbm>> -> memref<125x40xi32, #tpu.memory_space<hbm>>
      %dma_start3A_30 = arith.constant 0 : i32
      %dma_start3A_31 = arith.constant 0 : i32
      %dma_start3A_32 = tpu.memref_slice %arg3[%add3A, %dma_start3A_30, %dma_start3A_31] : memref<32x125x40xi32, #tpu.memory_space<hbm>> -> memref<1x125x40xi32, #tpu.memory_space<hbm>>
      %dma_start3A_33 = tpu.memref_squeeze %dma_start3A_32 : memref<1x125x40xi32, #tpu.memory_space<hbm>> -> memref<125x40xi32, #tpu.memory_space<hbm>>
      tpu.enqueue_dma source(%dma_start3A_33 : memref<125x40xi32, #tpu.memory_space<hbm>>) target(%arg6 : memref<125x40xi32, #tpu.memory_space<vmem>>) target_semaphore(%run_scoped3A : memref<!tpu.dma_semaphore, #tpu.memory_space<semaphore_mem>>)
      %dma_wait3A = arith.constant 0 : i32
      %dma_wait3A_34 = arith.constant 0 : i32
      %dma_wait3A_35 = tpu.memref_slice %arg3[%add3A, %dma_wait3A, %dma_wait3A_34] : memref<32x125x40xi32, #tpu.memory_space<hbm>> -> memref<1x125x40xi32, #tpu.memory_space<hbm>>
      %dma_wait3A_36 = tpu.memref_squeeze %dma_wait3A_35 : memref<1x125x40xi32, #tpu.memory_space<hbm>> -> memref<125x40xi32, #tpu.memory_space<hbm>>
      %dma_wait3A_37 = arith.constant 0 : i32
      %dma_wait3A_38 = arith.constant 0 : i32
      %dma_wait3A_39 = tpu.memref_slice %arg3[%add3A, %dma_wait3A_37, %dma_wait3A_38] : memref<32x125x40xi32, #tpu.memory_space<hbm>> -> memref<1x125x40xi32, #tpu.memory_space<hbm>>
      %dma_wait3A_40 = tpu.memref_squeeze %dma_wait3A_39 : memref<1x125x40xi32, #tpu.memory_space<hbm>> -> memref<125x40xi32, #tpu.memory_space<hbm>>
      tpu.wait_dma2 semaphore(%run_scoped3A : memref<!tpu.dma_semaphore, #tpu.memory_space<semaphore_mem>>) src(%dma_wait3A_40 : memref<125x40xi32, #tpu.memory_space<hbm>>) dst(%arg6 : memref<125x40xi32, #tpu.memory_space<vmem>>)
      tpu.yield
    }) : () -> ()
    %barrier3A = arith.constant 0 : index
    tpu.barrier barrier_id(%barrier3A)
    %add3A_5 = arith.constant 0 : i32
    %add3A_6 = arith.addi %mul3A_2, %add3A_5 : i32
    %dma_start3A = arith.constant 0 : i32
    %dma_start3A_7 = tpu.memref_slice %arg2[%add3A_6, %dma_start3A] : memref<160000x128xf32, #tpu.memory_space<hbm>> -> memref<40x128xf32, #tpu.memory_space<hbm>>
    %dma_start3A_8 = arith.constant 0 : i32
    %dma_start3A_9 = tpu.memref_slice %arg2[%add3A_6, %dma_start3A_8] : memref<160000x128xf32, #tpu.memory_space<hbm>> -> memref<40x128xf32, #tpu.memory_space<hbm>>
    tpu.enqueue_dma source(%dma_start3A_9 : memref<40x128xf32, #tpu.memory_space<hbm>>) target(%arg7 : memref<40x128xf32, #tpu.memory_space<vmem>>) target_semaphore(%arg10 : memref<!tpu.dma_semaphore, #tpu.memory_space<semaphore_mem>>)
    %add3A_10 = arith.constant 40 : i32
    %add3A_11 = arith.addi %mul3A_2, %add3A_10 : i32
    %dma_start3A_12 = arith.constant 0 : i32
    %dma_start3A_13 = tpu.memref_slice %arg2[%add3A_11, %dma_start3A_12] : memref<160000x128xf32, #tpu.memory_space<hbm>> -> memref<40x128xf32, #tpu.memory_space<hbm>>
    %dma_start3A_14 = arith.constant 0 : i32
    %dma_start3A_15 = tpu.memref_slice %arg2[%add3A_11, %dma_start3A_14] : memref<160000x128xf32, #tpu.memory_space<hbm>> -> memref<40x128xf32, #tpu.memory_space<hbm>>
    tpu.enqueue_dma source(%dma_start3A_15 : memref<40x128xf32, #tpu.memory_space<hbm>>) target(%arg8 : memref<40x128xf32, #tpu.memory_space<vmem>>) target_semaphore(%arg11 : memref<!tpu.dma_semaphore, #tpu.memory_space<semaphore_mem>>)
    %scan3A = arith.constant 0 : i32
    %scan3A_16 = arith.constant 0 : i32
    %scan3A_17 = arith.constant 125 : i32
    %scan3A_18 = arith.addi %scan3A_16, %scan3A_17 : i32
    %scan3A_19 = arith.constant 1 : i32
    scf.for %scan3A_26 = %scan3A_16 to %scan3A_18 step %scan3A_19  : i32 {
      %add3A_27 = arith.constant 3 : i32
      %add3A_28 = arith.addi %scan3A_26, %add3A_27 : i32
      %sub3A = arith.constant 1 : i32
      %sub3A_29 = arith.subi %add3A_28, %sub3A : i32
      %lt3A = arith.constant 125 : i32
      %lt3A_30 = arith.cmpi slt, %sub3A_29, %lt3A : i32
      %jit3A = arith.constant 3 : i32
      %eq3A = arith.constant 0 : i32
      %eq3A_31 = arith.cmpi eq, %jit3A, %eq3A : i32
      %jit3A_32 = arith.constant 1 : i32
      %select_n3A = arith.select %eq3A_31, %jit3A_32, %jit3A : i32
      %rem3A = arith.remsi %sub3A_29, %select_n3A : i32
      %ne3A = arith.constant 0 : i32
      %ne3A_33 = arith.cmpi ne, %rem3A, %ne3A : i32
      %lt3A_34 = arith.constant 0 : i32
      %lt3A_35 = arith.cmpi slt, %rem3A, %lt3A_34 : i32
      %lt3A_36 = arith.constant 0 : i32
      %lt3A_37 = arith.cmpi slt, %select_n3A, %lt3A_36 : i32
      %ne3A_38 = arith.xori %lt3A_35, %lt3A_37 : i1
      %and3A = arith.andi %ne3A_38, %ne3A_33 : i1
      %add3A_39 = arith.addi %rem3A, %select_n3A : i32
      %select_n3A_40 = arith.select %and3A, %add3A_39, %rem3A : i32
      %eq3A_41 = arith.constant 0 : i32
      %eq3A_42 = arith.cmpi eq, %select_n3A_40, %eq3A_41 : i32
      %and3A_43 = arith.andi %lt3A_30, %eq3A_42 : i1
      %convert_element_type3A = arith.extui %and3A_43 : i1 to i32
      %cond3A = arith.constant 0 : i32
      %cond3A_44 = arith.cmpi ne, %convert_element_type3A, %cond3A : i32
      scf.if %cond3A_44 {
        %mul3A_156 = arith.constant 40 : i32
        %mul3A_157 = arith.muli %sub3A_29, %mul3A_156 : i32
        %add3A_158 = arith.addi %mul3A_2, %mul3A_157 : i32
        %dma_start3A_159 = arith.constant 0 : i32
        %dma_start3A_160 = tpu.memref_slice %arg2[%add3A_158, %dma_start3A_159] : memref<160000x128xf32, #tpu.memory_space<hbm>> -> memref<40x128xf32, #tpu.memory_space<hbm>>
        %dma_start3A_161 = arith.constant 0 : i32
        %dma_start3A_162 = tpu.memref_slice %arg2[%add3A_158, %dma_start3A_161] : memref<160000x128xf32, #tpu.memory_space<hbm>> -> memref<40x128xf32, #tpu.memory_space<hbm>>
        tpu.enqueue_dma source(%dma_start3A_162 : memref<40x128xf32, #tpu.memory_space<hbm>>) target(%arg7 : memref<40x128xf32, #tpu.memory_space<vmem>>) target_semaphore(%arg10 : memref<!tpu.dma_semaphore, #tpu.memory_space<semaphore_mem>>)
      } else {
      }
      %lt3A_45 = arith.constant 125 : i32
      %lt3A_46 = arith.cmpi slt, %sub3A_29, %lt3A_45 : i32
      %jit3A_47 = arith.constant 3 : i32
      %eq3A_48 = arith.constant 0 : i32
      %eq3A_49 = arith.cmpi eq, %jit3A_47, %eq3A_48 : i32
      %jit3A_50 = arith.constant 1 : i32
      %select_n3A_51 = arith.select %eq3A_49, %jit3A_50, %jit3A_47 : i32
      %rem3A_52 = arith.remsi %sub3A_29, %select_n3A_51 : i32
      %ne3A_53 = arith.constant 0 : i32
      %ne3A_54 = arith.cmpi ne, %rem3A_52, %ne3A_53 : i32
      %lt3A_55 = arith.constant 0 : i32
      %lt3A_56 = arith.cmpi slt, %rem3A_52, %lt3A_55 : i32
      %lt3A_57 = arith.constant 0 : i32
      %lt3A_58 = arith.cmpi slt, %select_n3A_51, %lt3A_57 : i32
      %ne3A_59 = arith.xori %lt3A_56, %lt3A_58 : i1
      %and3A_60 = arith.andi %ne3A_59, %ne3A_54 : i1
      %add3A_61 = arith.addi %rem3A_52, %select_n3A_51 : i32
      %select_n3A_62 = arith.select %and3A_60, %add3A_61, %rem3A_52 : i32
      %eq3A_63 = arith.constant 1 : i32
      %eq3A_64 = arith.cmpi eq, %select_n3A_62, %eq3A_63 : i32
      %and3A_65 = arith.andi %lt3A_46, %eq3A_64 : i1
      %convert_element_type3A_66 = arith.extui %and3A_65 : i1 to i32
      %cond3A_67 = arith.constant 0 : i32
      %cond3A_68 = arith.cmpi ne, %convert_element_type3A_66, %cond3A_67 : i32
      scf.if %cond3A_68 {
        %mul3A_156 = arith.constant 40 : i32
        %mul3A_157 = arith.muli %sub3A_29, %mul3A_156 : i32
        %add3A_158 = arith.addi %mul3A_2, %mul3A_157 : i32
        %dma_start3A_159 = arith.constant 0 : i32
        %dma_start3A_160 = tpu.memref_slice %arg2[%add3A_158, %dma_start3A_159] : memref<160000x128xf32, #tpu.memory_space<hbm>> -> memref<40x128xf32, #tpu.memory_space<hbm>>
        %dma_start3A_161 = arith.constant 0 : i32
        %dma_start3A_162 = tpu.memref_slice %arg2[%add3A_158, %dma_start3A_161] : memref<160000x128xf32, #tpu.memory_space<hbm>> -> memref<40x128xf32, #tpu.memory_space<hbm>>
        tpu.enqueue_dma source(%dma_start3A_162 : memref<40x128xf32, #tpu.memory_space<hbm>>) target(%arg8 : memref<40x128xf32, #tpu.memory_space<vmem>>) target_semaphore(%arg11 : memref<!tpu.dma_semaphore, #tpu.memory_space<semaphore_mem>>)
      } else {
      }
      %lt3A_69 = arith.constant 125 : i32
      %lt3A_70 = arith.cmpi slt, %sub3A_29, %lt3A_69 : i32
      %jit3A_71 = arith.constant 3 : i32
      %eq3A_72 = arith.constant 0 : i32
      %eq3A_73 = arith.cmpi eq, %jit3A_71, %eq3A_72 : i32
      %jit3A_74 = arith.constant 1 : i32
      %select_n3A_75 = arith.select %eq3A_73, %jit3A_74, %jit3A_71 : i32
      %rem3A_76 = arith.remsi %sub3A_29, %select_n3A_75 : i32
      %ne3A_77 = arith.constant 0 : i32
      %ne3A_78 = arith.cmpi ne, %rem3A_76, %ne3A_77 : i32
      %lt3A_79 = arith.constant 0 : i32
      %lt3A_80 = arith.cmpi slt, %rem3A_76, %lt3A_79 : i32
      %lt3A_81 = arith.constant 0 : i32
      %lt3A_82 = arith.cmpi slt, %select_n3A_75, %lt3A_81 : i32
      %ne3A_83 = arith.xori %lt3A_80, %lt3A_82 : i1
      %and3A_84 = arith.andi %ne3A_83, %ne3A_78 : i1
      %add3A_85 = arith.addi %rem3A_76, %select_n3A_75 : i32
      %select_n3A_86 = arith.select %and3A_84, %add3A_85, %rem3A_76 : i32
      %eq3A_87 = arith.constant 2 : i32
      %eq3A_88 = arith.cmpi eq, %select_n3A_86, %eq3A_87 : i32
      %and3A_89 = arith.andi %lt3A_70, %eq3A_88 : i1
      %convert_element_type3A_90 = arith.extui %and3A_89 : i1 to i32
      %cond3A_91 = arith.constant 0 : i32
      %cond3A_92 = arith.cmpi ne, %convert_element_type3A_90, %cond3A_91 : i32
      scf.if %cond3A_92 {
        %mul3A_156 = arith.constant 40 : i32
        %mul3A_157 = arith.muli %sub3A_29, %mul3A_156 : i32
        %add3A_158 = arith.addi %mul3A_2, %mul3A_157 : i32
        %dma_start3A_159 = arith.constant 0 : i32
        %dma_start3A_160 = tpu.memref_slice %arg2[%add3A_158, %dma_start3A_159] : memref<160000x128xf32, #tpu.memory_space<hbm>> -> memref<40x128xf32, #tpu.memory_space<hbm>>
        %dma_start3A_161 = arith.constant 0 : i32
        %dma_start3A_162 = tpu.memref_slice %arg2[%add3A_158, %dma_start3A_161] : memref<160000x128xf32, #tpu.memory_space<hbm>> -> memref<40x128xf32, #tpu.memory_space<hbm>>
        tpu.enqueue_dma source(%dma_start3A_162 : memref<40x128xf32, #tpu.memory_space<hbm>>) target(%arg9 : memref<40x128xf32, #tpu.memory_space<vmem>>) target_semaphore(%arg12 : memref<!tpu.dma_semaphore, #tpu.memory_space<semaphore_mem>>)
      } else {
      }
      %jit3A_93 = arith.constant 3 : i32
      %eq3A_94 = arith.constant 0 : i32
      %eq3A_95 = arith.cmpi eq, %jit3A_93, %eq3A_94 : i32
      %jit3A_96 = arith.constant 1 : i32
      %select_n3A_97 = arith.select %eq3A_95, %jit3A_96, %jit3A_93 : i32
      %rem3A_98 = arith.remsi %scan3A_26, %select_n3A_97 : i32
      %ne3A_99 = arith.constant 0 : i32
      %ne3A_100 = arith.cmpi ne, %rem3A_98, %ne3A_99 : i32
      %lt3A_101 = arith.constant 0 : i32
      %lt3A_102 = arith.cmpi slt, %rem3A_98, %lt3A_101 : i32
      %lt3A_103 = arith.constant 0 : i32
      %lt3A_104 = arith.cmpi slt, %select_n3A_97, %lt3A_103 : i32
      %ne3A_105 = arith.xori %lt3A_102, %lt3A_104 : i1
      %and3A_106 = arith.andi %ne3A_105, %ne3A_100 : i1
      %add3A_107 = arith.addi %rem3A_98, %select_n3A_97 : i32
      %select_n3A_108 = arith.select %and3A_106, %add3A_107, %rem3A_98 : i32
      %eq3A_109 = arith.constant 0 : i32
      %eq3A_110 = arith.cmpi eq, %select_n3A_108, %eq3A_109 : i32
      %convert_element_type3A_111 = arith.extui %eq3A_110 : i1 to i32
      %cond3A_112 = arith.constant 0 : i32
      %cond3A_113 = arith.cmpi ne, %convert_element_type3A_111, %cond3A_112 : i32
      scf.if %cond3A_113 {
        %mul3A_156 = arith.constant 40 : i32
        %mul3A_157 = arith.muli %scan3A_26, %mul3A_156 : i32
        %add3A_158 = arith.addi %mul3A_2, %mul3A_157 : i32
        %dma_wait3A = arith.constant 0 : i32
        %dma_wait3A_159 = tpu.memref_slice %arg2[%add3A_158, %dma_wait3A] : memref<160000x128xf32, #tpu.memory_space<hbm>> -> memref<40x128xf32, #tpu.memory_space<hbm>>
        %dma_wait3A_160 = arith.constant 0 : i32
        %dma_wait3A_161 = tpu.memref_slice %arg2[%add3A_158, %dma_wait3A_160] : memref<160000x128xf32, #tpu.memory_space<hbm>> -> memref<40x128xf32, #tpu.memory_space<hbm>>
        tpu.wait_dma2 semaphore(%arg10 : memref<!tpu.dma_semaphore, #tpu.memory_space<semaphore_mem>>) src(%dma_wait3A_161 : memref<40x128xf32, #tpu.memory_space<hbm>>) dst(%arg7 : memref<40x128xf32, #tpu.memory_space<vmem>>)
        "tpu.region"() ({
          %run_scoped3A = tpu.sem_alloc : memref<!tpu.dma_semaphore, #tpu.memory_space<semaphore_mem>>
          %dma_start3A_162 = arith.constant 0 : i32
          %dma_start3A_163 = tpu.memref_slice %arg6[%scan3A_26, %dma_start3A_162] : memref<125x40xi32, #tpu.memory_space<vmem>> -> memref<1x40xi32, #tpu.memory_space<vmem>>
          %dma_start3A_164 = tpu.memref_squeeze %dma_start3A_163 : memref<1x40xi32, #tpu.memory_space<vmem>> -> memref<40xi32, #tpu.memory_space<vmem>>
          %dma_start3A_165 = arith.constant 0 : i32
          %dma_start3A_166 = arith.constant 0 : i32
          %dma_start3A_167 = tpu.memref_slice %arg13[%dma_start3A_165, %dma_start3A_166] : memref<10112x128xf32, #tpu.memory_space<vmem_shared>> -> memref<10112x128xf32, #tpu.memory_space<vmem_shared>>
          tpu.enqueue_indirect_dma source(%arg7 : memref<40x128xf32, #tpu.memory_space<vmem>>) target(%dma_start3A_167 : memref<10112x128xf32, #tpu.memory_space<vmem_shared>>) offsets(%dma_start3A_164 : memref<40xi32, #tpu.memory_space<vmem>>) semaphore(%run_scoped3A : memref<!tpu.dma_semaphore, #tpu.memory_space<semaphore_mem>>) {add = true}
          %dma_wait3A_168 = arith.constant 0 : i32
          %dma_wait3A_169 = tpu.memref_slice %arg6[%scan3A_26, %dma_wait3A_168] : memref<125x40xi32, #tpu.memory_space<vmem>> -> memref<1x40xi32, #tpu.memory_space<vmem>>
          %dma_wait3A_170 = tpu.memref_squeeze %dma_wait3A_169 : memref<1x40xi32, #tpu.memory_space<vmem>> -> memref<40xi32, #tpu.memory_space<vmem>>
          %dma_wait3A_171 = arith.constant 0 : i32
          %dma_wait3A_172 = arith.constant 0 : i32
          %dma_wait3A_173 = tpu.memref_slice %arg13[%dma_wait3A_171, %dma_wait3A_172] : memref<10112x128xf32, #tpu.memory_space<vmem_shared>> -> memref<10112x128xf32, #tpu.memory_space<vmem_shared>>
          tpu.wait_indirect_dma semaphore(%run_scoped3A : memref<!tpu.dma_semaphore, #tpu.memory_space<semaphore_mem>>) src(%arg7 : memref<40x128xf32, #tpu.memory_space<vmem>>) dst(%dma_wait3A_173 : memref<10112x128xf32, #tpu.memory_space<vmem_shared>>)
          tpu.yield
        }) : () -> ()
      } else {
      }
      %jit3A_114 = arith.constant 3 : i32
      %eq3A_115 = arith.constant 0 : i32
      %eq3A_116 = arith.cmpi eq, %jit3A_114, %eq3A_115 : i32
      %jit3A_117 = arith.constant 1 : i32
      %select_n3A_118 = arith.select %eq3A_116, %jit3A_117, %jit3A_114 : i32
      %rem3A_119 = arith.remsi %scan3A_26, %select_n3A_118 : i32
      %ne3A_120 = arith.constant 0 : i32
      %ne3A_121 = arith.cmpi ne, %rem3A_119, %ne3A_120 : i32
      %lt3A_122 = arith.constant 0 : i32
      %lt3A_123 = arith.cmpi slt, %rem3A_119, %lt3A_122 : i32
      %lt3A_124 = arith.constant 0 : i32
      %lt3A_125 = arith.cmpi slt, %select_n3A_118, %lt3A_124 : i32
      %ne3A_126 = arith.xori %lt3A_123, %lt3A_125 : i1
      %and3A_127 = arith.andi %ne3A_126, %ne3A_121 : i1
      %add3A_128 = arith.addi %rem3A_119, %select_n3A_118 : i32
      %select_n3A_129 = arith.select %and3A_127, %add3A_128, %rem3A_119 : i32
      %eq3A_130 = arith.constant 1 : i32
      %eq3A_131 = arith.cmpi eq, %select_n3A_129, %eq3A_130 : i32
      %convert_element_type3A_132 = arith.extui %eq3A_131 : i1 to i32
      %cond3A_133 = arith.constant 0 : i32
      %cond3A_134 = arith.cmpi ne, %convert_element_type3A_132, %cond3A_133 : i32
      scf.if %cond3A_134 {
        %mul3A_156 = arith.constant 40 : i32
        %mul3A_157 = arith.muli %scan3A_26, %mul3A_156 : i32
        %add3A_158 = arith.addi %mul3A_2, %mul3A_157 : i32
        %dma_wait3A = arith.constant 0 : i32
        %dma_wait3A_159 = tpu.memref_slice %arg2[%add3A_158, %dma_wait3A] : memref<160000x128xf32, #tpu.memory_space<hbm>> -> memref<40x128xf32, #tpu.memory_space<hbm>>
        %dma_wait3A_160 = arith.constant 0 : i32
        %dma_wait3A_161 = tpu.memref_slice %arg2[%add3A_158, %dma_wait3A_160] : memref<160000x128xf32, #tpu.memory_space<hbm>> -> memref<40x128xf32, #tpu.memory_space<hbm>>
        tpu.wait_dma2 semaphore(%arg11 : memref<!tpu.dma_semaphore, #tpu.memory_space<semaphore_mem>>) src(%dma_wait3A_161 : memref<40x128xf32, #tpu.memory_space<hbm>>) dst(%arg8 : memref<40x128xf32, #tpu.memory_space<vmem>>)
        "tpu.region"() ({
          %run_scoped3A = tpu.sem_alloc : memref<!tpu.dma_semaphore, #tpu.memory_space<semaphore_mem>>
          %dma_start3A_162 = arith.constant 0 : i32
          %dma_start3A_163 = tpu.memref_slice %arg6[%scan3A_26, %dma_start3A_162] : memref<125x40xi32, #tpu.memory_space<vmem>> -> memref<1x40xi32, #tpu.memory_space<vmem>>
          %dma_start3A_164 = tpu.memref_squeeze %dma_start3A_163 : memref<1x40xi32, #tpu.memory_space<vmem>> -> memref<40xi32, #tpu.memory_space<vmem>>
          %dma_start3A_165 = arith.constant 0 : i32
          %dma_start3A_166 = arith.constant 0 : i32
          %dma_start3A_167 = tpu.memref_slice %arg13[%dma_start3A_165, %dma_start3A_166] : memref<10112x128xf32, #tpu.memory_space<vmem_shared>> -> memref<10112x128xf32, #tpu.memory_space<vmem_shared>>
          tpu.enqueue_indirect_dma source(%arg8 : memref<40x128xf32, #tpu.memory_space<vmem>>) target(%dma_start3A_167 : memref<10112x128xf32, #tpu.memory_space<vmem_shared>>) offsets(%dma_start3A_164 : memref<40xi32, #tpu.memory_space<vmem>>) semaphore(%run_scoped3A : memref<!tpu.dma_semaphore, #tpu.memory_space<semaphore_mem>>) {add = true}
          %dma_wait3A_168 = arith.constant 0 : i32
          %dma_wait3A_169 = tpu.memref_slice %arg6[%scan3A_26, %dma_wait3A_168] : memref<125x40xi32, #tpu.memory_space<vmem>> -> memref<1x40xi32, #tpu.memory_space<vmem>>
          %dma_wait3A_170 = tpu.memref_squeeze %dma_wait3A_169 : memref<1x40xi32, #tpu.memory_space<vmem>> -> memref<40xi32, #tpu.memory_space<vmem>>
          %dma_wait3A_171 = arith.constant 0 : i32
          %dma_wait3A_172 = arith.constant 0 : i32
          %dma_wait3A_173 = tpu.memref_slice %arg13[%dma_wait3A_171, %dma_wait3A_172] : memref<10112x128xf32, #tpu.memory_space<vmem_shared>> -> memref<10112x128xf32, #tpu.memory_space<vmem_shared>>
          tpu.wait_indirect_dma semaphore(%run_scoped3A : memref<!tpu.dma_semaphore, #tpu.memory_space<semaphore_mem>>) src(%arg8 : memref<40x128xf32, #tpu.memory_space<vmem>>) dst(%dma_wait3A_173 : memref<10112x128xf32, #tpu.memory_space<vmem_shared>>)
          tpu.yield
        }) : () -> ()
      } else {
      }
      %jit3A_135 = arith.constant 3 : i32
      %eq3A_136 = arith.constant 0 : i32
      %eq3A_137 = arith.cmpi eq, %jit3A_135, %eq3A_136 : i32
      %jit3A_138 = arith.constant 1 : i32
      %select_n3A_139 = arith.select %eq3A_137, %jit3A_138, %jit3A_135 : i32
      %rem3A_140 = arith.remsi %scan3A_26, %select_n3A_139 : i32
      %ne3A_141 = arith.constant 0 : i32
      %ne3A_142 = arith.cmpi ne, %rem3A_140, %ne3A_141 : i32
      %lt3A_143 = arith.constant 0 : i32
      %lt3A_144 = arith.cmpi slt, %rem3A_140, %lt3A_143 : i32
      %lt3A_145 = arith.constant 0 : i32
      %lt3A_146 = arith.cmpi slt, %select_n3A_139, %lt3A_145 : i32
      %ne3A_147 = arith.xori %lt3A_144, %lt3A_146 : i1
      %and3A_148 = arith.andi %ne3A_147, %ne3A_142 : i1
      %add3A_149 = arith.addi %rem3A_140, %select_n3A_139 : i32
      %select_n3A_150 = arith.select %and3A_148, %add3A_149, %rem3A_140 : i32
      %eq3A_151 = arith.constant 2 : i32
      %eq3A_152 = arith.cmpi eq, %select_n3A_150, %eq3A_151 : i32
      %convert_element_type3A_153 = arith.extui %eq3A_152 : i1 to i32
      %cond3A_154 = arith.constant 0 : i32
      %cond3A_155 = arith.cmpi ne, %convert_element_type3A_153, %cond3A_154 : i32
      scf.if %cond3A_155 {
        %mul3A_156 = arith.constant 40 : i32
        %mul3A_157 = arith.muli %scan3A_26, %mul3A_156 : i32
        %add3A_158 = arith.addi %mul3A_2, %mul3A_157 : i32
        %dma_wait3A = arith.constant 0 : i32
        %dma_wait3A_159 = tpu.memref_slice %arg2[%add3A_158, %dma_wait3A] : memref<160000x128xf32, #tpu.memory_space<hbm>> -> memref<40x128xf32, #tpu.memory_space<hbm>>
        %dma_wait3A_160 = arith.constant 0 : i32
        %dma_wait3A_161 = tpu.memref_slice %arg2[%add3A_158, %dma_wait3A_160] : memref<160000x128xf32, #tpu.memory_space<hbm>> -> memref<40x128xf32, #tpu.memory_space<hbm>>
        tpu.wait_dma2 semaphore(%arg12 : memref<!tpu.dma_semaphore, #tpu.memory_space<semaphore_mem>>) src(%dma_wait3A_161 : memref<40x128xf32, #tpu.memory_space<hbm>>) dst(%arg9 : memref<40x128xf32, #tpu.memory_space<vmem>>)
        "tpu.region"() ({
          %run_scoped3A = tpu.sem_alloc : memref<!tpu.dma_semaphore, #tpu.memory_space<semaphore_mem>>
          %dma_start3A_162 = arith.constant 0 : i32
          %dma_start3A_163 = tpu.memref_slice %arg6[%scan3A_26, %dma_start3A_162] : memref<125x40xi32, #tpu.memory_space<vmem>> -> memref<1x40xi32, #tpu.memory_space<vmem>>
          %dma_start3A_164 = tpu.memref_squeeze %dma_start3A_163 : memref<1x40xi32, #tpu.memory_space<vmem>> -> memref<40xi32, #tpu.memory_space<vmem>>
          %dma_start3A_165 = arith.constant 0 : i32
          %dma_start3A_166 = arith.constant 0 : i32
          %dma_start3A_167 = tpu.memref_slice %arg13[%dma_start3A_165, %dma_start3A_166] : memref<10112x128xf32, #tpu.memory_space<vmem_shared>> -> memref<10112x128xf32, #tpu.memory_space<vmem_shared>>
          tpu.enqueue_indirect_dma source(%arg9 : memref<40x128xf32, #tpu.memory_space<vmem>>) target(%dma_start3A_167 : memref<10112x128xf32, #tpu.memory_space<vmem_shared>>) offsets(%dma_start3A_164 : memref<40xi32, #tpu.memory_space<vmem>>) semaphore(%run_scoped3A : memref<!tpu.dma_semaphore, #tpu.memory_space<semaphore_mem>>) {add = true}
          %dma_wait3A_168 = arith.constant 0 : i32
          %dma_wait3A_169 = tpu.memref_slice %arg6[%scan3A_26, %dma_wait3A_168] : memref<125x40xi32, #tpu.memory_space<vmem>> -> memref<1x40xi32, #tpu.memory_space<vmem>>
          %dma_wait3A_170 = tpu.memref_squeeze %dma_wait3A_169 : memref<1x40xi32, #tpu.memory_space<vmem>> -> memref<40xi32, #tpu.memory_space<vmem>>
          %dma_wait3A_171 = arith.constant 0 : i32
          %dma_wait3A_172 = arith.constant 0 : i32
          %dma_wait3A_173 = tpu.memref_slice %arg13[%dma_wait3A_171, %dma_wait3A_172] : memref<10112x128xf32, #tpu.memory_space<vmem_shared>> -> memref<10112x128xf32, #tpu.memory_space<vmem_shared>>
          tpu.wait_indirect_dma semaphore(%run_scoped3A : memref<!tpu.dma_semaphore, #tpu.memory_space<semaphore_mem>>) src(%arg9 : memref<40x128xf32, #tpu.memory_space<vmem>>) dst(%dma_wait3A_173 : memref<10112x128xf32, #tpu.memory_space<vmem_shared>>)
          tpu.yield
        }) : () -> ()
      } else {
      }
    }
    %scan3A_20 = arith.constant 125 : i32
    %barrier3A_21 = arith.constant 0 : index
    tpu.barrier barrier_id(%barrier3A_21)
    %mul3A_22 = arith.constant 632 : i32
    %mul3A_23 = arith.muli %arg1, %mul3A_22 : i32
    %mul3A_24 = arith.constant 632 : i32
    %mul3A_25 = arith.muli %arg1, %mul3A_24 : i32
    "tpu.region"() ({
      %run_scoped3A = tpu.sem_alloc : memref<!tpu.dma_semaphore, #tpu.memory_space<semaphore_mem>>
      %dma_start3A_26 = arith.constant 0 : i32
      %dma_start3A_27 = tpu.memref_slice %arg5[%arg0, %mul3A_25, %dma_start3A_26] : memref<2x10112x128xf32, #tpu.memory_space<hbm>> -> memref<1x632x128xf32, #tpu.memory_space<hbm>>
      %dma_start3A_28 = tpu.memref_squeeze %dma_start3A_27 : memref<1x632x128xf32, #tpu.memory_space<hbm>> -> memref<632x128xf32, #tpu.memory_space<hbm>>
      %dma_start3A_29 = arith.constant 0 : i32
      %dma_start3A_30 = tpu.memref_slice %arg13[%mul3A_23, %dma_start3A_29] : memref<10112x128xf32, #tpu.memory_space<vmem_shared>> -> memref<632x128xf32, #tpu.memory_space<vmem_shared>>
      tpu.enqueue_dma source(%dma_start3A_30 : memref<632x128xf32, #tpu.memory_space<vmem_shared>>) target(%dma_start3A_28 : memref<632x128xf32, #tpu.memory_space<hbm>>) target_semaphore(%run_scoped3A : memref<!tpu.dma_semaphore, #tpu.memory_space<semaphore_mem>>)
      %dma_wait3A = arith.constant 0 : i32
      %dma_wait3A_31 = tpu.memref_slice %arg5[%arg0, %mul3A_25, %dma_wait3A] : memref<2x10112x128xf32, #tpu.memory_space<hbm>> -> memref<1x632x128xf32, #tpu.memory_space<hbm>>
      %dma_wait3A_32 = tpu.memref_squeeze %dma_wait3A_31 : memref<1x632x128xf32, #tpu.memory_space<hbm>> -> memref<632x128xf32, #tpu.memory_space<hbm>>
      %dma_wait3A_33 = arith.constant 0 : i32
      %dma_wait3A_34 = tpu.memref_slice %arg13[%mul3A_23, %dma_wait3A_33] : memref<10112x128xf32, #tpu.memory_space<vmem_shared>> -> memref<632x128xf32, #tpu.memory_space<vmem_shared>>
      tpu.wait_dma2 semaphore(%run_scoped3A : memref<!tpu.dma_semaphore, #tpu.memory_space<semaphore_mem>>) src(%dma_wait3A_34 : memref<632x128xf32, #tpu.memory_space<vmem_shared>>) dst(%dma_wait3A_32 : memref<632x128xf32, #tpu.memory_space<hbm>>)
      tpu.yield
    }) : () -> ()
    return
  }
}

module attributes {stable_mosaic.version = 14 : i64} {
  func.func @body(%arg0: i32, %arg1: memref<1000x128xf32, #tpu.memory_space<vmem>>, %arg2: memref<2x1000x128xf32, #tpu.memory_space<vmem>>, %arg3: memref<128x128xf32, #tpu.memory_space<vmem>>, %arg4: memref<128x128xf32, #tpu.memory_space<vmem>>, %arg5: memref<1000x128xf32, #tpu.memory_space<vmem>>) attributes {dimension_semantics = [#tpu.dimension_semantics<arbitrary>], iteration_bounds = array<i64: 10>, scalar_prefetch = 0 : i64, scratch_operands = 0 : i64, tpu.core_type = #tpu.core_type<tc>, window_params = [{transform_indices = @transform_0, window_bounds = array<i64: 1000, 128>}, {transform_indices = @transform_1, window_bounds = array<i64: 2, 1000, 128>}, {pipeline_mode = #tpu.pipeline_mode<synchronous>, transform_indices = @transform_2, window_bounds = array<i64: 128, 128>}, {pipeline_mode = #tpu.pipeline_mode<synchronous>, transform_indices = @transform_3, window_bounds = array<i64: 128, 128>}, {transform_indices = @transform_4, window_bounds = array<i64: 1000, 128>}]} {
    %get3A = arith.constant 0 : index
    %get3A_0 = arith.constant 0 : index
    %get3A_1 = vector.load %arg1[%get3A, %get3A_0] : memref<1000x128xf32, #tpu.memory_space<vmem>>, vector<1000x128xf32>
    %get3A_2 = arith.constant 0 : index
    %get3A_3 = arith.constant 0 : index
    %get3A_4 = vector.load %arg3[%get3A_2, %get3A_3] : memref<128x128xf32, #tpu.memory_space<vmem>>, vector<128x128xf32>
    %convert_element_type3A = arith.truncf %get3A_1 : vector<1000x128xf32> to vector<1000x128xbf16>
    %convert_element_type3A_5 = arith.truncf %get3A_4 : vector<128x128xf32> to vector<128x128xbf16>
    %dot_general3A = arith.constant dense<0.000000e+00> : vector<1000x128xf32>
    %dot_general3A_6 = tpu.matmul %convert_element_type3A, %convert_element_type3A_5, %dot_general3A {dimension_numbers = #tpu.dot_dimension_numbers<[1], [1], [0], [0], [0, 0, 1, 0], [], []>, transpose_lhs_hint = false} : vector<1000x128xbf16>, vector<128x128xbf16>, vector<1000x128xf32> -> vector<1000x128xf32>
    %get3A_7 = arith.constant 0 : index
    %get3A_8 = arith.constant 0 : index
    %get3A_9 = arith.constant 0 : index
    %get3A_10 = vector.load %arg2[%get3A_7, %get3A_8, %get3A_9] : memref<2x1000x128xf32, #tpu.memory_space<vmem>>, vector<1x1000x128xf32>
    %get3A_11 = vector.shape_cast %get3A_10 : vector<1x1000x128xf32> to vector<1000x128xf32>
    %get3A_12 = arith.constant 1 : index
    %get3A_13 = arith.constant 0 : index
    %get3A_14 = arith.constant 0 : index
    %get3A_15 = vector.load %arg2[%get3A_12, %get3A_13, %get3A_14] : memref<2x1000x128xf32, #tpu.memory_space<vmem>>, vector<1x1000x128xf32>
    %get3A_16 = vector.shape_cast %get3A_15 : vector<1x1000x128xf32> to vector<1000x128xf32>
    %add3A = arith.addf %get3A_11, %get3A_16 : vector<1000x128xf32>
    %get3A_17 = arith.constant 0 : index
    %get3A_18 = arith.constant 0 : index
    %get3A_19 = vector.load %arg4[%get3A_17, %get3A_18] : memref<128x128xf32, #tpu.memory_space<vmem>>, vector<128x128xf32>
    %convert_element_type3A_20 = arith.truncf %add3A : vector<1000x128xf32> to vector<1000x128xbf16>
    %convert_element_type3A_21 = arith.truncf %get3A_19 : vector<128x128xf32> to vector<128x128xbf16>
    %dot_general3A_22 = arith.constant dense<0.000000e+00> : vector<1000x128xf32>
    %dot_general3A_23 = tpu.matmul %convert_element_type3A_20, %convert_element_type3A_21, %dot_general3A_22 {dimension_numbers = #tpu.dot_dimension_numbers<[1], [1], [0], [0], [0, 0, 1, 0], [], []>, transpose_lhs_hint = false} : vector<1000x128xbf16>, vector<128x128xbf16>, vector<1000x128xf32> -> vector<1000x128xf32>
    %convert_element_type3A_24 = arith.truncf %dot_general3A_6 : vector<1000x128xf32> to vector<1000x128xbf16>
    %bitcast_convert_type3A = tpu.bitcast %convert_element_type3A_24 : vector<1000x128xbf16> -> vector<1000x128xi16>
    %convert_element_type3A_25 = arith.extui %bitcast_convert_type3A : vector<1000x128xi16> to vector<1000x128xi32>
    %convert_element_type3A_26 = arith.truncf %dot_general3A_23 : vector<1000x128xf32> to vector<1000x128xbf16>
    %bitcast_convert_type3A_27 = tpu.bitcast %convert_element_type3A_26 : vector<1000x128xbf16> -> vector<1000x128xi16>
    %convert_element_type3A_28 = arith.extui %bitcast_convert_type3A_27 : vector<1000x128xi16> to vector<1000x128xi32>
    %shift_left3A = arith.constant 16 : i32
    %shift_left3A_29 = vector.broadcast %shift_left3A : i32 to vector<1000x128xi32>
    %shift_left3A_30 = arith.shli %convert_element_type3A_25, %shift_left3A_29 : vector<1000x128xi32>
    %or3A = arith.ori %shift_left3A_30, %convert_element_type3A_28 : vector<1000x128xi32>
    %bitcast_convert_type3A_31 = tpu.bitcast %or3A : vector<1000x128xi32> -> vector<1000x128xf32>
    %swap3A = arith.constant 0 : index
    %swap3A_32 = arith.constant 0 : index
    %swap3A_33 = vector.load %arg5[%swap3A, %swap3A_32] : memref<1000x128xf32, #tpu.memory_space<vmem>>, vector<1000x128xf32>
    tpu.vector_store %arg5[%swap3A, %swap3A_32], %bitcast_convert_type3A_31 {strides = array<i32>} : memref<1000x128xf32, #tpu.memory_space<vmem>>, vector<1000x128xf32>,
    return
  }
  func.func @transform_0(%arg0: i32) -> (i32, i32) {
    %c0_i32 = arith.constant 0 : i32
    %c0_i32_0 = arith.constant 0 : i32
    return %arg0, %c0_i32 : i32, i32
  }
  func.func @transform_1(%arg0: i32) -> (i32, i32, i32) {
    %c0_i32 = arith.constant 0 : i32
    %c0_i32_0 = arith.constant 0 : i32
    %c0_i32_1 = arith.constant 0 : i32
    return %c0_i32, %arg0, %c0_i32_0 : i32, i32, i32
  }
  func.func @transform_2(%arg0: i32) -> (i32, i32) {
    %c0_i32 = arith.constant 0 : i32
    %c0_i32_0 = arith.constant 0 : i32
    %c0_i32_1 = arith.constant 0 : i32
    return %c0_i32, %c0_i32_0 : i32, i32
  }
  func.func @transform_3(%arg0: i32) -> (i32, i32) {
    %c0_i32 = arith.constant 0 : i32
    %c0_i32_0 = arith.constant 0 : i32
    %c0_i32_1 = arith.constant 0 : i32
    return %c0_i32, %c0_i32_0 : i32, i32
  }
  func.func @transform_4(%arg0: i32) -> (i32, i32) {
    %c0_i32 = arith.constant 0 : i32
    %c0_i32_0 = arith.constant 0 : i32
    return %arg0, %c0_i32 : i32, i32
  }
}

module attributes {stable_mosaic.version = 14 : i64} {
  func.func @body(%arg0: i32, %arg1: memref<2000x128xf32, #tpu.memory_space<vmem>>, %arg2: memref<2000x128xf32, #tpu.memory_space<vmem>>, %arg3: memref<256x128xf32, #tpu.memory_space<vmem>>, %arg4: memref<1x128xf32, #tpu.memory_space<vmem>>, %arg5: memref<128x128xf32, #tpu.memory_space<vmem>>, %arg6: memref<1x128xf32, #tpu.memory_space<vmem>>, %arg7: memref<128x128xf32, #tpu.memory_space<vmem>>, %arg8: memref<1x128xf32, #tpu.memory_space<vmem>>, %arg9: memref<1x128xf32, #tpu.memory_space<vmem>>, %arg10: memref<1x128xf32, #tpu.memory_space<vmem>>, %arg11: memref<1x128xf32, #tpu.memory_space<vmem>>, %arg12: memref<128x128xf32, #tpu.memory_space<vmem>>, %arg13: memref<1x128xf32, #tpu.memory_space<vmem>>, %arg14: memref<128x128xf32, #tpu.memory_space<vmem>>, %arg15: memref<1x128xf32, #tpu.memory_space<vmem>>, %arg16: memref<1x128xf32, #tpu.memory_space<vmem>>, %arg17: memref<1x128xf32, #tpu.memory_space<vmem>>, %arg18: memref<2000x128xf32, #tpu.memory_space<vmem>>, %arg19: memref<2000x128xf32, #tpu.memory_space<vmem>>) attributes {dimension_semantics = [#tpu.dimension_semantics<arbitrary>], iteration_bounds = array<i64: 80>, scalar_prefetch = 0 : i64, scratch_operands = 0 : i64, tpu.core_type = #tpu.core_type<tc>, window_params = [{transform_indices = @transform_0, window_bounds = array<i64: 2000, 128>}, {transform_indices = @transform_1, window_bounds = array<i64: 2000, 128>}, {pipeline_mode = #tpu.pipeline_mode<synchronous>, transform_indices = @transform_2, window_bounds = array<i64: 256, 128>}, {pipeline_mode = #tpu.pipeline_mode<synchronous>, transform_indices = @transform_3, window_bounds = array<i64: 1, 128>}, {pipeline_mode = #tpu.pipeline_mode<synchronous>, transform_indices = @transform_4, window_bounds = array<i64: 128, 128>}, {pipeline_mode = #tpu.pipeline_mode<synchronous>, transform_indices = @transform_5, window_bounds = array<i64: 1, 128>}, {pipeline_mode = #tpu.pipeline_mode<synchronous>, transform_indices = @transform_6, window_bounds = array<i64: 128, 128>}, {pipeline_mode = #tpu.pipeline_mode<synchronous>, transform_indices = @transform_7, window_bounds = array<i64: 1, 128>}, {pipeline_mode = #tpu.pipeline_mode<synchronous>, transform_indices = @transform_8, window_bounds = array<i64: 1, 128>}, {pipeline_mode = #tpu.pipeline_mode<synchronous>, transform_indices = @transform_9, window_bounds = array<i64: 1, 128>}, {pipeline_mode = #tpu.pipeline_mode<synchronous>, transform_indices = @transform_10, window_bounds = array<i64: 1, 128>}, {pipeline_mode = #tpu.pipeline_mode<synchronous>, transform_indices = @transform_11, window_bounds = array<i64: 128, 128>}, {pipeline_mode = #tpu.pipeline_mode<synchronous>, transform_indices = @transform_12, window_bounds = array<i64: 1, 128>}, {pipeline_mode = #tpu.pipeline_mode<synchronous>, transform_indices = @transform_13, window_bounds = array<i64: 128, 128>}, {pipeline_mode = #tpu.pipeline_mode<synchronous>, transform_indices = @transform_14, window_bounds = array<i64: 1, 128>}, {pipeline_mode = #tpu.pipeline_mode<synchronous>, transform_indices = @transform_15, window_bounds = array<i64: 1, 128>}, {pipeline_mode = #tpu.pipeline_mode<synchronous>, transform_indices = @transform_16, window_bounds = array<i64: 1, 128>}, {transform_indices = @transform_17, window_bounds = array<i64: 2000, 128>}, {transform_indices = @transform_18, window_bounds = array<i64: 2000, 128>}]} {
    %get3A = arith.constant 0 : index
    %get3A_0 = arith.constant 0 : index
    %get3A_1 = vector.load %arg2[%get3A, %get3A_0] : memref<2000x128xf32, #tpu.memory_space<vmem>>, vector<2000x128xf32>
    %get3A_2 = arith.constant 0 : index
    %get3A_3 = arith.constant 0 : index
    %get3A_4 = vector.load %arg3[%get3A_2, %get3A_3] : memref<256x128xf32, #tpu.memory_space<vmem>>, vector<256x128xf32>
    %convert_element_type3A = arith.truncf %get3A_1 : vector<2000x128xf32> to vector<2000x128xbf16>
    %convert_element_type3A_5 = arith.truncf %get3A_4 : vector<256x128xf32> to vector<256x128xbf16>
    %dot_general3A = arith.constant dense<0.000000e+00> : vector<2000x256xf32>
    %dot_general3A_6 = tpu.matmul %convert_element_type3A, %convert_element_type3A_5, %dot_general3A {dimension_numbers = #tpu.dot_dimension_numbers<[1], [1], [0], [0], [0, 0, 1, 0], [], []>, transpose_lhs_hint = false} : vector<2000x128xbf16>, vector<256x128xbf16>, vector<2000x256xf32> -> vector<2000x256xf32>
    %get3A_7 = arith.constant 0 : index
    %get3A_8 = arith.constant 0 : index
    %get3A_9 = vector.load %arg1[%get3A_7, %get3A_8] : memref<2000x128xf32, #tpu.memory_space<vmem>>, vector<2000x128xf32>
    %bitcast_convert_type3A = tpu.bitcast %get3A_9 : vector<2000x128xf32> -> vector<2000x128xi32>
    %shift_right_logical3A = arith.constant 16 : i32
    %shift_right_logical3A_10 = vector.broadcast %shift_right_logical3A : i32 to vector<2000x128xi32>
    %shift_right_logical3A_11 = arith.shrui %bitcast_convert_type3A, %shift_right_logical3A_10 : vector<2000x128xi32>
    %convert_element_type3A_12 = arith.trunci %shift_right_logical3A_11 : vector<2000x128xi32> to vector<2000x128xi16>
    %bitcast_convert_type3A_13 = tpu.bitcast %convert_element_type3A_12 : vector<2000x128xi16> -> vector<2000x128xbf16>
    %convert_element_type3A_14 = arith.extf %bitcast_convert_type3A_13 : vector<2000x128xbf16> to vector<2000x128xf32>
    %convert_element_type3A_15 = arith.trunci %bitcast_convert_type3A : vector<2000x128xi32> to vector<2000x128xi16>
    %bitcast_convert_type3A_16 = tpu.bitcast %convert_element_type3A_15 : vector<2000x128xi16> -> vector<2000x128xbf16>
    %convert_element_type3A_17 = arith.extf %bitcast_convert_type3A_16 : vector<2000x128xbf16> to vector<2000x128xf32>
    %slice3A = vector.extract_strided_slice %dot_general3A_6 {offsets = [0, 0], sizes = [2000, 128], strides = [1, 1]} : vector<2000x256xf32> to vector<2000x128xf32>
    %add3A = arith.addf %convert_element_type3A_14, %slice3A : vector<2000x128xf32>
    %get3A_18 = arith.constant 0 : index
    %get3A_19 = arith.constant 0 : index
    %get3A_20 = vector.load %arg4[%get3A_18, %get3A_19] : memref<1x128xf32, #tpu.memory_space<vmem>>, vector<1x128xf32>
    %add3A_21 = vector.broadcast %get3A_20 : vector<1x128xf32> to vector<2000x128xf32>
    %add3A_22 = arith.addf %add3A, %add3A_21 : vector<2000x128xf32>
    %max3A = arith.constant 0.000000e+00 : f32
    %max3A_23 = vector.broadcast %max3A : f32 to vector<2000x128xf32>
    %max3A_24 = arith.maximumf %add3A_22, %max3A_23 : vector<2000x128xf32>
    %get3A_25 = arith.constant 0 : index
    %get3A_26 = arith.constant 0 : index
    %get3A_27 = vector.load %arg5[%get3A_25, %get3A_26] : memref<128x128xf32, #tpu.memory_space<vmem>>, vector<128x128xf32>
    %convert_element_type3A_28 = arith.truncf %max3A_24 : vector<2000x128xf32> to vector<2000x128xbf16>
    %convert_element_type3A_29 = arith.truncf %get3A_27 : vector<128x128xf32> to vector<128x128xbf16>
    %dot_general3A_30 = arith.constant dense<0.000000e+00> : vector<2000x128xf32>
    %dot_general3A_31 = tpu.matmul %convert_element_type3A_28, %convert_element_type3A_29, %dot_general3A_30 {dimension_numbers = #tpu.dot_dimension_numbers<[1], [1], [0], [0], [0, 0, 1, 0], [], []>, transpose_lhs_hint = false} : vector<2000x128xbf16>, vector<128x128xbf16>, vector<2000x128xf32> -> vector<2000x128xf32>
    %get3A_32 = arith.constant 0 : index
    %get3A_33 = arith.constant 0 : index
    %get3A_34 = vector.load %arg6[%get3A_32, %get3A_33] : memref<1x128xf32, #tpu.memory_space<vmem>>, vector<1x128xf32>
    %add3A_35 = vector.broadcast %get3A_34 : vector<1x128xf32> to vector<2000x128xf32>
    %add3A_36 = arith.addf %dot_general3A_31, %add3A_35 : vector<2000x128xf32>
    %max3A_37 = arith.constant 0.000000e+00 : f32
    %max3A_38 = vector.broadcast %max3A_37 : f32 to vector<2000x128xf32>
    %max3A_39 = arith.maximumf %add3A_36, %max3A_38 : vector<2000x128xf32>
    %get3A_40 = arith.constant 0 : index
    %get3A_41 = arith.constant 0 : index
    %get3A_42 = vector.load %arg7[%get3A_40, %get3A_41] : memref<128x128xf32, #tpu.memory_space<vmem>>, vector<128x128xf32>
    %convert_element_type3A_43 = arith.truncf %max3A_39 : vector<2000x128xf32> to vector<2000x128xbf16>
    %convert_element_type3A_44 = arith.truncf %get3A_42 : vector<128x128xf32> to vector<128x128xbf16>
    %dot_general3A_45 = arith.constant dense<0.000000e+00> : vector<2000x128xf32>
    %dot_general3A_46 = tpu.matmul %convert_element_type3A_43, %convert_element_type3A_44, %dot_general3A_45 {dimension_numbers = #tpu.dot_dimension_numbers<[1], [1], [0], [0], [0, 0, 1, 0], [], []>, transpose_lhs_hint = false} : vector<2000x128xbf16>, vector<128x128xbf16>, vector<2000x128xf32> -> vector<2000x128xf32>
    %get3A_47 = arith.constant 0 : index
    %get3A_48 = arith.constant 0 : index
    %get3A_49 = vector.load %arg8[%get3A_47, %get3A_48] : memref<1x128xf32, #tpu.memory_space<vmem>>, vector<1x128xf32>
    %add3A_50 = vector.broadcast %get3A_49 : vector<1x128xf32> to vector<2000x128xf32>
    %add3A_51 = arith.addf %dot_general3A_46, %add3A_50 : vector<2000x128xf32>
    %get3A_52 = arith.constant 0 : index
    %get3A_53 = arith.constant 0 : index
    %get3A_54 = vector.load %arg9[%get3A_52, %get3A_53] : memref<1x128xf32, #tpu.memory_space<vmem>>, vector<1x128xf32>
    %get3A_55 = arith.constant 0 : index
    %get3A_56 = arith.constant 0 : index
    %get3A_57 = vector.load %arg10[%get3A_55, %get3A_56] : memref<1x128xf32, #tpu.memory_space<vmem>>, vector<1x128xf32>
    %reduce_sum3A = arith.constant dense<0.000000e+00> : vector<2000xf32>
    %reduce_sum3A_58 = vector.multi_reduction <add>, %add3A_51, %reduce_sum3A [1] : vector<2000x128xf32> to vector<2000xf32>
    %broadcast_in_dim3A = vector.shape_cast %reduce_sum3A_58 : vector<2000xf32> to vector<2000x1xf32>
    %div3A = arith.constant 1.280000e+02 : f32
    %div3A_59 = vector.broadcast %div3A : f32 to vector<2000x1xf32>
    %div3A_60 = arith.divf %broadcast_in_dim3A, %div3A_59 : vector<2000x1xf32>
    %sub3A = vector.broadcast %div3A_60 : vector<2000x1xf32> to vector<2000x128xf32>
    %sub3A_61 = arith.subf %add3A_51, %sub3A : vector<2000x128xf32>
    %mul3A = arith.mulf %sub3A_61, %sub3A_61 : vector<2000x128xf32>
    %reduce_sum3A_62 = arith.constant dense<0.000000e+00> : vector<2000xf32>
    %reduce_sum3A_63 = vector.multi_reduction <add>, %mul3A, %reduce_sum3A_62 [1] : vector<2000x128xf32> to vector<2000xf32>
    %broadcast_in_dim3A_64 = vector.shape_cast %reduce_sum3A_63 : vector<2000xf32> to vector<2000x1xf32>
    %div3A_65 = arith.constant 1.280000e+02 : f32
    %div3A_66 = vector.broadcast %div3A_65 : f32 to vector<2000x1xf32>
    %div3A_67 = arith.divf %broadcast_in_dim3A_64, %div3A_66 : vector<2000x1xf32>
    %add3A_68 = arith.constant 9.99999974E-6 : f32
    %add3A_69 = vector.broadcast %add3A_68 : f32 to vector<2000x1xf32>
    %add3A_70 = arith.addf %div3A_67, %add3A_69 : vector<2000x1xf32>
    %rsqrt3A = math.rsqrt %add3A_70 : vector<2000x1xf32>
    %mul3A_71 = vector.broadcast %rsqrt3A : vector<2000x1xf32> to vector<2000x128xf32>
    %mul3A_72 = arith.mulf %sub3A_61, %mul3A_71 : vector<2000x128xf32>
    %mul3A_73 = vector.broadcast %get3A_54 : vector<1x128xf32> to vector<2000x128xf32>
    %mul3A_74 = arith.mulf %mul3A_72, %mul3A_73 : vector<2000x128xf32>
    %add3A_75 = vector.broadcast %get3A_57 : vector<1x128xf32> to vector<2000x128xf32>
    %add3A_76 = arith.addf %mul3A_74, %add3A_75 : vector<2000x128xf32>
    %swap3A = arith.constant 0 : index
    %swap3A_77 = arith.constant 0 : index
    %swap3A_78 = vector.load %arg18[%swap3A, %swap3A_77] : memref<2000x128xf32, #tpu.memory_space<vmem>>, vector<2000x128xf32>
    tpu.vector_store %arg18[%swap3A, %swap3A_77], %add3A_76 {strides = array<i32>} : memref<2000x128xf32, #tpu.memory_space<vmem>>, vector<2000x128xf32>,
    %slice3A_79 = vector.extract_strided_slice %dot_general3A_6 {offsets = [0, 128], sizes = [2000, 128], strides = [1, 1]} : vector<2000x256xf32> to vector<2000x128xf32>
    %add3A_80 = arith.addf %convert_element_type3A_17, %slice3A_79 : vector<2000x128xf32>
    %get3A_81 = arith.constant 0 : index
    %get3A_82 = arith.constant 0 : index
    %get3A_83 = vector.load %arg11[%get3A_81, %get3A_82] : memref<1x128xf32, #tpu.memory_space<vmem>>, vector<1x128xf32>
    %add3A_84 = vector.broadcast %get3A_83 : vector<1x128xf32> to vector<2000x128xf32>
    %add3A_85 = arith.addf %add3A_80, %add3A_84 : vector<2000x128xf32>
    %max3A_86 = arith.constant 0.000000e+00 : f32
    %max3A_87 = vector.broadcast %max3A_86 : f32 to vector<2000x128xf32>
    %max3A_88 = arith.maximumf %add3A_85, %max3A_87 : vector<2000x128xf32>
    %get3A_89 = arith.constant 0 : index
    %get3A_90 = arith.constant 0 : index
    %get3A_91 = vector.load %arg12[%get3A_89, %get3A_90] : memref<128x128xf32, #tpu.memory_space<vmem>>, vector<128x128xf32>
    %convert_element_type3A_92 = arith.truncf %max3A_88 : vector<2000x128xf32> to vector<2000x128xbf16>
    %convert_element_type3A_93 = arith.truncf %get3A_91 : vector<128x128xf32> to vector<128x128xbf16>
    %dot_general3A_94 = arith.constant dense<0.000000e+00> : vector<2000x128xf32>
    %dot_general3A_95 = tpu.matmul %convert_element_type3A_92, %convert_element_type3A_93, %dot_general3A_94 {dimension_numbers = #tpu.dot_dimension_numbers<[1], [1], [0], [0], [0, 0, 1, 0], [], []>, transpose_lhs_hint = false} : vector<2000x128xbf16>, vector<128x128xbf16>, vector<2000x128xf32> -> vector<2000x128xf32>
    %get3A_96 = arith.constant 0 : index
    %get3A_97 = arith.constant 0 : index
    %get3A_98 = vector.load %arg13[%get3A_96, %get3A_97] : memref<1x128xf32, #tpu.memory_space<vmem>>, vector<1x128xf32>
    %add3A_99 = vector.broadcast %get3A_98 : vector<1x128xf32> to vector<2000x128xf32>
    %add3A_100 = arith.addf %dot_general3A_95, %add3A_99 : vector<2000x128xf32>
    %max3A_101 = arith.constant 0.000000e+00 : f32
    %max3A_102 = vector.broadcast %max3A_101 : f32 to vector<2000x128xf32>
    %max3A_103 = arith.maximumf %add3A_100, %max3A_102 : vector<2000x128xf32>
    %get3A_104 = arith.constant 0 : index
    %get3A_105 = arith.constant 0 : index
    %get3A_106 = vector.load %arg14[%get3A_104, %get3A_105] : memref<128x128xf32, #tpu.memory_space<vmem>>, vector<128x128xf32>
    %convert_element_type3A_107 = arith.truncf %max3A_103 : vector<2000x128xf32> to vector<2000x128xbf16>
    %convert_element_type3A_108 = arith.truncf %get3A_106 : vector<128x128xf32> to vector<128x128xbf16>
    %dot_general3A_109 = arith.constant dense<0.000000e+00> : vector<2000x128xf32>
    %dot_general3A_110 = tpu.matmul %convert_element_type3A_107, %convert_element_type3A_108, %dot_general3A_109 {dimension_numbers = #tpu.dot_dimension_numbers<[1], [1], [0], [0], [0, 0, 1, 0], [], []>, transpose_lhs_hint = false} : vector<2000x128xbf16>, vector<128x128xbf16>, vector<2000x128xf32> -> vector<2000x128xf32>
    %get3A_111 = arith.constant 0 : index
    %get3A_112 = arith.constant 0 : index
    %get3A_113 = vector.load %arg15[%get3A_111, %get3A_112] : memref<1x128xf32, #tpu.memory_space<vmem>>, vector<1x128xf32>
    %add3A_114 = vector.broadcast %get3A_113 : vector<1x128xf32> to vector<2000x128xf32>
    %add3A_115 = arith.addf %dot_general3A_110, %add3A_114 : vector<2000x128xf32>
    %get3A_116 = arith.constant 0 : index
    %get3A_117 = arith.constant 0 : index
    %get3A_118 = vector.load %arg16[%get3A_116, %get3A_117] : memref<1x128xf32, #tpu.memory_space<vmem>>, vector<1x128xf32>
    %get3A_119 = arith.constant 0 : index
    %get3A_120 = arith.constant 0 : index
    %get3A_121 = vector.load %arg17[%get3A_119, %get3A_120] : memref<1x128xf32, #tpu.memory_space<vmem>>, vector<1x128xf32>
    %reduce_sum3A_122 = arith.constant dense<0.000000e+00> : vector<2000xf32>
    %reduce_sum3A_123 = vector.multi_reduction <add>, %add3A_115, %reduce_sum3A_122 [1] : vector<2000x128xf32> to vector<2000xf32>
    %broadcast_in_dim3A_124 = vector.shape_cast %reduce_sum3A_123 : vector<2000xf32> to vector<2000x1xf32>
    %div3A_125 = arith.constant 1.280000e+02 : f32
    %div3A_126 = vector.broadcast %div3A_125 : f32 to vector<2000x1xf32>
    %div3A_127 = arith.divf %broadcast_in_dim3A_124, %div3A_126 : vector<2000x1xf32>
    %sub3A_128 = vector.broadcast %div3A_127 : vector<2000x1xf32> to vector<2000x128xf32>
    %sub3A_129 = arith.subf %add3A_115, %sub3A_128 : vector<2000x128xf32>
    %mul3A_130 = arith.mulf %sub3A_129, %sub3A_129 : vector<2000x128xf32>
    %reduce_sum3A_131 = arith.constant dense<0.000000e+00> : vector<2000xf32>
    %reduce_sum3A_132 = vector.multi_reduction <add>, %mul3A_130, %reduce_sum3A_131 [1] : vector<2000x128xf32> to vector<2000xf32>
    %broadcast_in_dim3A_133 = vector.shape_cast %reduce_sum3A_132 : vector<2000xf32> to vector<2000x1xf32>
    %div3A_134 = arith.constant 1.280000e+02 : f32
    %div3A_135 = vector.broadcast %div3A_134 : f32 to vector<2000x1xf32>
    %div3A_136 = arith.divf %broadcast_in_dim3A_133, %div3A_135 : vector<2000x1xf32>
    %add3A_137 = arith.constant 9.99999974E-6 : f32
    %add3A_138 = vector.broadcast %add3A_137 : f32 to vector<2000x1xf32>
    %add3A_139 = arith.addf %div3A_136, %add3A_138 : vector<2000x1xf32>
    %rsqrt3A_140 = math.rsqrt %add3A_139 : vector<2000x1xf32>
    %mul3A_141 = vector.broadcast %rsqrt3A_140 : vector<2000x1xf32> to vector<2000x128xf32>
    %mul3A_142 = arith.mulf %sub3A_129, %mul3A_141 : vector<2000x128xf32>
    %mul3A_143 = vector.broadcast %get3A_118 : vector<1x128xf32> to vector<2000x128xf32>
    %mul3A_144 = arith.mulf %mul3A_142, %mul3A_143 : vector<2000x128xf32>
    %add3A_145 = vector.broadcast %get3A_121 : vector<1x128xf32> to vector<2000x128xf32>
    %add3A_146 = arith.addf %mul3A_144, %add3A_145 : vector<2000x128xf32>
    %add3A_147 = arith.addf %get3A_1, %add3A_146 : vector<2000x128xf32>
    %swap3A_148 = arith.constant 0 : index
    %swap3A_149 = arith.constant 0 : index
    %swap3A_150 = vector.load %arg19[%swap3A_148, %swap3A_149] : memref<2000x128xf32, #tpu.memory_space<vmem>>, vector<2000x128xf32>
    tpu.vector_store %arg19[%swap3A_148, %swap3A_149], %add3A_147 {strides = array<i32>} : memref<2000x128xf32, #tpu.memory_space<vmem>>, vector<2000x128xf32>,
    return
  }
  func.func @transform_0(%arg0: i32) -> (i32, i32) {
    %c0_i32 = arith.constant 0 : i32
    %c0_i32_0 = arith.constant 0 : i32
    return %arg0, %c0_i32 : i32, i32
  }
  func.func @transform_1(%arg0: i32) -> (i32, i32) {
    %add3A = arith.constant 0 : i32
    %add3A_0 = arith.addi %arg0, %add3A : i32
    %c0_i32 = arith.constant 0 : i32
    %c0_i32_1 = arith.constant 0 : i32
    return %add3A_0, %c0_i32 : i32, i32
  }
  func.func @transform_2(%arg0: i32) -> (i32, i32) {
    %c0_i32 = arith.constant 0 : i32
    %c0_i32_0 = arith.constant 0 : i32
    %c0_i32_1 = arith.constant 0 : i32
    return %c0_i32, %c0_i32_0 : i32, i32
  }
  func.func @transform_3(%arg0: i32) -> (i32, i32) {
    %c0_i32 = arith.constant 0 : i32
    %c0_i32_0 = arith.constant 0 : i32
    %c0_i32_1 = arith.constant 0 : i32
    return %c0_i32, %c0_i32_0 : i32, i32
  }
  func.func @transform_4(%arg0: i32) -> (i32, i32) {
    %c0_i32 = arith.constant 0 : i32
    %c0_i32_0 = arith.constant 0 : i32
    %c0_i32_1 = arith.constant 0 : i32
    return %c0_i32, %c0_i32_0 : i32, i32
  }
  func.func @transform_5(%arg0: i32) -> (i32, i32) {
    %c0_i32 = arith.constant 0 : i32
    %c0_i32_0 = arith.constant 0 : i32
    %c0_i32_1 = arith.constant 0 : i32
    return %c0_i32, %c0_i32_0 : i32, i32
  }
  func.func @transform_6(%arg0: i32) -> (i32, i32) {
    %c0_i32 = arith.constant 0 : i32
    %c0_i32_0 = arith.constant 0 : i32
    %c0_i32_1 = arith.constant 0 : i32
    return %c0_i32, %c0_i32_0 : i32, i32
  }
  func.func @transform_7(%arg0: i32) -> (i32, i32) {
    %c0_i32 = arith.constant 0 : i32
    %c0_i32_0 = arith.constant 0 : i32
    %c0_i32_1 = arith.constant 0 : i32
    return %c0_i32, %c0_i32_0 : i32, i32
  }
  func.func @transform_8(%arg0: i32) -> (i32, i32) {
    %c0_i32 = arith.constant 0 : i32
    %c0_i32_0 = arith.constant 0 : i32
    %c0_i32_1 = arith.constant 0 : i32
    return %c0_i32, %c0_i32_0 : i32, i32
  }
  func.func @transform_9(%arg0: i32) -> (i32, i32) {
    %c0_i32 = arith.constant 0 : i32
    %c0_i32_0 = arith.constant 0 : i32
    %c0_i32_1 = arith.constant 0 : i32
    return %c0_i32, %c0_i32_0 : i32, i32
  }
  func.func @transform_10(%arg0: i32) -> (i32, i32) {
    %c0_i32 = arith.constant 0 : i32
    %c0_i32_0 = arith.constant 0 : i32
    %c0_i32_1 = arith.constant 0 : i32
    return %c0_i32, %c0_i32_0 : i32, i32
  }
  func.func @transform_11(%arg0: i32) -> (i32, i32) {
    %c0_i32 = arith.constant 0 : i32
    %c0_i32_0 = arith.constant 0 : i32
    %c0_i32_1 = arith.constant 0 : i32
    return %c0_i32, %c0_i32_0 : i32, i32
  }
  func.func @transform_12(%arg0: i32) -> (i32, i32) {
    %c0_i32 = arith.constant 0 : i32
    %c0_i32_0 = arith.constant 0 : i32
    %c0_i32_1 = arith.constant 0 : i32
    return %c0_i32, %c0_i32_0 : i32, i32
  }
  func.func @transform_13(%arg0: i32) -> (i32, i32) {
    %c0_i32 = arith.constant 0 : i32
    %c0_i32_0 = arith.constant 0 : i32
    %c0_i32_1 = arith.constant 0 : i32
    return %c0_i32, %c0_i32_0 : i32, i32
  }
  func.func @transform_14(%arg0: i32) -> (i32, i32) {
    %c0_i32 = arith.constant 0 : i32
    %c0_i32_0 = arith.constant 0 : i32
    %c0_i32_1 = arith.constant 0 : i32
    return %c0_i32, %c0_i32_0 : i32, i32
  }
  func.func @transform_15(%arg0: i32) -> (i32, i32) {
    %c0_i32 = arith.constant 0 : i32
    %c0_i32_0 = arith.constant 0 : i32
    %c0_i32_1 = arith.constant 0 : i32
    return %c0_i32, %c0_i32_0 : i32, i32
  }
  func.func @transform_16(%arg0: i32) -> (i32, i32) {
    %c0_i32 = arith.constant 0 : i32
    %c0_i32_0 = arith.constant 0 : i32
    %c0_i32_1 = arith.constant 0 : i32
    return %c0_i32, %c0_i32_0 : i32, i32
  }
  func.func @transform_17(%arg0: i32) -> (i32, i32) {
    %c0_i32 = arith.constant 0 : i32
    %c0_i32_0 = arith.constant 0 : i32
    return %arg0, %c0_i32 : i32, i32
  }
  func.func @transform_18(%arg0: i32) -> (i32, i32) {
    %add3A = arith.constant 0 : i32
    %add3A_0 = arith.addi %arg0, %add3A : i32
    %c0_i32 = arith.constant 0 : i32
    %c0_i32_1 = arith.constant 0 : i32
    return %add3A_0, %c0_i32 : i32, i32
  }
}

module attributes {stable_mosaic.version = 14 : i64} {
  func.func @body(%arg0: i32, %arg1: memref<2000x128xf32, #tpu.memory_space<vmem>>, %arg2: memref<2000x128xf32, #tpu.memory_space<vmem>>, %arg3: memref<256x128xf32, #tpu.memory_space<vmem>>, %arg4: memref<1x128xf32, #tpu.memory_space<vmem>>, %arg5: memref<128x128xf32, #tpu.memory_space<vmem>>, %arg6: memref<1x128xf32, #tpu.memory_space<vmem>>, %arg7: memref<128x128xf32, #tpu.memory_space<vmem>>, %arg8: memref<1x128xf32, #tpu.memory_space<vmem>>, %arg9: memref<1x128xf32, #tpu.memory_space<vmem>>, %arg10: memref<1x128xf32, #tpu.memory_space<vmem>>, %arg11: memref<1x128xf32, #tpu.memory_space<vmem>>, %arg12: memref<128x128xf32, #tpu.memory_space<vmem>>, %arg13: memref<1x128xf32, #tpu.memory_space<vmem>>, %arg14: memref<128x128xf32, #tpu.memory_space<vmem>>, %arg15: memref<1x128xf32, #tpu.memory_space<vmem>>, %arg16: memref<1x128xf32, #tpu.memory_space<vmem>>, %arg17: memref<1x128xf32, #tpu.memory_space<vmem>>, %arg18: memref<320000x128xf32, #tpu.memory_space<any>>, %arg19: memref<2000x128xf32, #tpu.memory_space<vmem>>, %arg20: memref<2000x128xf32, #tpu.memory_space<vmem>>) attributes {dimension_semantics = [#tpu.dimension_semantics<arbitrary>], iteration_bounds = array<i64: 80>, scalar_prefetch = 0 : i64, scratch_operands = 0 : i64, tpu.core_type = #tpu.core_type<tc>, window_params = [{transform_indices = @transform_0, window_bounds = array<i64: 2000, 128>}, {transform_indices = @transform_1, window_bounds = array<i64: 2000, 128>}, {pipeline_mode = #tpu.pipeline_mode<synchronous>, transform_indices = @transform_2, window_bounds = array<i64: 256, 128>}, {pipeline_mode = #tpu.pipeline_mode<synchronous>, transform_indices = @transform_3, window_bounds = array<i64: 1, 128>}, {pipeline_mode = #tpu.pipeline_mode<synchronous>, transform_indices = @transform_4, window_bounds = array<i64: 128, 128>}, {pipeline_mode = #tpu.pipeline_mode<synchronous>, transform_indices = @transform_5, window_bounds = array<i64: 1, 128>}, {pipeline_mode = #tpu.pipeline_mode<synchronous>, transform_indices = @transform_6, window_bounds = array<i64: 128, 128>}, {pipeline_mode = #tpu.pipeline_mode<synchronous>, transform_indices = @transform_7, window_bounds = array<i64: 1, 128>}, {pipeline_mode = #tpu.pipeline_mode<synchronous>, transform_indices = @transform_8, window_bounds = array<i64: 1, 128>}, {pipeline_mode = #tpu.pipeline_mode<synchronous>, transform_indices = @transform_9, window_bounds = array<i64: 1, 128>}, {pipeline_mode = #tpu.pipeline_mode<synchronous>, transform_indices = @transform_10, window_bounds = array<i64: 1, 128>}, {pipeline_mode = #tpu.pipeline_mode<synchronous>, transform_indices = @transform_11, window_bounds = array<i64: 128, 128>}, {pipeline_mode = #tpu.pipeline_mode<synchronous>, transform_indices = @transform_12, window_bounds = array<i64: 1, 128>}, {pipeline_mode = #tpu.pipeline_mode<synchronous>, transform_indices = @transform_13, window_bounds = array<i64: 128, 128>}, {pipeline_mode = #tpu.pipeline_mode<synchronous>, transform_indices = @transform_14, window_bounds = array<i64: 1, 128>}, {pipeline_mode = #tpu.pipeline_mode<synchronous>, transform_indices = @transform_15, window_bounds = array<i64: 1, 128>}, {pipeline_mode = #tpu.pipeline_mode<synchronous>, transform_indices = @transform_16, window_bounds = array<i64: 1, 128>}, {}, {transform_indices = @transform_18, window_bounds = array<i64: 2000, 128>}, {transform_indices = @transform_19, window_bounds = array<i64: 2000, 128>}]} {
    %get3A = arith.constant 0 : index
    %get3A_0 = arith.constant 0 : index
    %get3A_1 = vector.load %arg2[%get3A, %get3A_0] : memref<2000x128xf32, #tpu.memory_space<vmem>>, vector<2000x128xf32>
    %get3A_2 = arith.constant 0 : index
    %get3A_3 = arith.constant 0 : index
    %get3A_4 = vector.load %arg3[%get3A_2, %get3A_3] : memref<256x128xf32, #tpu.memory_space<vmem>>, vector<256x128xf32>
    %convert_element_type3A = arith.truncf %get3A_1 : vector<2000x128xf32> to vector<2000x128xbf16>
    %convert_element_type3A_5 = arith.truncf %get3A_4 : vector<256x128xf32> to vector<256x128xbf16>
    %dot_general3A = arith.constant dense<0.000000e+00> : vector<2000x256xf32>
    %dot_general3A_6 = tpu.matmul %convert_element_type3A, %convert_element_type3A_5, %dot_general3A {dimension_numbers = #tpu.dot_dimension_numbers<[1], [1], [0], [0], [0, 0, 1, 0], [], []>, transpose_lhs_hint = false} : vector<2000x128xbf16>, vector<256x128xbf16>, vector<2000x256xf32> -> vector<2000x256xf32>
    %get3A_7 = arith.constant 0 : index
    %get3A_8 = arith.constant 0 : index
    %get3A_9 = vector.load %arg1[%get3A_7, %get3A_8] : memref<2000x128xf32, #tpu.memory_space<vmem>>, vector<2000x128xf32>
    %bitcast_convert_type3A = tpu.bitcast %get3A_9 : vector<2000x128xf32> -> vector<2000x128xi32>
    %shift_right_logical3A = arith.constant 16 : i32
    %shift_right_logical3A_10 = vector.broadcast %shift_right_logical3A : i32 to vector<2000x128xi32>
    %shift_right_logical3A_11 = arith.shrui %bitcast_convert_type3A, %shift_right_logical3A_10 : vector<2000x128xi32>
    %convert_element_type3A_12 = arith.trunci %shift_right_logical3A_11 : vector<2000x128xi32> to vector<2000x128xi16>
    %bitcast_convert_type3A_13 = tpu.bitcast %convert_element_type3A_12 : vector<2000x128xi16> -> vector<2000x128xbf16>
    %convert_element_type3A_14 = arith.extf %bitcast_convert_type3A_13 : vector<2000x128xbf16> to vector<2000x128xf32>
    %convert_element_type3A_15 = arith.trunci %bitcast_convert_type3A : vector<2000x128xi32> to vector<2000x128xi16>
    %bitcast_convert_type3A_16 = tpu.bitcast %convert_element_type3A_15 : vector<2000x128xi16> -> vector<2000x128xbf16>
    %convert_element_type3A_17 = arith.extf %bitcast_convert_type3A_16 : vector<2000x128xbf16> to vector<2000x128xf32>
    %slice3A = vector.extract_strided_slice %dot_general3A_6 {offsets = [0, 0], sizes = [2000, 128], strides = [1, 1]} : vector<2000x256xf32> to vector<2000x128xf32>
    %add3A = arith.addf %convert_element_type3A_14, %slice3A : vector<2000x128xf32>
    %get3A_18 = arith.constant 0 : index
    %get3A_19 = arith.constant 0 : index
    %get3A_20 = vector.load %arg4[%get3A_18, %get3A_19] : memref<1x128xf32, #tpu.memory_space<vmem>>, vector<1x128xf32>
    %add3A_21 = vector.broadcast %get3A_20 : vector<1x128xf32> to vector<2000x128xf32>
    %add3A_22 = arith.addf %add3A, %add3A_21 : vector<2000x128xf32>
    %max3A = arith.constant 0.000000e+00 : f32
    %max3A_23 = vector.broadcast %max3A : f32 to vector<2000x128xf32>
    %max3A_24 = arith.maximumf %add3A_22, %max3A_23 : vector<2000x128xf32>
    %get3A_25 = arith.constant 0 : index
    %get3A_26 = arith.constant 0 : index
    %get3A_27 = vector.load %arg5[%get3A_25, %get3A_26] : memref<128x128xf32, #tpu.memory_space<vmem>>, vector<128x128xf32>
    %convert_element_type3A_28 = arith.truncf %max3A_24 : vector<2000x128xf32> to vector<2000x128xbf16>
    %convert_element_type3A_29 = arith.truncf %get3A_27 : vector<128x128xf32> to vector<128x128xbf16>
    %dot_general3A_30 = arith.constant dense<0.000000e+00> : vector<2000x128xf32>
    %dot_general3A_31 = tpu.matmul %convert_element_type3A_28, %convert_element_type3A_29, %dot_general3A_30 {dimension_numbers = #tpu.dot_dimension_numbers<[1], [1], [0], [0], [0, 0, 1, 0], [], []>, transpose_lhs_hint = false} : vector<2000x128xbf16>, vector<128x128xbf16>, vector<2000x128xf32> -> vector<2000x128xf32>
    %get3A_32 = arith.constant 0 : index
    %get3A_33 = arith.constant 0 : index
    %get3A_34 = vector.load %arg6[%get3A_32, %get3A_33] : memref<1x128xf32, #tpu.memory_space<vmem>>, vector<1x128xf32>
    %add3A_35 = vector.broadcast %get3A_34 : vector<1x128xf32> to vector<2000x128xf32>
    %add3A_36 = arith.addf %dot_general3A_31, %add3A_35 : vector<2000x128xf32>
    %max3A_37 = arith.constant 0.000000e+00 : f32
    %max3A_38 = vector.broadcast %max3A_37 : f32 to vector<2000x128xf32>
    %max3A_39 = arith.maximumf %add3A_36, %max3A_38 : vector<2000x128xf32>
    %get3A_40 = arith.constant 0 : index
    %get3A_41 = arith.constant 0 : index
    %get3A_42 = vector.load %arg7[%get3A_40, %get3A_41] : memref<128x128xf32, #tpu.memory_space<vmem>>, vector<128x128xf32>
    %convert_element_type3A_43 = arith.truncf %max3A_39 : vector<2000x128xf32> to vector<2000x128xbf16>
    %convert_element_type3A_44 = arith.truncf %get3A_42 : vector<128x128xf32> to vector<128x128xbf16>
    %dot_general3A_45 = arith.constant dense<0.000000e+00> : vector<2000x128xf32>
    %dot_general3A_46 = tpu.matmul %convert_element_type3A_43, %convert_element_type3A_44, %dot_general3A_45 {dimension_numbers = #tpu.dot_dimension_numbers<[1], [1], [0], [0], [0, 0, 1, 0], [], []>, transpose_lhs_hint = false} : vector<2000x128xbf16>, vector<128x128xbf16>, vector<2000x128xf32> -> vector<2000x128xf32>
    %get3A_47 = arith.constant 0 : index
    %get3A_48 = arith.constant 0 : index
    %get3A_49 = vector.load %arg8[%get3A_47, %get3A_48] : memref<1x128xf32, #tpu.memory_space<vmem>>, vector<1x128xf32>
    %add3A_50 = vector.broadcast %get3A_49 : vector<1x128xf32> to vector<2000x128xf32>
    %add3A_51 = arith.addf %dot_general3A_46, %add3A_50 : vector<2000x128xf32>
    %get3A_52 = arith.constant 0 : index
    %get3A_53 = arith.constant 0 : index
    %get3A_54 = vector.load %arg9[%get3A_52, %get3A_53] : memref<1x128xf32, #tpu.memory_space<vmem>>, vector<1x128xf32>
    %get3A_55 = arith.constant 0 : index
    %get3A_56 = arith.constant 0 : index
    %get3A_57 = vector.load %arg10[%get3A_55, %get3A_56] : memref<1x128xf32, #tpu.memory_space<vmem>>, vector<1x128xf32>
    %reduce_sum3A = arith.constant dense<0.000000e+00> : vector<2000xf32>
    %reduce_sum3A_58 = vector.multi_reduction <add>, %add3A_51, %reduce_sum3A [1] : vector<2000x128xf32> to vector<2000xf32>
    %broadcast_in_dim3A = vector.shape_cast %reduce_sum3A_58 : vector<2000xf32> to vector<2000x1xf32>
    %div3A = arith.constant 1.280000e+02 : f32
    %div3A_59 = vector.broadcast %div3A : f32 to vector<2000x1xf32>
    %div3A_60 = arith.divf %broadcast_in_dim3A, %div3A_59 : vector<2000x1xf32>
    %sub3A = vector.broadcast %div3A_60 : vector<2000x1xf32> to vector<2000x128xf32>
    %sub3A_61 = arith.subf %add3A_51, %sub3A : vector<2000x128xf32>
    %mul3A = arith.mulf %sub3A_61, %sub3A_61 : vector<2000x128xf32>
    %reduce_sum3A_62 = arith.constant dense<0.000000e+00> : vector<2000xf32>
    %reduce_sum3A_63 = vector.multi_reduction <add>, %mul3A, %reduce_sum3A_62 [1] : vector<2000x128xf32> to vector<2000xf32>
    %broadcast_in_dim3A_64 = vector.shape_cast %reduce_sum3A_63 : vector<2000xf32> to vector<2000x1xf32>
    %div3A_65 = arith.constant 1.280000e+02 : f32
    %div3A_66 = vector.broadcast %div3A_65 : f32 to vector<2000x1xf32>
    %div3A_67 = arith.divf %broadcast_in_dim3A_64, %div3A_66 : vector<2000x1xf32>
    %add3A_68 = arith.constant 9.99999974E-6 : f32
    %add3A_69 = vector.broadcast %add3A_68 : f32 to vector<2000x1xf32>
    %add3A_70 = arith.addf %div3A_67, %add3A_69 : vector<2000x1xf32>
    %rsqrt3A = math.rsqrt %add3A_70 : vector<2000x1xf32>
    %mul3A_71 = vector.broadcast %rsqrt3A : vector<2000x1xf32> to vector<2000x128xf32>
    %mul3A_72 = arith.mulf %sub3A_61, %mul3A_71 : vector<2000x128xf32>
    %mul3A_73 = vector.broadcast %get3A_54 : vector<1x128xf32> to vector<2000x128xf32>
    %mul3A_74 = arith.mulf %mul3A_72, %mul3A_73 : vector<2000x128xf32>
    %add3A_75 = vector.broadcast %get3A_57 : vector<1x128xf32> to vector<2000x128xf32>
    %add3A_76 = arith.addf %mul3A_74, %add3A_75 : vector<2000x128xf32>
    %swap3A = arith.constant 0 : index
    %swap3A_77 = arith.constant 0 : index
    %swap3A_78 = vector.load %arg19[%swap3A, %swap3A_77] : memref<2000x128xf32, #tpu.memory_space<vmem>>, vector<2000x128xf32>
    tpu.vector_store %arg19[%swap3A, %swap3A_77], %add3A_76 {strides = array<i32>} : memref<2000x128xf32, #tpu.memory_space<vmem>>, vector<2000x128xf32>,
    %slice3A_79 = vector.extract_strided_slice %dot_general3A_6 {offsets = [0, 128], sizes = [2000, 128], strides = [1, 1]} : vector<2000x256xf32> to vector<2000x128xf32>
    %add3A_80 = arith.addf %convert_element_type3A_17, %slice3A_79 : vector<2000x128xf32>
    %get3A_81 = arith.constant 0 : index
    %get3A_82 = arith.constant 0 : index
    %get3A_83 = vector.load %arg11[%get3A_81, %get3A_82] : memref<1x128xf32, #tpu.memory_space<vmem>>, vector<1x128xf32>
    %add3A_84 = vector.broadcast %get3A_83 : vector<1x128xf32> to vector<2000x128xf32>
    %add3A_85 = arith.addf %add3A_80, %add3A_84 : vector<2000x128xf32>
    %max3A_86 = arith.constant 0.000000e+00 : f32
    %max3A_87 = vector.broadcast %max3A_86 : f32 to vector<2000x128xf32>
    %max3A_88 = arith.maximumf %add3A_85, %max3A_87 : vector<2000x128xf32>
    %get3A_89 = arith.constant 0 : index
    %get3A_90 = arith.constant 0 : index
    %get3A_91 = vector.load %arg12[%get3A_89, %get3A_90] : memref<128x128xf32, #tpu.memory_space<vmem>>, vector<128x128xf32>
    %convert_element_type3A_92 = arith.truncf %max3A_88 : vector<2000x128xf32> to vector<2000x128xbf16>
    %convert_element_type3A_93 = arith.truncf %get3A_91 : vector<128x128xf32> to vector<128x128xbf16>
    %dot_general3A_94 = arith.constant dense<0.000000e+00> : vector<2000x128xf32>
    %dot_general3A_95 = tpu.matmul %convert_element_type3A_92, %convert_element_type3A_93, %dot_general3A_94 {dimension_numbers = #tpu.dot_dimension_numbers<[1], [1], [0], [0], [0, 0, 1, 0], [], []>, transpose_lhs_hint = false} : vector<2000x128xbf16>, vector<128x128xbf16>, vector<2000x128xf32> -> vector<2000x128xf32>
    %get3A_96 = arith.constant 0 : index
    %get3A_97 = arith.constant 0 : index
    %get3A_98 = vector.load %arg13[%get3A_96, %get3A_97] : memref<1x128xf32, #tpu.memory_space<vmem>>, vector<1x128xf32>
    %add3A_99 = vector.broadcast %get3A_98 : vector<1x128xf32> to vector<2000x128xf32>
    %add3A_100 = arith.addf %dot_general3A_95, %add3A_99 : vector<2000x128xf32>
    %max3A_101 = arith.constant 0.000000e+00 : f32
    %max3A_102 = vector.broadcast %max3A_101 : f32 to vector<2000x128xf32>
    %max3A_103 = arith.maximumf %add3A_100, %max3A_102 : vector<2000x128xf32>
    %get3A_104 = arith.constant 0 : index
    %get3A_105 = arith.constant 0 : index
    %get3A_106 = vector.load %arg14[%get3A_104, %get3A_105] : memref<128x128xf32, #tpu.memory_space<vmem>>, vector<128x128xf32>
    %convert_element_type3A_107 = arith.truncf %max3A_103 : vector<2000x128xf32> to vector<2000x128xbf16>
    %convert_element_type3A_108 = arith.truncf %get3A_106 : vector<128x128xf32> to vector<128x128xbf16>
    %dot_general3A_109 = arith.constant dense<0.000000e+00> : vector<2000x128xf32>
    %dot_general3A_110 = tpu.matmul %convert_element_type3A_107, %convert_element_type3A_108, %dot_general3A_109 {dimension_numbers = #tpu.dot_dimension_numbers<[1], [1], [0], [0], [0, 0, 1, 0], [], []>, transpose_lhs_hint = false} : vector<2000x128xbf16>, vector<128x128xbf16>, vector<2000x128xf32> -> vector<2000x128xf32>
    %get3A_111 = arith.constant 0 : index
    %get3A_112 = arith.constant 0 : index
    %get3A_113 = vector.load %arg15[%get3A_111, %get3A_112] : memref<1x128xf32, #tpu.memory_space<vmem>>, vector<1x128xf32>
    %add3A_114 = vector.broadcast %get3A_113 : vector<1x128xf32> to vector<2000x128xf32>
    %add3A_115 = arith.addf %dot_general3A_110, %add3A_114 : vector<2000x128xf32>
    %get3A_116 = arith.constant 0 : index
    %get3A_117 = arith.constant 0 : index
    %get3A_118 = vector.load %arg16[%get3A_116, %get3A_117] : memref<1x128xf32, #tpu.memory_space<vmem>>, vector<1x128xf32>
    %get3A_119 = arith.constant 0 : index
    %get3A_120 = arith.constant 0 : index
    %get3A_121 = vector.load %arg17[%get3A_119, %get3A_120] : memref<1x128xf32, #tpu.memory_space<vmem>>, vector<1x128xf32>
    %reduce_sum3A_122 = arith.constant dense<0.000000e+00> : vector<2000xf32>
    %reduce_sum3A_123 = vector.multi_reduction <add>, %add3A_115, %reduce_sum3A_122 [1] : vector<2000x128xf32> to vector<2000xf32>
    %broadcast_in_dim3A_124 = vector.shape_cast %reduce_sum3A_123 : vector<2000xf32> to vector<2000x1xf32>
    %div3A_125 = arith.constant 1.280000e+02 : f32
    %div3A_126 = vector.broadcast %div3A_125 : f32 to vector<2000x1xf32>
    %div3A_127 = arith.divf %broadcast_in_dim3A_124, %div3A_126 : vector<2000x1xf32>
    %sub3A_128 = vector.broadcast %div3A_127 : vector<2000x1xf32> to vector<2000x128xf32>
    %sub3A_129 = arith.subf %add3A_115, %sub3A_128 : vector<2000x128xf32>
    %mul3A_130 = arith.mulf %sub3A_129, %sub3A_129 : vector<2000x128xf32>
    %reduce_sum3A_131 = arith.constant dense<0.000000e+00> : vector<2000xf32>
    %reduce_sum3A_132 = vector.multi_reduction <add>, %mul3A_130, %reduce_sum3A_131 [1] : vector<2000x128xf32> to vector<2000xf32>
    %broadcast_in_dim3A_133 = vector.shape_cast %reduce_sum3A_132 : vector<2000xf32> to vector<2000x1xf32>
    %div3A_134 = arith.constant 1.280000e+02 : f32
    %div3A_135 = vector.broadcast %div3A_134 : f32 to vector<2000x1xf32>
    %div3A_136 = arith.divf %broadcast_in_dim3A_133, %div3A_135 : vector<2000x1xf32>
    %add3A_137 = arith.constant 9.99999974E-6 : f32
    %add3A_138 = vector.broadcast %add3A_137 : f32 to vector<2000x1xf32>
    %add3A_139 = arith.addf %div3A_136, %add3A_138 : vector<2000x1xf32>
    %rsqrt3A_140 = math.rsqrt %add3A_139 : vector<2000x1xf32>
    %mul3A_141 = vector.broadcast %rsqrt3A_140 : vector<2000x1xf32> to vector<2000x128xf32>
    %mul3A_142 = arith.mulf %sub3A_129, %mul3A_141 : vector<2000x128xf32>
    %mul3A_143 = vector.broadcast %get3A_118 : vector<1x128xf32> to vector<2000x128xf32>
    %mul3A_144 = arith.mulf %mul3A_142, %mul3A_143 : vector<2000x128xf32>
    %add3A_145 = vector.broadcast %get3A_121 : vector<1x128xf32> to vector<2000x128xf32>
    %add3A_146 = arith.addf %mul3A_144, %add3A_145 : vector<2000x128xf32>
    %add3A_147 = arith.addf %get3A_1, %add3A_146 : vector<2000x128xf32>
    %swap3A_148 = arith.constant 0 : index
    %swap3A_149 = arith.constant 0 : index
    %swap3A_150 = vector.load %arg20[%swap3A_148, %swap3A_149] : memref<2000x128xf32, #tpu.memory_space<vmem>>, vector<2000x128xf32>
    tpu.vector_store %arg20[%swap3A_148, %swap3A_149], %add3A_147 {strides = array<i32>} : memref<2000x128xf32, #tpu.memory_space<vmem>>, vector<2000x128xf32>,
    return
  }
  func.func @transform_0(%arg0: i32) -> (i32, i32) {
    %c0_i32 = arith.constant 0 : i32
    %c0_i32_0 = arith.constant 0 : i32
    return %arg0, %c0_i32 : i32, i32
  }
  func.func @transform_1(%arg0: i32) -> (i32, i32) {
    %add3A = arith.constant 80 : i32
    %add3A_0 = arith.addi %arg0, %add3A : i32
    %c0_i32 = arith.constant 0 : i32
    %c0_i32_1 = arith.constant 0 : i32
    return %add3A_0, %c0_i32 : i32, i32
  }
  func.func @transform_2(%arg0: i32) -> (i32, i32) {
    %c0_i32 = arith.constant 0 : i32
    %c0_i32_0 = arith.constant 0 : i32
    %c0_i32_1 = arith.constant 0 : i32
    return %c0_i32, %c0_i32_0 : i32, i32
  }
  func.func @transform_3(%arg0: i32) -> (i32, i32) {
    %c0_i32 = arith.constant 0 : i32
    %c0_i32_0 = arith.constant 0 : i32
    %c0_i32_1 = arith.constant 0 : i32
    return %c0_i32, %c0_i32_0 : i32, i32
  }
  func.func @transform_4(%arg0: i32) -> (i32, i32) {
    %c0_i32 = arith.constant 0 : i32
    %c0_i32_0 = arith.constant 0 : i32
    %c0_i32_1 = arith.constant 0 : i32
    return %c0_i32, %c0_i32_0 : i32, i32
  }
  func.func @transform_5(%arg0: i32) -> (i32, i32) {
    %c0_i32 = arith.constant 0 : i32
    %c0_i32_0 = arith.constant 0 : i32
    %c0_i32_1 = arith.constant 0 : i32
    return %c0_i32, %c0_i32_0 : i32, i32
  }
  func.func @transform_6(%arg0: i32) -> (i32, i32) {
    %c0_i32 = arith.constant 0 : i32
    %c0_i32_0 = arith.constant 0 : i32
    %c0_i32_1 = arith.constant 0 : i32
    return %c0_i32, %c0_i32_0 : i32, i32
  }
  func.func @transform_7(%arg0: i32) -> (i32, i32) {
    %c0_i32 = arith.constant 0 : i32
    %c0_i32_0 = arith.constant 0 : i32
    %c0_i32_1 = arith.constant 0 : i32
    return %c0_i32, %c0_i32_0 : i32, i32
  }
  func.func @transform_8(%arg0: i32) -> (i32, i32) {
    %c0_i32 = arith.constant 0 : i32
    %c0_i32_0 = arith.constant 0 : i32
    %c0_i32_1 = arith.constant 0 : i32
    return %c0_i32, %c0_i32_0 : i32, i32
  }
  func.func @transform_9(%arg0: i32) -> (i32, i32) {
    %c0_i32 = arith.constant 0 : i32
    %c0_i32_0 = arith.constant 0 : i32
    %c0_i32_1 = arith.constant 0 : i32
    return %c0_i32, %c0_i32_0 : i32, i32
  }
  func.func @transform_10(%arg0: i32) -> (i32, i32) {
    %c0_i32 = arith.constant 0 : i32
    %c0_i32_0 = arith.constant 0 : i32
    %c0_i32_1 = arith.constant 0 : i32
    return %c0_i32, %c0_i32_0 : i32, i32
  }
  func.func @transform_11(%arg0: i32) -> (i32, i32) {
    %c0_i32 = arith.constant 0 : i32
    %c0_i32_0 = arith.constant 0 : i32
    %c0_i32_1 = arith.constant 0 : i32
    return %c0_i32, %c0_i32_0 : i32, i32
  }
  func.func @transform_12(%arg0: i32) -> (i32, i32) {
    %c0_i32 = arith.constant 0 : i32
    %c0_i32_0 = arith.constant 0 : i32
    %c0_i32_1 = arith.constant 0 : i32
    return %c0_i32, %c0_i32_0 : i32, i32
  }
  func.func @transform_13(%arg0: i32) -> (i32, i32) {
    %c0_i32 = arith.constant 0 : i32
    %c0_i32_0 = arith.constant 0 : i32
    %c0_i32_1 = arith.constant 0 : i32
    return %c0_i32, %c0_i32_0 : i32, i32
  }
  func.func @transform_14(%arg0: i32) -> (i32, i32) {
    %c0_i32 = arith.constant 0 : i32
    %c0_i32_0 = arith.constant 0 : i32
    %c0_i32_1 = arith.constant 0 : i32
    return %c0_i32, %c0_i32_0 : i32, i32
  }
  func.func @transform_15(%arg0: i32) -> (i32, i32) {
    %c0_i32 = arith.constant 0 : i32
    %c0_i32_0 = arith.constant 0 : i32
    %c0_i32_1 = arith.constant 0 : i32
    return %c0_i32, %c0_i32_0 : i32, i32
  }
  func.func @transform_16(%arg0: i32) -> (i32, i32) {
    %c0_i32 = arith.constant 0 : i32
    %c0_i32_0 = arith.constant 0 : i32
    %c0_i32_1 = arith.constant 0 : i32
    return %c0_i32, %c0_i32_0 : i32, i32
  }
  func.func @transform_18(%arg0: i32) -> (i32, i32) {
    %c0_i32 = arith.constant 0 : i32
    %c0_i32_0 = arith.constant 0 : i32
    return %arg0, %c0_i32 : i32, i32
  }
  func.func @transform_19(%arg0: i32) -> (i32, i32) {
    %add3A = arith.constant 80 : i32
    %add3A_0 = arith.addi %arg0, %add3A : i32
    %c0_i32 = arith.constant 0 : i32
    %c0_i32_1 = arith.constant 0 : i32
    return %add3A_0, %c0_i32 : i32, i32
  }
}

module attributes {stable_mosaic.version = 14 : i64} {
  func.func @body(%arg0: i32, %arg1: memref<1000x128xf32, #tpu.memory_space<vmem>>, %arg2: memref<2x1000x128xf32, #tpu.memory_space<vmem>>, %arg3: memref<2x1000x128xf32, #tpu.memory_space<vmem>>, %arg4: memref<128x128xf32, #tpu.memory_space<vmem>>, %arg5: memref<128x128xf32, #tpu.memory_space<vmem>>, %arg6: memref<1x128xf32, #tpu.memory_space<vmem>>, %arg7: memref<128x128xf32, #tpu.memory_space<vmem>>, %arg8: memref<1x128xf32, #tpu.memory_space<vmem>>, %arg9: memref<128x128xf32, #tpu.memory_space<vmem>>, %arg10: memref<1x128xf32, #tpu.memory_space<vmem>>, %arg11: memref<1x128xf32, #tpu.memory_space<vmem>>, %arg12: memref<1x128xf32, #tpu.memory_space<vmem>>, %arg13: memref<1000x128xf32, #tpu.memory_space<vmem>>) attributes {dimension_semantics = [#tpu.dimension_semantics<arbitrary>], iteration_bounds = array<i64: 10>, scalar_prefetch = 0 : i64, scratch_operands = 0 : i64, tpu.core_type = #tpu.core_type<tc>, window_params = [{transform_indices = @transform_0, window_bounds = array<i64: 1000, 128>}, {transform_indices = @transform_1, window_bounds = array<i64: 2, 1000, 128>}, {transform_indices = @transform_2, window_bounds = array<i64: 2, 1000, 128>}, {pipeline_mode = #tpu.pipeline_mode<synchronous>, transform_indices = @transform_3, window_bounds = array<i64: 128, 128>}, {pipeline_mode = #tpu.pipeline_mode<synchronous>, transform_indices = @transform_4, window_bounds = array<i64: 128, 128>}, {pipeline_mode = #tpu.pipeline_mode<synchronous>, transform_indices = @transform_5, window_bounds = array<i64: 1, 128>}, {pipeline_mode = #tpu.pipeline_mode<synchronous>, transform_indices = @transform_6, window_bounds = array<i64: 128, 128>}, {pipeline_mode = #tpu.pipeline_mode<synchronous>, transform_indices = @transform_7, window_bounds = array<i64: 1, 128>}, {pipeline_mode = #tpu.pipeline_mode<synchronous>, transform_indices = @transform_8, window_bounds = array<i64: 128, 128>}, {pipeline_mode = #tpu.pipeline_mode<synchronous>, transform_indices = @transform_9, window_bounds = array<i64: 1, 128>}, {pipeline_mode = #tpu.pipeline_mode<synchronous>, transform_indices = @transform_10, window_bounds = array<i64: 1, 128>}, {pipeline_mode = #tpu.pipeline_mode<synchronous>, transform_indices = @transform_11, window_bounds = array<i64: 1, 128>}, {transform_indices = @transform_12, window_bounds = array<i64: 1000, 128>}]} {
    %get3A = arith.constant 0 : index
    %get3A_0 = arith.constant 0 : index
    %get3A_1 = vector.load %arg1[%get3A, %get3A_0] : memref<1000x128xf32, #tpu.memory_space<vmem>>, vector<1000x128xf32>
    %get3A_2 = arith.constant 0 : index
    %get3A_3 = arith.constant 0 : index
    %get3A_4 = arith.constant 0 : index
    %get3A_5 = vector.load %arg2[%get3A_2, %get3A_3, %get3A_4] : memref<2x1000x128xf32, #tpu.memory_space<vmem>>, vector<1x1000x128xf32>
    %get3A_6 = vector.shape_cast %get3A_5 : vector<1x1000x128xf32> to vector<1000x128xf32>
    %get3A_7 = arith.constant 1 : index
    %get3A_8 = arith.constant 0 : index
    %get3A_9 = arith.constant 0 : index
    %get3A_10 = vector.load %arg2[%get3A_7, %get3A_8, %get3A_9] : memref<2x1000x128xf32, #tpu.memory_space<vmem>>, vector<1x1000x128xf32>
    %get3A_11 = vector.shape_cast %get3A_10 : vector<1x1000x128xf32> to vector<1000x128xf32>
    %add3A = arith.addf %get3A_6, %get3A_11 : vector<1000x128xf32>
    %get3A_12 = arith.constant 0 : index
    %get3A_13 = arith.constant 0 : index
    %get3A_14 = arith.constant 0 : index
    %get3A_15 = vector.load %arg3[%get3A_12, %get3A_13, %get3A_14] : memref<2x1000x128xf32, #tpu.memory_space<vmem>>, vector<1x1000x128xf32>
    %get3A_16 = vector.shape_cast %get3A_15 : vector<1x1000x128xf32> to vector<1000x128xf32>
    %get3A_17 = arith.constant 1 : index
    %get3A_18 = arith.constant 0 : index
    %get3A_19 = arith.constant 0 : index
    %get3A_20 = vector.load %arg3[%get3A_17, %get3A_18, %get3A_19] : memref<2x1000x128xf32, #tpu.memory_space<vmem>>, vector<1x1000x128xf32>
    %get3A_21 = vector.shape_cast %get3A_20 : vector<1x1000x128xf32> to vector<1000x128xf32>
    %add3A_22 = arith.addf %get3A_16, %get3A_21 : vector<1000x128xf32>
    %add3A_23 = arith.addf %add3A, %add3A_22 : vector<1000x128xf32>
    %get3A_24 = arith.constant 0 : index
    %get3A_25 = arith.constant 0 : index
    %get3A_26 = vector.load %arg4[%get3A_24, %get3A_25] : memref<128x128xf32, #tpu.memory_space<vmem>>, vector<128x128xf32>
    %convert_element_type3A = arith.truncf %get3A_1 : vector<1000x128xf32> to vector<1000x128xbf16>
    %convert_element_type3A_27 = arith.truncf %get3A_26 : vector<128x128xf32> to vector<128x128xbf16>
    %dot_general3A = arith.constant dense<0.000000e+00> : vector<1000x128xf32>
    %dot_general3A_28 = tpu.matmul %convert_element_type3A, %convert_element_type3A_27, %dot_general3A {dimension_numbers = #tpu.dot_dimension_numbers<[1], [1], [0], [0], [0, 0, 1, 0], [], []>, transpose_lhs_hint = false} : vector<1000x128xbf16>, vector<128x128xbf16>, vector<1000x128xf32> -> vector<1000x128xf32>
    %get3A_29 = arith.constant 0 : index
    %get3A_30 = arith.constant 0 : index
    %get3A_31 = vector.load %arg5[%get3A_29, %get3A_30] : memref<128x128xf32, #tpu.memory_space<vmem>>, vector<128x128xf32>
    %convert_element_type3A_32 = arith.truncf %add3A_23 : vector<1000x128xf32> to vector<1000x128xbf16>
    %convert_element_type3A_33 = arith.truncf %get3A_31 : vector<128x128xf32> to vector<128x128xbf16>
    %dot_general3A_34 = arith.constant dense<0.000000e+00> : vector<1000x128xf32>
    %dot_general3A_35 = tpu.matmul %convert_element_type3A_32, %convert_element_type3A_33, %dot_general3A_34 {dimension_numbers = #tpu.dot_dimension_numbers<[1], [1], [0], [0], [0, 0, 1, 0], [], []>, transpose_lhs_hint = false} : vector<1000x128xbf16>, vector<128x128xbf16>, vector<1000x128xf32> -> vector<1000x128xf32>
    %add3A_36 = arith.addf %dot_general3A_28, %dot_general3A_35 : vector<1000x128xf32>
    %get3A_37 = arith.constant 0 : index
    %get3A_38 = arith.constant 0 : index
    %get3A_39 = vector.load %arg6[%get3A_37, %get3A_38] : memref<1x128xf32, #tpu.memory_space<vmem>>, vector<1x128xf32>
    %add3A_40 = vector.broadcast %get3A_39 : vector<1x128xf32> to vector<1000x128xf32>
    %add3A_41 = arith.addf %add3A_36, %add3A_40 : vector<1000x128xf32>
    %max3A = arith.constant 0.000000e+00 : f32
    %max3A_42 = vector.broadcast %max3A : f32 to vector<1000x128xf32>
    %max3A_43 = arith.maximumf %add3A_41, %max3A_42 : vector<1000x128xf32>
    %get3A_44 = arith.constant 0 : index
    %get3A_45 = arith.constant 0 : index
    %get3A_46 = vector.load %arg7[%get3A_44, %get3A_45] : memref<128x128xf32, #tpu.memory_space<vmem>>, vector<128x128xf32>
    %convert_element_type3A_47 = arith.truncf %max3A_43 : vector<1000x128xf32> to vector<1000x128xbf16>
    %convert_element_type3A_48 = arith.truncf %get3A_46 : vector<128x128xf32> to vector<128x128xbf16>
    %dot_general3A_49 = arith.constant dense<0.000000e+00> : vector<1000x128xf32>
    %dot_general3A_50 = tpu.matmul %convert_element_type3A_47, %convert_element_type3A_48, %dot_general3A_49 {dimension_numbers = #tpu.dot_dimension_numbers<[1], [1], [0], [0], [0, 0, 1, 0], [], []>, transpose_lhs_hint = false} : vector<1000x128xbf16>, vector<128x128xbf16>, vector<1000x128xf32> -> vector<1000x128xf32>
    %get3A_51 = arith.constant 0 : index
    %get3A_52 = arith.constant 0 : index
    %get3A_53 = vector.load %arg8[%get3A_51, %get3A_52] : memref<1x128xf32, #tpu.memory_space<vmem>>, vector<1x128xf32>
    %add3A_54 = vector.broadcast %get3A_53 : vector<1x128xf32> to vector<1000x128xf32>
    %add3A_55 = arith.addf %dot_general3A_50, %add3A_54 : vector<1000x128xf32>
    %max3A_56 = arith.constant 0.000000e+00 : f32
    %max3A_57 = vector.broadcast %max3A_56 : f32 to vector<1000x128xf32>
    %max3A_58 = arith.maximumf %add3A_55, %max3A_57 : vector<1000x128xf32>
    %get3A_59 = arith.constant 0 : index
    %get3A_60 = arith.constant 0 : index
    %get3A_61 = vector.load %arg9[%get3A_59, %get3A_60] : memref<128x128xf32, #tpu.memory_space<vmem>>, vector<128x128xf32>
    %convert_element_type3A_62 = arith.truncf %max3A_58 : vector<1000x128xf32> to vector<1000x128xbf16>
    %convert_element_type3A_63 = arith.truncf %get3A_61 : vector<128x128xf32> to vector<128x128xbf16>
    %dot_general3A_64 = arith.constant dense<0.000000e+00> : vector<1000x128xf32>
    %dot_general3A_65 = tpu.matmul %convert_element_type3A_62, %convert_element_type3A_63, %dot_general3A_64 {dimension_numbers = #tpu.dot_dimension_numbers<[1], [1], [0], [0], [0, 0, 1, 0], [], []>, transpose_lhs_hint = false} : vector<1000x128xbf16>, vector<128x128xbf16>, vector<1000x128xf32> -> vector<1000x128xf32>
    %get3A_66 = arith.constant 0 : index
    %get3A_67 = arith.constant 0 : index
    %get3A_68 = vector.load %arg10[%get3A_66, %get3A_67] : memref<1x128xf32, #tpu.memory_space<vmem>>, vector<1x128xf32>
    %add3A_69 = vector.broadcast %get3A_68 : vector<1x128xf32> to vector<1000x128xf32>
    %add3A_70 = arith.addf %dot_general3A_65, %add3A_69 : vector<1000x128xf32>
    %get3A_71 = arith.constant 0 : index
    %get3A_72 = arith.constant 0 : index
    %get3A_73 = vector.load %arg11[%get3A_71, %get3A_72] : memref<1x128xf32, #tpu.memory_space<vmem>>, vector<1x128xf32>
    %get3A_74 = arith.constant 0 : index
    %get3A_75 = arith.constant 0 : index
    %get3A_76 = vector.load %arg12[%get3A_74, %get3A_75] : memref<1x128xf32, #tpu.memory_space<vmem>>, vector<1x128xf32>
    %reduce_sum3A = arith.constant dense<0.000000e+00> : vector<1000xf32>
    %reduce_sum3A_77 = vector.multi_reduction <add>, %add3A_70, %reduce_sum3A [1] : vector<1000x128xf32> to vector<1000xf32>
    %broadcast_in_dim3A = vector.shape_cast %reduce_sum3A_77 : vector<1000xf32> to vector<1000x1xf32>
    %div3A = arith.constant 1.280000e+02 : f32
    %div3A_78 = vector.broadcast %div3A : f32 to vector<1000x1xf32>
    %div3A_79 = arith.divf %broadcast_in_dim3A, %div3A_78 : vector<1000x1xf32>
    %sub3A = vector.broadcast %div3A_79 : vector<1000x1xf32> to vector<1000x128xf32>
    %sub3A_80 = arith.subf %add3A_70, %sub3A : vector<1000x128xf32>
    %mul3A = arith.mulf %sub3A_80, %sub3A_80 : vector<1000x128xf32>
    %reduce_sum3A_81 = arith.constant dense<0.000000e+00> : vector<1000xf32>
    %reduce_sum3A_82 = vector.multi_reduction <add>, %mul3A, %reduce_sum3A_81 [1] : vector<1000x128xf32> to vector<1000xf32>
    %broadcast_in_dim3A_83 = vector.shape_cast %reduce_sum3A_82 : vector<1000xf32> to vector<1000x1xf32>
    %div3A_84 = arith.constant 1.280000e+02 : f32
    %div3A_85 = vector.broadcast %div3A_84 : f32 to vector<1000x1xf32>
    %div3A_86 = arith.divf %broadcast_in_dim3A_83, %div3A_85 : vector<1000x1xf32>
    %add3A_87 = arith.constant 9.99999974E-6 : f32
    %add3A_88 = vector.broadcast %add3A_87 : f32 to vector<1000x1xf32>
    %add3A_89 = arith.addf %div3A_86, %add3A_88 : vector<1000x1xf32>
    %rsqrt3A = math.rsqrt %add3A_89 : vector<1000x1xf32>
    %mul3A_90 = vector.broadcast %rsqrt3A : vector<1000x1xf32> to vector<1000x128xf32>
    %mul3A_91 = arith.mulf %sub3A_80, %mul3A_90 : vector<1000x128xf32>
    %mul3A_92 = vector.broadcast %get3A_73 : vector<1x128xf32> to vector<1000x128xf32>
    %mul3A_93 = arith.mulf %mul3A_91, %mul3A_92 : vector<1000x128xf32>
    %add3A_94 = vector.broadcast %get3A_76 : vector<1x128xf32> to vector<1000x128xf32>
    %add3A_95 = arith.addf %mul3A_93, %add3A_94 : vector<1000x128xf32>
    %add3A_96 = arith.addf %get3A_1, %add3A_95 : vector<1000x128xf32>
    %swap3A = arith.constant 0 : index
    %swap3A_97 = arith.constant 0 : index
    %swap3A_98 = vector.load %arg13[%swap3A, %swap3A_97] : memref<1000x128xf32, #tpu.memory_space<vmem>>, vector<1000x128xf32>
    tpu.vector_store %arg13[%swap3A, %swap3A_97], %add3A_96 {strides = array<i32>} : memref<1000x128xf32, #tpu.memory_space<vmem>>, vector<1000x128xf32>,
    return
  }
  func.func @transform_0(%arg0: i32) -> (i32, i32) {
    %c0_i32 = arith.constant 0 : i32
    %c0_i32_0 = arith.constant 0 : i32
    return %arg0, %c0_i32 : i32, i32
  }
  func.func @transform_1(%arg0: i32) -> (i32, i32, i32) {
    %c0_i32 = arith.constant 0 : i32
    %c0_i32_0 = arith.constant 0 : i32
    %c0_i32_1 = arith.constant 0 : i32
    return %c0_i32, %arg0, %c0_i32_0 : i32, i32, i32
  }
  func.func @transform_2(%arg0: i32) -> (i32, i32, i32) {
    %c0_i32 = arith.constant 0 : i32
    %c0_i32_0 = arith.constant 0 : i32
    %c0_i32_1 = arith.constant 0 : i32
    return %c0_i32, %arg0, %c0_i32_0 : i32, i32, i32
  }
  func.func @transform_3(%arg0: i32) -> (i32, i32) {
    %c0_i32 = arith.constant 0 : i32
    %c0_i32_0 = arith.constant 0 : i32
    %c0_i32_1 = arith.constant 0 : i32
    return %c0_i32, %c0_i32_0 : i32, i32
  }
  func.func @transform_4(%arg0: i32) -> (i32, i32) {
    %c0_i32 = arith.constant 0 : i32
    %c0_i32_0 = arith.constant 0 : i32
    %c0_i32_1 = arith.constant 0 : i32
    return %c0_i32, %c0_i32_0 : i32, i32
  }
  func.func @transform_5(%arg0: i32) -> (i32, i32) {
    %c0_i32 = arith.constant 0 : i32
    %c0_i32_0 = arith.constant 0 : i32
    %c0_i32_1 = arith.constant 0 : i32
    return %c0_i32, %c0_i32_0 : i32, i32
  }
  func.func @transform_6(%arg0: i32) -> (i32, i32) {
    %c0_i32 = arith.constant 0 : i32
    %c0_i32_0 = arith.constant 0 : i32
    %c0_i32_1 = arith.constant 0 : i32
    return %c0_i32, %c0_i32_0 : i32, i32
  }
  func.func @transform_7(%arg0: i32) -> (i32, i32) {
    %c0_i32 = arith.constant 0 : i32
    %c0_i32_0 = arith.constant 0 : i32
    %c0_i32_1 = arith.constant 0 : i32
    return %c0_i32, %c0_i32_0 : i32, i32
  }
  func.func @transform_8(%arg0: i32) -> (i32, i32) {
    %c0_i32 = arith.constant 0 : i32
    %c0_i32_0 = arith.constant 0 : i32
    %c0_i32_1 = arith.constant 0 : i32
    return %c0_i32, %c0_i32_0 : i32, i32
  }
  func.func @transform_9(%arg0: i32) -> (i32, i32) {
    %c0_i32 = arith.constant 0 : i32
    %c0_i32_0 = arith.constant 0 : i32
    %c0_i32_1 = arith.constant 0 : i32
    return %c0_i32, %c0_i32_0 : i32, i32
  }
  func.func @transform_10(%arg0: i32) -> (i32, i32) {
    %c0_i32 = arith.constant 0 : i32
    %c0_i32_0 = arith.constant 0 : i32
    %c0_i32_1 = arith.constant 0 : i32
    return %c0_i32, %c0_i32_0 : i32, i32
  }
  func.func @transform_11(%arg0: i32) -> (i32, i32) {
    %c0_i32 = arith.constant 0 : i32
    %c0_i32_0 = arith.constant 0 : i32
    %c0_i32_1 = arith.constant 0 : i32
    return %c0_i32, %c0_i32_0 : i32, i32
  }
  func.func @transform_12(%arg0: i32) -> (i32, i32) {
    %c0_i32 = arith.constant 0 : i32
    %c0_i32_0 = arith.constant 0 : i32
    return %arg0, %c0_i32 : i32, i32
  }
}

</mosaic_0001>

<sc_bundles>
// kernel: kernel.11.cloned.1.call-start
scs
__scs_entry_jumppad:
0x0: {  	(pc) =	sbr.rel $0x88, $3  }
0x1: {  	(tag) =	ssettag $0x0;
	lr =	simm.s32 $0x1  }
0x2: {  	[smem:$0x3F86] =	sst lr;
	_ =	strace $0xD0000000  }
0x3: {  	_ = 	snop  }
0x4: {  	_ = 	snop  }
0x5: {  	_ = 	snop  }
0x6: {  	_ = 	snop  }
0x7: {  	_ = 	snop  }
__scs_overlays_trampoline_lowered:
0x8: {  	[smem:$0x3F95] =	sst s0  }
0x9: {  	[smem:$0x3F96] =	sst s1  }
0xa: {  	[smem:$0x3F97] =	sst s2  }
0xb: {  	[smem:$0x3F98] =	sst s3  }
0xc: {  	[smem:$0x3F99] =	sst s4  }
0xd: {  	[smem:$0x3F9A] =	sst s5  }
0xe: {  	[smem:$0x3F9B] =	sst s6  }
0xf: {  	[smem:$0x3F9C] =	sst s7  }
0x10: {  	[smem:$0x3F9D] =	sst s8  }
0x11: {  	[smem:$0x3F9E] =	sst s9;
	s0 =	simm.s32 @!p0 $0x0  }
0x12: {  	s1 =	sld [smem:$0x3F84];
	s0 =	simm.s32 @p0 $0x1  }
0x13: {  	[smem:$0x3F9F] =	sst s0;
	s0 =	simm.s32 @!p1 $0x0  }
0x14: {  	s2 =	sld [smem:$0x3F83];
	s0 =	simm.s32 @p1 $0x1  }
0x15: {  	[smem:$0x3FA0] =	sst s0;
	s0 =	simm.s32 @!p2 $0x0  }
0x16: {  	s3 =	sld [smem:$0x3FDB];
	s0 =	simm.s32 @p2 $0x1  }
0x17: {  	s4 =	simm.s32 $0x1BF5;
	[smem:$0x3FA2] =	sst s0  }
0x18: {  	s0 =	sld [smem:$0x3F85];
	_ =	swait.ge [sflag:s4], $0x0  }
0x19: {  	s7 =	sld [smem:$0x3F86]  }
0x1a: {  	s8 =	sadd.s32 $0xFFFFE003, lr  }
0x1b: {  	s9 =	sadd.s32 $0xFFFFFEF7, lr;
	s5 =	simm.s32 $0xFFFFFFFF;
	p2 =	slt.u32 s8, $0xFFFFF086  }
0x1c: {  	p1 =	slt.u32 s9, $0xF7A;
	s5 =	simm.s32 @!p2 $0x0  }
0x1d: {  	s5 =	simm.s32 @p1 $0x1;
	p0 =	seq.s32 s7, s2  }
0x1e: {  	s7 =	smul.u32 @!p0 $0xF7A, s2;
	p2 =	seq.s32 @!p0 s5, $0x0  }
0x1f: {  	s9 =	smul.u32 $0xF7A, s1;
	s8 =	simm.s32 @!p0 $0x1BF5;
	p2 =	por !p2, p0  }
0x20: {  	[sflag:s8] =	ssyncset.s32 @!p0 $0xFFFFF086;
	s6 =	sadd.s32 @!p0 s3, s7;
	s7 =	simm.s32 @!p0 $0x108  }
0x21: {  	s3 =	sadd.s32 s3, s9;
	s6 =	sadd.s32 @!p0 $0x88, s6;
	s7 =	simm.s32 @p2 $0x1082  }
0x22: {  	[simem:s7], [sflag:s8] =	dma.local @!p0 [hbm:s6], $0xF7A  }
0x23: {  	s9 =	sor.u32 $0xD0000000, s2;
	s6 =	simm.s32 $0x108;
	_ =	swait.ge @!p0 [sflag:s8], $0x0  }
0x24: {  	s3 =	sadd.s32 $0x88, s3;
	s6 =	simm.s32 @!p1 $0x1082;
	[sflag:s4] =	ssyncset.s32 $0xFFFFF086  }
0x25: {  	[simem:s6], [sflag:s4] =	dma.local [hbm:s3], $0xF7A  }
0x26: {  	[smem:$0x3F86] =	sst s1;
	(tag) =	ssettag s2;
	_ =	strace s9  }
0x27: {  	s1 =	sld [smem:$0x3F96]  }
0x28: {  	s2 =	sld [smem:$0x3F97]  }
0x29: {  	s4 =	sld [smem:$0x3F99]  }
0x2a: {  	p0 =	seq.s32 s5, $0x0;
	s5 =	sld [smem:$0x3F9A]  }
0x2b: {  	s6 =	sld [smem:$0x3F9B]  }
0x2c: {  	s7 =	sld [smem:$0x3F9C]  }
0x2d: {  	s3 =	simm.s32 $0x108;
	s8 =	sld [smem:$0x3F9D]  }
0x2e: {  	s3 =	simm.s32 @!p0 $0x1082;
	s9 =	sld [smem:$0x3F9E]  }
0x2f: {  	lr =	sadd.s32 s0, s3;
	s0 =	sld [smem:$0x3F95]  }
0x30: {  	s3 =	sld [smem:$0x3F98]  }
0x31: {  	[smem:$0x3FA1] =	sst s10  }
0x32: {  	s10 =	sld [smem:$0x3F9F];
	_ =	sdelay $0x3  }
0x33: {  	p0 =	seq.s32 s10, $0x1;
	s10 =	sld [smem:$0x3FA1];
	_ =	sdelay $0x3  }
0x34: {  	[smem:$0x3FA1] =	sst s10  }
0x35: {  	s10 =	sld [smem:$0x3FA0];
	_ =	sdelay $0x3  }
0x36: {  	p1 =	seq.s32 s10, $0x1;
	s10 =	sld [smem:$0x3FA1];
	_ =	sdelay $0x3  }
0x37: {  	[smem:$0x3FA1] =	sst s10  }
0x38: {  	s10 =	sld [smem:$0x3FA2]  }
0x39: {  	_ = 	snop;
	(pc) =	sbr.ind lr, $3  }
0x3a: {  	_ = 	snop  }
0x3b: {  	_ = 	snop  }
0x3c: {  	p2 =	seq.s32 s10, $0x1;
	s10 =	sld [smem:$0x3FA1]  }
0x3d: {  	_ =	shalt  }
0x3e: {  	_ =	shalt  }
0x3f: {  	_ =	shalt  }
0x40: {  	_ =	shalt  }
0x41: {  	_ =	shalt  }
0x42: {  	_ =	shalt  }
0x43: {  	_ =	shalt  }
0x44: {  	_ =	shalt  }
0x45: {  	_ =	shalt  }
0x46: {  	_ =	shalt  }
0x47: {  	_ =	shalt  }
0x48: {  	_ =	shalt  }
0x49: {  	_ =	shalt  }
0x4a: {  	_ =	shalt  }
0x4b: {  	_ =	shalt  }
0x4c: {  	_ =	shalt  }
0x4d: {  	_ =	shalt  }
0x4e: {  	_ =	shalt  }
0x4f: {  	_ =	shalt  }
0x50: {  	_ =	shalt  }
0x51: {  	_ =	shalt  }
0x52: {  	_ =	shalt  }
0x53: {  	_ =	shalt  }
0x54: {  	_ =	shalt  }
0x55: {  	_ =	shalt  }
0x56: {  	_ =	shalt  }
0x57: {  	_ =	shalt  }
0x58: {  	_ =	shalt  }
0x59: {  	_ =	shalt  }
0x5a: {  	_ =	shalt  }
0x5b: {  	_ =	shalt  }
0x5c: {  	_ =	shalt  }
0x5d: {  	_ =	shalt  }
0x5e: {  	_ =	shalt  }
0x5f: {  	_ =	shalt  }
0x60: {  	_ =	shalt  }
0x61: {  	_ =	shalt  }
0x62: {  	_ =	shalt  }
0x63: {  	_ =	shalt  }
0x64: {  	_ =	shalt  }
0x65: {  	_ =	shalt  }
0x66: {  	_ =	shalt  }
0x67: {  	_ =	shalt  }
0x68: {  	_ =	shalt  }
0x69: {  	_ =	shalt  }
0x6a: {  	_ =	shalt  }
0x6b: {  	_ =	shalt  }
0x6c: {  	_ =	shalt  }
0x6d: {  	_ =	shalt  }
0x6e: {  	_ =	shalt  }
0x6f: {  	_ =	shalt  }
0x70: {  	_ =	shalt  }
0x71: {  	_ =	shalt  }
0x72: {  	_ =	shalt  }
0x73: {  	_ =	shalt  }
0x74: {  	_ =	shalt  }
0x75: {  	_ =	shalt  }
0x76: {  	_ =	shalt  }
0x77: {  	_ =	shalt  }
0x78: {  	_ =	shalt  }
0x79: {  	_ =	shalt  }
0x7a: {  	_ =	shalt  }
0x7b: {  	_ =	shalt  }
0x7c: {  	_ =	shalt  }
0x7d: {  	_ =	shalt  }
0x7e: {  	_ =	shalt  }
0x7f: {  	_ =	shalt  }
0x80: {  	_ =	shalt  }
0x81: {  	_ =	shalt  }
0x82: {  	_ =	shalt  }
0x83: {  	_ =	shalt  }
0x84: {  	_ =	shalt  }
0x85: {  	_ =	shalt  }
0x86: {  	_ =	shalt  }
0x87: {  	_ =	shalt  }
.Lfunc_end0:
.L_simem_size_0:
called_computation_lowered:
.L_overlay_start_0:
0x88: {  	s2 =	sld [smem:$0x3FD9]  }
0x89: {  	s3 =	sld [smem:$0x3FFE];
	_ =	sdelay $0x1  }
0x8a: {  	s1 =	srdreg.scid  }
0x8b: {  	s0 =	sand.u32 $0x1, s1  }
0x8c: {  	s14 =	sshll.u32 s0, $0xA;
	s2 =	sadd.s32 s3, s2  }
0x8d: {  	s2 =	sadd.s32 s2, s14  }
0x8e: {  	[smem:$0x3FAD] =	sst s2  }
0x8f: {  	_ = 	snop  }
0x90: {  	s2 =	sld [smem:$0x3FD0];
	_ =	sdelay $0x2  }
0x91: {  	s4 =	simm.s32 $0xB;
	s5 =	simm.s32 $0x10;
	s15 =	sld [smem:$0x3FC8]  }
0x92: {  	[smem:s5], [sflag:s4] =	dma.local [hbm:s2], $0x1  }
0x93: {  	_ =	swait.eq [sflag:s4], $0x1  }
0x94: {  	[sflag:s4] =	ssyncset.done $0x0  }
0x95: {  	s16 =	sld [smem:$0x10];
	[sflag:s4] =	ssyncadd.s32 $0xFFFFFFFF  }
0x96: {  	s17 =	sld [smem:$0x11];
	(tm) =	ssettm $0x1  }
0x97: {  	s18 =	sld [smem:$0x3FFB];
	_ =	sdelay $0x3  }
0x98: {  	_ =	strace s18  }
0x99: {  	s5 =	sld [smem:$0x3FFC];
	_ =	sdelay $0x3  }
0x9a: {  	_ =	strace s5  }
0x9b: {  	s5 =	sld [smem:$0x3FFD];
	_ =	sdelay $0x3  }
0x9c: {  	_ =	strace s5  }
0x9d: {  	_ =	strace $0x8FFFFFFF  }
0x9e: {  	s19 =	sld [smem:$0x3FDB];
	_ =	sdelay $0x1  }
0x9f: {  	s6 =	simm.s32 $_scs_section_size  }
0xa0: {  	s7 =	simm.s32 $_size__tile_overlayer_lowered;
	s8 =	simm.s32 $_tile_overlayer_lowered  }
0xa1: {  	s22 =	simm.s32 $0x1BFF;
	s21 =	sshll.u32 s8, $0x1;
	s5 =	sadd.s32 s6, s19  }
0xa2: {  	s9 =	simm.s32 $0x0;
	s20 =	sshll.u32 s7, $0x1;
	s7 =	sadd.s32 s21, s5  }
0xa3: {  	[timem:s9], [sflag:s22] =	dma.local [hbm:s7], s20  }
0xa4: {  	_ =	swait.ge [sflag:s22], s20  }
0xa5: {  	s6 =	ssub.s32 $0x0, s20;
	[sflag:s22] =	ssyncset.done $0x0  }
0xa6: {  	[sflag:s22] =	ssyncadd.s32 s6;
	_ =	sdelay $0x1  }
0xa7: {  	s23 =	simm.s32 $0x1B8B  }
0xa8: {  	_ =	swait.ge [sflag:s23], $0x1  }
0xa9: {  	[sflag:s23] =	ssyncset.done $0x0  }
0xaa: {  	s25 =	simm.s32 $0x1B8E;
	s24 =	sld [smem:$0x3FFE];
	[sflag:s23] =	ssyncadd.s32 $0xFFFFFFFF  }
0xab: {  	s26 =	simm.s32 $execute0_lowered;
	[smem:$0x3FD2] =	sst s25  }
0xac: {  	s7 =	sshll.u32 s26, $0x1;
	_ =	strace $0x80000046;
	[dreg:$0x1] =	wrdreg $0xFFFFFFFF  }
0xad: {  	s28 =	simm.s32 $_size_execute0_lowered;
	s5 =	sadd.s32 s5, s7;
	[dreg:$0x0] =	wrdreg $0x0  }
0xae: {  	s7 =	sshll.u32 s28, $0x1;
	[dreg:$0x2] =	wrdreg s5  }
0xaf: {  	[dreg:$0x3] =	wrdreg s7  }
0xb0: {  	[dreg:$0x4] =	wrdreg $0xC0  }
0xb1: {  	_ =	task [dreg:s9], $0x5FFFF  }
0xb2: {  	[dreg:$0x1] =	wrdreg $0xFFFFFFFF  }
0xb3: {  	[dreg:$0x0] =	wrdreg $0x60  }
0xb4: {  	[dreg:$0x2] =	wrdreg s15  }
0xb5: {  	[dreg:$0x3] =	wrdreg s16  }
0xb6: {  	[dreg:$0x4] =	wrdreg s24  }
0xb7: {  	[dreg:$0x5] =	wrdreg s17  }
0xb8: {  	[dreg:$0x6] =	wrdreg $0xB8000  }
0xb9: {  	[dreg:$0x7] =	wrdreg $0x9  }
0xba: {  	_ =	task.clear_ibuf [dreg:s9], $0x8FFFF;
	_ =	strace $0x90000046  }
0xbb: {  	s29 =	simm.s32 $0x9;
	_ =	strace $0x80000048  }
0xbc: {  	_ =	swait.ge [sflag:s29], $0x1  }
0xbd: {  	[sflag:s29] =	ssyncadd.s32 $0xFFFFFFFF  }
0xbe: {  	_ =	strace $0x90000048  }
0xbf: {  	_ =	sfence  }
0xc0: {  	s30 =	sld [smem:$0x0];
	_ =	sdelay $0x2  }
0xc1: {  	s31 =	sshll.u32 s1, $0xD;
	s1 =	sshrl.u32 s1, $0x2  }
0xc2: {  	s3 =	sand.u32 $0x4000, s31;
	s1 =	sadd.s32 s1, s30  }
0xc3: {  	s0 =	sor.u32 s3, s0;
	s1 =	sshll.u32 s1, $0x11  }
0xc4: {  	s0 =	sor.u32 s1, s0  }
0xc5: {  	s0 =	sadd.s32 $0x8F2B, s0  }
0xc6: {  	[sflag:s0] =	ssyncadd.remote.s32 $0x1  }
0xc7: {  	_ =	sfence.sel $0xFFFF  }
0xc8: {  	[dreg:$0x0] =	wrdreg $0xFFFFFFFF;
	(pc) =	sbr.abs _section_cstart, $3  }
0xc9: {  	[dreg:$0x1] =	wrdreg $0xFFFFFFFF  }
0xca: {  	_ =	task.clear_ibuf [dreg:s9], $0x2FFFF;
	_ =	strace $0x9FFFFFFF  }
0xcb: {  	(tm) =	ssettm $0x7FFFFFFF  }
tec
execute0_lowered:
.L_overlay_start_1:
0x0: {  	(tag) =	ssettag $0x1  }
0x1: {  	s8 =	rddreg [dreg:$0x0]  }
0x2: {  	s6 =	rddreg [dreg:$0x1]  }
0x3: {  	s4 =	rddreg [dreg:$0x2]  }
0x4: {  	s9 =	rddreg [dreg:$0x3]  }
0x5: {  	s1 =	rddreg [dreg:$0x4]  }
0x6: {  	s0 =	rddreg [dreg:$0x5];
	s2 =	simm.s32 $0x0;
	s3 =	srdreg.scid  }
0x7: {  	s17 =	simm.s32 $0x50;
	s10 =	sand.u32 $0x1, s3;
	s3 =	stileid.u32  }
0x8: {  	s18 =	simm.s32 $0x9000;
	s19 =	simm.s32 $0x2;
	s24 =	smul.u32 $0x4F000, s3  }
0x9: {  	s20 =	simm.s32 $0x1;
	s21 =	simm.s32 $0x0;
	s16 =	smul.u32 $0x13C000, s10  }
0xa: {  	[smem:$0x7FF] =	sst s2;
	s4 =	sadd.s32 $0x18C00, s4;
	s28 =	smul.u32 $0x13C00, s3  }
0xb: {  	s5 =	sshll.u32 s10, $0x4;
	s7 =	ssub.s32 $0x2, s10;
	s10 =	smul.u32 $0x271000, s10  }
0xc: {  	_ =	strace $0x80000047;
	s30 =	smul.u32 $0x27100, s3;
	s11 =	sor.u32 s3, s5  }
0xd: {  	s25 =	sshll.u32 s3, $0x6;
	s12 =	sshrl.u32 s7, $0x1;
	s13 =	smul.u32 $0x27100, s11  }
0xe: {  	s12 =	ssub.s32 s7, s12;
	s5 =	sshrl.u32 s24, $0x2;
	s14 =	smul.u32 $0x138800, s11  }
0xf: {  	s26 =	sshll.u32 s11, $0xB;
	s11 =	sadd.s32 s28, s16;
	s10 =	sadd.s32 s10, s8  }
0x10: {  	s16 =	simm.s32 $0x3;
	s15 =	sadd.s32 s5, s1;
	s5 =	sor.u32 $0x1C04, s25  }
.Ltmp0:
0x11: {  	s6 =	sadd.s32 s6, s26;
	s11 =	sshrl.u32 s11, $0x3;
	(pc) =	sbr.rel .LBB2_1-.Ltmp0, $4  }
0x12: {  	s31 =	sadd.s32 s30, s10;
	s10 =	smax.u32 s12, $0x1;
	s7 =	sadd.s32 s8, s13  }
0x13: {  	s29 =	sshrl.u32 s14, $0x3;
	s9 =	sadd.s32 s9, s11;
	s11 =	sadd.s32 $0xA00, s31  }
0x14: {  	s12 =	sshrl.u32 s15, $0x3;
	s14 =	simm.s32 $0x4000;
	s13 =	sadd.s32 s8, s29  }
0x15: {  	s15 =	simm.s32 $0x6800;
	s8 =	sadd.s32 $0x500, s13;
	s13 =	simm.s32 $0x4  }
.LBB2_11:
0x16: {  	s21 =	sadd.s32 $0x1, s21  }
0x17: {  	p0 =	sne.s32 s21, s10  }
.Ltmp1:
0x18: {  	[bflag:$0x0] =	sbarrier.arrive $0xFFFF;
	(pc) =	sbr.rel @!p0 .LBB2_12-.Ltmp1, $4  }
0x19: {  	[hbm:s9], [sflag:s5] =	dma.local [spmem:s12], $0x2780  }
0x1a: {  	_ =	swait.ge [sflag:s13], $0x2780  }
0x1b: {  	[sflag:s13] =	ssyncset.done $0x0  }
0x1c: {  	[sflag:s13] =	ssyncadd.s32 $0xFFFFD880  }
.LBB2_1:
0x1d: {  	[spmem:s12], [sflag:s5] =	dma.local [hbm:s4], $0x2780  }
0x1e: {  	_ =	swait.ge [sflag:s13], $0x2780  }
0x1f: {  	[sflag:s13] =	ssyncset.done $0x0  }
0x20: {  	[sflag:s13] =	ssyncadd.s32 $0xFFFFD880  }
0x21: {  	[tilespmem:s2], [sflag:$0x4] =	stream.linear.gather [hbm4b:s6+s2], $0x3E80, $0x38;
	[tilespmem:$0x1F400] =	vst v63  }
0x22: {  	_ =	swait.ge [sflag:s13], $0x3E80  }
0x23: {  	[sflag:s13] =	ssyncset.done $0x0  }
.Ltmp2:
0x24: {  	[sflag:s13] =	ssyncadd.s32 $0xFFFFC180;
	(pc) =	sbr.rel .LBB2_2-.Ltmp2, $4  }
0x25: {  	[bflag:$0x0] =	sbarrier.arrive $0xFFFF  }
0x26: {  	[tilespmem:s14], [sflag:$0x1] =	stream.linear.gather [hbm4b:s7+s2], $0x2800, $0x38;
	[tilespmem:$0x1F400] =	vst v63  }
0x27: {  	s22 =	smov.u32 s11;
	s23 =	simm.s32 $0x2;
	s24 =	simm.s32 $0x0  }
0x28: {  	[tilespmem:s15], [sflag:$0x2] =	stream.linear.gather [hbm4b:s8+s2], $0x2800, $0x38;
	[tilespmem:$0x1F400] =	vst v63  }
.LBB2_9:
0x29: {  	_ =	swait.ge [sflag:s16], $0x2800  }
0x2a: {  	[sflag:s16] =	ssyncset.done $0x0  }
0x2b: {  	s25 =	simm.s32 $0x4;
	[sflag:s16] =	ssyncadd.s32 $0xFFFFD800  }
0x2c: {  	[spmem:s1] =	stream.indirect.scatter.add.f32 [tilespmem:s18], [sflag:$0x4], $0x80, s24, s17, $0xb8;
	[tilespmem:$0x1F400] =	vst v63  }
.LBB2_10:
0x2d: {  	s23 =	sadd.s32 $0x1, s23  }
0x2e: {  	p0 =	sne.s32 s23, $0x7F  }
.Ltmp3:
0x2f: {  	_ = 	snop;
	(pc) =	sbr.rel @!p0 .LBB2_11-.Ltmp3, $4  }
0x30: {  	_ = 	snop  }
0x31: {  	_ =	swait.ge [sflag:s25], $0x2800  }
0x32: {  	[sflag:s25] =	ssyncset.done $0x0  }
0x33: {  	s24 =	sadd.s32 $0x80, s24;
	s22 =	sadd.s32 $0x500, s22;
	[sflag:s25] =	ssyncadd.s32 $0xFFFFD800  }
.LBB2_2:
0x34: {  	s25 =	smul.u32 $0xAB, s23;
	_ =	sdelay $0x1  }
0x35: {  	s25 =	sshrl.u32 s25, $0x9  }
0x36: {  	s25 =	sand.u32 $0x7F, s25  }
0x37: {  	s26 =	smul.u32 $0x3, s25  }
0x38: {  	s25 =	sadd.s32 $0xFFFFFFFE, s23  }
0x39: {  	p0 =	sgt.u32 s25, $0x7A;
	s26 =	ssub.s32 s23, s26  }
0x3a: {  	s26 =	sand.u32 @!p0 $0xFF, s26  }
0x3b: {  	p1 =	sne.s32 @!p0 s26, $0x0  }
0x3c: {  	p1 =	por p0, p1  }
.Ltmp4:
0x3d: {  	_ = 	snop;
	(pc) =	sbr.rel @p1 .LBB2_4-.Ltmp4, $1  }
0x3e: {  	_ =	sdelay $0x3  }
.Ltmp5:
0x3f: {  	(pc) =	sbr.rel .LBB2_7-.Ltmp5, $2  }
0x40: {  	_ =	sdelay $0x2  }
0x41: {  	[tilespmem:s14], [sflag:$0x1] =	stream.linear.gather [hbm4b:s22+s2], $0x2800, $0x38;
	[tilespmem:$0x1F400] =	vst v63  }
.LBB2_4:
0x42: {  	p1 =	sne.s32 @!p0 s26, $0x1  }
0x43: {  	p1 =	por p0, p1  }
.Ltmp6:
0x44: {  	_ = 	snop;
	(pc) =	sbr.rel @p1 .LBB2_6-.Ltmp6, $1  }
0x45: {  	_ =	sdelay $0x3  }
.Ltmp7:
0x46: {  	(pc) =	sbr.rel .LBB2_7-.Ltmp7, $2  }
0x47: {  	_ =	sdelay $0x2  }
0x48: {  	[tilespmem:s15], [sflag:$0x2] =	stream.linear.gather [hbm4b:s22+s2], $0x2800, $0x38;
	[tilespmem:$0x1F400] =	vst v63  }
.LBB2_6:
0x49: {  	p1 =	sne.s32 @!p0 s26, $0x2  }
0x4a: {  	p0 =	por p1, p0  }
0x4b: {  	s26 =	simm.s32 @!p0 $0x0;
	s28 =	simm.s32 @!p0 $0x9000  }
0x4c: {  	[tilespmem:s28], [sflag:$0x3] =	stream.linear.gather @!p0 [hbm4b:s22+s26], $0x2800, $0x38;
	[tilespmem:$0x1F400] =	vst v63  }
.LBB2_7:
0x4d: {  	s26 =	smul.u32 $0xAB, s25;
	_ =	sdelay $0x1  }
0x4e: {  	s26 =	sshrl.u32 s26, $0x9  }
0x4f: {  	s26 =	sand.u32 $0x7F, s26  }
0x50: {  	s26 =	smul.u32 $0x3, s26;
	_ =	sdelay $0x1  }
0x51: {  	s31 =	ssub.s32 s25, s26  }
0x52: {  	s25 =	sand.u32 $0xFF, s31  }
0x53: {  	p0 =	seq.s32 s25, $0x2  }
.Ltmp8:
0x54: {  	_ = 	snop;
	(pc) =	sbr.rel @p0 .LBB2_9-.Ltmp8, $1  }
0x55: {  	_ =	sdelay $0x3  }
0x56: {  	p0 =	seq.s32 s25, $0x1  }
0x57: {  	_ =	swait.ge @p0 [sflag:s19], $0x2800  }
0x58: {  	[sflag:s19] =	ssyncset.done @p0 $0x0  }
0x59: {  	[sflag:s19] =	ssyncadd.s32 @p0 $0xFFFFD800  }
0x5a: {  	[spmem:s1] =	stream.indirect.scatter.add.f32 @p0 [tilespmem:s15], [sflag:$0x5], $0x80, s24, s17, $0xb8;
	[tilespmem:$0x1F400] =	vst v63  }
.Ltmp9:
0x5b: {  	_ = 	snop;
	(pc) =	sbr.rel .LBB2_10-.Ltmp9, $4  }
0x5c: {  	_ =	swait.ge @!p0 [sflag:s20], $0x2800  }
0x5d: {  	[sflag:s20] =	ssyncset.done @!p0 $0x0  }
0x5e: {  	s25 =	simm.s32 $0x5;
	[sflag:s20] =	ssyncadd.s32 @!p0 $0xFFFFD800  }
0x5f: {  	[spmem:s1] =	stream.indirect.scatter.add.f32 @!p0 [tilespmem:s14], [sflag:$0x5], $0x80, s24, s17, $0xb8;
	[tilespmem:$0x1F400] =	vst v63  }
.LBB2_12:
0x60: {  	_ =	sfence.sel $0x180000  }
0x61: {  	[bflag:$0x0] =	sbarrier.arrive $0xFFFF  }
0x62: {  	p0 =	sne.s32 s3, $0x0;
	_ =	strace $0x90000047  }
0x63: {  	s0 =	sadd.s32 @!p0 $0x100000, s0;
	[bflag:$0x2] =	sbarrier.arrive $0xFFFF  }
0x64: {  	[sflag:s0] =	ssyncadd.tile.s32 @!p0 $0x1;
	_ =	shalt  }
.Lfunc_end2:
_tile_overlayer_lowered:
.L_overlay_start_2:
0x65: {  	(tag) =	ssettag $0x2  }
0x66: {  	s0 =	rddreg [dreg:$0x0];
	s2 =	stileid.u32  }
0x67: {  	s1 =	rddreg [dreg:$0x1];
	p0 =	sne.s32 s2, $0x0  }
0x68: {  	s3 =	rddreg [dreg:$0x2];
	[bflag:$0x3] =	sbarrier.arrive $0xFFFF;
	s2 =	simm.s32 @!p0 $0x1C04  }
0x69: {  	[timem:s3], [sflag:s2] =	dma.local @!p0 [hbm:s0], s1  }
0x6a: {  	s0 =	simm.s32 @!p0 $0x4  }
0x6b: {  	_ =	swait.ge @!p0 [sflag:s0], s1  }
0x6c: {  	s1 =	ssub.s32 @!p0 $0x0, s1;
	[sflag:s0] =	ssyncset.done @!p0 $0x0  }
0x6d: {  	[sflag:s0] =	ssyncadd.s32 @!p0 s1  }
0x6e: {  	[bflag:$0x3] =	sbarrier.arrive $0xFFFF  }
0x6f: {  	_ =	shalt  }

// kernel: kernel.14.cloned.1.call-start
scs
__scs_entry_jumppad:
0x0: {  	(pc) =	sbr.rel $0x88, $3  }
0x1: {  	(tag) =	ssettag $0x0;
	lr =	simm.s32 $0x1  }
0x2: {  	[smem:$0x3F86] =	sst lr;
	_ =	strace $0xD0000000  }
0x3: {  	_ = 	snop  }
0x4: {  	_ = 	snop  }
0x5: {  	_ = 	snop  }
0x6: {  	_ = 	snop  }
0x7: {  	_ = 	snop  }
__scs_overlays_trampoline_lowered:
0x8: {  	[smem:$0x3F95] =	sst s0  }
0x9: {  	[smem:$0x3F96] =	sst s1  }
0xa: {  	[smem:$0x3F97] =	sst s2  }
0xb: {  	[smem:$0x3F98] =	sst s3  }
0xc: {  	[smem:$0x3F99] =	sst s4  }
0xd: {  	[smem:$0x3F9A] =	sst s5  }
0xe: {  	[smem:$0x3F9B] =	sst s6  }
0xf: {  	[smem:$0x3F9C] =	sst s7  }
0x10: {  	[smem:$0x3F9D] =	sst s8  }
0x11: {  	[smem:$0x3F9E] =	sst s9;
	s0 =	simm.s32 @!p0 $0x0  }
0x12: {  	s1 =	sld [smem:$0x3F84];
	s0 =	simm.s32 @p0 $0x1  }
0x13: {  	[smem:$0x3F9F] =	sst s0;
	s0 =	simm.s32 @!p1 $0x0  }
0x14: {  	s2 =	sld [smem:$0x3F83];
	s0 =	simm.s32 @p1 $0x1  }
0x15: {  	[smem:$0x3FA0] =	sst s0;
	s0 =	simm.s32 @!p2 $0x0  }
0x16: {  	s3 =	sld [smem:$0x3FDB];
	s0 =	simm.s32 @p2 $0x1  }
0x17: {  	s4 =	simm.s32 $0x1BF5;
	[smem:$0x3FA2] =	sst s0  }
0x18: {  	s0 =	sld [smem:$0x3F85];
	_ =	swait.ge [sflag:s4], $0x0  }
0x19: {  	s7 =	sld [smem:$0x3F86]  }
0x1a: {  	s8 =	sadd.s32 $0xFFFFE003, lr  }
0x1b: {  	s9 =	sadd.s32 $0xFFFFFEF7, lr;
	s5 =	simm.s32 $0xFFFFFFFF;
	p2 =	slt.u32 s8, $0xFFFFF086  }
0x1c: {  	p1 =	slt.u32 s9, $0xF7A;
	s5 =	simm.s32 @!p2 $0x0  }
0x1d: {  	s5 =	simm.s32 @p1 $0x1;
	p0 =	seq.s32 s7, s2  }
0x1e: {  	s7 =	smul.u32 @!p0 $0xF7A, s2;
	p2 =	seq.s32 @!p0 s5, $0x0  }
0x1f: {  	s9 =	smul.u32 $0xF7A, s1;
	s8 =	simm.s32 @!p0 $0x1BF5;
	p2 =	por !p2, p0  }
0x20: {  	[sflag:s8] =	ssyncset.s32 @!p0 $0xFFFFF086;
	s6 =	sadd.s32 @!p0 s3, s7;
	s7 =	simm.s32 @!p0 $0x108  }
0x21: {  	s3 =	sadd.s32 s3, s9;
	s6 =	sadd.s32 @!p0 $0x88, s6;
	s7 =	simm.s32 @p2 $0x1082  }
0x22: {  	[simem:s7], [sflag:s8] =	dma.local @!p0 [hbm:s6], $0xF7A  }
0x23: {  	s9 =	sor.u32 $0xD0000000, s2;
	s6 =	simm.s32 $0x108;
	_ =	swait.ge @!p0 [sflag:s8], $0x0  }
0x24: {  	s3 =	sadd.s32 $0x88, s3;
	s6 =	simm.s32 @!p1 $0x1082;
	[sflag:s4] =	ssyncset.s32 $0xFFFFF086  }
0x25: {  	[simem:s6], [sflag:s4] =	dma.local [hbm:s3], $0xF7A  }
0x26: {  	[smem:$0x3F86] =	sst s1;
	(tag) =	ssettag s2;
	_ =	strace s9  }
0x27: {  	s1 =	sld [smem:$0x3F96]  }
0x28: {  	s2 =	sld [smem:$0x3F97]  }
0x29: {  	s4 =	sld [smem:$0x3F99]  }
0x2a: {  	p0 =	seq.s32 s5, $0x0;
	s5 =	sld [smem:$0x3F9A]  }
0x2b: {  	s6 =	sld [smem:$0x3F9B]  }
0x2c: {  	s7 =	sld [smem:$0x3F9C]  }
0x2d: {  	s3 =	simm.s32 $0x108;
	s8 =	sld [smem:$0x3F9D]  }
0x2e: {  	s3 =	simm.s32 @!p0 $0x1082;
	s9 =	sld [smem:$0x3F9E]  }
0x2f: {  	lr =	sadd.s32 s0, s3;
	s0 =	sld [smem:$0x3F95]  }
0x30: {  	s3 =	sld [smem:$0x3F98]  }
0x31: {  	[smem:$0x3FA1] =	sst s10  }
0x32: {  	s10 =	sld [smem:$0x3F9F];
	_ =	sdelay $0x3  }
0x33: {  	p0 =	seq.s32 s10, $0x1;
	s10 =	sld [smem:$0x3FA1];
	_ =	sdelay $0x3  }
0x34: {  	[smem:$0x3FA1] =	sst s10  }
0x35: {  	s10 =	sld [smem:$0x3FA0];
	_ =	sdelay $0x3  }
0x36: {  	p1 =	seq.s32 s10, $0x1;
	s10 =	sld [smem:$0x3FA1];
	_ =	sdelay $0x3  }
0x37: {  	[smem:$0x3FA1] =	sst s10  }
0x38: {  	s10 =	sld [smem:$0x3FA2]  }
0x39: {  	_ = 	snop;
	(pc) =	sbr.ind lr, $3  }
0x3a: {  	_ = 	snop  }
0x3b: {  	_ = 	snop  }
0x3c: {  	p2 =	seq.s32 s10, $0x1;
	s10 =	sld [smem:$0x3FA1]  }
0x3d: {  	_ =	shalt  }
0x3e: {  	_ =	shalt  }
0x3f: {  	_ =	shalt  }
0x40: {  	_ =	shalt  }
0x41: {  	_ =	shalt  }
0x42: {  	_ =	shalt  }
0x43: {  	_ =	shalt  }
0x44: {  	_ =	shalt  }
0x45: {  	_ =	shalt  }
0x46: {  	_ =	shalt  }
0x47: {  	_ =	shalt  }
0x48: {  	_ =	shalt  }
0x49: {  	_ =	shalt  }
0x4a: {  	_ =	shalt  }
0x4b: {  	_ =	shalt  }
0x4c: {  	_ =	shalt  }
0x4d: {  	_ =	shalt  }
0x4e: {  	_ =	shalt  }
0x4f: {  	_ =	shalt  }
0x50: {  	_ =	shalt  }
0x51: {  	_ =	shalt  }
0x52: {  	_ =	shalt  }
0x53: {  	_ =	shalt  }
0x54: {  	_ =	shalt  }
0x55: {  	_ =	shalt  }
0x56: {  	_ =	shalt  }
0x57: {  	_ =	shalt  }
0x58: {  	_ =	shalt  }
0x59: {  	_ =	shalt  }
0x5a: {  	_ =	shalt  }
0x5b: {  	_ =	shalt  }
0x5c: {  	_ =	shalt  }
0x5d: {  	_ =	shalt  }
0x5e: {  	_ =	shalt  }
0x5f: {  	_ =	shalt  }
0x60: {  	_ =	shalt  }
0x61: {  	_ =	shalt  }
0x62: {  	_ =	shalt  }
0x63: {  	_ =	shalt  }
0x64: {  	_ =	shalt  }
0x65: {  	_ =	shalt  }
0x66: {  	_ =	shalt  }
0x67: {  	_ =	shalt  }
0x68: {  	_ =	shalt  }
0x69: {  	_ =	shalt  }
0x6a: {  	_ =	shalt  }
0x6b: {  	_ =	shalt  }
0x6c: {  	_ =	shalt  }
0x6d: {  	_ =	shalt  }
0x6e: {  	_ =	shalt  }
0x6f: {  	_ =	shalt  }
0x70: {  	_ =	shalt  }
0x71: {  	_ =	shalt  }
0x72: {  	_ =	shalt  }
0x73: {  	_ =	shalt  }
0x74: {  	_ =	shalt  }
0x75: {  	_ =	shalt  }
0x76: {  	_ =	shalt  }
0x77: {  	_ =	shalt  }
0x78: {  	_ =	shalt  }
0x79: {  	_ =	shalt  }
0x7a: {  	_ =	shalt  }
0x7b: {  	_ =	shalt  }
0x7c: {  	_ =	shalt  }
0x7d: {  	_ =	shalt  }
0x7e: {  	_ =	shalt  }
0x7f: {  	_ =	shalt  }
0x80: {  	_ =	shalt  }
0x81: {  	_ =	shalt  }
0x82: {  	_ =	shalt  }
0x83: {  	_ =	shalt  }
0x84: {  	_ =	shalt  }
0x85: {  	_ =	shalt  }
0x86: {  	_ =	shalt  }
0x87: {  	_ =	shalt  }
.Lfunc_end0:
.L_simem_size_0:
called_computation.1_lowered:
.L_overlay_start_0:
0x88: {  	s2 =	sld [smem:$0x3FD9]  }
0x89: {  	s3 =	sld [smem:$0x3FFE];
	_ =	sdelay $0x1  }
0x8a: {  	s1 =	srdreg.scid  }
0x8b: {  	s0 =	sand.u32 $0x1, s1  }
0x8c: {  	s14 =	sshll.u32 s0, $0xA;
	s2 =	sadd.s32 s3, s2  }
0x8d: {  	s2 =	sadd.s32 s2, s14  }
0x8e: {  	[smem:$0x3FAD] =	sst s2  }
0x8f: {  	_ = 	snop  }
0x90: {  	s2 =	sld [smem:$0x3FD0];
	_ =	sdelay $0x2  }
0x91: {  	s15 =	simm.s32 $0xB;
	s4 =	simm.s32 $0x10  }
0x92: {  	[smem:s4], [sflag:s15] =	dma.local [hbm:s2], $0x1  }
0x93: {  	_ =	swait.eq [sflag:s15], $0x1  }
0x94: {  	[sflag:s15] =	ssyncset.done $0x0  }
0x95: {  	[sflag:s15] =	ssyncadd.s32 $0xFFFFFFFF  }
0x96: {  	s16 =	sld [smem:$0x10];
	(tm) =	ssettm $0x1  }
0x97: {  	s17 =	sld [smem:$0x3FFB];
	_ =	sdelay $0x3  }
0x98: {  	_ =	strace s17  }
0x99: {  	s3 =	sld [smem:$0x3FFC];
	_ =	sdelay $0x3  }
0x9a: {  	_ =	strace s3  }
0x9b: {  	s3 =	sld [smem:$0x3FFD];
	_ =	sdelay $0x3  }
0x9c: {  	_ =	strace s3  }
0x9d: {  	_ =	strace $0x8FFFFFFF  }
0x9e: {  	s18 =	sld [smem:$0x3FDB];
	_ =	sdelay $0x1  }
0x9f: {  	s19 =	simm.s32 $_scs_section_size  }
0xa0: {  	s5 =	simm.s32 $_size__tile_overlayer_lowered;
	s6 =	simm.s32 $_tile_overlayer_lowered  }
0xa1: {  	s22 =	simm.s32 $0x1BFF;
	s21 =	sshll.u32 s6, $0x1;
	s3 =	sadd.s32 s19, s18  }
0xa2: {  	s7 =	simm.s32 $0x0;
	s20 =	sshll.u32 s5, $0x1;
	s5 =	sadd.s32 s21, s3  }
0xa3: {  	[timem:s7], [sflag:s22] =	dma.local [hbm:s5], s20  }
0xa4: {  	_ =	swait.ge [sflag:s22], s20  }
0xa5: {  	s4 =	ssub.s32 $0x0, s20;
	[sflag:s22] =	ssyncset.done $0x0  }
0xa6: {  	[sflag:s22] =	ssyncadd.s32 s4;
	_ =	sdelay $0x1  }
0xa7: {  	s23 =	simm.s32 $0x1B8B  }
0xa8: {  	_ =	swait.ge [sflag:s23], $0x1  }
0xa9: {  	[sflag:s23] =	ssyncset.done $0x0  }
0xaa: {  	s25 =	simm.s32 $0x1B8E;
	s24 =	sld [smem:$0x3FFE];
	[sflag:s23] =	ssyncadd.s32 $0xFFFFFFFF  }
0xab: {  	s26 =	simm.s32 $execute0_lowered;
	[smem:$0x3FD2] =	sst s25  }
0xac: {  	s5 =	sshll.u32 s26, $0x1;
	_ =	strace $0x80000049;
	[dreg:$0x1] =	wrdreg $0xFFFFFFFF  }
0xad: {  	s28 =	simm.s32 $_size_execute0_lowered;
	s3 =	sadd.s32 s3, s5;
	[dreg:$0x0] =	wrdreg $0x0  }
0xae: {  	s5 =	sshll.u32 s28, $0x1;
	[dreg:$0x2] =	wrdreg s3  }
0xaf: {  	[dreg:$0x3] =	wrdreg s5  }
0xb0: {  	[dreg:$0x4] =	wrdreg $0xC0  }
0xb1: {  	_ =	task [dreg:s7], $0x5FFFF  }
0xb2: {  	[dreg:$0x1] =	wrdreg $0xFFFFFFFF  }
0xb3: {  	[dreg:$0x0] =	wrdreg $0x60  }
0xb4: {  	[dreg:$0x2] =	wrdreg s16  }
0xb5: {  	[dreg:$0x3] =	wrdreg s24  }
0xb6: {  	[dreg:$0x4] =	wrdreg $0xA  }
0xb7: {  	_ =	task.clear_ibuf [dreg:s7], $0x5FFFF;
	_ =	strace $0x90000049  }
0xb8: {  	s29 =	simm.s32 $0xA;
	_ =	strace $0x8000004B  }
0xb9: {  	_ =	swait.ge [sflag:s29], $0x1  }
0xba: {  	[sflag:s29] =	ssyncadd.s32 $0xFFFFFFFF  }
0xbb: {  	_ =	strace $0x9000004B  }
0xbc: {  	_ =	sfence  }
0xbd: {  	s30 =	sld [smem:$0x0];
	_ =	sdelay $0x2  }
0xbe: {  	s31 =	sshll.u32 s1, $0xD;
	s1 =	sshrl.u32 s1, $0x2  }
0xbf: {  	s3 =	sand.u32 $0x4000, s31;
	s1 =	sadd.s32 s1, s30  }
0xc0: {  	s0 =	sor.u32 s3, s0;
	s1 =	sshll.u32 s1, $0x11  }
0xc1: {  	s0 =	sor.u32 s1, s0  }
0xc2: {  	s0 =	sadd.s32 $0x8F2B, s0  }
0xc3: {  	[sflag:s0] =	ssyncadd.remote.s32 $0x1  }
0xc4: {  	_ =	sfence.sel $0xFFFF  }
0xc5: {  	[dreg:$0x0] =	wrdreg $0xFFFFFFFF;
	(pc) =	sbr.abs _section_cstart, $3  }
0xc6: {  	[dreg:$0x1] =	wrdreg $0xFFFFFFFF  }
0xc7: {  	_ =	task.clear_ibuf [dreg:s7], $0x2FFFF;
	_ =	strace $0x9FFFFFFF  }
0xc8: {  	(tm) =	ssettm $0x7FFFFFFF  }
0xc9: {  	_ =	shalt  }
tec
execute0_lowered:
.L_overlay_start_1:
0x0: {  	(tag) =	ssettag $0x1  }
0x1: {  	s1 =	rddreg [dreg:$0x0]  }
0x2: {  	s4 =	rddreg [dreg:$0x1]  }
0x3: {  	s0 =	rddreg [dreg:$0x2];
	s3 =	simm.s32 $0x0;
	s5 =	srdreg.scid  }
0x4: {  	s2 =	stileid.u32;
	s10 =	simm.s32 $0x80;
	s11 =	simm.s32 $0x5400  }
0x5: {  	s12 =	simm.s32 $0x100;
	s13 =	simm.s32 $0x6800;
	s14 =	simm.s32 $0x6  }
0x6: {  	s15 =	simm.s32 $0x7;
	s16 =	simm.s32 $0x8;
	s17 =	simm.s32 $0x5  }
0x7: {  	s18 =	simm.s32 $0x0;
	[smem:$0x7FF] =	sst s3;
	s5 =	sand.u32 $0x1, s5  }
0x8: {  	s6 =	sshll.u32 s2, $0xB;
	s9 =	smul.u32 $0x13880, s2;
	_ =	strace $0x8000004A  }
0x9: {  	s7 =	smul.u32 $0x138800, s5;
	s8 =	sshll.u32 s5, $0xF;
	s5 =	ssub.s32 $0x2, s5  }
0xa: {  	s6 =	sor.u32 s6, s8;
	s30 =	sshrl.u32 s5, $0x1;
	s8 =	simm.s32 $0x28  }
0xb: {  	s7 =	sadd.s32 s7, s4;
	s4 =	sadd.s32 s6, s4;
	s5 =	ssub.s32 s5, s30  }
0xc: {  	s31 =	sadd.s32 s9, s7;
	s4 =	sadd.s32 $0x20400, s4;
	s5 =	smax.u32 s5, $0x1  }
0xd: {  	s7 =	simm.s32 $0x9;
	s9 =	simm.s32 $0x4000;
	s6 =	sadd.s32 $0x31400, s31  }
.LBB2_1:
0xe: {  	[tilespmem:s3], [sflag:$0x9] =	stream.linear.gather [hbm4b:s4+s3], $0x3E80, $0x38;
	[tilespmem:$0x9000] =	vst v63  }
0xf: {  	_ =	swait.ge [sflag:s7], $0x3E80  }
0x10: {  	[sflag:s7] =	ssyncset.done $0x0  }
0x11: {  	[sflag:s7] =	ssyncadd.s32 $0xFFFFC180  }
0x12: {  	[tilespmem:s9], [sflag:$0x1] =	stream.indirect.gather [hbm4b:s1+s8], $0x80, s3, s8, $0xb8;
	[tilespmem:$0x9000] =	vst v63  }
0x13: {  	_ = 	snop  }
0x14: {  	[tilespmem:s11], [sflag:$0x2] =	stream.indirect.gather [hbm4b:s1+s8], $0x80, s10, s8, $0xb8;
	[tilespmem:$0x9000] =	vst v63  }
0x15: {  	s19 =	simm.s32 $0x180;
	s20 =	smov.u32 s6;
	s21 =	simm.s32 $0x0  }
0x16: {  	[tilespmem:s13], [sflag:$0x3] =	stream.indirect.gather [hbm4b:s1+s8], $0x80, s12, s8, $0xb8;
	[tilespmem:$0x9000] =	vst v63  }
.LBB2_2:
0x17: {  	s22 =	sadd.s32 $0xFFFFFFFF, s21  }
0x18: {  	p0 =	sgt.u32 s21, $0x79;
	s22 =	sand.u32 $0x3, s22  }
0x19: {  	p1 =	sne.s32 @!p0 s22, $0x0  }
0x1a: {  	p2 =	por p1, p0  }
0x1b: {  	p3 =	seq.s32 @!p2 s21, $0x0  }
0x1c: {  	p1 =	por @!p0 p3, p1  }
0x1d: {  	p1 =	por p1, p0  }
0x1e: {  	s23 =	simm.s32 @!p1 $0x5  }
0x1f: {  	_ =	swait.ge @!p1 [sflag:s23], $0x1400  }
0x20: {  	s24 =	simm.s32 @!p2 $0x4000;
	[sflag:s23] =	ssyncset.done @!p1 $0x0  }
0x21: {  	[sflag:s23] =	ssyncadd.s32 @!p1 $0xFFFFEC00;
	s23 =	simm.s32 @!p2 $0x28;
	p1 =	sne.s32 @!p0 s22, $0x1  }
0x22: {  	[tilespmem:s24], [sflag:$0x1] =	stream.indirect.gather @!p2 [hbm4b:s1+s23], $0x80, s19, s23, $0xb8;
	[tilespmem:$0x9000] =	vst v63  }
0x23: {  	p2 =	por p1, p0  }
0x24: {  	p3 =	seq.s32 @!p2 s21, $0x0  }
0x25: {  	p1 =	por @!p0 p3, p1  }
0x26: {  	p1 =	por p1, p0  }
0x27: {  	s23 =	simm.s32 @!p1 $0x6  }
0x28: {  	_ =	swait.ge @!p1 [sflag:s23], $0x1400  }
0x29: {  	s24 =	simm.s32 @!p2 $0x5400;
	[sflag:s23] =	ssyncset.done @!p1 $0x0  }
0x2a: {  	[sflag:s23] =	ssyncadd.s32 @!p1 $0xFFFFEC00;
	s23 =	simm.s32 @!p2 $0x28;
	p1 =	sne.s32 @!p0 s22, $0x2  }
0x2b: {  	[tilespmem:s24], [sflag:$0x2] =	stream.indirect.gather @!p2 [hbm4b:s1+s23], $0x80, s19, s23, $0xb8;
	[tilespmem:$0x9000] =	vst v63  }
0x2c: {  	p2 =	por p1, p0  }
0x2d: {  	p3 =	seq.s32 @!p2 s21, $0x0  }
0x2e: {  	p1 =	por @!p0 p3, p1  }
0x2f: {  	p1 =	por p1, p0  }
0x30: {  	s23 =	simm.s32 @!p1 $0x7  }
0x31: {  	_ =	swait.ge @!p1 [sflag:s23], $0x1400  }
0x32: {  	s24 =	simm.s32 @!p2 $0x6800;
	[sflag:s23] =	ssyncset.done @!p1 $0x0  }
0x33: {  	[sflag:s23] =	ssyncadd.s32 @!p1 $0xFFFFEC00;
	s23 =	simm.s32 @!p2 $0x28;
	p1 =	sne.s32 @!p0 s22, $0x3  }
0x34: {  	[tilespmem:s24], [sflag:$0x3] =	stream.indirect.gather @!p2 [hbm4b:s1+s23], $0x80, s19, s23, $0xb8;
	[tilespmem:$0x9000] =	vst v63  }
0x35: {  	p2 =	por p1, p0  }
0x36: {  	p3 =	seq.s32 @!p2 s21, $0x0  }
0x37: {  	p1 =	por @!p0 p3, p1  }
0x38: {  	p0 =	por p1, p0  }
0x39: {  	s22 =	simm.s32 @!p0 $0x8  }
0x3a: {  	_ =	swait.ge @!p0 [sflag:s22], $0x1400  }
0x3b: {  	[sflag:s22] =	ssyncset.done @!p0 $0x0  }
0x3c: {  	s23 =	simm.s32 @!p2 $0x7C00;
	[sflag:s22] =	ssyncadd.s32 @!p0 $0xFFFFEC00;
	s22 =	simm.s32 @!p2 $0x28  }
0x3d: {  	[tilespmem:s23], [sflag:$0x4] =	stream.indirect.gather @!p2 [hbm4b:s1+s22], $0x80, s19, s22, $0xb8;
	[tilespmem:$0x9000] =	vst v63  }
0x3e: {  	s22 =	sand.u32 $0x3, s21  }
0x3f: {  	p0 =	sgt.s32 s22, $0x1  }
0x40: {  	p1 =	seq.s32 @p0 s22, $0x2  }
0x41: {  	p2 =	por !p1, !p0  }
0x42: {  	s23 =	simm.s32 @!p2 $0x3  }
0x43: {  	_ =	swait.ge @!p2 [sflag:s23], $0x1400  }
0x44: {  	p1 =	por p1, !p0;
	[sflag:s23] =	ssyncset.done @!p2 $0x0  }
0x45: {  	s24 =	simm.s32 @!p2 $0x6800;
	[sflag:s23] =	ssyncadd.s32 @!p2 $0xFFFFEC00;
	s23 =	simm.s32 @!p2 $0x0  }
0x46: {  	[hbm4b:s20+s23] =	stream.linear.scatter @!p2 [tilespmem:s24], [sflag:$0x7], $0x1400, $0x38;
	[tilespmem:$0x9000] =	vst v63  }
0x47: {  	s23 =	simm.s32 @!p1 $0x4  }
0x48: {  	_ =	swait.ge @!p1 [sflag:s23], $0x1400  }
0x49: {  	[sflag:s23] =	ssyncset.done @!p1 $0x0  }
0x4a: {  	s24 =	simm.s32 @!p1 $0x7C00;
	[sflag:s23] =	ssyncadd.s32 @!p1 $0xFFFFEC00;
	s23 =	simm.s32 @!p1 $0x0  }
0x4b: {  	[hbm4b:s20+s23] =	stream.linear.scatter @!p1 [tilespmem:s24], [sflag:$0x8], $0x1400, $0x38;
	[tilespmem:$0x9000] =	vst v63  }
0x4c: {  	p1 =	seq.s32 @!p0 s22, $0x0  }
0x4d: {  	p2 =	por !p1, p0  }
0x4e: {  	s22 =	simm.s32 @!p2 $0x1  }
0x4f: {  	_ =	swait.ge @!p2 [sflag:s22], $0x1400  }
0x50: {  	p0 =	por p1, p0;
	[sflag:s22] =	ssyncset.done @!p2 $0x0  }
0x51: {  	s23 =	simm.s32 @!p2 $0x4000;
	[sflag:s22] =	ssyncadd.s32 @!p2 $0xFFFFEC00;
	s22 =	simm.s32 @!p2 $0x0  }
0x52: {  	[hbm4b:s20+s22] =	stream.linear.scatter @!p2 [tilespmem:s23], [sflag:$0x5], $0x1400, $0x38;
	[tilespmem:$0x9000] =	vst v63  }
0x53: {  	s22 =	simm.s32 @!p0 $0x2  }
0x54: {  	_ =	swait.ge @!p0 [sflag:s22], $0x1400  }
0x55: {  	s21 =	sadd.s32 $0x1, s21;
	[sflag:s22] =	ssyncset.done @!p0 $0x0  }
0x56: {  	s23 =	simm.s32 @!p0 $0x5400;
	[sflag:s22] =	ssyncadd.s32 @!p0 $0xFFFFEC00;
	s22 =	simm.s32 @!p0 $0x0  }
0x57: {  	[hbm4b:s20+s22] =	stream.linear.scatter @!p0 [tilespmem:s23], [sflag:$0x6], $0x1400, $0x38;
	[tilespmem:$0x9000] =	vst v63  }
0x58: {  	p0 =	sne.s32 s21, $0x7D  }
.Ltmp0:
0x59: {  	_ = 	snop;
	(pc) =	sbr.rel @p0 .LBB2_2-.Ltmp0, $2  }
0x5a: {  	_ =	sdelay $0x2  }
0x5b: {  	s19 =	sadd.s32 $0x80, s19;
	s20 =	sadd.s32 $0x280, s20  }
0x5c: {  	_ =	swait.ge [sflag:s14], $0x1400  }
0x5d: {  	[sflag:s14] =	ssyncset.done $0x0  }
0x5e: {  	[sflag:s14] =	ssyncadd.s32 $0xFFFFEC00  }
0x5f: {  	_ =	swait.ge [sflag:s15], $0x1400  }
0x60: {  	[sflag:s15] =	ssyncset.done $0x0  }
0x61: {  	s18 =	sadd.s32 $0x1, s18;
	[sflag:s15] =	ssyncadd.s32 $0xFFFFEC00  }
0x62: {  	p0 =	sne.s32 s18, s5;
	_ =	swait.ge [sflag:s16], $0x1400  }
.Ltmp1:
0x63: {  	[sflag:s16] =	ssyncset.done $0x0;
	(pc) =	sbr.rel @p0 .LBB2_1-.Ltmp1, $4  }
0x64: {  	[sflag:s16] =	ssyncadd.s32 $0xFFFFEC00  }
0x65: {  	_ =	swait.ge [sflag:s17], $0x1400  }
0x66: {  	[sflag:s17] =	ssyncset.done $0x0  }
0x67: {  	[sflag:s17] =	ssyncadd.s32 $0xFFFFEC00  }
0x68: {  	_ =	sfence.sel $0x180000  }
0x69: {  	[bflag:$0x0] =	sbarrier.arrive $0xFFFF  }
0x6a: {  	p0 =	sne.s32 s2, $0x0;
	_ =	strace $0x9000004A  }
0x6b: {  	s0 =	sadd.s32 @!p0 $0x100000, s0;
	[bflag:$0x2] =	sbarrier.arrive $0xFFFF  }
0x6c: {  	[sflag:s0] =	ssyncadd.tile.s32 @!p0 $0x1;
	_ =	shalt  }
.Lfunc_end2:
_tile_overlayer_lowered:
.L_overlay_start_2:
0x6d: {  	(tag) =	ssettag $0x2  }
0x6e: {  	s0 =	rddreg [dreg:$0x0];
	s2 =	stileid.u32  }
0x6f: {  	s1 =	rddreg [dreg:$0x1];
	p0 =	sne.s32 s2, $0x0  }
0x70: {  	s3 =	rddreg [dreg:$0x2];
	[bflag:$0x3] =	sbarrier.arrive $0xFFFF;
	s2 =	simm.s32 @!p0 $0x1C09  }
0x71: {  	[timem:s3], [sflag:s2] =	dma.local @!p0 [hbm:s0], s1  }
0x72: {  	s0 =	simm.s32 @!p0 $0x9  }
0x73: {  	_ =	swait.ge @!p0 [sflag:s0], s1  }
0x74: {  	s1 =	ssub.s32 @!p0 $0x0, s1;
	[sflag:s0] =	ssyncset.done @!p0 $0x0  }
0x75: {  	[sflag:s0] =	ssyncadd.s32 @!p0 s1  }
0x76: {  	[bflag:$0x3] =	sbarrier.arrive $0xFFFF  }
0x77: {  	_ =	shalt  }

// kernel: kernel.17.cloned.1.call-start
scs
__scs_entry_jumppad:
0x0: {  	(pc) =	sbr.rel $0x88, $3  }
0x1: {  	(tag) =	ssettag $0x0;
	lr =	simm.s32 $0x1  }
0x2: {  	[smem:$0x3F86] =	sst lr;
	_ =	strace $0xD0000000  }
0x3: {  	_ = 	snop  }
0x4: {  	_ = 	snop  }
0x5: {  	_ = 	snop  }
0x6: {  	_ = 	snop  }
0x7: {  	_ = 	snop  }
__scs_overlays_trampoline_lowered:
0x8: {  	[smem:$0x3F95] =	sst s0  }
0x9: {  	[smem:$0x3F96] =	sst s1  }
0xa: {  	[smem:$0x3F97] =	sst s2  }
0xb: {  	[smem:$0x3F98] =	sst s3  }
0xc: {  	[smem:$0x3F99] =	sst s4  }
0xd: {  	[smem:$0x3F9A] =	sst s5  }
0xe: {  	[smem:$0x3F9B] =	sst s6  }
0xf: {  	[smem:$0x3F9C] =	sst s7  }
0x10: {  	[smem:$0x3F9D] =	sst s8  }
0x11: {  	[smem:$0x3F9E] =	sst s9;
	s0 =	simm.s32 @!p0 $0x0  }
0x12: {  	s1 =	sld [smem:$0x3F84];
	s0 =	simm.s32 @p0 $0x1  }
0x13: {  	[smem:$0x3F9F] =	sst s0;
	s0 =	simm.s32 @!p1 $0x0  }
0x14: {  	s2 =	sld [smem:$0x3F83];
	s0 =	simm.s32 @p1 $0x1  }
0x15: {  	[smem:$0x3FA0] =	sst s0;
	s0 =	simm.s32 @!p2 $0x0  }
0x16: {  	s3 =	sld [smem:$0x3FDB];
	s0 =	simm.s32 @p2 $0x1  }
0x17: {  	s4 =	simm.s32 $0x1BF5;
	[smem:$0x3FA2] =	sst s0  }
0x18: {  	s0 =	sld [smem:$0x3F85];
	_ =	swait.ge [sflag:s4], $0x0  }
0x19: {  	s7 =	sld [smem:$0x3F86]  }
0x1a: {  	s8 =	sadd.s32 $0xFFFFE003, lr  }
0x1b: {  	s9 =	sadd.s32 $0xFFFFFEF7, lr;
	s5 =	simm.s32 $0xFFFFFFFF;
	p2 =	slt.u32 s8, $0xFFFFF086  }
0x1c: {  	p1 =	slt.u32 s9, $0xF7A;
	s5 =	simm.s32 @!p2 $0x0  }
0x1d: {  	s5 =	simm.s32 @p1 $0x1;
	p0 =	seq.s32 s7, s2  }
0x1e: {  	s7 =	smul.u32 @!p0 $0xF7A, s2;
	p2 =	seq.s32 @!p0 s5, $0x0  }
0x1f: {  	s9 =	smul.u32 $0xF7A, s1;
	s8 =	simm.s32 @!p0 $0x1BF5;
	p2 =	por !p2, p0  }
0x20: {  	[sflag:s8] =	ssyncset.s32 @!p0 $0xFFFFF086;
	s6 =	sadd.s32 @!p0 s3, s7;
	s7 =	simm.s32 @!p0 $0x108  }
0x21: {  	s3 =	sadd.s32 s3, s9;
	s6 =	sadd.s32 @!p0 $0x88, s6;
	s7 =	simm.s32 @p2 $0x1082  }
0x22: {  	[simem:s7], [sflag:s8] =	dma.local @!p0 [hbm:s6], $0xF7A  }
0x23: {  	s9 =	sor.u32 $0xD0000000, s2;
	s6 =	simm.s32 $0x108;
	_ =	swait.ge @!p0 [sflag:s8], $0x0  }
0x24: {  	s3 =	sadd.s32 $0x88, s3;
	s6 =	simm.s32 @!p1 $0x1082;
	[sflag:s4] =	ssyncset.s32 $0xFFFFF086  }
0x25: {  	[simem:s6], [sflag:s4] =	dma.local [hbm:s3], $0xF7A  }
0x26: {  	[smem:$0x3F86] =	sst s1;
	(tag) =	ssettag s2;
	_ =	strace s9  }
0x27: {  	s1 =	sld [smem:$0x3F96]  }
0x28: {  	s2 =	sld [smem:$0x3F97]  }
0x29: {  	s4 =	sld [smem:$0x3F99]  }
0x2a: {  	p0 =	seq.s32 s5, $0x0;
	s5 =	sld [smem:$0x3F9A]  }
0x2b: {  	s6 =	sld [smem:$0x3F9B]  }
0x2c: {  	s7 =	sld [smem:$0x3F9C]  }
0x2d: {  	s3 =	simm.s32 $0x108;
	s8 =	sld [smem:$0x3F9D]  }
0x2e: {  	s3 =	simm.s32 @!p0 $0x1082;
	s9 =	sld [smem:$0x3F9E]  }
0x2f: {  	lr =	sadd.s32 s0, s3;
	s0 =	sld [smem:$0x3F95]  }
0x30: {  	s3 =	sld [smem:$0x3F98]  }
0x31: {  	[smem:$0x3FA1] =	sst s10  }
0x32: {  	s10 =	sld [smem:$0x3F9F];
	_ =	sdelay $0x3  }
0x33: {  	p0 =	seq.s32 s10, $0x1;
	s10 =	sld [smem:$0x3FA1];
	_ =	sdelay $0x3  }
0x34: {  	[smem:$0x3FA1] =	sst s10  }
0x35: {  	s10 =	sld [smem:$0x3FA0];
	_ =	sdelay $0x3  }
0x36: {  	p1 =	seq.s32 s10, $0x1;
	s10 =	sld [smem:$0x3FA1];
	_ =	sdelay $0x3  }
0x37: {  	[smem:$0x3FA1] =	sst s10  }
0x38: {  	s10 =	sld [smem:$0x3FA2]  }
0x39: {  	_ = 	snop;
	(pc) =	sbr.ind lr, $3  }
0x3a: {  	_ = 	snop  }
0x3b: {  	_ = 	snop  }
0x3c: {  	p2 =	seq.s32 s10, $0x1;
	s10 =	sld [smem:$0x3FA1]  }
0x3d: {  	_ =	shalt  }
0x3e: {  	_ =	shalt  }
0x3f: {  	_ =	shalt  }
0x40: {  	_ =	shalt  }
0x41: {  	_ =	shalt  }
0x42: {  	_ =	shalt  }
0x43: {  	_ =	shalt  }
0x44: {  	_ =	shalt  }
0x45: {  	_ =	shalt  }
0x46: {  	_ =	shalt  }
0x47: {  	_ =	shalt  }
0x48: {  	_ =	shalt  }
0x49: {  	_ =	shalt  }
0x4a: {  	_ =	shalt  }
0x4b: {  	_ =	shalt  }
0x4c: {  	_ =	shalt  }
0x4d: {  	_ =	shalt  }
0x4e: {  	_ =	shalt  }
0x4f: {  	_ =	shalt  }
0x50: {  	_ =	shalt  }
0x51: {  	_ =	shalt  }
0x52: {  	_ =	shalt  }
0x53: {  	_ =	shalt  }
0x54: {  	_ =	shalt  }
0x55: {  	_ =	shalt  }
0x56: {  	_ =	shalt  }
0x57: {  	_ =	shalt  }
0x58: {  	_ =	shalt  }
0x59: {  	_ =	shalt  }
0x5a: {  	_ =	shalt  }
0x5b: {  	_ =	shalt  }
0x5c: {  	_ =	shalt  }
0x5d: {  	_ =	shalt  }
0x5e: {  	_ =	shalt  }
0x5f: {  	_ =	shalt  }
0x60: {  	_ =	shalt  }
0x61: {  	_ =	shalt  }
0x62: {  	_ =	shalt  }
0x63: {  	_ =	shalt  }
0x64: {  	_ =	shalt  }
0x65: {  	_ =	shalt  }
0x66: {  	_ =	shalt  }
0x67: {  	_ =	shalt  }
0x68: {  	_ =	shalt  }
0x69: {  	_ =	shalt  }
0x6a: {  	_ =	shalt  }
0x6b: {  	_ =	shalt  }
0x6c: {  	_ =	shalt  }
0x6d: {  	_ =	shalt  }
0x6e: {  	_ =	shalt  }
0x6f: {  	_ =	shalt  }
0x70: {  	_ =	shalt  }
0x71: {  	_ =	shalt  }
0x72: {  	_ =	shalt  }
0x73: {  	_ =	shalt  }
0x74: {  	_ =	shalt  }
0x75: {  	_ =	shalt  }
0x76: {  	_ =	shalt  }
0x77: {  	_ =	shalt  }
0x78: {  	_ =	shalt  }
0x79: {  	_ =	shalt  }
0x7a: {  	_ =	shalt  }
0x7b: {  	_ =	shalt  }
0x7c: {  	_ =	shalt  }
0x7d: {  	_ =	shalt  }
0x7e: {  	_ =	shalt  }
0x7f: {  	_ =	shalt  }
0x80: {  	_ =	shalt  }
0x81: {  	_ =	shalt  }
0x82: {  	_ =	shalt  }
0x83: {  	_ =	shalt  }
0x84: {  	_ =	shalt  }
0x85: {  	_ =	shalt  }
0x86: {  	_ =	shalt  }
0x87: {  	_ =	shalt  }
.Lfunc_end0:
.L_simem_size_0:
called_computation.2_lowered:
.L_overlay_start_0:
0x88: {  	s2 =	sld [smem:$0x3FD9]  }
0x89: {  	s3 =	sld [smem:$0x3FFE];
	_ =	sdelay $0x1  }
0x8a: {  	s1 =	srdreg.scid  }
0x8b: {  	s0 =	sand.u32 $0x1, s1  }
0x8c: {  	s15 =	sshll.u32 s0, $0xA;
	s2 =	sadd.s32 s3, s2  }
0x8d: {  	s2 =	sadd.s32 s2, s15  }
0x8e: {  	[smem:$0x3FAD] =	sst s2  }
0x8f: {  	_ = 	snop  }
0x90: {  	s2 =	sld [smem:$0x3FD0];
	_ =	sdelay $0x2  }
0x91: {  	s16 =	simm.s32 $0xB;
	s4 =	simm.s32 $0x10  }
0x92: {  	[smem:s4], [sflag:s16] =	dma.local [hbm:s2], $0x1  }
0x93: {  	_ =	swait.eq [sflag:s16], $0x1  }
0x94: {  	[sflag:s16] =	ssyncset.done $0x0  }
0x95: {  	[sflag:s16] =	ssyncadd.s32 $0xFFFFFFFF  }
0x96: {  	s17 =	sld [smem:$0x10];
	(tm) =	ssettm $0x1  }
0x97: {  	s18 =	sld [smem:$0x3FFB];
	_ =	sdelay $0x3  }
0x98: {  	_ =	strace s18  }
0x99: {  	s2 =	sld [smem:$0x3FFC];
	_ =	sdelay $0x3  }
0x9a: {  	_ =	strace s2  }
0x9b: {  	s2 =	sld [smem:$0x3FFD];
	_ =	sdelay $0x3  }
0x9c: {  	_ =	strace s2  }
0x9d: {  	_ =	strace $0x8FFFFFFF  }
0x9e: {  	s19 =	sld [smem:$0x3FDB];
	_ =	sdelay $0x1  }
0x9f: {  	s20 =	simm.s32 $_scs_section_size  }
0xa0: {  	s5 =	simm.s32 $_size__tile_overlayer_lowered;
	s6 =	simm.s32 $_tile_overlayer_lowered  }
0xa1: {  	s7 =	simm.s32 $0x1BFF;
	s21 =	sshll.u32 s6, $0x1;
	s4 =	sadd.s32 s20, s19  }
0xa2: {  	s22 =	simm.s32 $0x0;
	s5 =	sshll.u32 s5, $0x1;
	s6 =	sadd.s32 s21, s4  }
0xa3: {  	[timem:s22], [sflag:s7] =	dma.local [hbm:s6], s5  }
0xa4: {  	_ =	swait.ge [sflag:s7], s5  }
0xa5: {  	s5 =	ssub.s32 $0x0, s5;
	[sflag:s7] =	ssyncset.done $0x0  }
0xa6: {  	[sflag:s7] =	ssyncadd.s32 s5;
	_ =	sdelay $0x1  }
0xa7: {  	s23 =	simm.s32 $0x1B8B  }
0xa8: {  	_ =	swait.ge [sflag:s23], $0x1  }
0xa9: {  	[sflag:s23] =	ssyncset.done $0x0  }
0xaa: {  	[sflag:s23] =	ssyncadd.s32 $0xFFFFFFFF  }
0xab: {  	s5 =	sld [smem:$0x0]  }
0xac: {  	s6 =	sand.u32 $0xFFFFFFFE, s1  }
0xad: {  	p0 =	sne.s32 s1, s6  }
0xae: {  	s6 =	sshll.u32 @p0 s6, $0xE  }
0xaf: {  	s6 =	sadd.s32 @p0 $0x11B8D, s6;
	s7 =	sshll.u32 @p0 s5, $0x11  }
0xb0: {  	s6 =	sor.u32 @p0 s7, s6  }
0xb1: {  	[sflag:s6] =	ssyncadd.remote.s32 @p0 $0x1;
	_ =	sdelay $0x1  }
0xb2: {  	s6 =	simm.s32 @p0 $0x1B8D  }
0xb3: {  	_ =	swait.eq @p0 [sflag:s6], $0x1  }
0xb4: {  	[sflag:s6] =	ssyncadd.s32 @p0 $0xFFFFFFFF  }
0xb5: {  	s7 =	sshll.u32 @!p0 s1, $0xE  }
0xb6: {  	s7 =	sor.u32 @!p0 $0x4000, s7;
	s6 =	simm.s32 @!p0 $0x1B8D  }
0xb7: {  	s5 =	sshll.u32 @!p0 s5, $0x11;
	s7 =	sadd.s32 @!p0 $0x11B8D, s7;
	_ =	swait.eq @!p0 [sflag:s6], $0x1  }
0xb8: {  	s5 =	sor.u32 @!p0 s5, s7;
	[sflag:s6] =	ssyncadd.s32 @!p0 $0xFFFFFFFF  }
0xb9: {  	s25 =	simm.s32 $0x1B8E;
	s24 =	sld [smem:$0x3FFE];
	[sflag:s5] =	ssyncadd.remote.s32 @!p0 $0x1  }
0xba: {  	s26 =	simm.s32 $execute0_lowered;
	[smem:$0x3FD2] =	sst s25  }
0xbb: {  	s6 =	sshll.u32 s26, $0x1;
	_ =	strace $0x8000004C;
	[dreg:$0x1] =	wrdreg $0xFFFFFFFF  }
0xbc: {  	s28 =	simm.s32 $_size_execute0_lowered;
	s4 =	sadd.s32 s4, s6;
	[dreg:$0x0] =	wrdreg $0x0  }
0xbd: {  	s6 =	sshll.u32 s28, $0x1;
	[dreg:$0x2] =	wrdreg s4  }
0xbe: {  	[dreg:$0x3] =	wrdreg s6  }
0xbf: {  	[dreg:$0x4] =	wrdreg $0xC0  }
0xc0: {  	_ =	task [dreg:s22], $0x5FFFF  }
0xc1: {  	[dreg:$0x1] =	wrdreg $0xFFFFFFFF  }
0xc2: {  	[dreg:$0x0] =	wrdreg $0x60  }
0xc3: {  	[dreg:$0x2] =	wrdreg s17  }
0xc4: {  	[dreg:$0x3] =	wrdreg s24  }
0xc5: {  	[dreg:$0x4] =	wrdreg $0x9  }
0xc6: {  	_ =	task.clear_ibuf [dreg:s22], $0x5FFFF;
	_ =	strace $0x9000004C  }
0xc7: {  	s29 =	simm.s32 $0x9;
	_ =	strace $0x8000004E  }
0xc8: {  	_ =	swait.ge [sflag:s29], $0x1  }
0xc9: {  	[sflag:s29] =	ssyncadd.s32 $0xFFFFFFFF  }
0xca: {  	_ =	strace $0x9000004E  }
0xcb: {  	_ =	sfence  }
0xcc: {  	s30 =	sld [smem:$0x0];
	_ =	sdelay $0x2  }
0xcd: {  	s31 =	sshll.u32 s1, $0xD;
	s1 =	sshrl.u32 s1, $0x2  }
0xce: {  	s4 =	sand.u32 $0x4000, s31;
	s1 =	sadd.s32 s1, s30  }
0xcf: {  	s0 =	sor.u32 s4, s0;
	s1 =	sshll.u32 s1, $0x11  }
0xd0: {  	s0 =	sor.u32 s1, s0  }
0xd1: {  	s0 =	sadd.s32 $0x8F2B, s0  }
0xd2: {  	[sflag:s0] =	ssyncadd.remote.s32 $0x1  }
0xd3: {  	_ =	sfence.sel $0xFFFF  }
0xd4: {  	[dreg:$0x0] =	wrdreg $0xFFFFFFFF;
	(pc) =	sbr.abs _section_cstart, $3  }
0xd5: {  	[dreg:$0x1] =	wrdreg $0xFFFFFFFF  }
0xd6: {  	_ =	task.clear_ibuf [dreg:s22], $0x2FFFF;
	_ =	strace $0x9FFFFFFF  }
0xd7: {  	(tm) =	ssettm $0x7FFFFFFF  }
tec
execute0_lowered:
.L_overlay_start_1:
0x0: {  	(tag) =	ssettag $0x1  }
0x1: {  	s1 =	rddreg [dreg:$0x0]  }
0x2: {  	s4 =	rddreg [dreg:$0x1]  }
0x3: {  	s0 =	rddreg [dreg:$0x2];
	s3 =	simm.s32 $0x0;
	s5 =	srdreg.scid  }
0x4: {  	s2 =	stileid.u32;
	s10 =	simm.s32 $0x80;
	s11 =	simm.s32 $0x5400  }
0x5: {  	s12 =	simm.s32 $0x100;
	s13 =	simm.s32 $0x6800;
	s14 =	simm.s32 $0x6  }
0x6: {  	s15 =	simm.s32 $0x7;
	s16 =	simm.s32 $0x8;
	s17 =	simm.s32 $0x5  }
0x7: {  	s18 =	simm.s32 $0x0;
	[smem:$0x7FF] =	sst s3;
	s5 =	sand.u32 $0x1, s5  }
0x8: {  	s6 =	sshll.u32 s2, $0xB;
	s9 =	smul.u32 $0x13880, s2;
	_ =	strace $0x8000004D  }
0x9: {  	s7 =	smul.u32 $0x138800, s5;
	s8 =	sshll.u32 s5, $0xF;
	s5 =	ssub.s32 $0x2, s5  }
0xa: {  	s6 =	sor.u32 s6, s8;
	s30 =	sshrl.u32 s5, $0x1;
	s8 =	simm.s32 $0x28  }
0xb: {  	s7 =	sadd.s32 s7, s4;
	s4 =	sadd.s32 s6, s4;
	s5 =	ssub.s32 s5, s30  }
0xc: {  	s31 =	sadd.s32 s9, s7;
	s4 =	sadd.s32 $0x2A2400, s4;
	s5 =	smax.u32 s5, $0x1  }
0xd: {  	s7 =	simm.s32 $0x9;
	s9 =	simm.s32 $0x4000;
	s6 =	sadd.s32 $0x2B2400, s31  }
.LBB2_1:
0xe: {  	[tilespmem:s3], [sflag:$0x9] =	stream.linear.gather [hbm4b:s4+s3], $0x3E80, $0x38;
	[tilespmem:$0x9000] =	vst v63  }
0xf: {  	_ =	swait.ge [sflag:s7], $0x3E80  }
0x10: {  	[sflag:s7] =	ssyncset.done $0x0  }
0x11: {  	[sflag:s7] =	ssyncadd.s32 $0xFFFFC180  }
0x12: {  	[tilespmem:s9], [sflag:$0x1] =	stream.indirect.gather [hbm4b:s1+s8], $0x80, s3, s8, $0xb8;
	[tilespmem:$0x9000] =	vst v63  }
0x13: {  	_ = 	snop  }
0x14: {  	[tilespmem:s11], [sflag:$0x2] =	stream.indirect.gather [hbm4b:s1+s8], $0x80, s10, s8, $0xb8;
	[tilespmem:$0x9000] =	vst v63  }
0x15: {  	s19 =	simm.s32 $0x180;
	s20 =	smov.u32 s6;
	s21 =	simm.s32 $0x0  }
0x16: {  	[tilespmem:s13], [sflag:$0x3] =	stream.indirect.gather [hbm4b:s1+s8], $0x80, s12, s8, $0xb8;
	[tilespmem:$0x9000] =	vst v63  }
.LBB2_2:
0x17: {  	s22 =	sadd.s32 $0xFFFFFFFF, s21  }
0x18: {  	p0 =	sgt.u32 s21, $0x79;
	s22 =	sand.u32 $0x3, s22  }
0x19: {  	p1 =	sne.s32 @!p0 s22, $0x0  }
0x1a: {  	p2 =	por p1, p0  }
0x1b: {  	p3 =	seq.s32 @!p2 s21, $0x0  }
0x1c: {  	p1 =	por @!p0 p3, p1  }
0x1d: {  	p1 =	por p1, p0  }
0x1e: {  	s23 =	simm.s32 @!p1 $0x5  }
0x1f: {  	_ =	swait.ge @!p1 [sflag:s23], $0x1400  }
0x20: {  	s24 =	simm.s32 @!p2 $0x4000;
	[sflag:s23] =	ssyncset.done @!p1 $0x0  }
0x21: {  	[sflag:s23] =	ssyncadd.s32 @!p1 $0xFFFFEC00;
	s23 =	simm.s32 @!p2 $0x28;
	p1 =	sne.s32 @!p0 s22, $0x1  }
0x22: {  	[tilespmem:s24], [sflag:$0x1] =	stream.indirect.gather @!p2 [hbm4b:s1+s23], $0x80, s19, s23, $0xb8;
	[tilespmem:$0x9000] =	vst v63  }
0x23: {  	p2 =	por p1, p0  }
0x24: {  	p3 =	seq.s32 @!p2 s21, $0x0  }
0x25: {  	p1 =	por @!p0 p3, p1  }
0x26: {  	p1 =	por p1, p0  }
0x27: {  	s23 =	simm.s32 @!p1 $0x6  }
0x28: {  	_ =	swait.ge @!p1 [sflag:s23], $0x1400  }
0x29: {  	s24 =	simm.s32 @!p2 $0x5400;
	[sflag:s23] =	ssyncset.done @!p1 $0x0  }
0x2a: {  	[sflag:s23] =	ssyncadd.s32 @!p1 $0xFFFFEC00;
	s23 =	simm.s32 @!p2 $0x28;
	p1 =	sne.s32 @!p0 s22, $0x2  }
0x2b: {  	[tilespmem:s24], [sflag:$0x2] =	stream.indirect.gather @!p2 [hbm4b:s1+s23], $0x80, s19, s23, $0xb8;
	[tilespmem:$0x9000] =	vst v63  }
0x2c: {  	p2 =	por p1, p0  }
0x2d: {  	p3 =	seq.s32 @!p2 s21, $0x0  }
0x2e: {  	p1 =	por @!p0 p3, p1  }
0x2f: {  	p1 =	por p1, p0  }
0x30: {  	s23 =	simm.s32 @!p1 $0x7  }
0x31: {  	_ =	swait.ge @!p1 [sflag:s23], $0x1400  }
0x32: {  	s24 =	simm.s32 @!p2 $0x6800;
	[sflag:s23] =	ssyncset.done @!p1 $0x0  }
0x33: {  	[sflag:s23] =	ssyncadd.s32 @!p1 $0xFFFFEC00;
	s23 =	simm.s32 @!p2 $0x28;
	p1 =	sne.s32 @!p0 s22, $0x3  }
0x34: {  	[tilespmem:s24], [sflag:$0x3] =	stream.indirect.gather @!p2 [hbm4b:s1+s23], $0x80, s19, s23, $0xb8;
	[tilespmem:$0x9000] =	vst v63  }
0x35: {  	p2 =	por p1, p0  }
0x36: {  	p3 =	seq.s32 @!p2 s21, $0x0  }
0x37: {  	p1 =	por @!p0 p3, p1  }
0x38: {  	p0 =	por p1, p0  }
0x39: {  	s22 =	simm.s32 @!p0 $0x8  }
0x3a: {  	_ =	swait.ge @!p0 [sflag:s22], $0x1400  }
0x3b: {  	[sflag:s22] =	ssyncset.done @!p0 $0x0  }
0x3c: {  	s23 =	simm.s32 @!p2 $0x7C00;
	[sflag:s22] =	ssyncadd.s32 @!p0 $0xFFFFEC00;
	s22 =	simm.s32 @!p2 $0x28  }
0x3d: {  	[tilespmem:s23], [sflag:$0x4] =	stream.indirect.gather @!p2 [hbm4b:s1+s22], $0x80, s19, s22, $0xb8;
	[tilespmem:$0x9000] =	vst v63  }
0x3e: {  	s22 =	sand.u32 $0x3, s21  }
0x3f: {  	p0 =	sgt.s32 s22, $0x1  }
0x40: {  	p1 =	seq.s32 @p0 s22, $0x2  }
0x41: {  	p2 =	por !p1, !p0  }
0x42: {  	s23 =	simm.s32 @!p2 $0x3  }
0x43: {  	_ =	swait.ge @!p2 [sflag:s23], $0x1400  }
0x44: {  	p1 =	por p1, !p0;
	[sflag:s23] =	ssyncset.done @!p2 $0x0  }
0x45: {  	s24 =	simm.s32 @!p2 $0x6800;
	[sflag:s23] =	ssyncadd.s32 @!p2 $0xFFFFEC00;
	s23 =	simm.s32 @!p2 $0x0  }
0x46: {  	[hbm4b:s20+s23] =	stream.linear.scatter @!p2 [tilespmem:s24], [sflag:$0x7], $0x1400, $0x38;
	[tilespmem:$0x9000] =	vst v63  }
0x47: {  	s23 =	simm.s32 @!p1 $0x4  }
0x48: {  	_ =	swait.ge @!p1 [sflag:s23], $0x1400  }
0x49: {  	[sflag:s23] =	ssyncset.done @!p1 $0x0  }
0x4a: {  	s24 =	simm.s32 @!p1 $0x7C00;
	[sflag:s23] =	ssyncadd.s32 @!p1 $0xFFFFEC00;
	s23 =	simm.s32 @!p1 $0x0  }
0x4b: {  	[hbm4b:s20+s23] =	stream.linear.scatter @!p1 [tilespmem:s24], [sflag:$0x8], $0x1400, $0x38;
	[tilespmem:$0x9000] =	vst v63  }
0x4c: {  	p1 =	seq.s32 @!p0 s22, $0x0  }
0x4d: {  	p2 =	por !p1, p0  }
0x4e: {  	s22 =	simm.s32 @!p2 $0x1  }
0x4f: {  	_ =	swait.ge @!p2 [sflag:s22], $0x1400  }
0x50: {  	p0 =	por p1, p0;
	[sflag:s22] =	ssyncset.done @!p2 $0x0  }
0x51: {  	s23 =	simm.s32 @!p2 $0x4000;
	[sflag:s22] =	ssyncadd.s32 @!p2 $0xFFFFEC00;
	s22 =	simm.s32 @!p2 $0x0  }
0x52: {  	[hbm4b:s20+s22] =	stream.linear.scatter @!p2 [tilespmem:s23], [sflag:$0x5], $0x1400, $0x38;
	[tilespmem:$0x9000] =	vst v63  }
0x53: {  	s22 =	simm.s32 @!p0 $0x2  }
0x54: {  	_ =	swait.ge @!p0 [sflag:s22], $0x1400  }
0x55: {  	s21 =	sadd.s32 $0x1, s21;
	[sflag:s22] =	ssyncset.done @!p0 $0x0  }
0x56: {  	s23 =	simm.s32 @!p0 $0x5400;
	[sflag:s22] =	ssyncadd.s32 @!p0 $0xFFFFEC00;
	s22 =	simm.s32 @!p0 $0x0  }
0x57: {  	[hbm4b:s20+s22] =	stream.linear.scatter @!p0 [tilespmem:s23], [sflag:$0x6], $0x1400, $0x38;
	[tilespmem:$0x9000] =	vst v63  }
0x58: {  	p0 =	sne.s32 s21, $0x7D  }
.Ltmp0:
0x59: {  	_ = 	snop;
	(pc) =	sbr.rel @p0 .LBB2_2-.Ltmp0, $2  }
0x5a: {  	_ =	sdelay $0x2  }
0x5b: {  	s19 =	sadd.s32 $0x80, s19;
	s20 =	sadd.s32 $0x280, s20  }
0x5c: {  	_ =	swait.ge [sflag:s14], $0x1400  }
0x5d: {  	[sflag:s14] =	ssyncset.done $0x0  }
0x5e: {  	[sflag:s14] =	ssyncadd.s32 $0xFFFFEC00  }
0x5f: {  	_ =	swait.ge [sflag:s15], $0x1400  }
0x60: {  	[sflag:s15] =	ssyncset.done $0x0  }
0x61: {  	s18 =	sadd.s32 $0x1, s18;
	[sflag:s15] =	ssyncadd.s32 $0xFFFFEC00  }
0x62: {  	p0 =	sne.s32 s18, s5;
	_ =	swait.ge [sflag:s16], $0x1400  }
.Ltmp1:
0x63: {  	[sflag:s16] =	ssyncset.done $0x0;
	(pc) =	sbr.rel @p0 .LBB2_1-.Ltmp1, $4  }
0x64: {  	[sflag:s16] =	ssyncadd.s32 $0xFFFFEC00  }
0x65: {  	_ =	swait.ge [sflag:s17], $0x1400  }
0x66: {  	[sflag:s17] =	ssyncset.done $0x0  }
0x67: {  	[sflag:s17] =	ssyncadd.s32 $0xFFFFEC00  }
0x68: {  	_ =	sfence.sel $0x180000  }
0x69: {  	[bflag:$0x0] =	sbarrier.arrive $0xFFFF  }
0x6a: {  	p0 =	sne.s32 s2, $0x0;
	_ =	strace $0x9000004D  }
0x6b: {  	s0 =	sadd.s32 @!p0 $0x100000, s0;
	[bflag:$0x2] =	sbarrier.arrive $0xFFFF  }
0x6c: {  	[sflag:s0] =	ssyncadd.tile.s32 @!p0 $0x1;
	_ =	shalt  }
.Lfunc_end2:
_tile_overlayer_lowered:
.L_overlay_start_2:
0x6d: {  	(tag) =	ssettag $0x2  }
0x6e: {  	s0 =	rddreg [dreg:$0x0];
	s2 =	stileid.u32  }
0x6f: {  	s1 =	rddreg [dreg:$0x1];
	p0 =	sne.s32 s2, $0x0  }
0x70: {  	s3 =	rddreg [dreg:$0x2];
	[bflag:$0x3] =	sbarrier.arrive $0xFFFF;
	s2 =	simm.s32 @!p0 $0x1C09  }
0x71: {  	[timem:s3], [sflag:s2] =	dma.local @!p0 [hbm:s0], s1  }
0x72: {  	s0 =	simm.s32 @!p0 $0x9  }
0x73: {  	_ =	swait.ge @!p0 [sflag:s0], s1  }
0x74: {  	s1 =	ssub.s32 @!p0 $0x0, s1;
	[sflag:s0] =	ssyncset.done @!p0 $0x0  }
0x75: {  	[sflag:s0] =	ssyncadd.s32 @!p0 s1  }
0x76: {  	[bflag:$0x3] =	sbarrier.arrive $0xFFFF  }
0x77: {  	_ =	shalt  }

// kernel: kernel.20.cloned.1.call-start
scs
__scs_entry_jumppad:
0x0: {  	(pc) =	sbr.rel $0x88, $3  }
0x1: {  	(tag) =	ssettag $0x0;
	lr =	simm.s32 $0x1  }
0x2: {  	[smem:$0x3F86] =	sst lr;
	_ =	strace $0xD0000000  }
0x3: {  	_ = 	snop  }
0x4: {  	_ = 	snop  }
0x5: {  	_ = 	snop  }
0x6: {  	_ = 	snop  }
0x7: {  	_ = 	snop  }
__scs_overlays_trampoline_lowered:
0x8: {  	[smem:$0x3F95] =	sst s0  }
0x9: {  	[smem:$0x3F96] =	sst s1  }
0xa: {  	[smem:$0x3F97] =	sst s2  }
0xb: {  	[smem:$0x3F98] =	sst s3  }
0xc: {  	[smem:$0x3F99] =	sst s4  }
0xd: {  	[smem:$0x3F9A] =	sst s5  }
0xe: {  	[smem:$0x3F9B] =	sst s6  }
0xf: {  	[smem:$0x3F9C] =	sst s7  }
0x10: {  	[smem:$0x3F9D] =	sst s8  }
0x11: {  	[smem:$0x3F9E] =	sst s9;
	s0 =	simm.s32 @!p0 $0x0  }
0x12: {  	s1 =	sld [smem:$0x3F84];
	s0 =	simm.s32 @p0 $0x1  }
0x13: {  	[smem:$0x3F9F] =	sst s0;
	s0 =	simm.s32 @!p1 $0x0  }
0x14: {  	s2 =	sld [smem:$0x3F83];
	s0 =	simm.s32 @p1 $0x1  }
0x15: {  	[smem:$0x3FA0] =	sst s0;
	s0 =	simm.s32 @!p2 $0x0  }
0x16: {  	s3 =	sld [smem:$0x3FDB];
	s0 =	simm.s32 @p2 $0x1  }
0x17: {  	s4 =	simm.s32 $0x1BF5;
	[smem:$0x3FA2] =	sst s0  }
0x18: {  	s0 =	sld [smem:$0x3F85];
	_ =	swait.ge [sflag:s4], $0x0  }
0x19: {  	s7 =	sld [smem:$0x3F86]  }
0x1a: {  	s8 =	sadd.s32 $0xFFFFE003, lr  }
0x1b: {  	s9 =	sadd.s32 $0xFFFFFEF7, lr;
	s5 =	simm.s32 $0xFFFFFFFF;
	p2 =	slt.u32 s8, $0xFFFFF086  }
0x1c: {  	p1 =	slt.u32 s9, $0xF7A;
	s5 =	simm.s32 @!p2 $0x0  }
0x1d: {  	s5 =	simm.s32 @p1 $0x1;
	p0 =	seq.s32 s7, s2  }
0x1e: {  	s7 =	smul.u32 @!p0 $0xF7A, s2;
	p2 =	seq.s32 @!p0 s5, $0x0  }
0x1f: {  	s9 =	smul.u32 $0xF7A, s1;
	s8 =	simm.s32 @!p0 $0x1BF5;
	p2 =	por !p2, p0  }
0x20: {  	[sflag:s8] =	ssyncset.s32 @!p0 $0xFFFFF086;
	s6 =	sadd.s32 @!p0 s3, s7;
	s7 =	simm.s32 @!p0 $0x108  }
0x21: {  	s3 =	sadd.s32 s3, s9;
	s6 =	sadd.s32 @!p0 $0x88, s6;
	s7 =	simm.s32 @p2 $0x1082  }
0x22: {  	[simem:s7], [sflag:s8] =	dma.local @!p0 [hbm:s6], $0xF7A  }
0x23: {  	s9 =	sor.u32 $0xD0000000, s2;
	s6 =	simm.s32 $0x108;
	_ =	swait.ge @!p0 [sflag:s8], $0x0  }
0x24: {  	s3 =	sadd.s32 $0x88, s3;
	s6 =	simm.s32 @!p1 $0x1082;
	[sflag:s4] =	ssyncset.s32 $0xFFFFF086  }
0x25: {  	[simem:s6], [sflag:s4] =	dma.local [hbm:s3], $0xF7A  }
0x26: {  	[smem:$0x3F86] =	sst s1;
	(tag) =	ssettag s2;
	_ =	strace s9  }
0x27: {  	s1 =	sld [smem:$0x3F96]  }
0x28: {  	s2 =	sld [smem:$0x3F97]  }
0x29: {  	s4 =	sld [smem:$0x3F99]  }
0x2a: {  	p0 =	seq.s32 s5, $0x0;
	s5 =	sld [smem:$0x3F9A]  }
0x2b: {  	s6 =	sld [smem:$0x3F9B]  }
0x2c: {  	s7 =	sld [smem:$0x3F9C]  }
0x2d: {  	s3 =	simm.s32 $0x108;
	s8 =	sld [smem:$0x3F9D]  }
0x2e: {  	s3 =	simm.s32 @!p0 $0x1082;
	s9 =	sld [smem:$0x3F9E]  }
0x2f: {  	lr =	sadd.s32 s0, s3;
	s0 =	sld [smem:$0x3F95]  }
0x30: {  	s3 =	sld [smem:$0x3F98]  }
0x31: {  	[smem:$0x3FA1] =	sst s10  }
0x32: {  	s10 =	sld [smem:$0x3F9F];
	_ =	sdelay $0x3  }
0x33: {  	p0 =	seq.s32 s10, $0x1;
	s10 =	sld [smem:$0x3FA1];
	_ =	sdelay $0x3  }
0x34: {  	[smem:$0x3FA1] =	sst s10  }
0x35: {  	s10 =	sld [smem:$0x3FA0];
	_ =	sdelay $0x3  }
0x36: {  	p1 =	seq.s32 s10, $0x1;
	s10 =	sld [smem:$0x3FA1];
	_ =	sdelay $0x3  }
0x37: {  	[smem:$0x3FA1] =	sst s10  }
0x38: {  	s10 =	sld [smem:$0x3FA2]  }
0x39: {  	_ = 	snop;
	(pc) =	sbr.ind lr, $3  }
0x3a: {  	_ = 	snop  }
0x3b: {  	_ = 	snop  }
0x3c: {  	p2 =	seq.s32 s10, $0x1;
	s10 =	sld [smem:$0x3FA1]  }
0x3d: {  	_ =	shalt  }
0x3e: {  	_ =	shalt  }
0x3f: {  	_ =	shalt  }
0x40: {  	_ =	shalt  }
0x41: {  	_ =	shalt  }
0x42: {  	_ =	shalt  }
0x43: {  	_ =	shalt  }
0x44: {  	_ =	shalt  }
0x45: {  	_ =	shalt  }
0x46: {  	_ =	shalt  }
0x47: {  	_ =	shalt  }
0x48: {  	_ =	shalt  }
0x49: {  	_ =	shalt  }
0x4a: {  	_ =	shalt  }
0x4b: {  	_ =	shalt  }
0x4c: {  	_ =	shalt  }
0x4d: {  	_ =	shalt  }
0x4e: {  	_ =	shalt  }
0x4f: {  	_ =	shalt  }
0x50: {  	_ =	shalt  }
0x51: {  	_ =	shalt  }
0x52: {  	_ =	shalt  }
0x53: {  	_ =	shalt  }
0x54: {  	_ =	shalt  }
0x55: {  	_ =	shalt  }
0x56: {  	_ =	shalt  }
0x57: {  	_ =	shalt  }
0x58: {  	_ =	shalt  }
0x59: {  	_ =	shalt  }
0x5a: {  	_ =	shalt  }
0x5b: {  	_ =	shalt  }
0x5c: {  	_ =	shalt  }
0x5d: {  	_ =	shalt  }
0x5e: {  	_ =	shalt  }
0x5f: {  	_ =	shalt  }
0x60: {  	_ =	shalt  }
0x61: {  	_ =	shalt  }
0x62: {  	_ =	shalt  }
0x63: {  	_ =	shalt  }
0x64: {  	_ =	shalt  }
0x65: {  	_ =	shalt  }
0x66: {  	_ =	shalt  }
0x67: {  	_ =	shalt  }
0x68: {  	_ =	shalt  }
0x69: {  	_ =	shalt  }
0x6a: {  	_ =	shalt  }
0x6b: {  	_ =	shalt  }
0x6c: {  	_ =	shalt  }
0x6d: {  	_ =	shalt  }
0x6e: {  	_ =	shalt  }
0x6f: {  	_ =	shalt  }
0x70: {  	_ =	shalt  }
0x71: {  	_ =	shalt  }
0x72: {  	_ =	shalt  }
0x73: {  	_ =	shalt  }
0x74: {  	_ =	shalt  }
0x75: {  	_ =	shalt  }
0x76: {  	_ =	shalt  }
0x77: {  	_ =	shalt  }
0x78: {  	_ =	shalt  }
0x79: {  	_ =	shalt  }
0x7a: {  	_ =	shalt  }
0x7b: {  	_ =	shalt  }
0x7c: {  	_ =	shalt  }
0x7d: {  	_ =	shalt  }
0x7e: {  	_ =	shalt  }
0x7f: {  	_ =	shalt  }
0x80: {  	_ =	shalt  }
0x81: {  	_ =	shalt  }
0x82: {  	_ =	shalt  }
0x83: {  	_ =	shalt  }
0x84: {  	_ =	shalt  }
0x85: {  	_ =	shalt  }
0x86: {  	_ =	shalt  }
0x87: {  	_ =	shalt  }
.Lfunc_end0:
.L_simem_size_0:
called_computation.3_lowered:
.L_overlay_start_0:
0x88: {  	s2 =	sld [smem:$0x3FD9]  }
0x89: {  	s3 =	sld [smem:$0x3FFE];
	_ =	sdelay $0x1  }
0x8a: {  	s1 =	srdreg.scid  }
0x8b: {  	s0 =	sand.u32 $0x1, s1  }
0x8c: {  	s17 =	sshll.u32 s0, $0xA;
	s2 =	sadd.s32 s3, s2  }
0x8d: {  	s2 =	sadd.s32 s2, s17  }
0x8e: {  	[smem:$0x3FAD] =	sst s2  }
0x8f: {  	_ = 	snop  }
0x90: {  	(tm) =	ssettm $0x1  }
0x91: {  	s18 =	sld [smem:$0x3FFB];
	_ =	sdelay $0x3  }
0x92: {  	_ =	strace s18  }
0x93: {  	s2 =	sld [smem:$0x3FFC];
	_ =	sdelay $0x3  }
0x94: {  	_ =	strace s2  }
0x95: {  	s2 =	sld [smem:$0x3FFD];
	_ =	sdelay $0x3  }
0x96: {  	_ =	strace s2  }
0x97: {  	_ =	strace $0x8FFFFFFF  }
0x98: {  	s19 =	sld [smem:$0x3FDB];
	_ =	sdelay $0x1  }
0x99: {  	s20 =	simm.s32 $_scs_section_size  }
0x9a: {  	s4 =	simm.s32 $_size__tile_overlayer_lowered;
	s5 =	simm.s32 $_tile_overlayer_lowered  }
0x9b: {  	s6 =	simm.s32 $0x1BFF;
	s21 =	sshll.u32 s5, $0x1;
	s3 =	sadd.s32 s20, s19  }
0x9c: {  	s22 =	simm.s32 $0x0;
	s4 =	sshll.u32 s4, $0x1;
	s5 =	sadd.s32 s21, s3  }
0x9d: {  	[timem:s22], [sflag:s6] =	dma.local [hbm:s5], s4  }
0x9e: {  	_ =	swait.ge [sflag:s6], s4  }
0x9f: {  	s4 =	ssub.s32 $0x0, s4;
	[sflag:s6] =	ssyncset.done $0x0  }
0xa0: {  	[sflag:s6] =	ssyncadd.s32 s4;
	_ =	sdelay $0x1  }
0xa1: {  	s23 =	simm.s32 $0x1B8B  }
0xa2: {  	_ =	swait.ge [sflag:s23], $0x1  }
0xa3: {  	[sflag:s23] =	ssyncset.done $0x0  }
0xa4: {  	[sflag:s23] =	ssyncadd.s32 $0xFFFFFFFF  }
0xa5: {  	s4 =	sld [smem:$0x0]  }
0xa6: {  	s5 =	sand.u32 $0xFFFFFFFE, s1  }
0xa7: {  	p0 =	sne.s32 s1, s5  }
0xa8: {  	s5 =	sshll.u32 @p0 s5, $0xE  }
0xa9: {  	s5 =	sadd.s32 @p0 $0x11B8D, s5;
	s6 =	sshll.u32 @p0 s4, $0x11  }
0xaa: {  	s5 =	sor.u32 @p0 s6, s5  }
0xab: {  	[sflag:s5] =	ssyncadd.remote.s32 @p0 $0x1;
	_ =	sdelay $0x1  }
0xac: {  	s5 =	simm.s32 @p0 $0x1B8D  }
0xad: {  	_ =	swait.eq @p0 [sflag:s5], $0x1  }
0xae: {  	[sflag:s5] =	ssyncadd.s32 @p0 $0xFFFFFFFF  }
0xaf: {  	s6 =	sshll.u32 @!p0 s1, $0xE  }
0xb0: {  	s6 =	sor.u32 @!p0 $0x4000, s6;
	s5 =	simm.s32 @!p0 $0x1B8D  }
0xb1: {  	s4 =	sshll.u32 @!p0 s4, $0x11;
	s6 =	sadd.s32 @!p0 $0x11B8D, s6;
	_ =	swait.eq @!p0 [sflag:s5], $0x1  }
0xb2: {  	s4 =	sor.u32 @!p0 s4, s6;
	[sflag:s5] =	ssyncadd.s32 @!p0 $0xFFFFFFFF  }
0xb3: {  	s25 =	simm.s32 $0x1B8E;
	s24 =	sld [smem:$0x3FFE];
	[sflag:s4] =	ssyncadd.remote.s32 @!p0 $0x1  }
0xb4: {  	s26 =	simm.s32 $execute0_lowered;
	[smem:$0x3FD2] =	sst s25  }
0xb5: {  	s5 =	sshll.u32 s26, $0x1;
	_ =	strace $0x8000004F;
	[dreg:$0x1] =	wrdreg $0xFFFFFFFF  }
0xb6: {  	s28 =	simm.s32 $_size_execute0_lowered;
	s3 =	sadd.s32 s3, s5;
	[dreg:$0x0] =	wrdreg $0x0  }
0xb7: {  	s5 =	sshll.u32 s28, $0x1;
	[dreg:$0x2] =	wrdreg s3  }
0xb8: {  	[dreg:$0x3] =	wrdreg s5  }
0xb9: {  	[dreg:$0x4] =	wrdreg $0xC0  }
0xba: {  	_ =	task [dreg:s22], $0x5FFFF  }
0xbb: {  	[dreg:$0x1] =	wrdreg $0xFFFFFFFF  }
0xbc: {  	[dreg:$0x0] =	wrdreg $0x60  }
0xbd: {  	[dreg:$0x2] =	wrdreg s24  }
0xbe: {  	[dreg:$0x3] =	wrdreg $0x7C000  }
0xbf: {  	[dreg:$0x4] =	wrdreg $0xA  }
0xc0: {  	_ =	task.clear_ibuf [dreg:s22], $0x5FFFF;
	_ =	strace $0x9000004F  }
0xc1: {  	s29 =	simm.s32 $0xA;
	_ =	strace $0x80000051  }
0xc2: {  	_ =	swait.ge [sflag:s29], $0x1  }
0xc3: {  	[sflag:s29] =	ssyncadd.s32 $0xFFFFFFFF  }
0xc4: {  	_ =	strace $0x90000051  }
0xc5: {  	_ =	sfence  }
0xc6: {  	s30 =	sld [smem:$0x0];
	_ =	sdelay $0x2  }
0xc7: {  	s31 =	sshll.u32 s1, $0xD;
	s1 =	sshrl.u32 s1, $0x2  }
0xc8: {  	s4 =	sand.u32 $0x4000, s31;
	s1 =	sadd.s32 s1, s30  }
0xc9: {  	s0 =	sor.u32 s4, s0;
	s1 =	sshll.u32 s1, $0x11  }
0xca: {  	s0 =	sor.u32 s1, s0  }
0xcb: {  	s0 =	sadd.s32 $0x8F2B, s0  }
0xcc: {  	[sflag:s0] =	ssyncadd.remote.s32 $0x1  }
0xcd: {  	_ =	sfence.sel $0xFFFF  }
0xce: {  	[dreg:$0x0] =	wrdreg $0xFFFFFFFF;
	(pc) =	sbr.abs _section_cstart, $3  }
0xcf: {  	[dreg:$0x1] =	wrdreg $0xFFFFFFFF  }
0xd0: {  	_ =	task.clear_ibuf [dreg:s22], $0x2FFFF;
	_ =	strace $0x9FFFFFFF  }
0xd1: {  	(tm) =	ssettm $0x7FFFFFFF  }
tec
execute0_lowered:
.L_overlay_start_1:
0x0: {  	(tag) =	ssettag $0x1  }
0x1: {  	s5 =	rddreg [dreg:$0x0];
	s0 =	srdreg.scid  }
0x2: {  	s2 =	rddreg [dreg:$0x1];
	s1 =	stileid.u32;
	s3 =	simm.s32 $0x0  }
0x3: {  	s16 =	simm.s32 $0x3;
	s17 =	simm.s32 $0x28;
	s18 =	simm.s32 $0x6800  }
0x4: {  	s19 =	simm.s32 $0x2;
	s20 =	simm.s32 $0x1;
	s21 =	simm.s32 $0x0  }
0x5: {  	s6 =	sand.u32 $0x1, s0;
	s0 =	rddreg [dreg:$0x2];
	s9 =	smul.u32 $0x13C00, s1  }
0x6: {  	[smem:$0x7FF] =	sst s3;
	s10 =	sadd.s32 $0x533400, s5;
	s13 =	smul.u32 $0x4F000, s1  }
0x7: {  	s26 =	sshll.u32 s1, $0x6;
	s15 =	smul.u32 $0x13880, s1;
	s4 =	sshll.u32 s6, $0x4  }
0x8: {  	s8 =	smul.u32 $0x13C000, s6;
	_ =	strace $0x80000050;
	s23 =	ssub.s32 $0x2, s6  }
0x9: {  	s28 =	smul.u32 $0x138800, s6;
	s7 =	sor.u32 s1, s4;
	s12 =	sshrl.u32 s23, $0x1  }
0xa: {  	s25 =	sshrl.u32 s13, $0x2;
	s4 =	sshll.u32 s7, $0xB;
	s24 =	smul.u32 $0x13880, s7  }
0xb: {  	s8 =	sadd.s32 s9, s8;
	s12 =	ssub.s32 s23, s12;
	s7 =	smul.u32 $0x9C400, s7  }
0xc: {  	s13 =	sadd.s32 s25, s2;
	s11 =	sadd.s32 s4, s5;
	s8 =	sshrl.u32 s8, $0x3  }
0xd: {  	s4 =	sadd.s32 $0x18C00, s5;
	s14 =	sadd.s32 s8, s5;
	s5 =	sor.u32 $0x1C04, s26  }
.Ltmp0:
0xe: {  	s6 =	sadd.s32 $0x523400, s11;
	s29 =	sshrl.u32 s7, $0x3;
	(pc) =	sbr.rel .LBB2_1-.Ltmp0, $4  }
0xf: {  	s7 =	sadd.s32 s10, s24;
	s30 =	sadd.s32 s10, s29;
	s10 =	sadd.s32 s28, s10  }
0x10: {  	s9 =	sadd.s32 $0x1B400, s14;
	s14 =	simm.s32 $0x4000;
	s8 =	sadd.s32 $0x280, s30  }
0x11: {  	s31 =	sadd.s32 s15, s10;
	s10 =	smax.u32 s12, $0x1;
	s12 =	sshrl.u32 s13, $0x3  }
0x12: {  	s13 =	simm.s32 $0x4;
	s15 =	simm.s32 $0x5400;
	s11 =	sadd.s32 $0x500, s31  }
.LBB2_11:
0x13: {  	s21 =	sadd.s32 $0x1, s21  }
0x14: {  	p0 =	sne.s32 s21, s10  }
.Ltmp1:
0x15: {  	[bflag:$0x0] =	sbarrier.arrive $0xFFFF;
	(pc) =	sbr.rel @!p0 .LBB2_12-.Ltmp1, $4  }
0x16: {  	[hbm:s9], [sflag:s5] =	dma.local [spmem:s12], $0x2780  }
0x17: {  	_ =	swait.ge [sflag:s13], $0x2780  }
0x18: {  	[sflag:s13] =	ssyncset.done $0x0  }
0x19: {  	[sflag:s13] =	ssyncadd.s32 $0xFFFFD880  }
.LBB2_1:
0x1a: {  	[spmem:s12], [sflag:s5] =	dma.local [hbm:s4], $0x2780  }
0x1b: {  	_ =	swait.ge [sflag:s13], $0x2780  }
0x1c: {  	[sflag:s13] =	ssyncset.done $0x0  }
0x1d: {  	[sflag:s13] =	ssyncadd.s32 $0xFFFFD880  }
0x1e: {  	[tilespmem:s3], [sflag:$0x4] =	stream.linear.gather [hbm4b:s6+s3], $0x3E80, $0x38;
	[tilespmem:$0x1B800] =	vst v63  }
0x1f: {  	_ =	swait.ge [sflag:s13], $0x3E80  }
0x20: {  	[sflag:s13] =	ssyncset.done $0x0  }
.Ltmp2:
0x21: {  	[sflag:s13] =	ssyncadd.s32 $0xFFFFC180;
	(pc) =	sbr.rel .LBB2_2-.Ltmp2, $4  }
0x22: {  	[bflag:$0x0] =	sbarrier.arrive $0xFFFF  }
0x23: {  	[tilespmem:s14], [sflag:$0x1] =	stream.linear.gather [hbm4b:s7+s3], $0x1400, $0x38;
	[tilespmem:$0x1B800] =	vst v63  }
0x24: {  	s22 =	smov.u32 s11;
	s23 =	simm.s32 $0x2;
	s24 =	simm.s32 $0x0  }
0x25: {  	[tilespmem:s15], [sflag:$0x2] =	stream.linear.gather [hbm4b:s8+s3], $0x1400, $0x38;
	[tilespmem:$0x1B800] =	vst v63  }
.LBB2_9:
0x26: {  	_ =	swait.ge [sflag:s16], $0x1400  }
0x27: {  	[sflag:s16] =	ssyncset.done $0x0  }
0x28: {  	s25 =	simm.s32 $0x4;
	[sflag:s16] =	ssyncadd.s32 $0xFFFFEC00  }
0x29: {  	[spmem:s2] =	stream.indirect.scatter.add.f32 [tilespmem:s18], [sflag:$0x4], $0x80, s24, s17, $0xb8;
	[tilespmem:$0x1B800] =	vst v63  }
.LBB2_10:
0x2a: {  	s23 =	sadd.s32 $0x1, s23  }
0x2b: {  	p0 =	sne.s32 s23, $0x7F  }
.Ltmp3:
0x2c: {  	_ = 	snop;
	(pc) =	sbr.rel @!p0 .LBB2_11-.Ltmp3, $4  }
0x2d: {  	_ = 	snop  }
0x2e: {  	_ =	swait.ge [sflag:s25], $0x1400  }
0x2f: {  	[sflag:s25] =	ssyncset.done $0x0  }
0x30: {  	s24 =	sadd.s32 $0x80, s24;
	s22 =	sadd.s32 $0x280, s22;
	[sflag:s25] =	ssyncadd.s32 $0xFFFFEC00  }
.LBB2_2:
0x31: {  	s25 =	smul.u32 $0xAB, s23;
	_ =	sdelay $0x1  }
0x32: {  	s25 =	sshrl.u32 s25, $0x9  }
0x33: {  	s25 =	sand.u32 $0x7F, s25  }
0x34: {  	s26 =	smul.u32 $0x3, s25  }
0x35: {  	s25 =	sadd.s32 $0xFFFFFFFE, s23  }
0x36: {  	p0 =	sgt.u32 s25, $0x7A;
	s26 =	ssub.s32 s23, s26  }
0x37: {  	s26 =	sand.u32 @!p0 $0xFF, s26  }
0x38: {  	p1 =	sne.s32 @!p0 s26, $0x0  }
0x39: {  	p1 =	por p0, p1  }
.Ltmp4:
0x3a: {  	_ = 	snop;
	(pc) =	sbr.rel @p1 .LBB2_4-.Ltmp4, $1  }
0x3b: {  	_ =	sdelay $0x3  }
.Ltmp5:
0x3c: {  	(pc) =	sbr.rel .LBB2_7-.Ltmp5, $2  }
0x3d: {  	_ =	sdelay $0x2  }
0x3e: {  	[tilespmem:s14], [sflag:$0x1] =	stream.linear.gather [hbm4b:s22+s3], $0x1400, $0x38;
	[tilespmem:$0x1B800] =	vst v63  }
.LBB2_4:
0x3f: {  	p1 =	sne.s32 @!p0 s26, $0x1  }
0x40: {  	p1 =	por p0, p1  }
.Ltmp6:
0x41: {  	_ = 	snop;
	(pc) =	sbr.rel @p1 .LBB2_6-.Ltmp6, $1  }
0x42: {  	_ =	sdelay $0x3  }
.Ltmp7:
0x43: {  	(pc) =	sbr.rel .LBB2_7-.Ltmp7, $2  }
0x44: {  	_ =	sdelay $0x2  }
0x45: {  	[tilespmem:s15], [sflag:$0x2] =	stream.linear.gather [hbm4b:s22+s3], $0x1400, $0x38;
	[tilespmem:$0x1B800] =	vst v63  }
.LBB2_6:
0x46: {  	p1 =	sne.s32 @!p0 s26, $0x2  }
0x47: {  	p0 =	por p1, p0  }
0x48: {  	s26 =	simm.s32 @!p0 $0x0;
	s28 =	simm.s32 @!p0 $0x6800  }
0x49: {  	[tilespmem:s28], [sflag:$0x3] =	stream.linear.gather @!p0 [hbm4b:s22+s26], $0x1400, $0x38;
	[tilespmem:$0x1B800] =	vst v63  }
.LBB2_7:
0x4a: {  	s26 =	smul.u32 $0xAB, s25;
	_ =	sdelay $0x1  }
0x4b: {  	s26 =	sshrl.u32 s26, $0x9  }
0x4c: {  	s26 =	sand.u32 $0x7F, s26  }
0x4d: {  	s26 =	smul.u32 $0x3, s26;
	_ =	sdelay $0x1  }
0x4e: {  	s31 =	ssub.s32 s25, s26  }
0x4f: {  	s25 =	sand.u32 $0xFF, s31  }
0x50: {  	p0 =	seq.s32 s25, $0x2  }
.Ltmp8:
0x51: {  	_ = 	snop;
	(pc) =	sbr.rel @p0 .LBB2_9-.Ltmp8, $1  }
0x52: {  	_ =	sdelay $0x3  }
0x53: {  	p0 =	seq.s32 s25, $0x1  }
0x54: {  	_ =	swait.ge @p0 [sflag:s19], $0x1400  }
0x55: {  	[sflag:s19] =	ssyncset.done @p0 $0x0  }
0x56: {  	[sflag:s19] =	ssyncadd.s32 @p0 $0xFFFFEC00  }
0x57: {  	[spmem:s2] =	stream.indirect.scatter.add.f32 @p0 [tilespmem:s15], [sflag:$0x5], $0x80, s24, s17, $0xb8;
	[tilespmem:$0x1B800] =	vst v63  }
.Ltmp9:
0x58: {  	_ = 	snop;
	(pc) =	sbr.rel .LBB2_10-.Ltmp9, $4  }
0x59: {  	_ =	swait.ge @!p0 [sflag:s20], $0x1400  }
0x5a: {  	[sflag:s20] =	ssyncset.done @!p0 $0x0  }
0x5b: {  	s25 =	simm.s32 $0x5;
	[sflag:s20] =	ssyncadd.s32 @!p0 $0xFFFFEC00  }
0x5c: {  	[spmem:s2] =	stream.indirect.scatter.add.f32 @!p0 [tilespmem:s14], [sflag:$0x5], $0x80, s24, s17, $0xb8;
	[tilespmem:$0x1B800] =	vst v63  }
.LBB2_12:
0x5d: {  	_ =	sfence.sel $0x180000  }
0x5e: {  	[bflag:$0x0] =	sbarrier.arrive $0xFFFF  }
0x5f: {  	p0 =	sne.s32 s1, $0x0;
	_ =	strace $0x90000050  }
0x60: {  	s0 =	sadd.s32 @!p0 $0x100000, s0;
	[bflag:$0x2] =	sbarrier.arrive $0xFFFF  }
0x61: {  	[sflag:s0] =	ssyncadd.tile.s32 @!p0 $0x1;
	_ =	shalt  }
.Lfunc_end2:
_tile_overlayer_lowered:
.L_overlay_start_2:
0x62: {  	(tag) =	ssettag $0x2  }
0x63: {  	s0 =	rddreg [dreg:$0x0];
	s2 =	stileid.u32  }
0x64: {  	s1 =	rddreg [dreg:$0x1];
	p0 =	sne.s32 s2, $0x0  }
0x65: {  	s3 =	rddreg [dreg:$0x2];
	[bflag:$0x3] =	sbarrier.arrive $0xFFFF;
	s2 =	simm.s32 @!p0 $0x1C04  }
0x66: {  	[timem:s3], [sflag:s2] =	dma.local @!p0 [hbm:s0], s1  }
0x67: {  	s0 =	simm.s32 @!p0 $0x4  }
0x68: {  	_ =	swait.ge @!p0 [sflag:s0], s1  }
0x69: {  	s1 =	ssub.s32 @!p0 $0x0, s1;
	[sflag:s0] =	ssyncset.done @!p0 $0x0  }
0x6a: {  	[sflag:s0] =	ssyncadd.s32 @!p0 s1  }
0x6b: {  	[bflag:$0x3] =	sbarrier.arrive $0xFFFF  }
0x6c: {  	_ =	shalt  }

// kernel: kernel.23.cloned.1.call-start
scs
__scs_entry_jumppad:
0x0: {  	(pc) =	sbr.rel $0x88, $3  }
0x1: {  	(tag) =	ssettag $0x0;
	lr =	simm.s32 $0x1  }
0x2: {  	[smem:$0x3F86] =	sst lr;
	_ =	strace $0xD0000000  }
0x3: {  	_ = 	snop  }
0x4: {  	_ = 	snop  }
0x5: {  	_ = 	snop  }
0x6: {  	_ = 	snop  }
0x7: {  	_ = 	snop  }
__scs_overlays_trampoline_lowered:
0x8: {  	[smem:$0x3F95] =	sst s0  }
0x9: {  	[smem:$0x3F96] =	sst s1  }
0xa: {  	[smem:$0x3F97] =	sst s2  }
0xb: {  	[smem:$0x3F98] =	sst s3  }
0xc: {  	[smem:$0x3F99] =	sst s4  }
0xd: {  	[smem:$0x3F9A] =	sst s5  }
0xe: {  	[smem:$0x3F9B] =	sst s6  }
0xf: {  	[smem:$0x3F9C] =	sst s7  }
0x10: {  	[smem:$0x3F9D] =	sst s8  }
0x11: {  	[smem:$0x3F9E] =	sst s9;
	s0 =	simm.s32 @!p0 $0x0  }
0x12: {  	s1 =	sld [smem:$0x3F84];
	s0 =	simm.s32 @p0 $0x1  }
0x13: {  	[smem:$0x3F9F] =	sst s0;
	s0 =	simm.s32 @!p1 $0x0  }
0x14: {  	s2 =	sld [smem:$0x3F83];
	s0 =	simm.s32 @p1 $0x1  }
0x15: {  	[smem:$0x3FA0] =	sst s0;
	s0 =	simm.s32 @!p2 $0x0  }
0x16: {  	s3 =	sld [smem:$0x3FDB];
	s0 =	simm.s32 @p2 $0x1  }
0x17: {  	s4 =	simm.s32 $0x1BF5;
	[smem:$0x3FA2] =	sst s0  }
0x18: {  	s0 =	sld [smem:$0x3F85];
	_ =	swait.ge [sflag:s4], $0x0  }
0x19: {  	s7 =	sld [smem:$0x3F86]  }
0x1a: {  	s8 =	sadd.s32 $0xFFFFE003, lr  }
0x1b: {  	s9 =	sadd.s32 $0xFFFFFEF7, lr;
	s5 =	simm.s32 $0xFFFFFFFF;
	p2 =	slt.u32 s8, $0xFFFFF086  }
0x1c: {  	p1 =	slt.u32 s9, $0xF7A;
	s5 =	simm.s32 @!p2 $0x0  }
0x1d: {  	s5 =	simm.s32 @p1 $0x1;
	p0 =	seq.s32 s7, s2  }
0x1e: {  	s7 =	smul.u32 @!p0 $0xF7A, s2;
	p2 =	seq.s32 @!p0 s5, $0x0  }
0x1f: {  	s9 =	smul.u32 $0xF7A, s1;
	s8 =	simm.s32 @!p0 $0x1BF5;
	p2 =	por !p2, p0  }
0x20: {  	[sflag:s8] =	ssyncset.s32 @!p0 $0xFFFFF086;
	s6 =	sadd.s32 @!p0 s3, s7;
	s7 =	simm.s32 @!p0 $0x108  }
0x21: {  	s3 =	sadd.s32 s3, s9;
	s6 =	sadd.s32 @!p0 $0x88, s6;
	s7 =	simm.s32 @p2 $0x1082  }
0x22: {  	[simem:s7], [sflag:s8] =	dma.local @!p0 [hbm:s6], $0xF7A  }
0x23: {  	s9 =	sor.u32 $0xD0000000, s2;
	s6 =	simm.s32 $0x108;
	_ =	swait.ge @!p0 [sflag:s8], $0x0  }
0x24: {  	s3 =	sadd.s32 $0x88, s3;
	s6 =	simm.s32 @!p1 $0x1082;
	[sflag:s4] =	ssyncset.s32 $0xFFFFF086  }
0x25: {  	[simem:s6], [sflag:s4] =	dma.local [hbm:s3], $0xF7A  }
0x26: {  	[smem:$0x3F86] =	sst s1;
	(tag) =	ssettag s2;
	_ =	strace s9  }
0x27: {  	s1 =	sld [smem:$0x3F96]  }
0x28: {  	s2 =	sld [smem:$0x3F97]  }
0x29: {  	s4 =	sld [smem:$0x3F99]  }
0x2a: {  	p0 =	seq.s32 s5, $0x0;
	s5 =	sld [smem:$0x3F9A]  }
0x2b: {  	s6 =	sld [smem:$0x3F9B]  }
0x2c: {  	s7 =	sld [smem:$0x3F9C]  }
0x2d: {  	s3 =	simm.s32 $0x108;
	s8 =	sld [smem:$0x3F9D]  }
0x2e: {  	s3 =	simm.s32 @!p0 $0x1082;
	s9 =	sld [smem:$0x3F9E]  }
0x2f: {  	lr =	sadd.s32 s0, s3;
	s0 =	sld [smem:$0x3F95]  }
0x30: {  	s3 =	sld [smem:$0x3F98]  }
0x31: {  	[smem:$0x3FA1] =	sst s10  }
0x32: {  	s10 =	sld [smem:$0x3F9F];
	_ =	sdelay $0x3  }
0x33: {  	p0 =	seq.s32 s10, $0x1;
	s10 =	sld [smem:$0x3FA1];
	_ =	sdelay $0x3  }
0x34: {  	[smem:$0x3FA1] =	sst s10  }
0x35: {  	s10 =	sld [smem:$0x3FA0];
	_ =	sdelay $0x3  }
0x36: {  	p1 =	seq.s32 s10, $0x1;
	s10 =	sld [smem:$0x3FA1];
	_ =	sdelay $0x3  }
0x37: {  	[smem:$0x3FA1] =	sst s10  }
0x38: {  	s10 =	sld [smem:$0x3FA2]  }
0x39: {  	_ = 	snop;
	(pc) =	sbr.ind lr, $3  }
0x3a: {  	_ = 	snop  }
0x3b: {  	_ = 	snop  }
0x3c: {  	p2 =	seq.s32 s10, $0x1;
	s10 =	sld [smem:$0x3FA1]  }
0x3d: {  	_ =	shalt  }
0x3e: {  	_ =	shalt  }
0x3f: {  	_ =	shalt  }
0x40: {  	_ =	shalt  }
0x41: {  	_ =	shalt  }
0x42: {  	_ =	shalt  }
0x43: {  	_ =	shalt  }
0x44: {  	_ =	shalt  }
0x45: {  	_ =	shalt  }
0x46: {  	_ =	shalt  }
0x47: {  	_ =	shalt  }
0x48: {  	_ =	shalt  }
0x49: {  	_ =	shalt  }
0x4a: {  	_ =	shalt  }
0x4b: {  	_ =	shalt  }
0x4c: {  	_ =	shalt  }
0x4d: {  	_ =	shalt  }
0x4e: {  	_ =	shalt  }
0x4f: {  	_ =	shalt  }
0x50: {  	_ =	shalt  }
0x51: {  	_ =	shalt  }
0x52: {  	_ =	shalt  }
0x53: {  	_ =	shalt  }
0x54: {  	_ =	shalt  }
0x55: {  	_ =	shalt  }
0x56: {  	_ =	shalt  }
0x57: {  	_ =	shalt  }
0x58: {  	_ =	shalt  }
0x59: {  	_ =	shalt  }
0x5a: {  	_ =	shalt  }
0x5b: {  	_ =	shalt  }
0x5c: {  	_ =	shalt  }
0x5d: {  	_ =	shalt  }
0x5e: {  	_ =	shalt  }
0x5f: {  	_ =	shalt  }
0x60: {  	_ =	shalt  }
0x61: {  	_ =	shalt  }
0x62: {  	_ =	shalt  }
0x63: {  	_ =	shalt  }
0x64: {  	_ =	shalt  }
0x65: {  	_ =	shalt  }
0x66: {  	_ =	shalt  }
0x67: {  	_ =	shalt  }
0x68: {  	_ =	shalt  }
0x69: {  	_ =	shalt  }
0x6a: {  	_ =	shalt  }
0x6b: {  	_ =	shalt  }
0x6c: {  	_ =	shalt  }
0x6d: {  	_ =	shalt  }
0x6e: {  	_ =	shalt  }
0x6f: {  	_ =	shalt  }
0x70: {  	_ =	shalt  }
0x71: {  	_ =	shalt  }
0x72: {  	_ =	shalt  }
0x73: {  	_ =	shalt  }
0x74: {  	_ =	shalt  }
0x75: {  	_ =	shalt  }
0x76: {  	_ =	shalt  }
0x77: {  	_ =	shalt  }
0x78: {  	_ =	shalt  }
0x79: {  	_ =	shalt  }
0x7a: {  	_ =	shalt  }
0x7b: {  	_ =	shalt  }
0x7c: {  	_ =	shalt  }
0x7d: {  	_ =	shalt  }
0x7e: {  	_ =	shalt  }
0x7f: {  	_ =	shalt  }
0x80: {  	_ =	shalt  }
0x81: {  	_ =	shalt  }
0x82: {  	_ =	shalt  }
0x83: {  	_ =	shalt  }
0x84: {  	_ =	shalt  }
0x85: {  	_ =	shalt  }
0x86: {  	_ =	shalt  }
0x87: {  	_ =	shalt  }
.Lfunc_end0:
.L_simem_size_0:
called_computation.4_lowered:
.L_overlay_start_0:
0x88: {  	s2 =	sld [smem:$0x3FD9]  }
0x89: {  	s3 =	sld [smem:$0x3FFE];
	_ =	sdelay $0x1  }
0x8a: {  	s1 =	srdreg.scid  }
0x8b: {  	s0 =	sand.u32 $0x1, s1  }
0x8c: {  	s17 =	sshll.u32 s0, $0xA;
	s2 =	sadd.s32 s3, s2  }
0x8d: {  	s2 =	sadd.s32 s2, s17  }
0x8e: {  	[smem:$0x3FAD] =	sst s2  }
0x8f: {  	_ = 	snop  }
0x90: {  	(tm) =	ssettm $0x1  }
0x91: {  	s18 =	sld [smem:$0x3FFB];
	_ =	sdelay $0x3  }
0x92: {  	_ =	strace s18  }
0x93: {  	s2 =	sld [smem:$0x3FFC];
	_ =	sdelay $0x3  }
0x94: {  	_ =	strace s2  }
0x95: {  	s2 =	sld [smem:$0x3FFD];
	_ =	sdelay $0x3  }
0x96: {  	_ =	strace s2  }
0x97: {  	_ =	strace $0x8FFFFFFF  }
0x98: {  	s19 =	sld [smem:$0x3FDB];
	_ =	sdelay $0x1  }
0x99: {  	s20 =	simm.s32 $_scs_section_size  }
0x9a: {  	s4 =	simm.s32 $_size__tile_overlayer_lowered;
	s5 =	simm.s32 $_tile_overlayer_lowered  }
0x9b: {  	s6 =	simm.s32 $0x1BFF;
	s21 =	sshll.u32 s5, $0x1;
	s3 =	sadd.s32 s20, s19  }
0x9c: {  	s22 =	simm.s32 $0x0;
	s4 =	sshll.u32 s4, $0x1;
	s5 =	sadd.s32 s21, s3  }
0x9d: {  	[timem:s22], [sflag:s6] =	dma.local [hbm:s5], s4  }
0x9e: {  	_ =	swait.ge [sflag:s6], s4  }
0x9f: {  	s4 =	ssub.s32 $0x0, s4;
	[sflag:s6] =	ssyncset.done $0x0  }
0xa0: {  	[sflag:s6] =	ssyncadd.s32 s4;
	_ =	sdelay $0x1  }
0xa1: {  	s23 =	simm.s32 $0x1B8B  }
0xa2: {  	_ =	swait.ge [sflag:s23], $0x1  }
0xa3: {  	[sflag:s23] =	ssyncset.done $0x0  }
0xa4: {  	[sflag:s23] =	ssyncadd.s32 $0xFFFFFFFF  }
0xa5: {  	s4 =	sld [smem:$0x0]  }
0xa6: {  	s5 =	sand.u32 $0xFFFFFFFE, s1  }
0xa7: {  	p0 =	sne.s32 s1, s5  }
0xa8: {  	s5 =	sshll.u32 @p0 s5, $0xE  }
0xa9: {  	s5 =	sadd.s32 @p0 $0x11B8D, s5;
	s6 =	sshll.u32 @p0 s4, $0x11  }
0xaa: {  	s5 =	sor.u32 @p0 s6, s5  }
0xab: {  	[sflag:s5] =	ssyncadd.remote.s32 @p0 $0x1;
	_ =	sdelay $0x1  }
0xac: {  	s5 =	simm.s32 @p0 $0x1B8D  }
0xad: {  	_ =	swait.eq @p0 [sflag:s5], $0x1  }
0xae: {  	[sflag:s5] =	ssyncadd.s32 @p0 $0xFFFFFFFF  }
0xaf: {  	s6 =	sshll.u32 @!p0 s1, $0xE  }
0xb0: {  	s6 =	sor.u32 @!p0 $0x4000, s6;
	s5 =	simm.s32 @!p0 $0x1B8D  }
0xb1: {  	s4 =	sshll.u32 @!p0 s4, $0x11;
	s6 =	sadd.s32 @!p0 $0x11B8D, s6;
	_ =	swait.eq @!p0 [sflag:s5], $0x1  }
0xb2: {  	s4 =	sor.u32 @!p0 s4, s6;
	[sflag:s5] =	ssyncadd.s32 @!p0 $0xFFFFFFFF  }
0xb3: {  	s25 =	simm.s32 $0x1B8E;
	s24 =	sld [smem:$0x3FFE];
	[sflag:s4] =	ssyncadd.remote.s32 @!p0 $0x1  }
0xb4: {  	s26 =	simm.s32 $execute0_lowered;
	[smem:$0x3FD2] =	sst s25  }
0xb5: {  	s5 =	sshll.u32 s26, $0x1;
	_ =	strace $0x80000052;
	[dreg:$0x1] =	wrdreg $0xFFFFFFFF  }
0xb6: {  	s28 =	simm.s32 $_size_execute0_lowered;
	s3 =	sadd.s32 s3, s5;
	[dreg:$0x0] =	wrdreg $0x0  }
0xb7: {  	s5 =	sshll.u32 s28, $0x1;
	[dreg:$0x2] =	wrdreg s3  }
0xb8: {  	[dreg:$0x3] =	wrdreg s5  }
0xb9: {  	[dreg:$0x4] =	wrdreg $0xC0  }
0xba: {  	_ =	task [dreg:s22], $0x5FFFF  }
0xbb: {  	[dreg:$0x1] =	wrdreg $0xFFFFFFFF  }
0xbc: {  	[dreg:$0x0] =	wrdreg $0x60  }
0xbd: {  	[dreg:$0x2] =	wrdreg s24  }
0xbe: {  	[dreg:$0x3] =	wrdreg $0x7C000  }
0xbf: {  	[dreg:$0x4] =	wrdreg $0x9  }
0xc0: {  	_ =	task.clear_ibuf [dreg:s22], $0x5FFFF;
	_ =	strace $0x90000052  }
0xc1: {  	s29 =	simm.s32 $0x9;
	_ =	strace $0x80000054  }
0xc2: {  	_ =	swait.ge [sflag:s29], $0x1  }
0xc3: {  	[sflag:s29] =	ssyncadd.s32 $0xFFFFFFFF  }
0xc4: {  	_ =	strace $0x90000054  }
0xc5: {  	_ =	sfence  }
0xc6: {  	s30 =	sld [smem:$0x0];
	_ =	sdelay $0x2  }
0xc7: {  	s31 =	sshll.u32 s1, $0xD;
	s1 =	sshrl.u32 s1, $0x2  }
0xc8: {  	s4 =	sand.u32 $0x4000, s31;
	s1 =	sadd.s32 s1, s30  }
0xc9: {  	s0 =	sor.u32 s4, s0;
	s1 =	sshll.u32 s1, $0x11  }
0xca: {  	s0 =	sor.u32 s1, s0  }
0xcb: {  	s0 =	sadd.s32 $0x8F2B, s0  }
0xcc: {  	[sflag:s0] =	ssyncadd.remote.s32 $0x1  }
0xcd: {  	_ =	sfence.sel $0xFFFF  }
0xce: {  	[dreg:$0x0] =	wrdreg $0xFFFFFFFF;
	(pc) =	sbr.abs _section_cstart, $3  }
0xcf: {  	[dreg:$0x1] =	wrdreg $0xFFFFFFFF  }
0xd0: {  	_ =	task.clear_ibuf [dreg:s22], $0x2FFFF;
	_ =	strace $0x9FFFFFFF  }
0xd1: {  	(tm) =	ssettm $0x7FFFFFFF  }
tec
execute0_lowered:
.L_overlay_start_1:
0x0: {  	(tag) =	ssettag $0x1  }
0x1: {  	s5 =	rddreg [dreg:$0x0];
	s0 =	srdreg.scid  }
0x2: {  	s2 =	rddreg [dreg:$0x1];
	s1 =	stileid.u32;
	s3 =	simm.s32 $0x0  }
0x3: {  	s16 =	simm.s32 $0x3;
	s17 =	simm.s32 $0x28;
	s18 =	simm.s32 $0x6800  }
0x4: {  	s19 =	simm.s32 $0x2;
	s20 =	simm.s32 $0x1;
	s21 =	simm.s32 $0x0  }
0x5: {  	s6 =	sand.u32 $0x1, s0;
	s0 =	rddreg [dreg:$0x2];
	s9 =	smul.u32 $0x13C00, s1  }
0x6: {  	[smem:$0x7FF] =	sst s3;
	s10 =	sadd.s32 $0x7A4400, s5;
	s13 =	smul.u32 $0x4F000, s1  }
0x7: {  	s26 =	sshll.u32 s1, $0x6;
	s15 =	smul.u32 $0x13880, s1;
	s4 =	sshll.u32 s6, $0x4  }
0x8: {  	s8 =	smul.u32 $0x13C000, s6;
	_ =	strace $0x80000053;
	s23 =	ssub.s32 $0x2, s6  }
0x9: {  	s28 =	smul.u32 $0x138800, s6;
	s7 =	sor.u32 s1, s4;
	s12 =	sshrl.u32 s23, $0x1  }
0xa: {  	s25 =	sshrl.u32 s13, $0x2;
	s4 =	sshll.u32 s7, $0xB;
	s24 =	smul.u32 $0x13880, s7  }
0xb: {  	s8 =	sadd.s32 s9, s8;
	s12 =	ssub.s32 s23, s12;
	s7 =	smul.u32 $0x9C400, s7  }
0xc: {  	s13 =	sadd.s32 s25, s2;
	s11 =	sadd.s32 s4, s5;
	s8 =	sshrl.u32 s8, $0x3  }
0xd: {  	s4 =	sadd.s32 $0x18C00, s5;
	s14 =	sadd.s32 s8, s5;
	s5 =	sor.u32 $0x1C04, s26  }
.Ltmp0:
0xe: {  	s6 =	sadd.s32 $0x5000, s11;
	s29 =	sshrl.u32 s7, $0x3;
	(pc) =	sbr.rel .LBB2_1-.Ltmp0, $4  }
0xf: {  	s7 =	sadd.s32 s10, s24;
	s30 =	sadd.s32 s10, s29;
	s10 =	sadd.s32 s28, s10  }
0x10: {  	s9 =	sadd.s32 $0x6A400, s14;
	s14 =	simm.s32 $0x4000;
	s8 =	sadd.s32 $0x280, s30  }
0x11: {  	s31 =	sadd.s32 s15, s10;
	s10 =	smax.u32 s12, $0x1;
	s12 =	sshrl.u32 s13, $0x3  }
0x12: {  	s13 =	simm.s32 $0x4;
	s15 =	simm.s32 $0x5400;
	s11 =	sadd.s32 $0x500, s31  }
.LBB2_11:
0x13: {  	s21 =	sadd.s32 $0x1, s21  }
0x14: {  	p0 =	sne.s32 s21, s10  }
.Ltmp1:
0x15: {  	[bflag:$0x0] =	sbarrier.arrive $0xFFFF;
	(pc) =	sbr.rel @!p0 .LBB2_12-.Ltmp1, $4  }
0x16: {  	[hbm:s9], [sflag:s5] =	dma.local [spmem:s12], $0x2780  }
0x17: {  	_ =	swait.ge [sflag:s13], $0x2780  }
0x18: {  	[sflag:s13] =	ssyncset.done $0x0  }
0x19: {  	[sflag:s13] =	ssyncadd.s32 $0xFFFFD880  }
.LBB2_1:
0x1a: {  	[spmem:s12], [sflag:s5] =	dma.local [hbm:s4], $0x2780  }
0x1b: {  	_ =	swait.ge [sflag:s13], $0x2780  }
0x1c: {  	[sflag:s13] =	ssyncset.done $0x0  }
0x1d: {  	[sflag:s13] =	ssyncadd.s32 $0xFFFFD880  }
0x1e: {  	[tilespmem:s3], [sflag:$0x4] =	stream.linear.gather [hbm4b:s6+s3], $0x3E80, $0x38;
	[tilespmem:$0x1B800] =	vst v63  }
0x1f: {  	_ =	swait.ge [sflag:s13], $0x3E80  }
0x20: {  	[sflag:s13] =	ssyncset.done $0x0  }
.Ltmp2:
0x21: {  	[sflag:s13] =	ssyncadd.s32 $0xFFFFC180;
	(pc) =	sbr.rel .LBB2_2-.Ltmp2, $4  }
0x22: {  	[bflag:$0x0] =	sbarrier.arrive $0xFFFF  }
0x23: {  	[tilespmem:s14], [sflag:$0x1] =	stream.linear.gather [hbm4b:s7+s3], $0x1400, $0x38;
	[tilespmem:$0x1B800] =	vst v63  }
0x24: {  	s22 =	smov.u32 s11;
	s23 =	simm.s32 $0x2;
	s24 =	simm.s32 $0x0  }
0x25: {  	[tilespmem:s15], [sflag:$0x2] =	stream.linear.gather [hbm4b:s8+s3], $0x1400, $0x38;
	[tilespmem:$0x1B800] =	vst v63  }
.LBB2_9:
0x26: {  	_ =	swait.ge [sflag:s16], $0x1400  }
0x27: {  	[sflag:s16] =	ssyncset.done $0x0  }
0x28: {  	s25 =	simm.s32 $0x4;
	[sflag:s16] =	ssyncadd.s32 $0xFFFFEC00  }
0x29: {  	[spmem:s2] =	stream.indirect.scatter.add.f32 [tilespmem:s18], [sflag:$0x4], $0x80, s24, s17, $0xb8;
	[tilespmem:$0x1B800] =	vst v63  }
.LBB2_10:
0x2a: {  	s23 =	sadd.s32 $0x1, s23  }
0x2b: {  	p0 =	sne.s32 s23, $0x7F  }
.Ltmp3:
0x2c: {  	_ = 	snop;
	(pc) =	sbr.rel @!p0 .LBB2_11-.Ltmp3, $4  }
0x2d: {  	_ = 	snop  }
0x2e: {  	_ =	swait.ge [sflag:s25], $0x1400  }
0x2f: {  	[sflag:s25] =	ssyncset.done $0x0  }
0x30: {  	s24 =	sadd.s32 $0x80, s24;
	s22 =	sadd.s32 $0x280, s22;
	[sflag:s25] =	ssyncadd.s32 $0xFFFFEC00  }
.LBB2_2:
0x31: {  	s25 =	smul.u32 $0xAB, s23;
	_ =	sdelay $0x1  }
0x32: {  	s25 =	sshrl.u32 s25, $0x9  }
0x33: {  	s25 =	sand.u32 $0x7F, s25  }
0x34: {  	s26 =	smul.u32 $0x3, s25  }
0x35: {  	s25 =	sadd.s32 $0xFFFFFFFE, s23  }
0x36: {  	p0 =	sgt.u32 s25, $0x7A;
	s26 =	ssub.s32 s23, s26  }
0x37: {  	s26 =	sand.u32 @!p0 $0xFF, s26  }
0x38: {  	p1 =	sne.s32 @!p0 s26, $0x0  }
0x39: {  	p1 =	por p0, p1  }
.Ltmp4:
0x3a: {  	_ = 	snop;
	(pc) =	sbr.rel @p1 .LBB2_4-.Ltmp4, $1  }
0x3b: {  	_ =	sdelay $0x3  }
.Ltmp5:
0x3c: {  	(pc) =	sbr.rel .LBB2_7-.Ltmp5, $2  }
0x3d: {  	_ =	sdelay $0x2  }
0x3e: {  	[tilespmem:s14], [sflag:$0x1] =	stream.linear.gather [hbm4b:s22+s3], $0x1400, $0x38;
	[tilespmem:$0x1B800] =	vst v63  }
.LBB2_4:
0x3f: {  	p1 =	sne.s32 @!p0 s26, $0x1  }
0x40: {  	p1 =	por p0, p1  }
.Ltmp6:
0x41: {  	_ = 	snop;
	(pc) =	sbr.rel @p1 .LBB2_6-.Ltmp6, $1  }
0x42: {  	_ =	sdelay $0x3  }
.Ltmp7:
0x43: {  	(pc) =	sbr.rel .LBB2_7-.Ltmp7, $2  }
0x44: {  	_ =	sdelay $0x2  }
0x45: {  	[tilespmem:s15], [sflag:$0x2] =	stream.linear.gather [hbm4b:s22+s3], $0x1400, $0x38;
	[tilespmem:$0x1B800] =	vst v63  }
.LBB2_6:
0x46: {  	p1 =	sne.s32 @!p0 s26, $0x2  }
0x47: {  	p0 =	por p1, p0  }
0x48: {  	s26 =	simm.s32 @!p0 $0x0;
	s28 =	simm.s32 @!p0 $0x6800  }
0x49: {  	[tilespmem:s28], [sflag:$0x3] =	stream.linear.gather @!p0 [hbm4b:s22+s26], $0x1400, $0x38;
	[tilespmem:$0x1B800] =	vst v63  }
.LBB2_7:
0x4a: {  	s26 =	smul.u32 $0xAB, s25;
	_ =	sdelay $0x1  }
0x4b: {  	s26 =	sshrl.u32 s26, $0x9  }
0x4c: {  	s26 =	sand.u32 $0x7F, s26  }
0x4d: {  	s26 =	smul.u32 $0x3, s26;
	_ =	sdelay $0x1  }
0x4e: {  	s31 =	ssub.s32 s25, s26  }
0x4f: {  	s25 =	sand.u32 $0xFF, s31  }
0x50: {  	p0 =	seq.s32 s25, $0x2  }
.Ltmp8:
0x51: {  	_ = 	snop;
	(pc) =	sbr.rel @p0 .LBB2_9-.Ltmp8, $1  }
0x52: {  	_ =	sdelay $0x3  }
0x53: {  	p0 =	seq.s32 s25, $0x1  }
0x54: {  	_ =	swait.ge @p0 [sflag:s19], $0x1400  }
0x55: {  	[sflag:s19] =	ssyncset.done @p0 $0x0  }
0x56: {  	[sflag:s19] =	ssyncadd.s32 @p0 $0xFFFFEC00  }
0x57: {  	[spmem:s2] =	stream.indirect.scatter.add.f32 @p0 [tilespmem:s15], [sflag:$0x5], $0x80, s24, s17, $0xb8;
	[tilespmem:$0x1B800] =	vst v63  }
.Ltmp9:
0x58: {  	_ = 	snop;
	(pc) =	sbr.rel .LBB2_10-.Ltmp9, $4  }
0x59: {  	_ =	swait.ge @!p0 [sflag:s20], $0x1400  }
0x5a: {  	[sflag:s20] =	ssyncset.done @!p0 $0x0  }
0x5b: {  	s25 =	simm.s32 $0x5;
	[sflag:s20] =	ssyncadd.s32 @!p0 $0xFFFFEC00  }
0x5c: {  	[spmem:s2] =	stream.indirect.scatter.add.f32 @!p0 [tilespmem:s14], [sflag:$0x5], $0x80, s24, s17, $0xb8;
	[tilespmem:$0x1B800] =	vst v63  }
.LBB2_12:
0x5d: {  	_ =	sfence.sel $0x180000  }
0x5e: {  	[bflag:$0x0] =	sbarrier.arrive $0xFFFF  }
0x5f: {  	p0 =	sne.s32 s1, $0x0;
	_ =	strace $0x90000053  }
0x60: {  	s0 =	sadd.s32 @!p0 $0x100000, s0;
	[bflag:$0x2] =	sbarrier.arrive $0xFFFF  }
0x61: {  	[sflag:s0] =	ssyncadd.tile.s32 @!p0 $0x1;
	_ =	shalt  }
.Lfunc_end2:
_tile_overlayer_lowered:
.L_overlay_start_2:
0x62: {  	(tag) =	ssettag $0x2  }
0x63: {  	s0 =	rddreg [dreg:$0x0];
	s2 =	stileid.u32  }
0x64: {  	s1 =	rddreg [dreg:$0x1];
	p0 =	sne.s32 s2, $0x0  }
0x65: {  	s3 =	rddreg [dreg:$0x2];
	[bflag:$0x3] =	sbarrier.arrive $0xFFFF;
	s2 =	simm.s32 @!p0 $0x1C04  }
0x66: {  	[timem:s3], [sflag:s2] =	dma.local @!p0 [hbm:s0], s1  }
0x67: {  	s0 =	simm.s32 @!p0 $0x4  }
0x68: {  	_ =	swait.ge @!p0 [sflag:s0], s1  }
0x69: {  	s1 =	ssub.s32 @!p0 $0x0, s1;
	[sflag:s0] =	ssyncset.done @!p0 $0x0  }
0x6a: {  	[sflag:s0] =	ssyncadd.s32 @!p0 s1  }
0x6b: {  	[bflag:$0x3] =	sbarrier.arrive $0xFFFF  }
0x6c: {  	_ =	shalt  }

</sc_bundles>
